<compile_context>
chip_gen: v7x
topology: tpu7x:2x2x1
jax: 0.10.2.dev20260603
libtpu: 0.0.44.dev20260713+nightly
codegen_flags: <defaults>
</compile_context>

<pallas_src>
import jax
import jax.numpy as jnp
import numpy as np
from jax import lax
from jax.experimental import pallas as pl
from jax.experimental.pallas import tpu as pltpu
from jax.experimental.pallas import tpu_sc as plsc

VOCAB = 1000000
D = 64
SEQ = 200
BATCH = 1024
NTOK = BATCH * SEQ
NC, NS, LANES = 2, 16, 16
NW = NC * NS
SCALE = float(D) ** 0.5
PITCH = D

NBLK_FULL = VOCAB // 128
TAIL_I = VOCAB - NBLK_FULL * 128
BLK_PER_W = NBLK_FULL // NW
BLK_REM = NBLK_FULL - BLK_PER_W * NW

NU = SEQ * (BATCH // 128)
U_PER_W = NU // NW
NBUF = 2
ANBUF = 3


def _pos_encoding_flat() -> np.ndarray:
    positions = np.arange(SEQ).reshape(-1, 1)
    dims = np.arange(D // 2).reshape(1, -1)
    angles = positions / np.power(10000, 2 * dims / D)
    pe = np.zeros((SEQ, D))
    pe[:, 0::2] = np.sin(angles)
    pe[:, 1::2] = np.cos(angles)
    return pe.astype(np.float32).reshape(-1)


_PE_FLAT = _pos_encoding_flat()


def _transpose_block(vbuf, obuf, nrows):
    ivec = [lax.iota(jnp.int32, LANES) + iv * LANES
            for iv in range(nrows // LANES)]
    iv_idx = [ivec[iv] * D for iv in range(nrows // LANES)]

    @plsc.parallel_loop(0, D, 1, unroll=4)
    def col(c):
        cc = jnp.full((LANES,), c, jnp.int32)
        for iv in range(nrows // LANES):
            v = vbuf[c, pl.ds(iv * LANES, LANES)]
            rot = (cc + ivec[iv]) & (D - 1)
            plsc.store_scatter(obuf, [iv_idx[iv] + rot], v * SCALE)


def _phase_a_body(tableT, tail_flat, tp_out, vbufs, obufs, gsems, ssems):
    wid = lax.axis_index("s") * NC + lax.axis_index("c")
    start = wid * BLK_PER_W + jnp.minimum(wid, BLK_REM)
    nblk = BLK_PER_W + jnp.where(wid < BLK_REM, 1, 0)

    def start_in(blk, slot):
        pltpu.async_copy(
            tableT.at[:, pl.ds(blk * 128, 128)], vbufs[slot], gsems[slot])

    def wait_in(slot):
        pltpu.make_async_copy(
            tableT.at[:, pl.ds(0, 128)], vbufs[slot], gsems[slot]).wait()

    def start_out(blk, slot):
        pltpu.async_copy(
            obufs[slot], tp_out.at[pl.ds(blk * 128 * PITCH, 128 * PITCH)],
            ssems[slot])

    def wait_out(slot):
        pltpu.make_async_copy(
            obufs[slot], tp_out.at[pl.ds(0, 128 * PITCH)], ssems[slot]).wait()

    start_in(start, 0)

    def step(jo, carry):
        for b in range(ANBUF):
            j = jo * ANBUF + b
            nb = (b + 1) % ANBUF

            @pl.when(j < nblk)
            def _():
                @pl.when(j + 1 < nblk)
                def _():
                    @pl.when(j + 1 >= ANBUF)
                    def _():
                        wait_out(nb)
                    start_in(start + j + 1, nb)

                wait_in(b)
                _transpose_block(vbufs[b], obufs[b], 128)
                start_out(start + j, b)
        return carry

    nouter = (BLK_PER_W + 1 + ANBUF - 1) // ANBUF
    lax.fori_loop(0, nouter, step, 0)
    for b in range(ANBUF):
        wait_out(b)

    @pl.when(wid == NW - 1)
    def _():
        pltpu.sync_copy(tail_flat, obufs[1].at[pl.ds(0, TAIL_I * D)])

        kvec = [lax.iota(jnp.int32, LANES) + k * LANES
                for k in range(D // LANES)]

        def srow(i, carry):
            ii = jnp.full((LANES,), i, jnp.int32)
            for k in range(D // LANES):
                v = obufs[1][pl.ds(i * D + k * LANES, LANES)]
                rot = (kvec[k] + ii) & (D - 1)
                plsc.store_scatter(obufs[0], [ii * D + rot], v * SCALE)
            return carry

        lax.fori_loop(0, TAIL_I, srow, 0, unroll=2)
        pltpu.sync_copy(
            obufs[0].at[pl.ds(0, TAIL_I * PITCH)],
            tp_out.at[pl.ds(NBLK_FULL * 128 * PITCH, TAIL_I * PITCH)])


def _phase_b_body(xt2, tp, pe_hbm, out5, idxs, bufs, obufs, pe_v,
                  isems, gsems, ssems):
    wid = lax.axis_index("s") * NC + lax.axis_index("c")
    u0 = wid * U_PER_W

    pltpu.sync_copy(pe_hbm, pe_v)

    def start_idx(u, slot):
        pltpu.async_copy(xt2.at[u], idxs[slot], isems[slot])

    def wait_idx(slot):
        pltpu.make_async_copy(xt2.at[0], idxs[slot], isems[slot]).wait()

    def start_gather(slot):
        pltpu.async_copy(tp.at[idxs[slot]], bufs[slot], gsems[slot])

    def wait_gather(slot):
        pltpu.make_async_copy(tp.at[idxs[slot]], bufs[slot], gsems[slot]).wait()

    def start_out(u, slot):
        s = u // 8
        bb = lax.rem(u, 8)
        for cb in range(8):
            pltpu.async_copy(obufs[slot].at[cb], out5.at[s, cb, bb], ssems[slot])

    def wait_out(slot):
        for cb in range(8):
            pltpu.make_async_copy(
                obufs[slot].at[cb], out5.at[0, cb, 0], ssems[slot]).wait()

    def compute(u, slot):
        s = u // 8
        buf = bufs[slot]
        obuf = obufs[slot]
        idx_v = idxs[slot]
        bidx = [lax.iota(jnp.int32, LANES) + 16 * t for t in range(8)]
        vmod = [idx_v[pl.ds(16 * t, LANES)] & (D - 1) for t in range(8)]

        @plsc.parallel_loop(0, D, 1, unroll=4)
        def col(c):
            pev = plsc.load_gather(
                pe_v, [jnp.full((LANES,), s * D + c, jnp.int32)])
            cb = c // 8
            ci = lax.rem(c, 8)
            cc = jnp.full((LANES,), c, jnp.int32)
            for t in range(8):
                cols = (vmod[t] + cc) & (D - 1)
                v = plsc.load_gather(buf, [bidx[t], cols])
                obuf[cb, ci, pl.ds(t * LANES, LANES)] = v + pev

    start_idx(u0, 0)
    wait_idx(0)
    start_gather(0)
    start_idx(u0 + 1, 1)

    def step(jo, carry):
        for b in range(NBUF):
            j = jo * NBUF + b
            u = u0 + j
            nb = (b + 1) % NBUF

            @pl.when(j + 1 < U_PER_W)
            def _():
                wait_idx(nb)
                start_gather(nb)

            wait_gather(b)

            @pl.when(j >= NBUF)
            def _():
                wait_out(b)

            compute(u, b)
            start_out(u, b)

            @pl.when(j + 2 < U_PER_W)
            def _():
                start_idx(u + 2, b)
        return carry

    lax.fori_loop(0, U_PER_W // NBUF, step, 0)
    for b in range(NBUF):
        wait_out(b)


@jax.jit
def _run(x, table):
    mesh = plsc.VectorSubcoreMesh(core_axis_name="c", subcore_axis_name="s")

    tableT = table.T

    phase_a = pl.kernel(
        _phase_a_body,
        out_type=jax.ShapeDtypeStruct((VOCAB * PITCH,), jnp.float32),
        mesh=mesh,
        scratch_types=[
            [pltpu.VMEM((D, 128), jnp.float32) for _ in range(ANBUF)],
            [pltpu.VMEM((128 * PITCH,), jnp.float32) for _ in range(ANBUF)],
            [pltpu.SemaphoreType.DMA for _ in range(ANBUF)],
            [pltpu.SemaphoreType.DMA for _ in range(ANBUF)],
        ],
        compiler_params=pltpu.CompilerParams(use_tc_tiling_on_sc=True, needs_layout_passes=False),
    )
    tail_flat = jnp.reshape(table[NBLK_FULL * 128:, :], (TAIL_I * D,))
    tp_flat = phase_a(tableT, tail_flat)
    tp = jnp.reshape(tp_flat, (VOCAB, PITCH))

    xt2 = jnp.reshape(x.astype(jnp.int32).T, (NU, 128))
    pe_flat = jnp.asarray(_PE_FLAT)

    phase_b = pl.kernel(
        _phase_b_body,
        out_type=jax.ShapeDtypeStruct((SEQ, 8, 8, 8, 128), jnp.float32),
        mesh=mesh,
        scratch_types=[
            [pltpu.VMEM((128,), jnp.int32) for _ in range(NBUF)],
            [pltpu.VMEM((128, PITCH), jnp.float32) for _ in range(NBUF)],
            [pltpu.VMEM((8, 8, 128), jnp.float32) for _ in range(NBUF)],
            pltpu.VMEM((SEQ * D,), jnp.float32),
            [pltpu.SemaphoreType.DMA for _ in range(NBUF)],
            [pltpu.SemaphoreType.DMA for _ in range(NBUF)],
            [pltpu.SemaphoreType.DMA for _ in range(NBUF)],
        ],
        compiler_params=pltpu.CompilerParams(use_tc_tiling_on_sc=False, needs_layout_passes=False),
    )
    out5 = phase_b(xt2, tp, pe_flat)
    return jnp.transpose(out5, (2, 4, 0, 1, 3)).reshape(BATCH, SEQ, D)


def kernel(x, table):
    return _run(x, table)

# --- scband reference (transcript-rebuilt; emitter-appended) ---
"""Pipeline reference for scband-positional-embedding-81887846465895 (READ-ONLY COPY).

The authoritative reference and input builder live on the scoring server;
editing this copy changes nothing except your own understanding.
"""

import jax, jax.numpy as jnp
import numpy as np

VOCAB_SIZE = 1000000
EMBED_DIM = 64
MAX_SEQ_LEN = 200
BATCH = 1024
SEQ_LEN = 200


def get_positional_encoding(seq_len, embed_dim):
    positions = np.arange(seq_len).reshape(-1, 1)
    dims = np.arange(embed_dim // 2).reshape(1, -1)
    angles = positions / np.power(10000, 2 * dims / embed_dim)
    encoding = np.zeros((seq_len, embed_dim))
    encoding[:, 0::2] = np.sin(angles)
    encoding[:, 1::2] = np.cos(angles)
    encoding = encoding[np.newaxis, :, :]
    return jnp.asarray(encoding, dtype=jnp.float32)


def setup_inputs(seed: int = 0) -> dict:
    key = jax.random.key(seed)
    k1, k2 = jax.random.split(key)
    x = jax.random.randint(k1, (BATCH, SEQ_LEN), 0, VOCAB_SIZE, dtype=jnp.int64 if jax.config.jax_enable_x64 else jnp.int32)
    # Embedding table initialized like keras Embedding (uniform [-0.05, 0.05])
    table = jax.random.uniform(k2, (VOCAB_SIZE, EMBED_DIM), dtype=jnp.float32, minval=-0.05, maxval=0.05)
    return {"x": x, "table": table}


def reference(x, table):
    seq_len = x.shape[1]
    pos_encoding = get_positional_encoding(MAX_SEQ_LEN, EMBED_DIM)
    out = jnp.take(table, x, axis=0)
    out = out * jnp.float32(EMBED_DIM ** 0.5)
    out = out + pos_encoding[:, :seq_len, :]
    return out

if __name__ == "__main__":
    import jax
    _d = setup_inputs()
    print(jax.jit(kernel)(*tuple(_d.values())))

</pallas_src>

<mosaic_0001>
#map = affine_map<(d0, d1) -> (0, 0)>
#map1 = affine_map<(d0, d1) -> (0)>
#map2 = affine_map<(d0, d1) -> (0, 0, 0, 0, 0)>
module attributes {stable_mosaic.version = 14 : i64} {
  func.func @_phase_b_body(%arg0: i32, %arg1: i32, %arg2: memref<1600x128xi32, #tpu.memory_space<hbm>>, %arg3: memref<1000000x64xf32, #tpu.memory_space<hbm>>, %arg4: memref<12800xf32, #tpu.memory_space<hbm>>, %arg5: memref<200x8x8x8x128xf32, #tpu.memory_space<hbm>>, %arg6: memref<128xi32, #tpu.memory_space<vmem>>, %arg7: memref<128xi32, #tpu.memory_space<vmem>>, %arg8: memref<128x64xf32, #tpu.memory_space<vmem>>, %arg9: memref<128x64xf32, #tpu.memory_space<vmem>>, %arg10: memref<8x8x128xf32, #tpu.memory_space<vmem>>, %arg11: memref<8x8x128xf32, #tpu.memory_space<vmem>>, %arg12: memref<12800xf32, #tpu.memory_space<vmem>>, %arg13: memref<!tpu.dma_semaphore, #tpu.memory_space<semaphore_mem>>, %arg14: memref<!tpu.dma_semaphore, #tpu.memory_space<semaphore_mem>>, %arg15: memref<!tpu.dma_semaphore, #tpu.memory_space<semaphore_mem>>, %arg16: memref<!tpu.dma_semaphore, #tpu.memory_space<semaphore_mem>>, %arg17: memref<!tpu.dma_semaphore, #tpu.memory_space<semaphore_mem>>, %arg18: memref<!tpu.dma_semaphore, #tpu.memory_space<semaphore_mem>>) attributes {dimension_semantics = [#tpu.dimension_semantics<core_parallel>, #tpu.dimension_semantics<subcore_parallel>], iteration_bounds = array<i64: 2, 16>, scalar_prefetch = 0 : i64, scratch_operands = 13 : i64, tpu.core_type = #tpu.core_type<sc_vector_subcore>, window_params = [{transform_indices = #map}, {transform_indices = #map}, {transform_indices = #map1}, {transform_indices = #map2}]} {
    %mul3A = arith.constant 2 : i32
    %mul3A_0 = arith.muli %arg1, %mul3A : i32
    %add3A = arith.addi %mul3A_0, %arg0 : i32
    %mul3A_1 = arith.constant 50 : i32
    %mul3A_2 = arith.muli %add3A, %mul3A_1 : i32
    "tpu.region"() ({
      %run_scoped3A = tpu.sem_alloc : memref<!tpu.dma_semaphore, #tpu.memory_space<semaphore_mem>>
      tpu.enqueue_dma source(%arg4 : memref<12800xf32, #tpu.memory_space<hbm>>) target(%arg12 : memref<12800xf32, #tpu.memory_space<vmem>>) target_semaphore(%run_scoped3A : memref<!tpu.dma_semaphore, #tpu.memory_space<semaphore_mem>>)
      tpu.wait_dma2 semaphore(%run_scoped3A : memref<!tpu.dma_semaphore, #tpu.memory_space<semaphore_mem>>) src(%arg4 : memref<12800xf32, #tpu.memory_space<hbm>>) dst(%arg12 : memref<12800xf32, #tpu.memory_space<vmem>>)
      tpu.yield
    }) : () -> ()
    %dma_start3A = arith.constant 0 : i32
    %dma_start3A_3 = tpu.memref_slice %arg2[%mul3A_2, %dma_start3A] : memref<1600x128xi32, #tpu.memory_space<hbm>> -> memref<1x128xi32, #tpu.memory_space<hbm>>
    %dma_start3A_4 = tpu.memref_squeeze %dma_start3A_3 : memref<1x128xi32, #tpu.memory_space<hbm>> -> memref<128xi32, #tpu.memory_space<hbm>>
    %dma_start3A_5 = arith.constant 0 : i32
    %dma_start3A_6 = tpu.memref_slice %arg2[%mul3A_2, %dma_start3A_5] : memref<1600x128xi32, #tpu.memory_space<hbm>> -> memref<1x128xi32, #tpu.memory_space<hbm>>
    %dma_start3A_7 = tpu.memref_squeeze %dma_start3A_6 : memref<1x128xi32, #tpu.memory_space<hbm>> -> memref<128xi32, #tpu.memory_space<hbm>>
    tpu.enqueue_dma source(%dma_start3A_7 : memref<128xi32, #tpu.memory_space<hbm>>) target(%arg6 : memref<128xi32, #tpu.memory_space<vmem>>) target_semaphore(%arg13 : memref<!tpu.dma_semaphore, #tpu.memory_space<semaphore_mem>>)
    %dma_wait3A = arith.constant 0 : i32
    %dma_wait3A_8 = arith.constant 0 : i32
    %dma_wait3A_9 = tpu.memref_slice %arg2[%dma_wait3A, %dma_wait3A_8] : memref<1600x128xi32, #tpu.memory_space<hbm>> -> memref<1x128xi32, #tpu.memory_space<hbm>>
    %dma_wait3A_10 = tpu.memref_squeeze %dma_wait3A_9 : memref<1x128xi32, #tpu.memory_space<hbm>> -> memref<128xi32, #tpu.memory_space<hbm>>
    %dma_wait3A_11 = arith.constant 0 : i32
    %dma_wait3A_12 = tpu.memref_slice %arg2[%dma_wait3A, %dma_wait3A_11] : memref<1600x128xi32, #tpu.memory_space<hbm>> -> memref<1x128xi32, #tpu.memory_space<hbm>>
    %dma_wait3A_13 = tpu.memref_squeeze %dma_wait3A_12 : memref<1x128xi32, #tpu.memory_space<hbm>> -> memref<128xi32, #tpu.memory_space<hbm>>
    tpu.wait_dma2 semaphore(%arg13 : memref<!tpu.dma_semaphore, #tpu.memory_space<semaphore_mem>>) src(%dma_wait3A_13 : memref<128xi32, #tpu.memory_space<hbm>>) dst(%arg6 : memref<128xi32, #tpu.memory_space<vmem>>)
    %dma_start3A_14 = arith.constant 0 : i32
    %dma_start3A_15 = arith.constant 0 : i32
    %dma_start3A_16 = tpu.memref_slice %arg3[%dma_start3A_14, %dma_start3A_15] : memref<1000000x64xf32, #tpu.memory_space<hbm>> -> memref<1000000x64xf32, #tpu.memory_space<hbm>>
    tpu.enqueue_indirect_dma source(%dma_start3A_16 : memref<1000000x64xf32, #tpu.memory_space<hbm>>) target(%arg8 : memref<128x64xf32, #tpu.memory_space<vmem>>) offsets(%arg6 : memref<128xi32, #tpu.memory_space<vmem>>) semaphore(%arg15 : memref<!tpu.dma_semaphore, #tpu.memory_space<semaphore_mem>>)
    %add3A_17 = arith.constant 1 : i32
    %add3A_18 = arith.addi %mul3A_2, %add3A_17 : i32
    %dma_start3A_19 = arith.constant 0 : i32
    %dma_start3A_20 = tpu.memref_slice %arg2[%add3A_18, %dma_start3A_19] : memref<1600x128xi32, #tpu.memory_space<hbm>> -> memref<1x128xi32, #tpu.memory_space<hbm>>
    %dma_start3A_21 = tpu.memref_squeeze %dma_start3A_20 : memref<1x128xi32, #tpu.memory_space<hbm>> -> memref<128xi32, #tpu.memory_space<hbm>>
    %dma_start3A_22 = arith.constant 0 : i32
    %dma_start3A_23 = tpu.memref_slice %arg2[%add3A_18, %dma_start3A_22] : memref<1600x128xi32, #tpu.memory_space<hbm>> -> memref<1x128xi32, #tpu.memory_space<hbm>>
    %dma_start3A_24 = tpu.memref_squeeze %dma_start3A_23 : memref<1x128xi32, #tpu.memory_space<hbm>> -> memref<128xi32, #tpu.memory_space<hbm>>
    tpu.enqueue_dma source(%dma_start3A_24 : memref<128xi32, #tpu.memory_space<hbm>>) target(%arg7 : memref<128xi32, #tpu.memory_space<vmem>>) target_semaphore(%arg14 : memref<!tpu.dma_semaphore, #tpu.memory_space<semaphore_mem>>)
    %scan3A = arith.constant 0 : i32
    %scan3A_25 = arith.constant 0 : i32
    %scan3A_26 = arith.constant 25 : i32
    %scan3A_27 = arith.addi %scan3A_25, %scan3A_26 : i32
    %scan3A_28 = arith.constant 1 : i32
    scf.for %scan3A_350 = %scan3A_25 to %scan3A_27 step %scan3A_28  : i32 {
      %mul3A_351 = arith.constant 2 : i32
      %mul3A_352 = arith.muli %scan3A_350, %mul3A_351 : i32
      %add3A_353 = arith.constant 0 : i32
      %add3A_354 = arith.addi %mul3A_352, %add3A_353 : i32
      %add3A_355 = arith.addi %mul3A_2, %add3A_354 : i32
      %add3A_356 = arith.constant 1 : i32
      %add3A_357 = arith.addi %add3A_354, %add3A_356 : i32
      %lt3A = arith.constant 50 : i32
      %lt3A_358 = arith.cmpi slt, %add3A_357, %lt3A : i32
      %convert_element_type3A = arith.extui %lt3A_358 : i1 to i32
      %cond3A = arith.constant 0 : i32
      %cond3A_359 = arith.cmpi ne, %convert_element_type3A, %cond3A : i32
      scf.if %cond3A_359 {
        %dma_wait3A_928 = arith.constant 0 : i32
        %dma_wait3A_929 = arith.constant 0 : i32
        %dma_wait3A_930 = tpu.memref_slice %arg2[%dma_wait3A_928, %dma_wait3A_929] : memref<1600x128xi32, #tpu.memory_space<hbm>> -> memref<1x128xi32, #tpu.memory_space<hbm>>
        %dma_wait3A_931 = tpu.memref_squeeze %dma_wait3A_930 : memref<1x128xi32, #tpu.memory_space<hbm>> -> memref<128xi32, #tpu.memory_space<hbm>>
        %dma_wait3A_932 = arith.constant 0 : i32
        %dma_wait3A_933 = tpu.memref_slice %arg2[%dma_wait3A_928, %dma_wait3A_932] : memref<1600x128xi32, #tpu.memory_space<hbm>> -> memref<1x128xi32, #tpu.memory_space<hbm>>
        %dma_wait3A_934 = tpu.memref_squeeze %dma_wait3A_933 : memref<1x128xi32, #tpu.memory_space<hbm>> -> memref<128xi32, #tpu.memory_space<hbm>>
        tpu.wait_dma2 semaphore(%arg14 : memref<!tpu.dma_semaphore, #tpu.memory_space<semaphore_mem>>) src(%dma_wait3A_934 : memref<128xi32, #tpu.memory_space<hbm>>) dst(%arg7 : memref<128xi32, #tpu.memory_space<vmem>>)
        %dma_start3A_935 = arith.constant 0 : i32
        %dma_start3A_936 = arith.constant 0 : i32
        %dma_start3A_937 = tpu.memref_slice %arg3[%dma_start3A_935, %dma_start3A_936] : memref<1000000x64xf32, #tpu.memory_space<hbm>> -> memref<1000000x64xf32, #tpu.memory_space<hbm>>
        tpu.enqueue_indirect_dma source(%dma_start3A_937 : memref<1000000x64xf32, #tpu.memory_space<hbm>>) target(%arg9 : memref<128x64xf32, #tpu.memory_space<vmem>>) offsets(%arg7 : memref<128xi32, #tpu.memory_space<vmem>>) semaphore(%arg16 : memref<!tpu.dma_semaphore, #tpu.memory_space<semaphore_mem>>)
      } else {
      }
      %dma_wait3A_360 = arith.constant 0 : i32
      %dma_wait3A_361 = arith.constant 0 : i32
      %dma_wait3A_362 = tpu.memref_slice %arg3[%dma_wait3A_360, %dma_wait3A_361] : memref<1000000x64xf32, #tpu.memory_space<hbm>> -> memref<1000000x64xf32, #tpu.memory_space<hbm>>
      tpu.wait_indirect_dma semaphore(%arg15 : memref<!tpu.dma_semaphore, #tpu.memory_space<semaphore_mem>>) src(%dma_wait3A_362 : memref<1000000x64xf32, #tpu.memory_space<hbm>>) dst(%arg8 : memref<128x64xf32, #tpu.memory_space<vmem>>)
      %ge3A = arith.constant 2 : i32
      %ge3A_363 = arith.cmpi sge, %add3A_354, %ge3A : i32
      %convert_element_type3A_364 = arith.extui %ge3A_363 : i1 to i32
      %cond3A_365 = arith.constant 0 : i32
      %cond3A_366 = arith.cmpi ne, %convert_element_type3A_364, %cond3A_365 : i32
      scf.if %cond3A_366 {
        %dma_wait3A_928 = arith.constant 0 : i32
        %dma_wait3A_929 = arith.constant 0 : i32
        %dma_wait3A_930 = arith.constant 0 : i32
        %dma_wait3A_931 = arith.constant 0 : i32
        %dma_wait3A_932 = arith.constant 0 : i32
        %dma_wait3A_933 = arith.constant 0 : i32
        %dma_wait3A_934 = tpu.memref_slice %arg10[%dma_wait3A_928, %dma_wait3A_932, %dma_wait3A_933] : memref<8x8x128xf32, #tpu.memory_space<vmem>> -> memref<1x8x128xf32, #tpu.memory_space<vmem>>
        %dma_wait3A_935 = tpu.memref_squeeze %dma_wait3A_934 : memref<1x8x128xf32, #tpu.memory_space<vmem>> -> memref<8x128xf32, #tpu.memory_space<vmem>>
        %dma_wait3A_936 = arith.constant 0 : i32
        %dma_wait3A_937 = arith.constant 0 : i32
        %dma_wait3A_938 = tpu.memref_slice %arg5[%dma_wait3A_929, %dma_wait3A_930, %dma_wait3A_931, %dma_wait3A_936, %dma_wait3A_937] : memref<200x8x8x8x128xf32, #tpu.memory_space<hbm>> -> memref<1x1x1x8x128xf32, #tpu.memory_space<hbm>>
        %dma_wait3A_939 = tpu.memref_squeeze %dma_wait3A_938 : memref<1x1x1x8x128xf32, #tpu.memory_space<hbm>> -> memref<8x128xf32, #tpu.memory_space<hbm>>
        %dma_wait3A_940 = arith.constant 0 : i32
        %dma_wait3A_941 = arith.constant 0 : i32
        %dma_wait3A_942 = tpu.memref_slice %arg5[%dma_wait3A_929, %dma_wait3A_930, %dma_wait3A_931, %dma_wait3A_940, %dma_wait3A_941] : memref<200x8x8x8x128xf32, #tpu.memory_space<hbm>> -> memref<1x1x1x8x128xf32, #tpu.memory_space<hbm>>
        %dma_wait3A_943 = tpu.memref_squeeze %dma_wait3A_942 : memref<1x1x1x8x128xf32, #tpu.memory_space<hbm>> -> memref<8x128xf32, #tpu.memory_space<hbm>>
        %dma_wait3A_944 = arith.constant 0 : i32
        %dma_wait3A_945 = arith.constant 0 : i32
        %dma_wait3A_946 = tpu.memref_slice %arg10[%dma_wait3A_928, %dma_wait3A_944, %dma_wait3A_945] : memref<8x8x128xf32, #tpu.memory_space<vmem>> -> memref<1x8x128xf32, #tpu.memory_space<vmem>>
        %dma_wait3A_947 = tpu.memref_squeeze %dma_wait3A_946 : memref<1x8x128xf32, #tpu.memory_space<vmem>> -> memref<8x128xf32, #tpu.memory_space<vmem>>
        tpu.wait_dma2 semaphore(%arg17 : memref<!tpu.dma_semaphore, #tpu.memory_space<semaphore_mem>>) src(%dma_wait3A_947 : memref<8x128xf32, #tpu.memory_space<vmem>>) dst(%dma_wait3A_943 : memref<8x128xf32, #tpu.memory_space<hbm>>)
        %dma_wait3A_948 = arith.constant 1 : i32
        %dma_wait3A_949 = arith.constant 0 : i32
        %dma_wait3A_950 = arith.constant 1 : i32
        %dma_wait3A_951 = arith.constant 0 : i32
        %dma_wait3A_952 = arith.constant 0 : i32
        %dma_wait3A_953 = arith.constant 0 : i32
        %dma_wait3A_954 = tpu.memref_slice %arg10[%dma_wait3A_948, %dma_wait3A_952, %dma_wait3A_953] : memref<8x8x128xf32, #tpu.memory_space<vmem>> -> memref<1x8x128xf32, #tpu.memory_space<vmem>>
        %dma_wait3A_955 = tpu.memref_squeeze %dma_wait3A_954 : memref<1x8x128xf32, #tpu.memory_space<vmem>> -> memref<8x128xf32, #tpu.memory_space<vmem>>
        %dma_wait3A_956 = arith.constant 0 : i32
        %dma_wait3A_957 = arith.constant 0 : i32
        %dma_wait3A_958 = tpu.memref_slice %arg5[%dma_wait3A_949, %dma_wait3A_950, %dma_wait3A_951, %dma_wait3A_956, %dma_wait3A_957] : memref<200x8x8x8x128xf32, #tpu.memory_space<hbm>> -> memref<1x1x1x8x128xf32, #tpu.memory_space<hbm>>
        %dma_wait3A_959 = tpu.memref_squeeze %dma_wait3A_958 : memref<1x1x1x8x128xf32, #tpu.memory_space<hbm>> -> memref<8x128xf32, #tpu.memory_space<hbm>>
        %dma_wait3A_960 = arith.constant 0 : i32
        %dma_wait3A_961 = arith.constant 0 : i32
        %dma_wait3A_962 = tpu.memref_slice %arg5[%dma_wait3A_949, %dma_wait3A_950, %dma_wait3A_951, %dma_wait3A_960, %dma_wait3A_961] : memref<200x8x8x8x128xf32, #tpu.memory_space<hbm>> -> memref<1x1x1x8x128xf32, #tpu.memory_space<hbm>>
        %dma_wait3A_963 = tpu.memref_squeeze %dma_wait3A_962 : memref<1x1x1x8x128xf32, #tpu.memory_space<hbm>> -> memref<8x128xf32, #tpu.memory_space<hbm>>
        %dma_wait3A_964 = arith.constant 0 : i32
        %dma_wait3A_965 = arith.constant 0 : i32
        %dma_wait3A_966 = tpu.memref_slice %arg10[%dma_wait3A_948, %dma_wait3A_964, %dma_wait3A_965] : memref<8x8x128xf32, #tpu.memory_space<vmem>> -> memref<1x8x128xf32, #tpu.memory_space<vmem>>
        %dma_wait3A_967 = tpu.memref_squeeze %dma_wait3A_966 : memref<1x8x128xf32, #tpu.memory_space<vmem>> -> memref<8x128xf32, #tpu.memory_space<vmem>>
        tpu.wait_dma2 semaphore(%arg17 : memref<!tpu.dma_semaphore, #tpu.memory_space<semaphore_mem>>) src(%dma_wait3A_967 : memref<8x128xf32, #tpu.memory_space<vmem>>) dst(%dma_wait3A_963 : memref<8x128xf32, #tpu.memory_space<hbm>>)
        %dma_wait3A_968 = arith.constant 2 : i32
        %dma_wait3A_969 = arith.constant 0 : i32
        %dma_wait3A_970 = arith.constant 2 : i32
        %dma_wait3A_971 = arith.constant 0 : i32
        %dma_wait3A_972 = arith.constant 0 : i32
        %dma_wait3A_973 = arith.constant 0 : i32
        %dma_wait3A_974 = tpu.memref_slice %arg10[%dma_wait3A_968, %dma_wait3A_972, %dma_wait3A_973] : memref<8x8x128xf32, #tpu.memory_space<vmem>> -> memref<1x8x128xf32, #tpu.memory_space<vmem>>
        %dma_wait3A_975 = tpu.memref_squeeze %dma_wait3A_974 : memref<1x8x128xf32, #tpu.memory_space<vmem>> -> memref<8x128xf32, #tpu.memory_space<vmem>>
        %dma_wait3A_976 = arith.constant 0 : i32
        %dma_wait3A_977 = arith.constant 0 : i32
        %dma_wait3A_978 = tpu.memref_slice %arg5[%dma_wait3A_969, %dma_wait3A_970, %dma_wait3A_971, %dma_wait3A_976, %dma_wait3A_977] : memref<200x8x8x8x128xf32, #tpu.memory_space<hbm>> -> memref<1x1x1x8x128xf32, #tpu.memory_space<hbm>>
        %dma_wait3A_979 = tpu.memref_squeeze %dma_wait3A_978 : memref<1x1x1x8x128xf32, #tpu.memory_space<hbm>> -> memref<8x128xf32, #tpu.memory_space<hbm>>
        %dma_wait3A_980 = arith.constant 0 : i32
        %dma_wait3A_981 = arith.constant 0 : i32
        %dma_wait3A_982 = tpu.memref_slice %arg5[%dma_wait3A_969, %dma_wait3A_970, %dma_wait3A_971, %dma_wait3A_980, %dma_wait3A_981] : memref<200x8x8x8x128xf32, #tpu.memory_space<hbm>> -> memref<1x1x1x8x128xf32, #tpu.memory_space<hbm>>
        %dma_wait3A_983 = tpu.memref_squeeze %dma_wait3A_982 : memref<1x1x1x8x128xf32, #tpu.memory_space<hbm>> -> memref<8x128xf32, #tpu.memory_space<hbm>>
        %dma_wait3A_984 = arith.constant 0 : i32
        %dma_wait3A_985 = arith.constant 0 : i32
        %dma_wait3A_986 = tpu.memref_slice %arg10[%dma_wait3A_968, %dma_wait3A_984, %dma_wait3A_985] : memref<8x8x128xf32, #tpu.memory_space<vmem>> -> memref<1x8x128xf32, #tpu.memory_space<vmem>>
        %dma_wait3A_987 = tpu.memref_squeeze %dma_wait3A_986 : memref<1x8x128xf32, #tpu.memory_space<vmem>> -> memref<8x128xf32, #tpu.memory_space<vmem>>
        tpu.wait_dma2 semaphore(%arg17 : memref<!tpu.dma_semaphore, #tpu.memory_space<semaphore_mem>>) src(%dma_wait3A_987 : memref<8x128xf32, #tpu.memory_space<vmem>>) dst(%dma_wait3A_983 : memref<8x128xf32, #tpu.memory_space<hbm>>)
        %dma_wait3A_988 = arith.constant 3 : i32
        %dma_wait3A_989 = arith.constant 0 : i32
        %dma_wait3A_990 = arith.constant 3 : i32
        %dma_wait3A_991 = arith.constant 0 : i32
        %dma_wait3A_992 = arith.constant 0 : i32
        %dma_wait3A_993 = arith.constant 0 : i32
        %dma_wait3A_994 = tpu.memref_slice %arg10[%dma_wait3A_988, %dma_wait3A_992, %dma_wait3A_993] : memref<8x8x128xf32, #tpu.memory_space<vmem>> -> memref<1x8x128xf32, #tpu.memory_space<vmem>>
        %dma_wait3A_995 = tpu.memref_squeeze %dma_wait3A_994 : memref<1x8x128xf32, #tpu.memory_space<vmem>> -> memref<8x128xf32, #tpu.memory_space<vmem>>
        %dma_wait3A_996 = arith.constant 0 : i32
        %dma_wait3A_997 = arith.constant 0 : i32
        %dma_wait3A_998 = tpu.memref_slice %arg5[%dma_wait3A_989, %dma_wait3A_990, %dma_wait3A_991, %dma_wait3A_996, %dma_wait3A_997] : memref<200x8x8x8x128xf32, #tpu.memory_space<hbm>> -> memref<1x1x1x8x128xf32, #tpu.memory_space<hbm>>
        %dma_wait3A_999 = tpu.memref_squeeze %dma_wait3A_998 : memref<1x1x1x8x128xf32, #tpu.memory_space<hbm>> -> memref<8x128xf32, #tpu.memory_space<hbm>>
        %dma_wait3A_1000 = arith.constant 0 : i32
        %dma_wait3A_1001 = arith.constant 0 : i32
        %dma_wait3A_1002 = tpu.memref_slice %arg5[%dma_wait3A_989, %dma_wait3A_990, %dma_wait3A_991, %dma_wait3A_1000, %dma_wait3A_1001] : memref<200x8x8x8x128xf32, #tpu.memory_space<hbm>> -> memref<1x1x1x8x128xf32, #tpu.memory_space<hbm>>
        %dma_wait3A_1003 = tpu.memref_squeeze %dma_wait3A_1002 : memref<1x1x1x8x128xf32, #tpu.memory_space<hbm>> -> memref<8x128xf32, #tpu.memory_space<hbm>>
        %dma_wait3A_1004 = arith.constant 0 : i32
        %dma_wait3A_1005 = arith.constant 0 : i32
        %dma_wait3A_1006 = tpu.memref_slice %arg10[%dma_wait3A_988, %dma_wait3A_1004, %dma_wait3A_1005] : memref<8x8x128xf32, #tpu.memory_space<vmem>> -> memref<1x8x128xf32, #tpu.memory_space<vmem>>
        %dma_wait3A_1007 = tpu.memref_squeeze %dma_wait3A_1006 : memref<1x8x128xf32, #tpu.memory_space<vmem>> -> memref<8x128xf32, #tpu.memory_space<vmem>>
        tpu.wait_dma2 semaphore(%arg17 : memref<!tpu.dma_semaphore, #tpu.memory_space<semaphore_mem>>) src(%dma_wait3A_1007 : memref<8x128xf32, #tpu.memory_space<vmem>>) dst(%dma_wait3A_1003 : memref<8x128xf32, #tpu.memory_space<hbm>>)
        %dma_wait3A_1008 = arith.constant 4 : i32
        %dma_wait3A_1009 = arith.constant 0 : i32
        %dma_wait3A_1010 = arith.constant 4 : i32
        %dma_wait3A_1011 = arith.constant 0 : i32
        %dma_wait3A_1012 = arith.constant 0 : i32
        %dma_wait3A_1013 = arith.constant 0 : i32
        %dma_wait3A_1014 = tpu.memref_slice %arg10[%dma_wait3A_1008, %dma_wait3A_1012, %dma_wait3A_1013] : memref<8x8x128xf32, #tpu.memory_space<vmem>> -> memref<1x8x128xf32, #tpu.memory_space<vmem>>
        %dma_wait3A_1015 = tpu.memref_squeeze %dma_wait3A_1014 : memref<1x8x128xf32, #tpu.memory_space<vmem>> -> memref<8x128xf32, #tpu.memory_space<vmem>>
        %dma_wait3A_1016 = arith.constant 0 : i32
        %dma_wait3A_1017 = arith.constant 0 : i32
        %dma_wait3A_1018 = tpu.memref_slice %arg5[%dma_wait3A_1009, %dma_wait3A_1010, %dma_wait3A_1011, %dma_wait3A_1016, %dma_wait3A_1017] : memref<200x8x8x8x128xf32, #tpu.memory_space<hbm>> -> memref<1x1x1x8x128xf32, #tpu.memory_space<hbm>>
        %dma_wait3A_1019 = tpu.memref_squeeze %dma_wait3A_1018 : memref<1x1x1x8x128xf32, #tpu.memory_space<hbm>> -> memref<8x128xf32, #tpu.memory_space<hbm>>
        %dma_wait3A_1020 = arith.constant 0 : i32
        %dma_wait3A_1021 = arith.constant 0 : i32
        %dma_wait3A_1022 = tpu.memref_slice %arg5[%dma_wait3A_1009, %dma_wait3A_1010, %dma_wait3A_1011, %dma_wait3A_1020, %dma_wait3A_1021] : memref<200x8x8x8x128xf32, #tpu.memory_space<hbm>> -> memref<1x1x1x8x128xf32, #tpu.memory_space<hbm>>
        %dma_wait3A_1023 = tpu.memref_squeeze %dma_wait3A_1022 : memref<1x1x1x8x128xf32, #tpu.memory_space<hbm>> -> memref<8x128xf32, #tpu.memory_space<hbm>>
        %dma_wait3A_1024 = arith.constant 0 : i32
        %dma_wait3A_1025 = arith.constant 0 : i32
        %dma_wait3A_1026 = tpu.memref_slice %arg10[%dma_wait3A_1008, %dma_wait3A_1024, %dma_wait3A_1025] : memref<8x8x128xf32, #tpu.memory_space<vmem>> -> memref<1x8x128xf32, #tpu.memory_space<vmem>>
        %dma_wait3A_1027 = tpu.memref_squeeze %dma_wait3A_1026 : memref<1x8x128xf32, #tpu.memory_space<vmem>> -> memref<8x128xf32, #tpu.memory_space<vmem>>
        tpu.wait_dma2 semaphore(%arg17 : memref<!tpu.dma_semaphore, #tpu.memory_space<semaphore_mem>>) src(%dma_wait3A_1027 : memref<8x128xf32, #tpu.memory_space<vmem>>) dst(%dma_wait3A_1023 : memref<8x128xf32, #tpu.memory_space<hbm>>)
        %dma_wait3A_1028 = arith.constant 5 : i32
        %dma_wait3A_1029 = arith.constant 0 : i32
        %dma_wait3A_1030 = arith.constant 5 : i32
        %dma_wait3A_1031 = arith.constant 0 : i32
        %dma_wait3A_1032 = arith.constant 0 : i32
        %dma_wait3A_1033 = arith.constant 0 : i32
        %dma_wait3A_1034 = tpu.memref_slice %arg10[%dma_wait3A_1028, %dma_wait3A_1032, %dma_wait3A_1033] : memref<8x8x128xf32, #tpu.memory_space<vmem>> -> memref<1x8x128xf32, #tpu.memory_space<vmem>>
        %dma_wait3A_1035 = tpu.memref_squeeze %dma_wait3A_1034 : memref<1x8x128xf32, #tpu.memory_space<vmem>> -> memref<8x128xf32, #tpu.memory_space<vmem>>
        %dma_wait3A_1036 = arith.constant 0 : i32
        %dma_wait3A_1037 = arith.constant 0 : i32
        %dma_wait3A_1038 = tpu.memref_slice %arg5[%dma_wait3A_1029, %dma_wait3A_1030, %dma_wait3A_1031, %dma_wait3A_1036, %dma_wait3A_1037] : memref<200x8x8x8x128xf32, #tpu.memory_space<hbm>> -> memref<1x1x1x8x128xf32, #tpu.memory_space<hbm>>
        %dma_wait3A_1039 = tpu.memref_squeeze %dma_wait3A_1038 : memref<1x1x1x8x128xf32, #tpu.memory_space<hbm>> -> memref<8x128xf32, #tpu.memory_space<hbm>>
        %dma_wait3A_1040 = arith.constant 0 : i32
        %dma_wait3A_1041 = arith.constant 0 : i32
        %dma_wait3A_1042 = tpu.memref_slice %arg5[%dma_wait3A_1029, %dma_wait3A_1030, %dma_wait3A_1031, %dma_wait3A_1040, %dma_wait3A_1041] : memref<200x8x8x8x128xf32, #tpu.memory_space<hbm>> -> memref<1x1x1x8x128xf32, #tpu.memory_space<hbm>>
        %dma_wait3A_1043 = tpu.memref_squeeze %dma_wait3A_1042 : memref<1x1x1x8x128xf32, #tpu.memory_space<hbm>> -> memref<8x128xf32, #tpu.memory_space<hbm>>
        %dma_wait3A_1044 = arith.constant 0 : i32
        %dma_wait3A_1045 = arith.constant 0 : i32
        %dma_wait3A_1046 = tpu.memref_slice %arg10[%dma_wait3A_1028, %dma_wait3A_1044, %dma_wait3A_1045] : memref<8x8x128xf32, #tpu.memory_space<vmem>> -> memref<1x8x128xf32, #tpu.memory_space<vmem>>
        %dma_wait3A_1047 = tpu.memref_squeeze %dma_wait3A_1046 : memref<1x8x128xf32, #tpu.memory_space<vmem>> -> memref<8x128xf32, #tpu.memory_space<vmem>>
        tpu.wait_dma2 semaphore(%arg17 : memref<!tpu.dma_semaphore, #tpu.memory_space<semaphore_mem>>) src(%dma_wait3A_1047 : memref<8x128xf32, #tpu.memory_space<vmem>>) dst(%dma_wait3A_1043 : memref<8x128xf32, #tpu.memory_space<hbm>>)
        %dma_wait3A_1048 = arith.constant 6 : i32
        %dma_wait3A_1049 = arith.constant 0 : i32
        %dma_wait3A_1050 = arith.constant 6 : i32
        %dma_wait3A_1051 = arith.constant 0 : i32
        %dma_wait3A_1052 = arith.constant 0 : i32
        %dma_wait3A_1053 = arith.constant 0 : i32
        %dma_wait3A_1054 = tpu.memref_slice %arg10[%dma_wait3A_1048, %dma_wait3A_1052, %dma_wait3A_1053] : memref<8x8x128xf32, #tpu.memory_space<vmem>> -> memref<1x8x128xf32, #tpu.memory_space<vmem>>
        %dma_wait3A_1055 = tpu.memref_squeeze %dma_wait3A_1054 : memref<1x8x128xf32, #tpu.memory_space<vmem>> -> memref<8x128xf32, #tpu.memory_space<vmem>>
        %dma_wait3A_1056 = arith.constant 0 : i32
        %dma_wait3A_1057 = arith.constant 0 : i32
        %dma_wait3A_1058 = tpu.memref_slice %arg5[%dma_wait3A_1049, %dma_wait3A_1050, %dma_wait3A_1051, %dma_wait3A_1056, %dma_wait3A_1057] : memref<200x8x8x8x128xf32, #tpu.memory_space<hbm>> -> memref<1x1x1x8x128xf32, #tpu.memory_space<hbm>>
        %dma_wait3A_1059 = tpu.memref_squeeze %dma_wait3A_1058 : memref<1x1x1x8x128xf32, #tpu.memory_space<hbm>> -> memref<8x128xf32, #tpu.memory_space<hbm>>
        %dma_wait3A_1060 = arith.constant 0 : i32
        %dma_wait3A_1061 = arith.constant 0 : i32
        %dma_wait3A_1062 = tpu.memref_slice %arg5[%dma_wait3A_1049, %dma_wait3A_1050, %dma_wait3A_1051, %dma_wait3A_1060, %dma_wait3A_1061] : memref<200x8x8x8x128xf32, #tpu.memory_space<hbm>> -> memref<1x1x1x8x128xf32, #tpu.memory_space<hbm>>
        %dma_wait3A_1063 = tpu.memref_squeeze %dma_wait3A_1062 : memref<1x1x1x8x128xf32, #tpu.memory_space<hbm>> -> memref<8x128xf32, #tpu.memory_space<hbm>>
        %dma_wait3A_1064 = arith.constant 0 : i32
        %dma_wait3A_1065 = arith.constant 0 : i32
        %dma_wait3A_1066 = tpu.memref_slice %arg10[%dma_wait3A_1048, %dma_wait3A_1064, %dma_wait3A_1065] : memref<8x8x128xf32, #tpu.memory_space<vmem>> -> memref<1x8x128xf32, #tpu.memory_space<vmem>>
        %dma_wait3A_1067 = tpu.memref_squeeze %dma_wait3A_1066 : memref<1x8x128xf32, #tpu.memory_space<vmem>> -> memref<8x128xf32, #tpu.memory_space<vmem>>
        tpu.wait_dma2 semaphore(%arg17 : memref<!tpu.dma_semaphore, #tpu.memory_space<semaphore_mem>>) src(%dma_wait3A_1067 : memref<8x128xf32, #tpu.memory_space<vmem>>) dst(%dma_wait3A_1063 : memref<8x128xf32, #tpu.memory_space<hbm>>)
        %dma_wait3A_1068 = arith.constant 7 : i32
        %dma_wait3A_1069 = arith.constant 0 : i32
        %dma_wait3A_1070 = arith.constant 7 : i32
        %dma_wait3A_1071 = arith.constant 0 : i32
        %dma_wait3A_1072 = arith.constant 0 : i32
        %dma_wait3A_1073 = arith.constant 0 : i32
        %dma_wait3A_1074 = tpu.memref_slice %arg10[%dma_wait3A_1068, %dma_wait3A_1072, %dma_wait3A_1073] : memref<8x8x128xf32, #tpu.memory_space<vmem>> -> memref<1x8x128xf32, #tpu.memory_space<vmem>>
        %dma_wait3A_1075 = tpu.memref_squeeze %dma_wait3A_1074 : memref<1x8x128xf32, #tpu.memory_space<vmem>> -> memref<8x128xf32, #tpu.memory_space<vmem>>
        %dma_wait3A_1076 = arith.constant 0 : i32
        %dma_wait3A_1077 = arith.constant 0 : i32
        %dma_wait3A_1078 = tpu.memref_slice %arg5[%dma_wait3A_1069, %dma_wait3A_1070, %dma_wait3A_1071, %dma_wait3A_1076, %dma_wait3A_1077] : memref<200x8x8x8x128xf32, #tpu.memory_space<hbm>> -> memref<1x1x1x8x128xf32, #tpu.memory_space<hbm>>
        %dma_wait3A_1079 = tpu.memref_squeeze %dma_wait3A_1078 : memref<1x1x1x8x128xf32, #tpu.memory_space<hbm>> -> memref<8x128xf32, #tpu.memory_space<hbm>>
        %dma_wait3A_1080 = arith.constant 0 : i32
        %dma_wait3A_1081 = arith.constant 0 : i32
        %dma_wait3A_1082 = tpu.memref_slice %arg5[%dma_wait3A_1069, %dma_wait3A_1070, %dma_wait3A_1071, %dma_wait3A_1080, %dma_wait3A_1081] : memref<200x8x8x8x128xf32, #tpu.memory_space<hbm>> -> memref<1x1x1x8x128xf32, #tpu.memory_space<hbm>>
        %dma_wait3A_1083 = tpu.memref_squeeze %dma_wait3A_1082 : memref<1x1x1x8x128xf32, #tpu.memory_space<hbm>> -> memref<8x128xf32, #tpu.memory_space<hbm>>
        %dma_wait3A_1084 = arith.constant 0 : i32
        %dma_wait3A_1085 = arith.constant 0 : i32
        %dma_wait3A_1086 = tpu.memref_slice %arg10[%dma_wait3A_1068, %dma_wait3A_1084, %dma_wait3A_1085] : memref<8x8x128xf32, #tpu.memory_space<vmem>> -> memref<1x8x128xf32, #tpu.memory_space<vmem>>
        %dma_wait3A_1087 = tpu.memref_squeeze %dma_wait3A_1086 : memref<1x8x128xf32, #tpu.memory_space<vmem>> -> memref<8x128xf32, #tpu.memory_space<vmem>>
        tpu.wait_dma2 semaphore(%arg17 : memref<!tpu.dma_semaphore, #tpu.memory_space<semaphore_mem>>) src(%dma_wait3A_1087 : memref<8x128xf32, #tpu.memory_space<vmem>>) dst(%dma_wait3A_1083 : memref<8x128xf32, #tpu.memory_space<hbm>>)
      } else {
      }
      %jit3A = arith.constant 8 : i32
      %div3A = arith.divsi %add3A_355, %jit3A : i32
      %sign3A = arith.constant 0 : i32
      %sign3A_367 = arith.cmpi sgt, %add3A_355, %sign3A : i32
      %sign3A_368 = arith.extui %sign3A_367 : i1 to i32
      %sign3A_369 = arith.constant 0 : i32
      %sign3A_370 = arith.cmpi slt, %add3A_355, %sign3A_369 : i32
      %sign3A_371 = arith.extui %sign3A_370 : i1 to i32
      %sign3A_372 = arith.subi %sign3A_368, %sign3A_371 : i32
      %sign3A_373 = arith.constant 0 : i32
      %sign3A_374 = arith.cmpi sgt, %jit3A, %sign3A_373 : i32
      %sign3A_375 = arith.extui %sign3A_374 : i1 to i32
      %sign3A_376 = arith.constant 0 : i32
      %sign3A_377 = arith.cmpi slt, %jit3A, %sign3A_376 : i32
      %sign3A_378 = arith.extui %sign3A_377 : i1 to i32
      %sign3A_379 = arith.subi %sign3A_375, %sign3A_378 : i32
      %ne3A = arith.cmpi ne, %sign3A_372, %sign3A_379 : i32
      %rem3A = arith.remsi %add3A_355, %jit3A : i32
      %ne3A_380 = arith.constant 0 : i32
      %ne3A_381 = arith.cmpi ne, %rem3A, %ne3A_380 : i32
      %and3A = arith.andi %ne3A, %ne3A_381 : i1
      %sub3A = arith.constant 1 : i32
      %sub3A_382 = arith.subi %div3A, %sub3A : i32
      %select_n3A = arith.select %and3A, %sub3A_382, %div3A : i32
      %iota3A = tpu.iota {dimensions = array<i32: 0>} : vector<16xi32>
      %add3A_383 = arith.constant 0 : i32
      %add3A_384 = vector.broadcast %add3A_383 : i32 to vector<16xi32>
      %add3A_385 = arith.addi %iota3A, %add3A_384 : vector<16xi32>
      %iota3A_386 = tpu.iota {dimensions = array<i32: 0>} : vector<16xi32>
      %add3A_387 = arith.constant 16 : i32
      %add3A_388 = vector.broadcast %add3A_387 : i32 to vector<16xi32>
      %add3A_389 = arith.addi %iota3A_386, %add3A_388 : vector<16xi32>
      %iota3A_390 = tpu.iota {dimensions = array<i32: 0>} : vector<16xi32>
      %add3A_391 = arith.constant 32 : i32
      %add3A_392 = vector.broadcast %add3A_391 : i32 to vector<16xi32>
      %add3A_393 = arith.addi %iota3A_390, %add3A_392 : vector<16xi32>
      %iota3A_394 = tpu.iota {dimensions = array<i32: 0>} : vector<16xi32>
      %add3A_395 = arith.constant 48 : i32
      %add3A_396 = vector.broadcast %add3A_395 : i32 to vector<16xi32>
      %add3A_397 = arith.addi %iota3A_394, %add3A_396 : vector<16xi32>
      %iota3A_398 = tpu.iota {dimensions = array<i32: 0>} : vector<16xi32>
      %add3A_399 = arith.constant 64 : i32
      %add3A_400 = vector.broadcast %add3A_399 : i32 to vector<16xi32>
      %add3A_401 = arith.addi %iota3A_398, %add3A_400 : vector<16xi32>
      %iota3A_402 = tpu.iota {dimensions = array<i32: 0>} : vector<16xi32>
      %add3A_403 = arith.constant 80 : i32
      %add3A_404 = vector.broadcast %add3A_403 : i32 to vector<16xi32>
      %add3A_405 = arith.addi %iota3A_402, %add3A_404 : vector<16xi32>
      %iota3A_406 = tpu.iota {dimensions = array<i32: 0>} : vector<16xi32>
      %add3A_407 = arith.constant 96 : i32
      %add3A_408 = vector.broadcast %add3A_407 : i32 to vector<16xi32>
      %add3A_409 = arith.addi %iota3A_406, %add3A_408 : vector<16xi32>
      %iota3A_410 = tpu.iota {dimensions = array<i32: 0>} : vector<16xi32>
      %add3A_411 = arith.constant 112 : i32
      %add3A_412 = vector.broadcast %add3A_411 : i32 to vector<16xi32>
      %add3A_413 = arith.addi %iota3A_410, %add3A_412 : vector<16xi32>
      %get3A = arith.constant 0 : index
      %get3A_414 = tpu.vector_load %arg6[%get3A] {strides = array<i32>} : memref<128xi32, #tpu.memory_space<vmem>>, vector<16xi32>,
      %and3A_415 = arith.constant 63 : i32
      %and3A_416 = vector.broadcast %and3A_415 : i32 to vector<16xi32>
      %and3A_417 = arith.andi %get3A_414, %and3A_416 : vector<16xi32>
      %get3A_418 = arith.constant 16 : index
      %get3A_419 = tpu.vector_load %arg6[%get3A_418] {strides = array<i32>} : memref<128xi32, #tpu.memory_space<vmem>>, vector<16xi32>,
      %and3A_420 = arith.constant 63 : i32
      %and3A_421 = vector.broadcast %and3A_420 : i32 to vector<16xi32>
      %and3A_422 = arith.andi %get3A_419, %and3A_421 : vector<16xi32>
      %get3A_423 = arith.constant 32 : index
      %get3A_424 = tpu.vector_load %arg6[%get3A_423] {strides = array<i32>} : memref<128xi32, #tpu.memory_space<vmem>>, vector<16xi32>,
      %and3A_425 = arith.constant 63 : i32
      %and3A_426 = vector.broadcast %and3A_425 : i32 to vector<16xi32>
      %and3A_427 = arith.andi %get3A_424, %and3A_426 : vector<16xi32>
      %get3A_428 = arith.constant 48 : index
      %get3A_429 = tpu.vector_load %arg6[%get3A_428] {strides = array<i32>} : memref<128xi32, #tpu.memory_space<vmem>>, vector<16xi32>,
      %and3A_430 = arith.constant 63 : i32
      %and3A_431 = vector.broadcast %and3A_430 : i32 to vector<16xi32>
      %and3A_432 = arith.andi %get3A_429, %and3A_431 : vector<16xi32>
      %get3A_433 = arith.constant 64 : index
      %get3A_434 = tpu.vector_load %arg6[%get3A_433] {strides = array<i32>} : memref<128xi32, #tpu.memory_space<vmem>>, vector<16xi32>,
      %and3A_435 = arith.constant 63 : i32
      %and3A_436 = vector.broadcast %and3A_435 : i32 to vector<16xi32>
      %and3A_437 = arith.andi %get3A_434, %and3A_436 : vector<16xi32>
      %get3A_438 = arith.constant 80 : index
      %get3A_439 = tpu.vector_load %arg6[%get3A_438] {strides = array<i32>} : memref<128xi32, #tpu.memory_space<vmem>>, vector<16xi32>,
      %and3A_440 = arith.constant 63 : i32
      %and3A_441 = vector.broadcast %and3A_440 : i32 to vector<16xi32>
      %and3A_442 = arith.andi %get3A_439, %and3A_441 : vector<16xi32>
      %get3A_443 = arith.constant 96 : index
      %get3A_444 = tpu.vector_load %arg6[%get3A_443] {strides = array<i32>} : memref<128xi32, #tpu.memory_space<vmem>>, vector<16xi32>,
      %and3A_445 = arith.constant 63 : i32
      %and3A_446 = vector.broadcast %and3A_445 : i32 to vector<16xi32>
      %and3A_447 = arith.andi %get3A_444, %and3A_446 : vector<16xi32>
      %get3A_448 = arith.constant 112 : index
      %get3A_449 = tpu.vector_load %arg6[%get3A_448] {strides = array<i32>} : memref<128xi32, #tpu.memory_space<vmem>>, vector<16xi32>,
      %and3A_450 = arith.constant 63 : i32
      %and3A_451 = vector.broadcast %and3A_450 : i32 to vector<16xi32>
      %and3A_452 = arith.andi %get3A_449, %and3A_451 : vector<16xi32>
      %parallel_loop3A = arith.constant 0 : i32
      %parallel_loop3A_453 = arith.constant 64 : i32
      %parallel_loop3A_454 = arith.constant 1 : i32
      scf.for %parallel_loop3A_928 = %parallel_loop3A to %parallel_loop3A_453 step %parallel_loop3A_454  : i32 {
        %parallel_loop3A_929 = arith.constant 64 : i32
        %parallel_loop3A_930 = arith.muli %select_n3A, %parallel_loop3A_929 : i32
        %parallel_loop3A_931 = arith.addi %parallel_loop3A_930, %parallel_loop3A_928 : i32
        %parallel_loop3A_932 = vector.broadcast %parallel_loop3A_931 : i32 to vector<16xi32>
        %parallel_loop3A_933 = tpu.vector_load_idx %arg12[%parallel_loop3A_932] : memref<12800xf32, #tpu.memory_space<vmem>>[vector<16xi32>], vector<16xf32>,
        %parallel_loop3A_934 = arith.constant 8 : i32
        %parallel_loop3A_935 = arith.divsi %parallel_loop3A_928, %parallel_loop3A_934 : i32
        %parallel_loop3A_936 = arith.constant 0 : i32
        %parallel_loop3A_937 = arith.cmpi sgt, %parallel_loop3A_928, %parallel_loop3A_936 : i32
        %parallel_loop3A_938 = arith.extui %parallel_loop3A_937 : i1 to i32
        %parallel_loop3A_939 = arith.constant 0 : i32
        %parallel_loop3A_940 = arith.cmpi slt, %parallel_loop3A_928, %parallel_loop3A_939 : i32
        %parallel_loop3A_941 = arith.extui %parallel_loop3A_940 : i1 to i32
        %parallel_loop3A_942 = arith.subi %parallel_loop3A_938, %parallel_loop3A_941 : i32
        %parallel_loop3A_943 = arith.constant 0 : i32
        %parallel_loop3A_944 = arith.cmpi sgt, %parallel_loop3A_934, %parallel_loop3A_943 : i32
        %parallel_loop3A_945 = arith.extui %parallel_loop3A_944 : i1 to i32
        %parallel_loop3A_946 = arith.constant 0 : i32
        %parallel_loop3A_947 = arith.cmpi slt, %parallel_loop3A_934, %parallel_loop3A_946 : i32
        %parallel_loop3A_948 = arith.extui %parallel_loop3A_947 : i1 to i32
        %parallel_loop3A_949 = arith.subi %parallel_loop3A_945, %parallel_loop3A_948 : i32
        %parallel_loop3A_950 = arith.cmpi ne, %parallel_loop3A_942, %parallel_loop3A_949 : i32
        %parallel_loop3A_951 = arith.remsi %parallel_loop3A_928, %parallel_loop3A_934 : i32
        %parallel_loop3A_952 = arith.constant 0 : i32
        %parallel_loop3A_953 = arith.cmpi ne, %parallel_loop3A_951, %parallel_loop3A_952 : i32
        %parallel_loop3A_954 = arith.andi %parallel_loop3A_950, %parallel_loop3A_953 : i1
        %parallel_loop3A_955 = arith.constant 1 : i32
        %parallel_loop3A_956 = arith.subi %parallel_loop3A_935, %parallel_loop3A_955 : i32
        %parallel_loop3A_957 = arith.select %parallel_loop3A_954, %parallel_loop3A_956, %parallel_loop3A_935 : i32
        %parallel_loop3A_958 = arith.constant 8 : i32
        %parallel_loop3A_959 = arith.remsi %parallel_loop3A_928, %parallel_loop3A_958 : i32
        %parallel_loop3A_960 = vector.broadcast %parallel_loop3A_928 : i32 to vector<16xi32>
        %parallel_loop3A_961 = arith.addi %and3A_417, %parallel_loop3A_960 : vector<16xi32>
        %parallel_loop3A_962 = arith.constant 63 : i32
        %parallel_loop3A_963 = vector.broadcast %parallel_loop3A_962 : i32 to vector<16xi32>
        %parallel_loop3A_964 = arith.andi %parallel_loop3A_961, %parallel_loop3A_963 : vector<16xi32>
        %parallel_loop3A_965 = tpu.vector_load_idx %arg8[%add3A_385, %parallel_loop3A_964] : memref<128x64xf32, #tpu.memory_space<vmem>>[vector<16xi32>, vector<16xi32>], vector<16xf32>,
        %parallel_loop3A_966 = arith.addf %parallel_loop3A_965, %parallel_loop3A_933 : vector<16xf32>
        %parallel_loop3A_967 = arith.index_cast %parallel_loop3A_957 : i32 to index
        %parallel_loop3A_968 = arith.index_cast %parallel_loop3A_959 : i32 to index
        %parallel_loop3A_969 = arith.constant 0 : index
        %parallel_loop3A_970 = tpu.vector_load %arg10[%parallel_loop3A_967, %parallel_loop3A_968, %parallel_loop3A_969] {strides = array<i32>} : memref<8x8x128xf32, #tpu.memory_space<vmem>>, vector<16xf32>,
        tpu.vector_store %arg10[%parallel_loop3A_967, %parallel_loop3A_968, %parallel_loop3A_969], %parallel_loop3A_966 {strides = array<i32>} : memref<8x8x128xf32, #tpu.memory_space<vmem>>, vector<16xf32>,
        %parallel_loop3A_971 = arith.addi %and3A_422, %parallel_loop3A_960 : vector<16xi32>
        %parallel_loop3A_972 = arith.constant 63 : i32
        %parallel_loop3A_973 = vector.broadcast %parallel_loop3A_972 : i32 to vector<16xi32>
        %parallel_loop3A_974 = arith.andi %parallel_loop3A_971, %parallel_loop3A_973 : vector<16xi32>
        %parallel_loop3A_975 = tpu.vector_load_idx %arg8[%add3A_389, %parallel_loop3A_974] : memref<128x64xf32, #tpu.memory_space<vmem>>[vector<16xi32>, vector<16xi32>], vector<16xf32>,
        %parallel_loop3A_976 = arith.addf %parallel_loop3A_975, %parallel_loop3A_933 : vector<16xf32>
        %parallel_loop3A_977 = arith.index_cast %parallel_loop3A_957 : i32 to index
        %parallel_loop3A_978 = arith.index_cast %parallel_loop3A_959 : i32 to index
        %parallel_loop3A_979 = arith.constant 16 : index
        %parallel_loop3A_980 = tpu.vector_load %arg10[%parallel_loop3A_977, %parallel_loop3A_978, %parallel_loop3A_979] {strides = array<i32>} : memref<8x8x128xf32, #tpu.memory_space<vmem>>, vector<16xf32>,
        tpu.vector_store %arg10[%parallel_loop3A_977, %parallel_loop3A_978, %parallel_loop3A_979], %parallel_loop3A_976 {strides = array<i32>} : memref<8x8x128xf32, #tpu.memory_space<vmem>>, vector<16xf32>,
        %parallel_loop3A_981 = arith.addi %and3A_427, %parallel_loop3A_960 : vector<16xi32>
        %parallel_loop3A_982 = arith.constant 63 : i32
        %parallel_loop3A_983 = vector.broadcast %parallel_loop3A_982 : i32 to vector<16xi32>
        %parallel_loop3A_984 = arith.andi %parallel_loop3A_981, %parallel_loop3A_983 : vector<16xi32>
        %parallel_loop3A_985 = tpu.vector_load_idx %arg8[%add3A_393, %parallel_loop3A_984] : memref<128x64xf32, #tpu.memory_space<vmem>>[vector<16xi32>, vector<16xi32>], vector<16xf32>,
        %parallel_loop3A_986 = arith.addf %parallel_loop3A_985, %parallel_loop3A_933 : vector<16xf32>
        %parallel_loop3A_987 = arith.index_cast %parallel_loop3A_957 : i32 to index
        %parallel_loop3A_988 = arith.index_cast %parallel_loop3A_959 : i32 to index
        %parallel_loop3A_989 = arith.constant 32 : index
        %parallel_loop3A_990 = tpu.vector_load %arg10[%parallel_loop3A_987, %parallel_loop3A_988, %parallel_loop3A_989] {strides = array<i32>} : memref<8x8x128xf32, #tpu.memory_space<vmem>>, vector<16xf32>,
        tpu.vector_store %arg10[%parallel_loop3A_987, %parallel_loop3A_988, %parallel_loop3A_989], %parallel_loop3A_986 {strides = array<i32>} : memref<8x8x128xf32, #tpu.memory_space<vmem>>, vector<16xf32>,
        %parallel_loop3A_991 = arith.addi %and3A_432, %parallel_loop3A_960 : vector<16xi32>
        %parallel_loop3A_992 = arith.constant 63 : i32
        %parallel_loop3A_993 = vector.broadcast %parallel_loop3A_992 : i32 to vector<16xi32>
        %parallel_loop3A_994 = arith.andi %parallel_loop3A_991, %parallel_loop3A_993 : vector<16xi32>
        %parallel_loop3A_995 = tpu.vector_load_idx %arg8[%add3A_397, %parallel_loop3A_994] : memref<128x64xf32, #tpu.memory_space<vmem>>[vector<16xi32>, vector<16xi32>], vector<16xf32>,
        %parallel_loop3A_996 = arith.addf %parallel_loop3A_995, %parallel_loop3A_933 : vector<16xf32>
        %parallel_loop3A_997 = arith.index_cast %parallel_loop3A_957 : i32 to index
        %parallel_loop3A_998 = arith.index_cast %parallel_loop3A_959 : i32 to index
        %parallel_loop3A_999 = arith.constant 48 : index
        %parallel_loop3A_1000 = tpu.vector_load %arg10[%parallel_loop3A_997, %parallel_loop3A_998, %parallel_loop3A_999] {strides = array<i32>} : memref<8x8x128xf32, #tpu.memory_space<vmem>>, vector<16xf32>,
        tpu.vector_store %arg10[%parallel_loop3A_997, %parallel_loop3A_998, %parallel_loop3A_999], %parallel_loop3A_996 {strides = array<i32>} : memref<8x8x128xf32, #tpu.memory_space<vmem>>, vector<16xf32>,
        %parallel_loop3A_1001 = arith.addi %and3A_437, %parallel_loop3A_960 : vector<16xi32>
        %parallel_loop3A_1002 = arith.constant 63 : i32
        %parallel_loop3A_1003 = vector.broadcast %parallel_loop3A_1002 : i32 to vector<16xi32>
        %parallel_loop3A_1004 = arith.andi %parallel_loop3A_1001, %parallel_loop3A_1003 : vector<16xi32>
        %parallel_loop3A_1005 = tpu.vector_load_idx %arg8[%add3A_401, %parallel_loop3A_1004] : memref<128x64xf32, #tpu.memory_space<vmem>>[vector<16xi32>, vector<16xi32>], vector<16xf32>,
        %parallel_loop3A_1006 = arith.addf %parallel_loop3A_1005, %parallel_loop3A_933 : vector<16xf32>
        %parallel_loop3A_1007 = arith.index_cast %parallel_loop3A_957 : i32 to index
        %parallel_loop3A_1008 = arith.index_cast %parallel_loop3A_959 : i32 to index
        %parallel_loop3A_1009 = arith.constant 64 : index
        %parallel_loop3A_1010 = tpu.vector_load %arg10[%parallel_loop3A_1007, %parallel_loop3A_1008, %parallel_loop3A_1009] {strides = array<i32>} : memref<8x8x128xf32, #tpu.memory_space<vmem>>, vector<16xf32>,
        tpu.vector_store %arg10[%parallel_loop3A_1007, %parallel_loop3A_1008, %parallel_loop3A_1009], %parallel_loop3A_1006 {strides = array<i32>} : memref<8x8x128xf32, #tpu.memory_space<vmem>>, vector<16xf32>,
        %parallel_loop3A_1011 = arith.addi %and3A_442, %parallel_loop3A_960 : vector<16xi32>
        %parallel_loop3A_1012 = arith.constant 63 : i32
        %parallel_loop3A_1013 = vector.broadcast %parallel_loop3A_1012 : i32 to vector<16xi32>
        %parallel_loop3A_1014 = arith.andi %parallel_loop3A_1011, %parallel_loop3A_1013 : vector<16xi32>
        %parallel_loop3A_1015 = tpu.vector_load_idx %arg8[%add3A_405, %parallel_loop3A_1014] : memref<128x64xf32, #tpu.memory_space<vmem>>[vector<16xi32>, vector<16xi32>], vector<16xf32>,
        %parallel_loop3A_1016 = arith.addf %parallel_loop3A_1015, %parallel_loop3A_933 : vector<16xf32>
        %parallel_loop3A_1017 = arith.index_cast %parallel_loop3A_957 : i32 to index
        %parallel_loop3A_1018 = arith.index_cast %parallel_loop3A_959 : i32 to index
        %parallel_loop3A_1019 = arith.constant 80 : index
        %parallel_loop3A_1020 = tpu.vector_load %arg10[%parallel_loop3A_1017, %parallel_loop3A_1018, %parallel_loop3A_1019] {strides = array<i32>} : memref<8x8x128xf32, #tpu.memory_space<vmem>>, vector<16xf32>,
        tpu.vector_store %arg10[%parallel_loop3A_1017, %parallel_loop3A_1018, %parallel_loop3A_1019], %parallel_loop3A_1016 {strides = array<i32>} : memref<8x8x128xf32, #tpu.memory_space<vmem>>, vector<16xf32>,
        %parallel_loop3A_1021 = arith.addi %and3A_447, %parallel_loop3A_960 : vector<16xi32>
        %parallel_loop3A_1022 = arith.constant 63 : i32
        %parallel_loop3A_1023 = vector.broadcast %parallel_loop3A_1022 : i32 to vector<16xi32>
        %parallel_loop3A_1024 = arith.andi %parallel_loop3A_1021, %parallel_loop3A_1023 : vector<16xi32>
        %parallel_loop3A_1025 = tpu.vector_load_idx %arg8[%add3A_409, %parallel_loop3A_1024] : memref<128x64xf32, #tpu.memory_space<vmem>>[vector<16xi32>, vector<16xi32>], vector<16xf32>,
        %parallel_loop3A_1026 = arith.addf %parallel_loop3A_1025, %parallel_loop3A_933 : vector<16xf32>
        %parallel_loop3A_1027 = arith.index_cast %parallel_loop3A_957 : i32 to index
        %parallel_loop3A_1028 = arith.index_cast %parallel_loop3A_959 : i32 to index
        %parallel_loop3A_1029 = arith.constant 96 : index
        %parallel_loop3A_1030 = tpu.vector_load %arg10[%parallel_loop3A_1027, %parallel_loop3A_1028, %parallel_loop3A_1029] {strides = array<i32>} : memref<8x8x128xf32, #tpu.memory_space<vmem>>, vector<16xf32>,
        tpu.vector_store %arg10[%parallel_loop3A_1027, %parallel_loop3A_1028, %parallel_loop3A_1029], %parallel_loop3A_1026 {strides = array<i32>} : memref<8x8x128xf32, #tpu.memory_space<vmem>>, vector<16xf32>,
        %parallel_loop3A_1031 = arith.addi %and3A_452, %parallel_loop3A_960 : vector<16xi32>
        %parallel_loop3A_1032 = arith.constant 63 : i32
        %parallel_loop3A_1033 = vector.broadcast %parallel_loop3A_1032 : i32 to vector<16xi32>
        %parallel_loop3A_1034 = arith.andi %parallel_loop3A_1031, %parallel_loop3A_1033 : vector<16xi32>
        %parallel_loop3A_1035 = tpu.vector_load_idx %arg8[%add3A_413, %parallel_loop3A_1034] : memref<128x64xf32, #tpu.memory_space<vmem>>[vector<16xi32>, vector<16xi32>], vector<16xf32>,
        %parallel_loop3A_1036 = arith.addf %parallel_loop3A_1035, %parallel_loop3A_933 : vector<16xf32>
        %parallel_loop3A_1037 = arith.index_cast %parallel_loop3A_957 : i32 to index
        %parallel_loop3A_1038 = arith.index_cast %parallel_loop3A_959 : i32 to index
        %parallel_loop3A_1039 = arith.constant 112 : index
        %parallel_loop3A_1040 = tpu.vector_load %arg10[%parallel_loop3A_1037, %parallel_loop3A_1038, %parallel_loop3A_1039] {strides = array<i32>} : memref<8x8x128xf32, #tpu.memory_space<vmem>>, vector<16xf32>,
        tpu.vector_store %arg10[%parallel_loop3A_1037, %parallel_loop3A_1038, %parallel_loop3A_1039], %parallel_loop3A_1036 {strides = array<i32>} : memref<8x8x128xf32, #tpu.memory_space<vmem>>, vector<16xf32>,
      } {sc.loop_unroll_factor = 4 : i64, sc.parallel_access}
      %jit3A_455 = arith.constant 8 : i32
      %div3A_456 = arith.divsi %add3A_355, %jit3A_455 : i32
      %sign3A_457 = arith.constant 0 : i32
      %sign3A_458 = arith.cmpi sgt, %add3A_355, %sign3A_457 : i32
      %sign3A_459 = arith.extui %sign3A_458 : i1 to i32
      %sign3A_460 = arith.constant 0 : i32
      %sign3A_461 = arith.cmpi slt, %add3A_355, %sign3A_460 : i32
      %sign3A_462 = arith.extui %sign3A_461 : i1 to i32
      %sign3A_463 = arith.subi %sign3A_459, %sign3A_462 : i32
      %sign3A_464 = arith.constant 0 : i32
      %sign3A_465 = arith.cmpi sgt, %jit3A_455, %sign3A_464 : i32
      %sign3A_466 = arith.extui %sign3A_465 : i1 to i32
      %sign3A_467 = arith.constant 0 : i32
      %sign3A_468 = arith.cmpi slt, %jit3A_455, %sign3A_467 : i32
      %sign3A_469 = arith.extui %sign3A_468 : i1 to i32
      %sign3A_470 = arith.subi %sign3A_466, %sign3A_469 : i32
      %ne3A_471 = arith.cmpi ne, %sign3A_463, %sign3A_470 : i32
      %rem3A_472 = arith.remsi %add3A_355, %jit3A_455 : i32
      %ne3A_473 = arith.constant 0 : i32
      %ne3A_474 = arith.cmpi ne, %rem3A_472, %ne3A_473 : i32
      %and3A_475 = arith.andi %ne3A_471, %ne3A_474 : i1
      %sub3A_476 = arith.constant 1 : i32
      %sub3A_477 = arith.subi %div3A_456, %sub3A_476 : i32
      %select_n3A_478 = arith.select %and3A_475, %sub3A_477, %div3A_456 : i32
      %rem3A_479 = arith.constant 8 : i32
      %rem3A_480 = arith.remsi %add3A_355, %rem3A_479 : i32
      %dma_start3A_481 = arith.constant 0 : i32
      %dma_start3A_482 = arith.constant 0 : i32
      %dma_start3A_483 = arith.constant 0 : i32
      %dma_start3A_484 = arith.constant 0 : i32
      %dma_start3A_485 = tpu.memref_slice %arg10[%dma_start3A_481, %dma_start3A_483, %dma_start3A_484] : memref<8x8x128xf32, #tpu.memory_space<vmem>> -> memref<1x8x128xf32, #tpu.memory_space<vmem>>
      %dma_start3A_486 = tpu.memref_squeeze %dma_start3A_485 : memref<1x8x128xf32, #tpu.memory_space<vmem>> -> memref<8x128xf32, #tpu.memory_space<vmem>>
      %dma_start3A_487 = arith.constant 0 : i32
      %dma_start3A_488 = arith.constant 0 : i32
      %dma_start3A_489 = tpu.memref_slice %arg5[%select_n3A_478, %dma_start3A_482, %rem3A_480, %dma_start3A_487, %dma_start3A_488] : memref<200x8x8x8x128xf32, #tpu.memory_space<hbm>> -> memref<1x1x1x8x128xf32, #tpu.memory_space<hbm>>
      %dma_start3A_490 = tpu.memref_squeeze %dma_start3A_489 : memref<1x1x1x8x128xf32, #tpu.memory_space<hbm>> -> memref<8x128xf32, #tpu.memory_space<hbm>>
      %dma_start3A_491 = arith.constant 0 : i32
      %dma_start3A_492 = arith.constant 0 : i32
      %dma_start3A_493 = tpu.memref_slice %arg5[%select_n3A_478, %dma_start3A_482, %rem3A_480, %dma_start3A_491, %dma_start3A_492] : memref<200x8x8x8x128xf32, #tpu.memory_space<hbm>> -> memref<1x1x1x8x128xf32, #tpu.memory_space<hbm>>
      %dma_start3A_494 = tpu.memref_squeeze %dma_start3A_493 : memref<1x1x1x8x128xf32, #tpu.memory_space<hbm>> -> memref<8x128xf32, #tpu.memory_space<hbm>>
      %dma_start3A_495 = arith.constant 0 : i32
      %dma_start3A_496 = arith.constant 0 : i32
      %dma_start3A_497 = tpu.memref_slice %arg10[%dma_start3A_481, %dma_start3A_495, %dma_start3A_496] : memref<8x8x128xf32, #tpu.memory_space<vmem>> -> memref<1x8x128xf32, #tpu.memory_space<vmem>>
      %dma_start3A_498 = tpu.memref_squeeze %dma_start3A_497 : memref<1x8x128xf32, #tpu.memory_space<vmem>> -> memref<8x128xf32, #tpu.memory_space<vmem>>
      tpu.enqueue_dma source(%dma_start3A_498 : memref<8x128xf32, #tpu.memory_space<vmem>>) target(%dma_start3A_494 : memref<8x128xf32, #tpu.memory_space<hbm>>) target_semaphore(%arg17 : memref<!tpu.dma_semaphore, #tpu.memory_space<semaphore_mem>>)
      %dma_start3A_499 = arith.constant 1 : i32
      %dma_start3A_500 = arith.constant 1 : i32
      %dma_start3A_501 = arith.constant 0 : i32
      %dma_start3A_502 = arith.constant 0 : i32
      %dma_start3A_503 = tpu.memref_slice %arg10[%dma_start3A_499, %dma_start3A_501, %dma_start3A_502] : memref<8x8x128xf32, #tpu.memory_space<vmem>> -> memref<1x8x128xf32, #tpu.memory_space<vmem>>
      %dma_start3A_504 = tpu.memref_squeeze %dma_start3A_503 : memref<1x8x128xf32, #tpu.memory_space<vmem>> -> memref<8x128xf32, #tpu.memory_space<vmem>>
      %dma_start3A_505 = arith.constant 0 : i32
      %dma_start3A_506 = arith.constant 0 : i32
      %dma_start3A_507 = tpu.memref_slice %arg5[%select_n3A_478, %dma_start3A_500, %rem3A_480, %dma_start3A_505, %dma_start3A_506] : memref<200x8x8x8x128xf32, #tpu.memory_space<hbm>> -> memref<1x1x1x8x128xf32, #tpu.memory_space<hbm>>
      %dma_start3A_508 = tpu.memref_squeeze %dma_start3A_507 : memref<1x1x1x8x128xf32, #tpu.memory_space<hbm>> -> memref<8x128xf32, #tpu.memory_space<hbm>>
      %dma_start3A_509 = arith.constant 0 : i32
      %dma_start3A_510 = arith.constant 0 : i32
      %dma_start3A_511 = tpu.memref_slice %arg5[%select_n3A_478, %dma_start3A_500, %rem3A_480, %dma_start3A_509, %dma_start3A_510] : memref<200x8x8x8x128xf32, #tpu.memory_space<hbm>> -> memref<1x1x1x8x128xf32, #tpu.memory_space<hbm>>
      %dma_start3A_512 = tpu.memref_squeeze %dma_start3A_511 : memref<1x1x1x8x128xf32, #tpu.memory_space<hbm>> -> memref<8x128xf32, #tpu.memory_space<hbm>>
      %dma_start3A_513 = arith.constant 0 : i32
      %dma_start3A_514 = arith.constant 0 : i32
      %dma_start3A_515 = tpu.memref_slice %arg10[%dma_start3A_499, %dma_start3A_513, %dma_start3A_514] : memref<8x8x128xf32, #tpu.memory_space<vmem>> -> memref<1x8x128xf32, #tpu.memory_space<vmem>>
      %dma_start3A_516 = tpu.memref_squeeze %dma_start3A_515 : memref<1x8x128xf32, #tpu.memory_space<vmem>> -> memref<8x128xf32, #tpu.memory_space<vmem>>
      tpu.enqueue_dma source(%dma_start3A_516 : memref<8x128xf32, #tpu.memory_space<vmem>>) target(%dma_start3A_512 : memref<8x128xf32, #tpu.memory_space<hbm>>) target_semaphore(%arg17 : memref<!tpu.dma_semaphore, #tpu.memory_space<semaphore_mem>>)
      %dma_start3A_517 = arith.constant 2 : i32
      %dma_start3A_518 = arith.constant 2 : i32
      %dma_start3A_519 = arith.constant 0 : i32
      %dma_start3A_520 = arith.constant 0 : i32
      %dma_start3A_521 = tpu.memref_slice %arg10[%dma_start3A_517, %dma_start3A_519, %dma_start3A_520] : memref<8x8x128xf32, #tpu.memory_space<vmem>> -> memref<1x8x128xf32, #tpu.memory_space<vmem>>
      %dma_start3A_522 = tpu.memref_squeeze %dma_start3A_521 : memref<1x8x128xf32, #tpu.memory_space<vmem>> -> memref<8x128xf32, #tpu.memory_space<vmem>>
      %dma_start3A_523 = arith.constant 0 : i32
      %dma_start3A_524 = arith.constant 0 : i32
      %dma_start3A_525 = tpu.memref_slice %arg5[%select_n3A_478, %dma_start3A_518, %rem3A_480, %dma_start3A_523, %dma_start3A_524] : memref<200x8x8x8x128xf32, #tpu.memory_space<hbm>> -> memref<1x1x1x8x128xf32, #tpu.memory_space<hbm>>
      %dma_start3A_526 = tpu.memref_squeeze %dma_start3A_525 : memref<1x1x1x8x128xf32, #tpu.memory_space<hbm>> -> memref<8x128xf32, #tpu.memory_space<hbm>>
      %dma_start3A_527 = arith.constant 0 : i32
      %dma_start3A_528 = arith.constant 0 : i32
      %dma_start3A_529 = tpu.memref_slice %arg5[%select_n3A_478, %dma_start3A_518, %rem3A_480, %dma_start3A_527, %dma_start3A_528] : memref<200x8x8x8x128xf32, #tpu.memory_space<hbm>> -> memref<1x1x1x8x128xf32, #tpu.memory_space<hbm>>
      %dma_start3A_530 = tpu.memref_squeeze %dma_start3A_529 : memref<1x1x1x8x128xf32, #tpu.memory_space<hbm>> -> memref<8x128xf32, #tpu.memory_space<hbm>>
      %dma_start3A_531 = arith.constant 0 : i32
      %dma_start3A_532 = arith.constant 0 : i32
      %dma_start3A_533 = tpu.memref_slice %arg10[%dma_start3A_517, %dma_start3A_531, %dma_start3A_532] : memref<8x8x128xf32, #tpu.memory_space<vmem>> -> memref<1x8x128xf32, #tpu.memory_space<vmem>>
      %dma_start3A_534 = tpu.memref_squeeze %dma_start3A_533 : memref<1x8x128xf32, #tpu.memory_space<vmem>> -> memref<8x128xf32, #tpu.memory_space<vmem>>
      tpu.enqueue_dma source(%dma_start3A_534 : memref<8x128xf32, #tpu.memory_space<vmem>>) target(%dma_start3A_530 : memref<8x128xf32, #tpu.memory_space<hbm>>) target_semaphore(%arg17 : memref<!tpu.dma_semaphore, #tpu.memory_space<semaphore_mem>>)
      %dma_start3A_535 = arith.constant 3 : i32
      %dma_start3A_536 = arith.constant 3 : i32
      %dma_start3A_537 = arith.constant 0 : i32
      %dma_start3A_538 = arith.constant 0 : i32
      %dma_start3A_539 = tpu.memref_slice %arg10[%dma_start3A_535, %dma_start3A_537, %dma_start3A_538] : memref<8x8x128xf32, #tpu.memory_space<vmem>> -> memref<1x8x128xf32, #tpu.memory_space<vmem>>
      %dma_start3A_540 = tpu.memref_squeeze %dma_start3A_539 : memref<1x8x128xf32, #tpu.memory_space<vmem>> -> memref<8x128xf32, #tpu.memory_space<vmem>>
      %dma_start3A_541 = arith.constant 0 : i32
      %dma_start3A_542 = arith.constant 0 : i32
      %dma_start3A_543 = tpu.memref_slice %arg5[%select_n3A_478, %dma_start3A_536, %rem3A_480, %dma_start3A_541, %dma_start3A_542] : memref<200x8x8x8x128xf32, #tpu.memory_space<hbm>> -> memref<1x1x1x8x128xf32, #tpu.memory_space<hbm>>
      %dma_start3A_544 = tpu.memref_squeeze %dma_start3A_543 : memref<1x1x1x8x128xf32, #tpu.memory_space<hbm>> -> memref<8x128xf32, #tpu.memory_space<hbm>>
      %dma_start3A_545 = arith.constant 0 : i32
      %dma_start3A_546 = arith.constant 0 : i32
      %dma_start3A_547 = tpu.memref_slice %arg5[%select_n3A_478, %dma_start3A_536, %rem3A_480, %dma_start3A_545, %dma_start3A_546] : memref<200x8x8x8x128xf32, #tpu.memory_space<hbm>> -> memref<1x1x1x8x128xf32, #tpu.memory_space<hbm>>
      %dma_start3A_548 = tpu.memref_squeeze %dma_start3A_547 : memref<1x1x1x8x128xf32, #tpu.memory_space<hbm>> -> memref<8x128xf32, #tpu.memory_space<hbm>>
      %dma_start3A_549 = arith.constant 0 : i32
      %dma_start3A_550 = arith.constant 0 : i32
      %dma_start3A_551 = tpu.memref_slice %arg10[%dma_start3A_535, %dma_start3A_549, %dma_start3A_550] : memref<8x8x128xf32, #tpu.memory_space<vmem>> -> memref<1x8x128xf32, #tpu.memory_space<vmem>>
      %dma_start3A_552 = tpu.memref_squeeze %dma_start3A_551 : memref<1x8x128xf32, #tpu.memory_space<vmem>> -> memref<8x128xf32, #tpu.memory_space<vmem>>
      tpu.enqueue_dma source(%dma_start3A_552 : memref<8x128xf32, #tpu.memory_space<vmem>>) target(%dma_start3A_548 : memref<8x128xf32, #tpu.memory_space<hbm>>) target_semaphore(%arg17 : memref<!tpu.dma_semaphore, #tpu.memory_space<semaphore_mem>>)
      %dma_start3A_553 = arith.constant 4 : i32
      %dma_start3A_554 = arith.constant 4 : i32
      %dma_start3A_555 = arith.constant 0 : i32
      %dma_start3A_556 = arith.constant 0 : i32
      %dma_start3A_557 = tpu.memref_slice %arg10[%dma_start3A_553, %dma_start3A_555, %dma_start3A_556] : memref<8x8x128xf32, #tpu.memory_space<vmem>> -> memref<1x8x128xf32, #tpu.memory_space<vmem>>
      %dma_start3A_558 = tpu.memref_squeeze %dma_start3A_557 : memref<1x8x128xf32, #tpu.memory_space<vmem>> -> memref<8x128xf32, #tpu.memory_space<vmem>>
      %dma_start3A_559 = arith.constant 0 : i32
      %dma_start3A_560 = arith.constant 0 : i32
      %dma_start3A_561 = tpu.memref_slice %arg5[%select_n3A_478, %dma_start3A_554, %rem3A_480, %dma_start3A_559, %dma_start3A_560] : memref<200x8x8x8x128xf32, #tpu.memory_space<hbm>> -> memref<1x1x1x8x128xf32, #tpu.memory_space<hbm>>
      %dma_start3A_562 = tpu.memref_squeeze %dma_start3A_561 : memref<1x1x1x8x128xf32, #tpu.memory_space<hbm>> -> memref<8x128xf32, #tpu.memory_space<hbm>>
      %dma_start3A_563 = arith.constant 0 : i32
      %dma_start3A_564 = arith.constant 0 : i32
      %dma_start3A_565 = tpu.memref_slice %arg5[%select_n3A_478, %dma_start3A_554, %rem3A_480, %dma_start3A_563, %dma_start3A_564] : memref<200x8x8x8x128xf32, #tpu.memory_space<hbm>> -> memref<1x1x1x8x128xf32, #tpu.memory_space<hbm>>
      %dma_start3A_566 = tpu.memref_squeeze %dma_start3A_565 : memref<1x1x1x8x128xf32, #tpu.memory_space<hbm>> -> memref<8x128xf32, #tpu.memory_space<hbm>>
      %dma_start3A_567 = arith.constant 0 : i32
      %dma_start3A_568 = arith.constant 0 : i32
      %dma_start3A_569 = tpu.memref_slice %arg10[%dma_start3A_553, %dma_start3A_567, %dma_start3A_568] : memref<8x8x128xf32, #tpu.memory_space<vmem>> -> memref<1x8x128xf32, #tpu.memory_space<vmem>>
      %dma_start3A_570 = tpu.memref_squeeze %dma_start3A_569 : memref<1x8x128xf32, #tpu.memory_space<vmem>> -> memref<8x128xf32, #tpu.memory_space<vmem>>
      tpu.enqueue_dma source(%dma_start3A_570 : memref<8x128xf32, #tpu.memory_space<vmem>>) target(%dma_start3A_566 : memref<8x128xf32, #tpu.memory_space<hbm>>) target_semaphore(%arg17 : memref<!tpu.dma_semaphore, #tpu.memory_space<semaphore_mem>>)
      %dma_start3A_571 = arith.constant 5 : i32
      %dma_start3A_572 = arith.constant 5 : i32
      %dma_start3A_573 = arith.constant 0 : i32
      %dma_start3A_574 = arith.constant 0 : i32
      %dma_start3A_575 = tpu.memref_slice %arg10[%dma_start3A_571, %dma_start3A_573, %dma_start3A_574] : memref<8x8x128xf32, #tpu.memory_space<vmem>> -> memref<1x8x128xf32, #tpu.memory_space<vmem>>
      %dma_start3A_576 = tpu.memref_squeeze %dma_start3A_575 : memref<1x8x128xf32, #tpu.memory_space<vmem>> -> memref<8x128xf32, #tpu.memory_space<vmem>>
      %dma_start3A_577 = arith.constant 0 : i32
      %dma_start3A_578 = arith.constant 0 : i32
      %dma_start3A_579 = tpu.memref_slice %arg5[%select_n3A_478, %dma_start3A_572, %rem3A_480, %dma_start3A_577, %dma_start3A_578] : memref<200x8x8x8x128xf32, #tpu.memory_space<hbm>> -> memref<1x1x1x8x128xf32, #tpu.memory_space<hbm>>
      %dma_start3A_580 = tpu.memref_squeeze %dma_start3A_579 : memref<1x1x1x8x128xf32, #tpu.memory_space<hbm>> -> memref<8x128xf32, #tpu.memory_space<hbm>>
      %dma_start3A_581 = arith.constant 0 : i32
      %dma_start3A_582 = arith.constant 0 : i32
      %dma_start3A_583 = tpu.memref_slice %arg5[%select_n3A_478, %dma_start3A_572, %rem3A_480, %dma_start3A_581, %dma_start3A_582] : memref<200x8x8x8x128xf32, #tpu.memory_space<hbm>> -> memref<1x1x1x8x128xf32, #tpu.memory_space<hbm>>
      %dma_start3A_584 = tpu.memref_squeeze %dma_start3A_583 : memref<1x1x1x8x128xf32, #tpu.memory_space<hbm>> -> memref<8x128xf32, #tpu.memory_space<hbm>>
      %dma_start3A_585 = arith.constant 0 : i32
      %dma_start3A_586 = arith.constant 0 : i32
      %dma_start3A_587 = tpu.memref_slice %arg10[%dma_start3A_571, %dma_start3A_585, %dma_start3A_586] : memref<8x8x128xf32, #tpu.memory_space<vmem>> -> memref<1x8x128xf32, #tpu.memory_space<vmem>>
      %dma_start3A_588 = tpu.memref_squeeze %dma_start3A_587 : memref<1x8x128xf32, #tpu.memory_space<vmem>> -> memref<8x128xf32, #tpu.memory_space<vmem>>
      tpu.enqueue_dma source(%dma_start3A_588 : memref<8x128xf32, #tpu.memory_space<vmem>>) target(%dma_start3A_584 : memref<8x128xf32, #tpu.memory_space<hbm>>) target_semaphore(%arg17 : memref<!tpu.dma_semaphore, #tpu.memory_space<semaphore_mem>>)
      %dma_start3A_589 = arith.constant 6 : i32
      %dma_start3A_590 = arith.constant 6 : i32
      %dma_start3A_591 = arith.constant 0 : i32
      %dma_start3A_592 = arith.constant 0 : i32
      %dma_start3A_593 = tpu.memref_slice %arg10[%dma_start3A_589, %dma_start3A_591, %dma_start3A_592] : memref<8x8x128xf32, #tpu.memory_space<vmem>> -> memref<1x8x128xf32, #tpu.memory_space<vmem>>
      %dma_start3A_594 = tpu.memref_squeeze %dma_start3A_593 : memref<1x8x128xf32, #tpu.memory_space<vmem>> -> memref<8x128xf32, #tpu.memory_space<vmem>>
      %dma_start3A_595 = arith.constant 0 : i32
      %dma_start3A_596 = arith.constant 0 : i32
      %dma_start3A_597 = tpu.memref_slice %arg5[%select_n3A_478, %dma_start3A_590, %rem3A_480, %dma_start3A_595, %dma_start3A_596] : memref<200x8x8x8x128xf32, #tpu.memory_space<hbm>> -> memref<1x1x1x8x128xf32, #tpu.memory_space<hbm>>
      %dma_start3A_598 = tpu.memref_squeeze %dma_start3A_597 : memref<1x1x1x8x128xf32, #tpu.memory_space<hbm>> -> memref<8x128xf32, #tpu.memory_space<hbm>>
      %dma_start3A_599 = arith.constant 0 : i32
      %dma_start3A_600 = arith.constant 0 : i32
      %dma_start3A_601 = tpu.memref_slice %arg5[%select_n3A_478, %dma_start3A_590, %rem3A_480, %dma_start3A_599, %dma_start3A_600] : memref<200x8x8x8x128xf32, #tpu.memory_space<hbm>> -> memref<1x1x1x8x128xf32, #tpu.memory_space<hbm>>
      %dma_start3A_602 = tpu.memref_squeeze %dma_start3A_601 : memref<1x1x1x8x128xf32, #tpu.memory_space<hbm>> -> memref<8x128xf32, #tpu.memory_space<hbm>>
      %dma_start3A_603 = arith.constant 0 : i32
      %dma_start3A_604 = arith.constant 0 : i32
      %dma_start3A_605 = tpu.memref_slice %arg10[%dma_start3A_589, %dma_start3A_603, %dma_start3A_604] : memref<8x8x128xf32, #tpu.memory_space<vmem>> -> memref<1x8x128xf32, #tpu.memory_space<vmem>>
      %dma_start3A_606 = tpu.memref_squeeze %dma_start3A_605 : memref<1x8x128xf32, #tpu.memory_space<vmem>> -> memref<8x128xf32, #tpu.memory_space<vmem>>
      tpu.enqueue_dma source(%dma_start3A_606 : memref<8x128xf32, #tpu.memory_space<vmem>>) target(%dma_start3A_602 : memref<8x128xf32, #tpu.memory_space<hbm>>) target_semaphore(%arg17 : memref<!tpu.dma_semaphore, #tpu.memory_space<semaphore_mem>>)
      %dma_start3A_607 = arith.constant 7 : i32
      %dma_start3A_608 = arith.constant 7 : i32
      %dma_start3A_609 = arith.constant 0 : i32
      %dma_start3A_610 = arith.constant 0 : i32
      %dma_start3A_611 = tpu.memref_slice %arg10[%dma_start3A_607, %dma_start3A_609, %dma_start3A_610] : memref<8x8x128xf32, #tpu.memory_space<vmem>> -> memref<1x8x128xf32, #tpu.memory_space<vmem>>
      %dma_start3A_612 = tpu.memref_squeeze %dma_start3A_611 : memref<1x8x128xf32, #tpu.memory_space<vmem>> -> memref<8x128xf32, #tpu.memory_space<vmem>>
      %dma_start3A_613 = arith.constant 0 : i32
      %dma_start3A_614 = arith.constant 0 : i32
      %dma_start3A_615 = tpu.memref_slice %arg5[%select_n3A_478, %dma_start3A_608, %rem3A_480, %dma_start3A_613, %dma_start3A_614] : memref<200x8x8x8x128xf32, #tpu.memory_space<hbm>> -> memref<1x1x1x8x128xf32, #tpu.memory_space<hbm>>
      %dma_start3A_616 = tpu.memref_squeeze %dma_start3A_615 : memref<1x1x1x8x128xf32, #tpu.memory_space<hbm>> -> memref<8x128xf32, #tpu.memory_space<hbm>>
      %dma_start3A_617 = arith.constant 0 : i32
      %dma_start3A_618 = arith.constant 0 : i32
      %dma_start3A_619 = tpu.memref_slice %arg5[%select_n3A_478, %dma_start3A_608, %rem3A_480, %dma_start3A_617, %dma_start3A_618] : memref<200x8x8x8x128xf32, #tpu.memory_space<hbm>> -> memref<1x1x1x8x128xf32, #tpu.memory_space<hbm>>
      %dma_start3A_620 = tpu.memref_squeeze %dma_start3A_619 : memref<1x1x1x8x128xf32, #tpu.memory_space<hbm>> -> memref<8x128xf32, #tpu.memory_space<hbm>>
      %dma_start3A_621 = arith.constant 0 : i32
      %dma_start3A_622 = arith.constant 0 : i32
      %dma_start3A_623 = tpu.memref_slice %arg10[%dma_start3A_607, %dma_start3A_621, %dma_start3A_622] : memref<8x8x128xf32, #tpu.memory_space<vmem>> -> memref<1x8x128xf32, #tpu.memory_space<vmem>>
      %dma_start3A_624 = tpu.memref_squeeze %dma_start3A_623 : memref<1x8x128xf32, #tpu.memory_space<vmem>> -> memref<8x128xf32, #tpu.memory_space<vmem>>
      tpu.enqueue_dma source(%dma_start3A_624 : memref<8x128xf32, #tpu.memory_space<vmem>>) target(%dma_start3A_620 : memref<8x128xf32, #tpu.memory_space<hbm>>) target_semaphore(%arg17 : memref<!tpu.dma_semaphore, #tpu.memory_space<semaphore_mem>>)
      %add3A_625 = arith.constant 2 : i32
      %add3A_626 = arith.addi %add3A_354, %add3A_625 : i32
      %lt3A_627 = arith.constant 50 : i32
      %lt3A_628 = arith.cmpi slt, %add3A_626, %lt3A_627 : i32
      %convert_element_type3A_629 = arith.extui %lt3A_628 : i1 to i32
      %cond3A_630 = arith.constant 0 : i32
      %cond3A_631 = arith.cmpi ne, %convert_element_type3A_629, %cond3A_630 : i32
      scf.if %cond3A_631 {
        %add3A_928 = arith.constant 2 : i32
        %add3A_929 = arith.addi %add3A_355, %add3A_928 : i32
        %dma_start3A_930 = arith.constant 0 : i32
        %dma_start3A_931 = tpu.memref_slice %arg2[%add3A_929, %dma_start3A_930] : memref<1600x128xi32, #tpu.memory_space<hbm>> -> memref<1x128xi32, #tpu.memory_space<hbm>>
        %dma_start3A_932 = tpu.memref_squeeze %dma_start3A_931 : memref<1x128xi32, #tpu.memory_space<hbm>> -> memref<128xi32, #tpu.memory_space<hbm>>
        %dma_start3A_933 = arith.constant 0 : i32
        %dma_start3A_934 = tpu.memref_slice %arg2[%add3A_929, %dma_start3A_933] : memref<1600x128xi32, #tpu.memory_space<hbm>> -> memref<1x128xi32, #tpu.memory_space<hbm>>
        %dma_start3A_935 = tpu.memref_squeeze %dma_start3A_934 : memref<1x128xi32, #tpu.memory_space<hbm>> -> memref<128xi32, #tpu.memory_space<hbm>>
        tpu.enqueue_dma source(%dma_start3A_935 : memref<128xi32, #tpu.memory_space<hbm>>) target(%arg6 : memref<128xi32, #tpu.memory_space<vmem>>) target_semaphore(%arg13 : memref<!tpu.dma_semaphore, #tpu.memory_space<semaphore_mem>>)
      } else {
      }
      %mul3A_632 = arith.constant 2 : i32
      %mul3A_633 = arith.muli %scan3A_350, %mul3A_632 : i32
      %add3A_634 = arith.constant 1 : i32
      %add3A_635 = arith.addi %mul3A_633, %add3A_634 : i32
      %add3A_636 = arith.addi %mul3A_2, %add3A_635 : i32
      %add3A_637 = arith.constant 1 : i32
      %add3A_638 = arith.addi %add3A_635, %add3A_637 : i32
      %lt3A_639 = arith.constant 50 : i32
      %lt3A_640 = arith.cmpi slt, %add3A_638, %lt3A_639 : i32
      %convert_element_type3A_641 = arith.extui %lt3A_640 : i1 to i32
      %cond3A_642 = arith.constant 0 : i32
      %cond3A_643 = arith.cmpi ne, %convert_element_type3A_641, %cond3A_642 : i32
      scf.if %cond3A_643 {
        %dma_wait3A_928 = arith.constant 0 : i32
        %dma_wait3A_929 = arith.constant 0 : i32
        %dma_wait3A_930 = tpu.memref_slice %arg2[%dma_wait3A_928, %dma_wait3A_929] : memref<1600x128xi32, #tpu.memory_space<hbm>> -> memref<1x128xi32, #tpu.memory_space<hbm>>
        %dma_wait3A_931 = tpu.memref_squeeze %dma_wait3A_930 : memref<1x128xi32, #tpu.memory_space<hbm>> -> memref<128xi32, #tpu.memory_space<hbm>>
        %dma_wait3A_932 = arith.constant 0 : i32
        %dma_wait3A_933 = tpu.memref_slice %arg2[%dma_wait3A_928, %dma_wait3A_932] : memref<1600x128xi32, #tpu.memory_space<hbm>> -> memref<1x128xi32, #tpu.memory_space<hbm>>
        %dma_wait3A_934 = tpu.memref_squeeze %dma_wait3A_933 : memref<1x128xi32, #tpu.memory_space<hbm>> -> memref<128xi32, #tpu.memory_space<hbm>>
        tpu.wait_dma2 semaphore(%arg13 : memref<!tpu.dma_semaphore, #tpu.memory_space<semaphore_mem>>) src(%dma_wait3A_934 : memref<128xi32, #tpu.memory_space<hbm>>) dst(%arg6 : memref<128xi32, #tpu.memory_space<vmem>>)
        %dma_start3A_935 = arith.constant 0 : i32
        %dma_start3A_936 = arith.constant 0 : i32
        %dma_start3A_937 = tpu.memref_slice %arg3[%dma_start3A_935, %dma_start3A_936] : memref<1000000x64xf32, #tpu.memory_space<hbm>> -> memref<1000000x64xf32, #tpu.memory_space<hbm>>
        tpu.enqueue_indirect_dma source(%dma_start3A_937 : memref<1000000x64xf32, #tpu.memory_space<hbm>>) target(%arg8 : memref<128x64xf32, #tpu.memory_space<vmem>>) offsets(%arg6 : memref<128xi32, #tpu.memory_space<vmem>>) semaphore(%arg15 : memref<!tpu.dma_semaphore, #tpu.memory_space<semaphore_mem>>)
      } else {
      }
      %dma_wait3A_644 = arith.constant 0 : i32
      %dma_wait3A_645 = arith.constant 0 : i32
      %dma_wait3A_646 = tpu.memref_slice %arg3[%dma_wait3A_644, %dma_wait3A_645] : memref<1000000x64xf32, #tpu.memory_space<hbm>> -> memref<1000000x64xf32, #tpu.memory_space<hbm>>
      tpu.wait_indirect_dma semaphore(%arg16 : memref<!tpu.dma_semaphore, #tpu.memory_space<semaphore_mem>>) src(%dma_wait3A_646 : memref<1000000x64xf32, #tpu.memory_space<hbm>>) dst(%arg9 : memref<128x64xf32, #tpu.memory_space<vmem>>)
      %ge3A_647 = arith.constant 2 : i32
      %ge3A_648 = arith.cmpi sge, %add3A_635, %ge3A_647 : i32
      %convert_element_type3A_649 = arith.extui %ge3A_648 : i1 to i32
      %cond3A_650 = arith.constant 0 : i32
      %cond3A_651 = arith.cmpi ne, %convert_element_type3A_649, %cond3A_650 : i32
      scf.if %cond3A_651 {
        %dma_wait3A_928 = arith.constant 0 : i32
        %dma_wait3A_929 = arith.constant 0 : i32
        %dma_wait3A_930 = arith.constant 0 : i32
        %dma_wait3A_931 = arith.constant 0 : i32
        %dma_wait3A_932 = arith.constant 0 : i32
        %dma_wait3A_933 = arith.constant 0 : i32
        %dma_wait3A_934 = tpu.memref_slice %arg11[%dma_wait3A_928, %dma_wait3A_932, %dma_wait3A_933] : memref<8x8x128xf32, #tpu.memory_space<vmem>> -> memref<1x8x128xf32, #tpu.memory_space<vmem>>
        %dma_wait3A_935 = tpu.memref_squeeze %dma_wait3A_934 : memref<1x8x128xf32, #tpu.memory_space<vmem>> -> memref<8x128xf32, #tpu.memory_space<vmem>>
        %dma_wait3A_936 = arith.constant 0 : i32
        %dma_wait3A_937 = arith.constant 0 : i32
        %dma_wait3A_938 = tpu.memref_slice %arg5[%dma_wait3A_929, %dma_wait3A_930, %dma_wait3A_931, %dma_wait3A_936, %dma_wait3A_937] : memref<200x8x8x8x128xf32, #tpu.memory_space<hbm>> -> memref<1x1x1x8x128xf32, #tpu.memory_space<hbm>>
        %dma_wait3A_939 = tpu.memref_squeeze %dma_wait3A_938 : memref<1x1x1x8x128xf32, #tpu.memory_space<hbm>> -> memref<8x128xf32, #tpu.memory_space<hbm>>
        %dma_wait3A_940 = arith.constant 0 : i32
        %dma_wait3A_941 = arith.constant 0 : i32
        %dma_wait3A_942 = tpu.memref_slice %arg5[%dma_wait3A_929, %dma_wait3A_930, %dma_wait3A_931, %dma_wait3A_940, %dma_wait3A_941] : memref<200x8x8x8x128xf32, #tpu.memory_space<hbm>> -> memref<1x1x1x8x128xf32, #tpu.memory_space<hbm>>
        %dma_wait3A_943 = tpu.memref_squeeze %dma_wait3A_942 : memref<1x1x1x8x128xf32, #tpu.memory_space<hbm>> -> memref<8x128xf32, #tpu.memory_space<hbm>>
        %dma_wait3A_944 = arith.constant 0 : i32
        %dma_wait3A_945 = arith.constant 0 : i32
        %dma_wait3A_946 = tpu.memref_slice %arg11[%dma_wait3A_928, %dma_wait3A_944, %dma_wait3A_945] : memref<8x8x128xf32, #tpu.memory_space<vmem>> -> memref<1x8x128xf32, #tpu.memory_space<vmem>>
        %dma_wait3A_947 = tpu.memref_squeeze %dma_wait3A_946 : memref<1x8x128xf32, #tpu.memory_space<vmem>> -> memref<8x128xf32, #tpu.memory_space<vmem>>
        tpu.wait_dma2 semaphore(%arg18 : memref<!tpu.dma_semaphore, #tpu.memory_space<semaphore_mem>>) src(%dma_wait3A_947 : memref<8x128xf32, #tpu.memory_space<vmem>>) dst(%dma_wait3A_943 : memref<8x128xf32, #tpu.memory_space<hbm>>)
        %dma_wait3A_948 = arith.constant 1 : i32
        %dma_wait3A_949 = arith.constant 0 : i32
        %dma_wait3A_950 = arith.constant 1 : i32
        %dma_wait3A_951 = arith.constant 0 : i32
        %dma_wait3A_952 = arith.constant 0 : i32
        %dma_wait3A_953 = arith.constant 0 : i32
        %dma_wait3A_954 = tpu.memref_slice %arg11[%dma_wait3A_948, %dma_wait3A_952, %dma_wait3A_953] : memref<8x8x128xf32, #tpu.memory_space<vmem>> -> memref<1x8x128xf32, #tpu.memory_space<vmem>>
        %dma_wait3A_955 = tpu.memref_squeeze %dma_wait3A_954 : memref<1x8x128xf32, #tpu.memory_space<vmem>> -> memref<8x128xf32, #tpu.memory_space<vmem>>
        %dma_wait3A_956 = arith.constant 0 : i32
        %dma_wait3A_957 = arith.constant 0 : i32
        %dma_wait3A_958 = tpu.memref_slice %arg5[%dma_wait3A_949, %dma_wait3A_950, %dma_wait3A_951, %dma_wait3A_956, %dma_wait3A_957] : memref<200x8x8x8x128xf32, #tpu.memory_space<hbm>> -> memref<1x1x1x8x128xf32, #tpu.memory_space<hbm>>
        %dma_wait3A_959 = tpu.memref_squeeze %dma_wait3A_958 : memref<1x1x1x8x128xf32, #tpu.memory_space<hbm>> -> memref<8x128xf32, #tpu.memory_space<hbm>>
        %dma_wait3A_960 = arith.constant 0 : i32
        %dma_wait3A_961 = arith.constant 0 : i32
        %dma_wait3A_962 = tpu.memref_slice %arg5[%dma_wait3A_949, %dma_wait3A_950, %dma_wait3A_951, %dma_wait3A_960, %dma_wait3A_961] : memref<200x8x8x8x128xf32, #tpu.memory_space<hbm>> -> memref<1x1x1x8x128xf32, #tpu.memory_space<hbm>>
        %dma_wait3A_963 = tpu.memref_squeeze %dma_wait3A_962 : memref<1x1x1x8x128xf32, #tpu.memory_space<hbm>> -> memref<8x128xf32, #tpu.memory_space<hbm>>
        %dma_wait3A_964 = arith.constant 0 : i32
        %dma_wait3A_965 = arith.constant 0 : i32
        %dma_wait3A_966 = tpu.memref_slice %arg11[%dma_wait3A_948, %dma_wait3A_964, %dma_wait3A_965] : memref<8x8x128xf32, #tpu.memory_space<vmem>> -> memref<1x8x128xf32, #tpu.memory_space<vmem>>
        %dma_wait3A_967 = tpu.memref_squeeze %dma_wait3A_966 : memref<1x8x128xf32, #tpu.memory_space<vmem>> -> memref<8x128xf32, #tpu.memory_space<vmem>>
        tpu.wait_dma2 semaphore(%arg18 : memref<!tpu.dma_semaphore, #tpu.memory_space<semaphore_mem>>) src(%dma_wait3A_967 : memref<8x128xf32, #tpu.memory_space<vmem>>) dst(%dma_wait3A_963 : memref<8x128xf32, #tpu.memory_space<hbm>>)
        %dma_wait3A_968 = arith.constant 2 : i32
        %dma_wait3A_969 = arith.constant 0 : i32
        %dma_wait3A_970 = arith.constant 2 : i32
        %dma_wait3A_971 = arith.constant 0 : i32
        %dma_wait3A_972 = arith.constant 0 : i32
        %dma_wait3A_973 = arith.constant 0 : i32
        %dma_wait3A_974 = tpu.memref_slice %arg11[%dma_wait3A_968, %dma_wait3A_972, %dma_wait3A_973] : memref<8x8x128xf32, #tpu.memory_space<vmem>> -> memref<1x8x128xf32, #tpu.memory_space<vmem>>
        %dma_wait3A_975 = tpu.memref_squeeze %dma_wait3A_974 : memref<1x8x128xf32, #tpu.memory_space<vmem>> -> memref<8x128xf32, #tpu.memory_space<vmem>>
        %dma_wait3A_976 = arith.constant 0 : i32
        %dma_wait3A_977 = arith.constant 0 : i32
        %dma_wait3A_978 = tpu.memref_slice %arg5[%dma_wait3A_969, %dma_wait3A_970, %dma_wait3A_971, %dma_wait3A_976, %dma_wait3A_977] : memref<200x8x8x8x128xf32, #tpu.memory_space<hbm>> -> memref<1x1x1x8x128xf32, #tpu.memory_space<hbm>>
        %dma_wait3A_979 = tpu.memref_squeeze %dma_wait3A_978 : memref<1x1x1x8x128xf32, #tpu.memory_space<hbm>> -> memref<8x128xf32, #tpu.memory_space<hbm>>
        %dma_wait3A_980 = arith.constant 0 : i32
        %dma_wait3A_981 = arith.constant 0 : i32
        %dma_wait3A_982 = tpu.memref_slice %arg5[%dma_wait3A_969, %dma_wait3A_970, %dma_wait3A_971, %dma_wait3A_980, %dma_wait3A_981] : memref<200x8x8x8x128xf32, #tpu.memory_space<hbm>> -> memref<1x1x1x8x128xf32, #tpu.memory_space<hbm>>
        %dma_wait3A_983 = tpu.memref_squeeze %dma_wait3A_982 : memref<1x1x1x8x128xf32, #tpu.memory_space<hbm>> -> memref<8x128xf32, #tpu.memory_space<hbm>>
        %dma_wait3A_984 = arith.constant 0 : i32
        %dma_wait3A_985 = arith.constant 0 : i32
        %dma_wait3A_986 = tpu.memref_slice %arg11[%dma_wait3A_968, %dma_wait3A_984, %dma_wait3A_985] : memref<8x8x128xf32, #tpu.memory_space<vmem>> -> memref<1x8x128xf32, #tpu.memory_space<vmem>>
        %dma_wait3A_987 = tpu.memref_squeeze %dma_wait3A_986 : memref<1x8x128xf32, #tpu.memory_space<vmem>> -> memref<8x128xf32, #tpu.memory_space<vmem>>
        tpu.wait_dma2 semaphore(%arg18 : memref<!tpu.dma_semaphore, #tpu.memory_space<semaphore_mem>>) src(%dma_wait3A_987 : memref<8x128xf32, #tpu.memory_space<vmem>>) dst(%dma_wait3A_983 : memref<8x128xf32, #tpu.memory_space<hbm>>)
        %dma_wait3A_988 = arith.constant 3 : i32
        %dma_wait3A_989 = arith.constant 0 : i32
        %dma_wait3A_990 = arith.constant 3 : i32
        %dma_wait3A_991 = arith.constant 0 : i32
        %dma_wait3A_992 = arith.constant 0 : i32
        %dma_wait3A_993 = arith.constant 0 : i32
        %dma_wait3A_994 = tpu.memref_slice %arg11[%dma_wait3A_988, %dma_wait3A_992, %dma_wait3A_993] : memref<8x8x128xf32, #tpu.memory_space<vmem>> -> memref<1x8x128xf32, #tpu.memory_space<vmem>>
        %dma_wait3A_995 = tpu.memref_squeeze %dma_wait3A_994 : memref<1x8x128xf32, #tpu.memory_space<vmem>> -> memref<8x128xf32, #tpu.memory_space<vmem>>
        %dma_wait3A_996 = arith.constant 0 : i32
        %dma_wait3A_997 = arith.constant 0 : i32
        %dma_wait3A_998 = tpu.memref_slice %arg5[%dma_wait3A_989, %dma_wait3A_990, %dma_wait3A_991, %dma_wait3A_996, %dma_wait3A_997] : memref<200x8x8x8x128xf32, #tpu.memory_space<hbm>> -> memref<1x1x1x8x128xf32, #tpu.memory_space<hbm>>
        %dma_wait3A_999 = tpu.memref_squeeze %dma_wait3A_998 : memref<1x1x1x8x128xf32, #tpu.memory_space<hbm>> -> memref<8x128xf32, #tpu.memory_space<hbm>>
        %dma_wait3A_1000 = arith.constant 0 : i32
        %dma_wait3A_1001 = arith.constant 0 : i32
        %dma_wait3A_1002 = tpu.memref_slice %arg5[%dma_wait3A_989, %dma_wait3A_990, %dma_wait3A_991, %dma_wait3A_1000, %dma_wait3A_1001] : memref<200x8x8x8x128xf32, #tpu.memory_space<hbm>> -> memref<1x1x1x8x128xf32, #tpu.memory_space<hbm>>
        %dma_wait3A_1003 = tpu.memref_squeeze %dma_wait3A_1002 : memref<1x1x1x8x128xf32, #tpu.memory_space<hbm>> -> memref<8x128xf32, #tpu.memory_space<hbm>>
        %dma_wait3A_1004 = arith.constant 0 : i32
        %dma_wait3A_1005 = arith.constant 0 : i32
        %dma_wait3A_1006 = tpu.memref_slice %arg11[%dma_wait3A_988, %dma_wait3A_1004, %dma_wait3A_1005] : memref<8x8x128xf32, #tpu.memory_space<vmem>> -> memref<1x8x128xf32, #tpu.memory_space<vmem>>
        %dma_wait3A_1007 = tpu.memref_squeeze %dma_wait3A_1006 : memref<1x8x128xf32, #tpu.memory_space<vmem>> -> memref<8x128xf32, #tpu.memory_space<vmem>>
        tpu.wait_dma2 semaphore(%arg18 : memref<!tpu.dma_semaphore, #tpu.memory_space<semaphore_mem>>) src(%dma_wait3A_1007 : memref<8x128xf32, #tpu.memory_space<vmem>>) dst(%dma_wait3A_1003 : memref<8x128xf32, #tpu.memory_space<hbm>>)
        %dma_wait3A_1008 = arith.constant 4 : i32
        %dma_wait3A_1009 = arith.constant 0 : i32
        %dma_wait3A_1010 = arith.constant 4 : i32
        %dma_wait3A_1011 = arith.constant 0 : i32
        %dma_wait3A_1012 = arith.constant 0 : i32
        %dma_wait3A_1013 = arith.constant 0 : i32
        %dma_wait3A_1014 = tpu.memref_slice %arg11[%dma_wait3A_1008, %dma_wait3A_1012, %dma_wait3A_1013] : memref<8x8x128xf32, #tpu.memory_space<vmem>> -> memref<1x8x128xf32, #tpu.memory_space<vmem>>
        %dma_wait3A_1015 = tpu.memref_squeeze %dma_wait3A_1014 : memref<1x8x128xf32, #tpu.memory_space<vmem>> -> memref<8x128xf32, #tpu.memory_space<vmem>>
        %dma_wait3A_1016 = arith.constant 0 : i32
        %dma_wait3A_1017 = arith.constant 0 : i32
        %dma_wait3A_1018 = tpu.memref_slice %arg5[%dma_wait3A_1009, %dma_wait3A_1010, %dma_wait3A_1011, %dma_wait3A_1016, %dma_wait3A_1017] : memref<200x8x8x8x128xf32, #tpu.memory_space<hbm>> -> memref<1x1x1x8x128xf32, #tpu.memory_space<hbm>>
        %dma_wait3A_1019 = tpu.memref_squeeze %dma_wait3A_1018 : memref<1x1x1x8x128xf32, #tpu.memory_space<hbm>> -> memref<8x128xf32, #tpu.memory_space<hbm>>
        %dma_wait3A_1020 = arith.constant 0 : i32
        %dma_wait3A_1021 = arith.constant 0 : i32
        %dma_wait3A_1022 = tpu.memref_slice %arg5[%dma_wait3A_1009, %dma_wait3A_1010, %dma_wait3A_1011, %dma_wait3A_1020, %dma_wait3A_1021] : memref<200x8x8x8x128xf32, #tpu.memory_space<hbm>> -> memref<1x1x1x8x128xf32, #tpu.memory_space<hbm>>
        %dma_wait3A_1023 = tpu.memref_squeeze %dma_wait3A_1022 : memref<1x1x1x8x128xf32, #tpu.memory_space<hbm>> -> memref<8x128xf32, #tpu.memory_space<hbm>>
        %dma_wait3A_1024 = arith.constant 0 : i32
        %dma_wait3A_1025 = arith.constant 0 : i32
        %dma_wait3A_1026 = tpu.memref_slice %arg11[%dma_wait3A_1008, %dma_wait3A_1024, %dma_wait3A_1025] : memref<8x8x128xf32, #tpu.memory_space<vmem>> -> memref<1x8x128xf32, #tpu.memory_space<vmem>>
        %dma_wait3A_1027 = tpu.memref_squeeze %dma_wait3A_1026 : memref<1x8x128xf32, #tpu.memory_space<vmem>> -> memref<8x128xf32, #tpu.memory_space<vmem>>
        tpu.wait_dma2 semaphore(%arg18 : memref<!tpu.dma_semaphore, #tpu.memory_space<semaphore_mem>>) src(%dma_wait3A_1027 : memref<8x128xf32, #tpu.memory_space<vmem>>) dst(%dma_wait3A_1023 : memref<8x128xf32, #tpu.memory_space<hbm>>)
        %dma_wait3A_1028 = arith.constant 5 : i32
        %dma_wait3A_1029 = arith.constant 0 : i32
        %dma_wait3A_1030 = arith.constant 5 : i32
        %dma_wait3A_1031 = arith.constant 0 : i32
        %dma_wait3A_1032 = arith.constant 0 : i32
        %dma_wait3A_1033 = arith.constant 0 : i32
        %dma_wait3A_1034 = tpu.memref_slice %arg11[%dma_wait3A_1028, %dma_wait3A_1032, %dma_wait3A_1033] : memref<8x8x128xf32, #tpu.memory_space<vmem>> -> memref<1x8x128xf32, #tpu.memory_space<vmem>>
        %dma_wait3A_1035 = tpu.memref_squeeze %dma_wait3A_1034 : memref<1x8x128xf32, #tpu.memory_space<vmem>> -> memref<8x128xf32, #tpu.memory_space<vmem>>
        %dma_wait3A_1036 = arith.constant 0 : i32
        %dma_wait3A_1037 = arith.constant 0 : i32
        %dma_wait3A_1038 = tpu.memref_slice %arg5[%dma_wait3A_1029, %dma_wait3A_1030, %dma_wait3A_1031, %dma_wait3A_1036, %dma_wait3A_1037] : memref<200x8x8x8x128xf32, #tpu.memory_space<hbm>> -> memref<1x1x1x8x128xf32, #tpu.memory_space<hbm>>
        %dma_wait3A_1039 = tpu.memref_squeeze %dma_wait3A_1038 : memref<1x1x1x8x128xf32, #tpu.memory_space<hbm>> -> memref<8x128xf32, #tpu.memory_space<hbm>>
        %dma_wait3A_1040 = arith.constant 0 : i32
        %dma_wait3A_1041 = arith.constant 0 : i32
        %dma_wait3A_1042 = tpu.memref_slice %arg5[%dma_wait3A_1029, %dma_wait3A_1030, %dma_wait3A_1031, %dma_wait3A_1040, %dma_wait3A_1041] : memref<200x8x8x8x128xf32, #tpu.memory_space<hbm>> -> memref<1x1x1x8x128xf32, #tpu.memory_space<hbm>>
        %dma_wait3A_1043 = tpu.memref_squeeze %dma_wait3A_1042 : memref<1x1x1x8x128xf32, #tpu.memory_space<hbm>> -> memref<8x128xf32, #tpu.memory_space<hbm>>
        %dma_wait3A_1044 = arith.constant 0 : i32
        %dma_wait3A_1045 = arith.constant 0 : i32
        %dma_wait3A_1046 = tpu.memref_slice %arg11[%dma_wait3A_1028, %dma_wait3A_1044, %dma_wait3A_1045] : memref<8x8x128xf32, #tpu.memory_space<vmem>> -> memref<1x8x128xf32, #tpu.memory_space<vmem>>
        %dma_wait3A_1047 = tpu.memref_squeeze %dma_wait3A_1046 : memref<1x8x128xf32, #tpu.memory_space<vmem>> -> memref<8x128xf32, #tpu.memory_space<vmem>>
        tpu.wait_dma2 semaphore(%arg18 : memref<!tpu.dma_semaphore, #tpu.memory_space<semaphore_mem>>) src(%dma_wait3A_1047 : memref<8x128xf32, #tpu.memory_space<vmem>>) dst(%dma_wait3A_1043 : memref<8x128xf32, #tpu.memory_space<hbm>>)
        %dma_wait3A_1048 = arith.constant 6 : i32
        %dma_wait3A_1049 = arith.constant 0 : i32
        %dma_wait3A_1050 = arith.constant 6 : i32
        %dma_wait3A_1051 = arith.constant 0 : i32
        %dma_wait3A_1052 = arith.constant 0 : i32
        %dma_wait3A_1053 = arith.constant 0 : i32
        %dma_wait3A_1054 = tpu.memref_slice %arg11[%dma_wait3A_1048, %dma_wait3A_1052, %dma_wait3A_1053] : memref<8x8x128xf32, #tpu.memory_space<vmem>> -> memref<1x8x128xf32, #tpu.memory_space<vmem>>
        %dma_wait3A_1055 = tpu.memref_squeeze %dma_wait3A_1054 : memref<1x8x128xf32, #tpu.memory_space<vmem>> -> memref<8x128xf32, #tpu.memory_space<vmem>>
        %dma_wait3A_1056 = arith.constant 0 : i32
        %dma_wait3A_1057 = arith.constant 0 : i32
        %dma_wait3A_1058 = tpu.memref_slice %arg5[%dma_wait3A_1049, %dma_wait3A_1050, %dma_wait3A_1051, %dma_wait3A_1056, %dma_wait3A_1057] : memref<200x8x8x8x128xf32, #tpu.memory_space<hbm>> -> memref<1x1x1x8x128xf32, #tpu.memory_space<hbm>>
        %dma_wait3A_1059 = tpu.memref_squeeze %dma_wait3A_1058 : memref<1x1x1x8x128xf32, #tpu.memory_space<hbm>> -> memref<8x128xf32, #tpu.memory_space<hbm>>
        %dma_wait3A_1060 = arith.constant 0 : i32
        %dma_wait3A_1061 = arith.constant 0 : i32
        %dma_wait3A_1062 = tpu.memref_slice %arg5[%dma_wait3A_1049, %dma_wait3A_1050, %dma_wait3A_1051, %dma_wait3A_1060, %dma_wait3A_1061] : memref<200x8x8x8x128xf32, #tpu.memory_space<hbm>> -> memref<1x1x1x8x128xf32, #tpu.memory_space<hbm>>
        %dma_wait3A_1063 = tpu.memref_squeeze %dma_wait3A_1062 : memref<1x1x1x8x128xf32, #tpu.memory_space<hbm>> -> memref<8x128xf32, #tpu.memory_space<hbm>>
        %dma_wait3A_1064 = arith.constant 0 : i32
        %dma_wait3A_1065 = arith.constant 0 : i32
        %dma_wait3A_1066 = tpu.memref_slice %arg11[%dma_wait3A_1048, %dma_wait3A_1064, %dma_wait3A_1065] : memref<8x8x128xf32, #tpu.memory_space<vmem>> -> memref<1x8x128xf32, #tpu.memory_space<vmem>>
        %dma_wait3A_1067 = tpu.memref_squeeze %dma_wait3A_1066 : memref<1x8x128xf32, #tpu.memory_space<vmem>> -> memref<8x128xf32, #tpu.memory_space<vmem>>
        tpu.wait_dma2 semaphore(%arg18 : memref<!tpu.dma_semaphore, #tpu.memory_space<semaphore_mem>>) src(%dma_wait3A_1067 : memref<8x128xf32, #tpu.memory_space<vmem>>) dst(%dma_wait3A_1063 : memref<8x128xf32, #tpu.memory_space<hbm>>)
        %dma_wait3A_1068 = arith.constant 7 : i32
        %dma_wait3A_1069 = arith.constant 0 : i32
        %dma_wait3A_1070 = arith.constant 7 : i32
        %dma_wait3A_1071 = arith.constant 0 : i32
        %dma_wait3A_1072 = arith.constant 0 : i32
        %dma_wait3A_1073 = arith.constant 0 : i32
        %dma_wait3A_1074 = tpu.memref_slice %arg11[%dma_wait3A_1068, %dma_wait3A_1072, %dma_wait3A_1073] : memref<8x8x128xf32, #tpu.memory_space<vmem>> -> memref<1x8x128xf32, #tpu.memory_space<vmem>>
        %dma_wait3A_1075 = tpu.memref_squeeze %dma_wait3A_1074 : memref<1x8x128xf32, #tpu.memory_space<vmem>> -> memref<8x128xf32, #tpu.memory_space<vmem>>
        %dma_wait3A_1076 = arith.constant 0 : i32
        %dma_wait3A_1077 = arith.constant 0 : i32
        %dma_wait3A_1078 = tpu.memref_slice %arg5[%dma_wait3A_1069, %dma_wait3A_1070, %dma_wait3A_1071, %dma_wait3A_1076, %dma_wait3A_1077] : memref<200x8x8x8x128xf32, #tpu.memory_space<hbm>> -> memref<1x1x1x8x128xf32, #tpu.memory_space<hbm>>
        %dma_wait3A_1079 = tpu.memref_squeeze %dma_wait3A_1078 : memref<1x1x1x8x128xf32, #tpu.memory_space<hbm>> -> memref<8x128xf32, #tpu.memory_space<hbm>>
        %dma_wait3A_1080 = arith.constant 0 : i32
        %dma_wait3A_1081 = arith.constant 0 : i32
        %dma_wait3A_1082 = tpu.memref_slice %arg5[%dma_wait3A_1069, %dma_wait3A_1070, %dma_wait3A_1071, %dma_wait3A_1080, %dma_wait3A_1081] : memref<200x8x8x8x128xf32, #tpu.memory_space<hbm>> -> memref<1x1x1x8x128xf32, #tpu.memory_space<hbm>>
        %dma_wait3A_1083 = tpu.memref_squeeze %dma_wait3A_1082 : memref<1x1x1x8x128xf32, #tpu.memory_space<hbm>> -> memref<8x128xf32, #tpu.memory_space<hbm>>
        %dma_wait3A_1084 = arith.constant 0 : i32
        %dma_wait3A_1085 = arith.constant 0 : i32
        %dma_wait3A_1086 = tpu.memref_slice %arg11[%dma_wait3A_1068, %dma_wait3A_1084, %dma_wait3A_1085] : memref<8x8x128xf32, #tpu.memory_space<vmem>> -> memref<1x8x128xf32, #tpu.memory_space<vmem>>
        %dma_wait3A_1087 = tpu.memref_squeeze %dma_wait3A_1086 : memref<1x8x128xf32, #tpu.memory_space<vmem>> -> memref<8x128xf32, #tpu.memory_space<vmem>>
        tpu.wait_dma2 semaphore(%arg18 : memref<!tpu.dma_semaphore, #tpu.memory_space<semaphore_mem>>) src(%dma_wait3A_1087 : memref<8x128xf32, #tpu.memory_space<vmem>>) dst(%dma_wait3A_1083 : memref<8x128xf32, #tpu.memory_space<hbm>>)
      } else {
      }
      %jit3A_652 = arith.constant 8 : i32
      %div3A_653 = arith.divsi %add3A_636, %jit3A_652 : i32
      %sign3A_654 = arith.constant 0 : i32
      %sign3A_655 = arith.cmpi sgt, %add3A_636, %sign3A_654 : i32
      %sign3A_656 = arith.extui %sign3A_655 : i1 to i32
      %sign3A_657 = arith.constant 0 : i32
      %sign3A_658 = arith.cmpi slt, %add3A_636, %sign3A_657 : i32
      %sign3A_659 = arith.extui %sign3A_658 : i1 to i32
      %sign3A_660 = arith.subi %sign3A_656, %sign3A_659 : i32
      %sign3A_661 = arith.constant 0 : i32
      %sign3A_662 = arith.cmpi sgt, %jit3A_652, %sign3A_661 : i32
      %sign3A_663 = arith.extui %sign3A_662 : i1 to i32
      %sign3A_664 = arith.constant 0 : i32
      %sign3A_665 = arith.cmpi slt, %jit3A_652, %sign3A_664 : i32
      %sign3A_666 = arith.extui %sign3A_665 : i1 to i32
      %sign3A_667 = arith.subi %sign3A_663, %sign3A_666 : i32
      %ne3A_668 = arith.cmpi ne, %sign3A_660, %sign3A_667 : i32
      %rem3A_669 = arith.remsi %add3A_636, %jit3A_652 : i32
      %ne3A_670 = arith.constant 0 : i32
      %ne3A_671 = arith.cmpi ne, %rem3A_669, %ne3A_670 : i32
      %and3A_672 = arith.andi %ne3A_668, %ne3A_671 : i1
      %sub3A_673 = arith.constant 1 : i32
      %sub3A_674 = arith.subi %div3A_653, %sub3A_673 : i32
      %select_n3A_675 = arith.select %and3A_672, %sub3A_674, %div3A_653 : i32
      %iota3A_676 = tpu.iota {dimensions = array<i32: 0>} : vector<16xi32>
      %add3A_677 = arith.constant 0 : i32
      %add3A_678 = vector.broadcast %add3A_677 : i32 to vector<16xi32>
      %add3A_679 = arith.addi %iota3A_676, %add3A_678 : vector<16xi32>
      %iota3A_680 = tpu.iota {dimensions = array<i32: 0>} : vector<16xi32>
      %add3A_681 = arith.constant 16 : i32
      %add3A_682 = vector.broadcast %add3A_681 : i32 to vector<16xi32>
      %add3A_683 = arith.addi %iota3A_680, %add3A_682 : vector<16xi32>
      %iota3A_684 = tpu.iota {dimensions = array<i32: 0>} : vector<16xi32>
      %add3A_685 = arith.constant 32 : i32
      %add3A_686 = vector.broadcast %add3A_685 : i32 to vector<16xi32>
      %add3A_687 = arith.addi %iota3A_684, %add3A_686 : vector<16xi32>
      %iota3A_688 = tpu.iota {dimensions = array<i32: 0>} : vector<16xi32>
      %add3A_689 = arith.constant 48 : i32
      %add3A_690 = vector.broadcast %add3A_689 : i32 to vector<16xi32>
      %add3A_691 = arith.addi %iota3A_688, %add3A_690 : vector<16xi32>
      %iota3A_692 = tpu.iota {dimensions = array<i32: 0>} : vector<16xi32>
      %add3A_693 = arith.constant 64 : i32
      %add3A_694 = vector.broadcast %add3A_693 : i32 to vector<16xi32>
      %add3A_695 = arith.addi %iota3A_692, %add3A_694 : vector<16xi32>
      %iota3A_696 = tpu.iota {dimensions = array<i32: 0>} : vector<16xi32>
      %add3A_697 = arith.constant 80 : i32
      %add3A_698 = vector.broadcast %add3A_697 : i32 to vector<16xi32>
      %add3A_699 = arith.addi %iota3A_696, %add3A_698 : vector<16xi32>
      %iota3A_700 = tpu.iota {dimensions = array<i32: 0>} : vector<16xi32>
      %add3A_701 = arith.constant 96 : i32
      %add3A_702 = vector.broadcast %add3A_701 : i32 to vector<16xi32>
      %add3A_703 = arith.addi %iota3A_700, %add3A_702 : vector<16xi32>
      %iota3A_704 = tpu.iota {dimensions = array<i32: 0>} : vector<16xi32>
      %add3A_705 = arith.constant 112 : i32
      %add3A_706 = vector.broadcast %add3A_705 : i32 to vector<16xi32>
      %add3A_707 = arith.addi %iota3A_704, %add3A_706 : vector<16xi32>
      %get3A_708 = arith.constant 0 : index
      %get3A_709 = tpu.vector_load %arg7[%get3A_708] {strides = array<i32>} : memref<128xi32, #tpu.memory_space<vmem>>, vector<16xi32>,
      %and3A_710 = arith.constant 63 : i32
      %and3A_711 = vector.broadcast %and3A_710 : i32 to vector<16xi32>
      %and3A_712 = arith.andi %get3A_709, %and3A_711 : vector<16xi32>
      %get3A_713 = arith.constant 16 : index
      %get3A_714 = tpu.vector_load %arg7[%get3A_713] {strides = array<i32>} : memref<128xi32, #tpu.memory_space<vmem>>, vector<16xi32>,
      %and3A_715 = arith.constant 63 : i32
      %and3A_716 = vector.broadcast %and3A_715 : i32 to vector<16xi32>
      %and3A_717 = arith.andi %get3A_714, %and3A_716 : vector<16xi32>
      %get3A_718 = arith.constant 32 : index
      %get3A_719 = tpu.vector_load %arg7[%get3A_718] {strides = array<i32>} : memref<128xi32, #tpu.memory_space<vmem>>, vector<16xi32>,
      %and3A_720 = arith.constant 63 : i32
      %and3A_721 = vector.broadcast %and3A_720 : i32 to vector<16xi32>
      %and3A_722 = arith.andi %get3A_719, %and3A_721 : vector<16xi32>
      %get3A_723 = arith.constant 48 : index
      %get3A_724 = tpu.vector_load %arg7[%get3A_723] {strides = array<i32>} : memref<128xi32, #tpu.memory_space<vmem>>, vector<16xi32>,
      %and3A_725 = arith.constant 63 : i32
      %and3A_726 = vector.broadcast %and3A_725 : i32 to vector<16xi32>
      %and3A_727 = arith.andi %get3A_724, %and3A_726 : vector<16xi32>
      %get3A_728 = arith.constant 64 : index
      %get3A_729 = tpu.vector_load %arg7[%get3A_728] {strides = array<i32>} : memref<128xi32, #tpu.memory_space<vmem>>, vector<16xi32>,
      %and3A_730 = arith.constant 63 : i32
      %and3A_731 = vector.broadcast %and3A_730 : i32 to vector<16xi32>
      %and3A_732 = arith.andi %get3A_729, %and3A_731 : vector<16xi32>
      %get3A_733 = arith.constant 80 : index
      %get3A_734 = tpu.vector_load %arg7[%get3A_733] {strides = array<i32>} : memref<128xi32, #tpu.memory_space<vmem>>, vector<16xi32>,
      %and3A_735 = arith.constant 63 : i32
      %and3A_736 = vector.broadcast %and3A_735 : i32 to vector<16xi32>
      %and3A_737 = arith.andi %get3A_734, %and3A_736 : vector<16xi32>
      %get3A_738 = arith.constant 96 : index
      %get3A_739 = tpu.vector_load %arg7[%get3A_738] {strides = array<i32>} : memref<128xi32, #tpu.memory_space<vmem>>, vector<16xi32>,
      %and3A_740 = arith.constant 63 : i32
      %and3A_741 = vector.broadcast %and3A_740 : i32 to vector<16xi32>
      %and3A_742 = arith.andi %get3A_739, %and3A_741 : vector<16xi32>
      %get3A_743 = arith.constant 112 : index
      %get3A_744 = tpu.vector_load %arg7[%get3A_743] {strides = array<i32>} : memref<128xi32, #tpu.memory_space<vmem>>, vector<16xi32>,
      %and3A_745 = arith.constant 63 : i32
      %and3A_746 = vector.broadcast %and3A_745 : i32 to vector<16xi32>
      %and3A_747 = arith.andi %get3A_744, %and3A_746 : vector<16xi32>
      %parallel_loop3A_748 = arith.constant 0 : i32
      %parallel_loop3A_749 = arith.constant 64 : i32
      %parallel_loop3A_750 = arith.constant 1 : i32
      scf.for %parallel_loop3A_928 = %parallel_loop3A_748 to %parallel_loop3A_749 step %parallel_loop3A_750  : i32 {
        %parallel_loop3A_929 = arith.constant 64 : i32
        %parallel_loop3A_930 = arith.muli %select_n3A_675, %parallel_loop3A_929 : i32
        %parallel_loop3A_931 = arith.addi %parallel_loop3A_930, %parallel_loop3A_928 : i32
        %parallel_loop3A_932 = vector.broadcast %parallel_loop3A_931 : i32 to vector<16xi32>
        %parallel_loop3A_933 = tpu.vector_load_idx %arg12[%parallel_loop3A_932] : memref<12800xf32, #tpu.memory_space<vmem>>[vector<16xi32>], vector<16xf32>,
        %parallel_loop3A_934 = arith.constant 8 : i32
        %parallel_loop3A_935 = arith.divsi %parallel_loop3A_928, %parallel_loop3A_934 : i32
        %parallel_loop3A_936 = arith.constant 0 : i32
        %parallel_loop3A_937 = arith.cmpi sgt, %parallel_loop3A_928, %parallel_loop3A_936 : i32
        %parallel_loop3A_938 = arith.extui %parallel_loop3A_937 : i1 to i32
        %parallel_loop3A_939 = arith.constant 0 : i32
        %parallel_loop3A_940 = arith.cmpi slt, %parallel_loop3A_928, %parallel_loop3A_939 : i32
        %parallel_loop3A_941 = arith.extui %parallel_loop3A_940 : i1 to i32
        %parallel_loop3A_942 = arith.subi %parallel_loop3A_938, %parallel_loop3A_941 : i32
        %parallel_loop3A_943 = arith.constant 0 : i32
        %parallel_loop3A_944 = arith.cmpi sgt, %parallel_loop3A_934, %parallel_loop3A_943 : i32
        %parallel_loop3A_945 = arith.extui %parallel_loop3A_944 : i1 to i32
        %parallel_loop3A_946 = arith.constant 0 : i32
        %parallel_loop3A_947 = arith.cmpi slt, %parallel_loop3A_934, %parallel_loop3A_946 : i32
        %parallel_loop3A_948 = arith.extui %parallel_loop3A_947 : i1 to i32
        %parallel_loop3A_949 = arith.subi %parallel_loop3A_945, %parallel_loop3A_948 : i32
        %parallel_loop3A_950 = arith.cmpi ne, %parallel_loop3A_942, %parallel_loop3A_949 : i32
        %parallel_loop3A_951 = arith.remsi %parallel_loop3A_928, %parallel_loop3A_934 : i32
        %parallel_loop3A_952 = arith.constant 0 : i32
        %parallel_loop3A_953 = arith.cmpi ne, %parallel_loop3A_951, %parallel_loop3A_952 : i32
        %parallel_loop3A_954 = arith.andi %parallel_loop3A_950, %parallel_loop3A_953 : i1
        %parallel_loop3A_955 = arith.constant 1 : i32
        %parallel_loop3A_956 = arith.subi %parallel_loop3A_935, %parallel_loop3A_955 : i32
        %parallel_loop3A_957 = arith.select %parallel_loop3A_954, %parallel_loop3A_956, %parallel_loop3A_935 : i32
        %parallel_loop3A_958 = arith.constant 8 : i32
        %parallel_loop3A_959 = arith.remsi %parallel_loop3A_928, %parallel_loop3A_958 : i32
        %parallel_loop3A_960 = vector.broadcast %parallel_loop3A_928 : i32 to vector<16xi32>
        %parallel_loop3A_961 = arith.addi %and3A_712, %parallel_loop3A_960 : vector<16xi32>
        %parallel_loop3A_962 = arith.constant 63 : i32
        %parallel_loop3A_963 = vector.broadcast %parallel_loop3A_962 : i32 to vector<16xi32>
        %parallel_loop3A_964 = arith.andi %parallel_loop3A_961, %parallel_loop3A_963 : vector<16xi32>
        %parallel_loop3A_965 = tpu.vector_load_idx %arg9[%add3A_679, %parallel_loop3A_964] : memref<128x64xf32, #tpu.memory_space<vmem>>[vector<16xi32>, vector<16xi32>], vector<16xf32>,
        %parallel_loop3A_966 = arith.addf %parallel_loop3A_965, %parallel_loop3A_933 : vector<16xf32>
        %parallel_loop3A_967 = arith.index_cast %parallel_loop3A_957 : i32 to index
        %parallel_loop3A_968 = arith.index_cast %parallel_loop3A_959 : i32 to index
        %parallel_loop3A_969 = arith.constant 0 : index
        %parallel_loop3A_970 = tpu.vector_load %arg11[%parallel_loop3A_967, %parallel_loop3A_968, %parallel_loop3A_969] {strides = array<i32>} : memref<8x8x128xf32, #tpu.memory_space<vmem>>, vector<16xf32>,
        tpu.vector_store %arg11[%parallel_loop3A_967, %parallel_loop3A_968, %parallel_loop3A_969], %parallel_loop3A_966 {strides = array<i32>} : memref<8x8x128xf32, #tpu.memory_space<vmem>>, vector<16xf32>,
        %parallel_loop3A_971 = arith.addi %and3A_717, %parallel_loop3A_960 : vector<16xi32>
        %parallel_loop3A_972 = arith.constant 63 : i32
        %parallel_loop3A_973 = vector.broadcast %parallel_loop3A_972 : i32 to vector<16xi32>
        %parallel_loop3A_974 = arith.andi %parallel_loop3A_971, %parallel_loop3A_973 : vector<16xi32>
        %parallel_loop3A_975 = tpu.vector_load_idx %arg9[%add3A_683, %parallel_loop3A_974] : memref<128x64xf32, #tpu.memory_space<vmem>>[vector<16xi32>, vector<16xi32>], vector<16xf32>,
        %parallel_loop3A_976 = arith.addf %parallel_loop3A_975, %parallel_loop3A_933 : vector<16xf32>
        %parallel_loop3A_977 = arith.index_cast %parallel_loop3A_957 : i32 to index
        %parallel_loop3A_978 = arith.index_cast %parallel_loop3A_959 : i32 to index
        %parallel_loop3A_979 = arith.constant 16 : index
        %parallel_loop3A_980 = tpu.vector_load %arg11[%parallel_loop3A_977, %parallel_loop3A_978, %parallel_loop3A_979] {strides = array<i32>} : memref<8x8x128xf32, #tpu.memory_space<vmem>>, vector<16xf32>,
        tpu.vector_store %arg11[%parallel_loop3A_977, %parallel_loop3A_978, %parallel_loop3A_979], %parallel_loop3A_976 {strides = array<i32>} : memref<8x8x128xf32, #tpu.memory_space<vmem>>, vector<16xf32>,
        %parallel_loop3A_981 = arith.addi %and3A_722, %parallel_loop3A_960 : vector<16xi32>
        %parallel_loop3A_982 = arith.constant 63 : i32
        %parallel_loop3A_983 = vector.broadcast %parallel_loop3A_982 : i32 to vector<16xi32>
        %parallel_loop3A_984 = arith.andi %parallel_loop3A_981, %parallel_loop3A_983 : vector<16xi32>
        %parallel_loop3A_985 = tpu.vector_load_idx %arg9[%add3A_687, %parallel_loop3A_984] : memref<128x64xf32, #tpu.memory_space<vmem>>[vector<16xi32>, vector<16xi32>], vector<16xf32>,
        %parallel_loop3A_986 = arith.addf %parallel_loop3A_985, %parallel_loop3A_933 : vector<16xf32>
        %parallel_loop3A_987 = arith.index_cast %parallel_loop3A_957 : i32 to index
        %parallel_loop3A_988 = arith.index_cast %parallel_loop3A_959 : i32 to index
        %parallel_loop3A_989 = arith.constant 32 : index
        %parallel_loop3A_990 = tpu.vector_load %arg11[%parallel_loop3A_987, %parallel_loop3A_988, %parallel_loop3A_989] {strides = array<i32>} : memref<8x8x128xf32, #tpu.memory_space<vmem>>, vector<16xf32>,
        tpu.vector_store %arg11[%parallel_loop3A_987, %parallel_loop3A_988, %parallel_loop3A_989], %parallel_loop3A_986 {strides = array<i32>} : memref<8x8x128xf32, #tpu.memory_space<vmem>>, vector<16xf32>,
        %parallel_loop3A_991 = arith.addi %and3A_727, %parallel_loop3A_960 : vector<16xi32>
        %parallel_loop3A_992 = arith.constant 63 : i32
        %parallel_loop3A_993 = vector.broadcast %parallel_loop3A_992 : i32 to vector<16xi32>
        %parallel_loop3A_994 = arith.andi %parallel_loop3A_991, %parallel_loop3A_993 : vector<16xi32>
        %parallel_loop3A_995 = tpu.vector_load_idx %arg9[%add3A_691, %parallel_loop3A_994] : memref<128x64xf32, #tpu.memory_space<vmem>>[vector<16xi32>, vector<16xi32>], vector<16xf32>,
        %parallel_loop3A_996 = arith.addf %parallel_loop3A_995, %parallel_loop3A_933 : vector<16xf32>
        %parallel_loop3A_997 = arith.index_cast %parallel_loop3A_957 : i32 to index
        %parallel_loop3A_998 = arith.index_cast %parallel_loop3A_959 : i32 to index
        %parallel_loop3A_999 = arith.constant 48 : index
        %parallel_loop3A_1000 = tpu.vector_load %arg11[%parallel_loop3A_997, %parallel_loop3A_998, %parallel_loop3A_999] {strides = array<i32>} : memref<8x8x128xf32, #tpu.memory_space<vmem>>, vector<16xf32>,
        tpu.vector_store %arg11[%parallel_loop3A_997, %parallel_loop3A_998, %parallel_loop3A_999], %parallel_loop3A_996 {strides = array<i32>} : memref<8x8x128xf32, #tpu.memory_space<vmem>>, vector<16xf32>,
        %parallel_loop3A_1001 = arith.addi %and3A_732, %parallel_loop3A_960 : vector<16xi32>
        %parallel_loop3A_1002 = arith.constant 63 : i32
        %parallel_loop3A_1003 = vector.broadcast %parallel_loop3A_1002 : i32 to vector<16xi32>
        %parallel_loop3A_1004 = arith.andi %parallel_loop3A_1001, %parallel_loop3A_1003 : vector<16xi32>
        %parallel_loop3A_1005 = tpu.vector_load_idx %arg9[%add3A_695, %parallel_loop3A_1004] : memref<128x64xf32, #tpu.memory_space<vmem>>[vector<16xi32>, vector<16xi32>], vector<16xf32>,
        %parallel_loop3A_1006 = arith.addf %parallel_loop3A_1005, %parallel_loop3A_933 : vector<16xf32>
        %parallel_loop3A_1007 = arith.index_cast %parallel_loop3A_957 : i32 to index
        %parallel_loop3A_1008 = arith.index_cast %parallel_loop3A_959 : i32 to index
        %parallel_loop3A_1009 = arith.constant 64 : index
        %parallel_loop3A_1010 = tpu.vector_load %arg11[%parallel_loop3A_1007, %parallel_loop3A_1008, %parallel_loop3A_1009] {strides = array<i32>} : memref<8x8x128xf32, #tpu.memory_space<vmem>>, vector<16xf32>,
        tpu.vector_store %arg11[%parallel_loop3A_1007, %parallel_loop3A_1008, %parallel_loop3A_1009], %parallel_loop3A_1006 {strides = array<i32>} : memref<8x8x128xf32, #tpu.memory_space<vmem>>, vector<16xf32>,
        %parallel_loop3A_1011 = arith.addi %and3A_737, %parallel_loop3A_960 : vector<16xi32>
        %parallel_loop3A_1012 = arith.constant 63 : i32
        %parallel_loop3A_1013 = vector.broadcast %parallel_loop3A_1012 : i32 to vector<16xi32>
        %parallel_loop3A_1014 = arith.andi %parallel_loop3A_1011, %parallel_loop3A_1013 : vector<16xi32>
        %parallel_loop3A_1015 = tpu.vector_load_idx %arg9[%add3A_699, %parallel_loop3A_1014] : memref<128x64xf32, #tpu.memory_space<vmem>>[vector<16xi32>, vector<16xi32>], vector<16xf32>,
        %parallel_loop3A_1016 = arith.addf %parallel_loop3A_1015, %parallel_loop3A_933 : vector<16xf32>
        %parallel_loop3A_1017 = arith.index_cast %parallel_loop3A_957 : i32 to index
        %parallel_loop3A_1018 = arith.index_cast %parallel_loop3A_959 : i32 to index
        %parallel_loop3A_1019 = arith.constant 80 : index
        %parallel_loop3A_1020 = tpu.vector_load %arg11[%parallel_loop3A_1017, %parallel_loop3A_1018, %parallel_loop3A_1019] {strides = array<i32>} : memref<8x8x128xf32, #tpu.memory_space<vmem>>, vector<16xf32>,
        tpu.vector_store %arg11[%parallel_loop3A_1017, %parallel_loop3A_1018, %parallel_loop3A_1019], %parallel_loop3A_1016 {strides = array<i32>} : memref<8x8x128xf32, #tpu.memory_space<vmem>>, vector<16xf32>,
        %parallel_loop3A_1021 = arith.addi %and3A_742, %parallel_loop3A_960 : vector<16xi32>
        %parallel_loop3A_1022 = arith.constant 63 : i32
        %parallel_loop3A_1023 = vector.broadcast %parallel_loop3A_1022 : i32 to vector<16xi32>
        %parallel_loop3A_1024 = arith.andi %parallel_loop3A_1021, %parallel_loop3A_1023 : vector<16xi32>
        %parallel_loop3A_1025 = tpu.vector_load_idx %arg9[%add3A_703, %parallel_loop3A_1024] : memref<128x64xf32, #tpu.memory_space<vmem>>[vector<16xi32>, vector<16xi32>], vector<16xf32>,
        %parallel_loop3A_1026 = arith.addf %parallel_loop3A_1025, %parallel_loop3A_933 : vector<16xf32>
        %parallel_loop3A_1027 = arith.index_cast %parallel_loop3A_957 : i32 to index
        %parallel_loop3A_1028 = arith.index_cast %parallel_loop3A_959 : i32 to index
        %parallel_loop3A_1029 = arith.constant 96 : index
        %parallel_loop3A_1030 = tpu.vector_load %arg11[%parallel_loop3A_1027, %parallel_loop3A_1028, %parallel_loop3A_1029] {strides = array<i32>} : memref<8x8x128xf32, #tpu.memory_space<vmem>>, vector<16xf32>,
        tpu.vector_store %arg11[%parallel_loop3A_1027, %parallel_loop3A_1028, %parallel_loop3A_1029], %parallel_loop3A_1026 {strides = array<i32>} : memref<8x8x128xf32, #tpu.memory_space<vmem>>, vector<16xf32>,
        %parallel_loop3A_1031 = arith.addi %and3A_747, %parallel_loop3A_960 : vector<16xi32>
        %parallel_loop3A_1032 = arith.constant 63 : i32
        %parallel_loop3A_1033 = vector.broadcast %parallel_loop3A_1032 : i32 to vector<16xi32>
        %parallel_loop3A_1034 = arith.andi %parallel_loop3A_1031, %parallel_loop3A_1033 : vector<16xi32>
        %parallel_loop3A_1035 = tpu.vector_load_idx %arg9[%add3A_707, %parallel_loop3A_1034] : memref<128x64xf32, #tpu.memory_space<vmem>>[vector<16xi32>, vector<16xi32>], vector<16xf32>,
        %parallel_loop3A_1036 = arith.addf %parallel_loop3A_1035, %parallel_loop3A_933 : vector<16xf32>
        %parallel_loop3A_1037 = arith.index_cast %parallel_loop3A_957 : i32 to index
        %parallel_loop3A_1038 = arith.index_cast %parallel_loop3A_959 : i32 to index
        %parallel_loop3A_1039 = arith.constant 112 : index
        %parallel_loop3A_1040 = tpu.vector_load %arg11[%parallel_loop3A_1037, %parallel_loop3A_1038, %parallel_loop3A_1039] {strides = array<i32>} : memref<8x8x128xf32, #tpu.memory_space<vmem>>, vector<16xf32>,
        tpu.vector_store %arg11[%parallel_loop3A_1037, %parallel_loop3A_1038, %parallel_loop3A_1039], %parallel_loop3A_1036 {strides = array<i32>} : memref<8x8x128xf32, #tpu.memory_space<vmem>>, vector<16xf32>,
      } {sc.loop_unroll_factor = 4 : i64, sc.parallel_access}
      %jit3A_751 = arith.constant 8 : i32
      %div3A_752 = arith.divsi %add3A_636, %jit3A_751 : i32
      %sign3A_753 = arith.constant 0 : i32
      %sign3A_754 = arith.cmpi sgt, %add3A_636, %sign3A_753 : i32
      %sign3A_755 = arith.extui %sign3A_754 : i1 to i32
      %sign3A_756 = arith.constant 0 : i32
      %sign3A_757 = arith.cmpi slt, %add3A_636, %sign3A_756 : i32
      %sign3A_758 = arith.extui %sign3A_757 : i1 to i32
      %sign3A_759 = arith.subi %sign3A_755, %sign3A_758 : i32
      %sign3A_760 = arith.constant 0 : i32
      %sign3A_761 = arith.cmpi sgt, %jit3A_751, %sign3A_760 : i32
      %sign3A_762 = arith.extui %sign3A_761 : i1 to i32
      %sign3A_763 = arith.constant 0 : i32
      %sign3A_764 = arith.cmpi slt, %jit3A_751, %sign3A_763 : i32
      %sign3A_765 = arith.extui %sign3A_764 : i1 to i32
      %sign3A_766 = arith.subi %sign3A_762, %sign3A_765 : i32
      %ne3A_767 = arith.cmpi ne, %sign3A_759, %sign3A_766 : i32
      %rem3A_768 = arith.remsi %add3A_636, %jit3A_751 : i32
      %ne3A_769 = arith.constant 0 : i32
      %ne3A_770 = arith.cmpi ne, %rem3A_768, %ne3A_769 : i32
      %and3A_771 = arith.andi %ne3A_767, %ne3A_770 : i1
      %sub3A_772 = arith.constant 1 : i32
      %sub3A_773 = arith.subi %div3A_752, %sub3A_772 : i32
      %select_n3A_774 = arith.select %and3A_771, %sub3A_773, %div3A_752 : i32
      %rem3A_775 = arith.constant 8 : i32
      %rem3A_776 = arith.remsi %add3A_636, %rem3A_775 : i32
      %dma_start3A_777 = arith.constant 0 : i32
      %dma_start3A_778 = arith.constant 0 : i32
      %dma_start3A_779 = arith.constant 0 : i32
      %dma_start3A_780 = arith.constant 0 : i32
      %dma_start3A_781 = tpu.memref_slice %arg11[%dma_start3A_777, %dma_start3A_779, %dma_start3A_780] : memref<8x8x128xf32, #tpu.memory_space<vmem>> -> memref<1x8x128xf32, #tpu.memory_space<vmem>>
      %dma_start3A_782 = tpu.memref_squeeze %dma_start3A_781 : memref<1x8x128xf32, #tpu.memory_space<vmem>> -> memref<8x128xf32, #tpu.memory_space<vmem>>
      %dma_start3A_783 = arith.constant 0 : i32
      %dma_start3A_784 = arith.constant 0 : i32
      %dma_start3A_785 = tpu.memref_slice %arg5[%select_n3A_774, %dma_start3A_778, %rem3A_776, %dma_start3A_783, %dma_start3A_784] : memref<200x8x8x8x128xf32, #tpu.memory_space<hbm>> -> memref<1x1x1x8x128xf32, #tpu.memory_space<hbm>>
      %dma_start3A_786 = tpu.memref_squeeze %dma_start3A_785 : memref<1x1x1x8x128xf32, #tpu.memory_space<hbm>> -> memref<8x128xf32, #tpu.memory_space<hbm>>
      %dma_start3A_787 = arith.constant 0 : i32
      %dma_start3A_788 = arith.constant 0 : i32
      %dma_start3A_789 = tpu.memref_slice %arg5[%select_n3A_774, %dma_start3A_778, %rem3A_776, %dma_start3A_787, %dma_start3A_788] : memref<200x8x8x8x128xf32, #tpu.memory_space<hbm>> -> memref<1x1x1x8x128xf32, #tpu.memory_space<hbm>>
      %dma_start3A_790 = tpu.memref_squeeze %dma_start3A_789 : memref<1x1x1x8x128xf32, #tpu.memory_space<hbm>> -> memref<8x128xf32, #tpu.memory_space<hbm>>
      %dma_start3A_791 = arith.constant 0 : i32
      %dma_start3A_792 = arith.constant 0 : i32
      %dma_start3A_793 = tpu.memref_slice %arg11[%dma_start3A_777, %dma_start3A_791, %dma_start3A_792] : memref<8x8x128xf32, #tpu.memory_space<vmem>> -> memref<1x8x128xf32, #tpu.memory_space<vmem>>
      %dma_start3A_794 = tpu.memref_squeeze %dma_start3A_793 : memref<1x8x128xf32, #tpu.memory_space<vmem>> -> memref<8x128xf32, #tpu.memory_space<vmem>>
      tpu.enqueue_dma source(%dma_start3A_794 : memref<8x128xf32, #tpu.memory_space<vmem>>) target(%dma_start3A_790 : memref<8x128xf32, #tpu.memory_space<hbm>>) target_semaphore(%arg18 : memref<!tpu.dma_semaphore, #tpu.memory_space<semaphore_mem>>)
      %dma_start3A_795 = arith.constant 1 : i32
      %dma_start3A_796 = arith.constant 1 : i32
      %dma_start3A_797 = arith.constant 0 : i32
      %dma_start3A_798 = arith.constant 0 : i32
      %dma_start3A_799 = tpu.memref_slice %arg11[%dma_start3A_795, %dma_start3A_797, %dma_start3A_798] : memref<8x8x128xf32, #tpu.memory_space<vmem>> -> memref<1x8x128xf32, #tpu.memory_space<vmem>>
      %dma_start3A_800 = tpu.memref_squeeze %dma_start3A_799 : memref<1x8x128xf32, #tpu.memory_space<vmem>> -> memref<8x128xf32, #tpu.memory_space<vmem>>
      %dma_start3A_801 = arith.constant 0 : i32
      %dma_start3A_802 = arith.constant 0 : i32
      %dma_start3A_803 = tpu.memref_slice %arg5[%select_n3A_774, %dma_start3A_796, %rem3A_776, %dma_start3A_801, %dma_start3A_802] : memref<200x8x8x8x128xf32, #tpu.memory_space<hbm>> -> memref<1x1x1x8x128xf32, #tpu.memory_space<hbm>>
      %dma_start3A_804 = tpu.memref_squeeze %dma_start3A_803 : memref<1x1x1x8x128xf32, #tpu.memory_space<hbm>> -> memref<8x128xf32, #tpu.memory_space<hbm>>
      %dma_start3A_805 = arith.constant 0 : i32
      %dma_start3A_806 = arith.constant 0 : i32
      %dma_start3A_807 = tpu.memref_slice %arg5[%select_n3A_774, %dma_start3A_796, %rem3A_776, %dma_start3A_805, %dma_start3A_806] : memref<200x8x8x8x128xf32, #tpu.memory_space<hbm>> -> memref<1x1x1x8x128xf32, #tpu.memory_space<hbm>>
      %dma_start3A_808 = tpu.memref_squeeze %dma_start3A_807 : memref<1x1x1x8x128xf32, #tpu.memory_space<hbm>> -> memref<8x128xf32, #tpu.memory_space<hbm>>
      %dma_start3A_809 = arith.constant 0 : i32
      %dma_start3A_810 = arith.constant 0 : i32
      %dma_start3A_811 = tpu.memref_slice %arg11[%dma_start3A_795, %dma_start3A_809, %dma_start3A_810] : memref<8x8x128xf32, #tpu.memory_space<vmem>> -> memref<1x8x128xf32, #tpu.memory_space<vmem>>
      %dma_start3A_812 = tpu.memref_squeeze %dma_start3A_811 : memref<1x8x128xf32, #tpu.memory_space<vmem>> -> memref<8x128xf32, #tpu.memory_space<vmem>>
      tpu.enqueue_dma source(%dma_start3A_812 : memref<8x128xf32, #tpu.memory_space<vmem>>) target(%dma_start3A_808 : memref<8x128xf32, #tpu.memory_space<hbm>>) target_semaphore(%arg18 : memref<!tpu.dma_semaphore, #tpu.memory_space<semaphore_mem>>)
      %dma_start3A_813 = arith.constant 2 : i32
      %dma_start3A_814 = arith.constant 2 : i32
      %dma_start3A_815 = arith.constant 0 : i32
      %dma_start3A_816 = arith.constant 0 : i32
      %dma_start3A_817 = tpu.memref_slice %arg11[%dma_start3A_813, %dma_start3A_815, %dma_start3A_816] : memref<8x8x128xf32, #tpu.memory_space<vmem>> -> memref<1x8x128xf32, #tpu.memory_space<vmem>>
      %dma_start3A_818 = tpu.memref_squeeze %dma_start3A_817 : memref<1x8x128xf32, #tpu.memory_space<vmem>> -> memref<8x128xf32, #tpu.memory_space<vmem>>
      %dma_start3A_819 = arith.constant 0 : i32
      %dma_start3A_820 = arith.constant 0 : i32
      %dma_start3A_821 = tpu.memref_slice %arg5[%select_n3A_774, %dma_start3A_814, %rem3A_776, %dma_start3A_819, %dma_start3A_820] : memref<200x8x8x8x128xf32, #tpu.memory_space<hbm>> -> memref<1x1x1x8x128xf32, #tpu.memory_space<hbm>>
      %dma_start3A_822 = tpu.memref_squeeze %dma_start3A_821 : memref<1x1x1x8x128xf32, #tpu.memory_space<hbm>> -> memref<8x128xf32, #tpu.memory_space<hbm>>
      %dma_start3A_823 = arith.constant 0 : i32
      %dma_start3A_824 = arith.constant 0 : i32
      %dma_start3A_825 = tpu.memref_slice %arg5[%select_n3A_774, %dma_start3A_814, %rem3A_776, %dma_start3A_823, %dma_start3A_824] : memref<200x8x8x8x128xf32, #tpu.memory_space<hbm>> -> memref<1x1x1x8x128xf32, #tpu.memory_space<hbm>>
      %dma_start3A_826 = tpu.memref_squeeze %dma_start3A_825 : memref<1x1x1x8x128xf32, #tpu.memory_space<hbm>> -> memref<8x128xf32, #tpu.memory_space<hbm>>
      %dma_start3A_827 = arith.constant 0 : i32
      %dma_start3A_828 = arith.constant 0 : i32
      %dma_start3A_829 = tpu.memref_slice %arg11[%dma_start3A_813, %dma_start3A_827, %dma_start3A_828] : memref<8x8x128xf32, #tpu.memory_space<vmem>> -> memref<1x8x128xf32, #tpu.memory_space<vmem>>
      %dma_start3A_830 = tpu.memref_squeeze %dma_start3A_829 : memref<1x8x128xf32, #tpu.memory_space<vmem>> -> memref<8x128xf32, #tpu.memory_space<vmem>>
      tpu.enqueue_dma source(%dma_start3A_830 : memref<8x128xf32, #tpu.memory_space<vmem>>) target(%dma_start3A_826 : memref<8x128xf32, #tpu.memory_space<hbm>>) target_semaphore(%arg18 : memref<!tpu.dma_semaphore, #tpu.memory_space<semaphore_mem>>)
      %dma_start3A_831 = arith.constant 3 : i32
      %dma_start3A_832 = arith.constant 3 : i32
      %dma_start3A_833 = arith.constant 0 : i32
      %dma_start3A_834 = arith.constant 0 : i32
      %dma_start3A_835 = tpu.memref_slice %arg11[%dma_start3A_831, %dma_start3A_833, %dma_start3A_834] : memref<8x8x128xf32, #tpu.memory_space<vmem>> -> memref<1x8x128xf32, #tpu.memory_space<vmem>>
      %dma_start3A_836 = tpu.memref_squeeze %dma_start3A_835 : memref<1x8x128xf32, #tpu.memory_space<vmem>> -> memref<8x128xf32, #tpu.memory_space<vmem>>
      %dma_start3A_837 = arith.constant 0 : i32
      %dma_start3A_838 = arith.constant 0 : i32
      %dma_start3A_839 = tpu.memref_slice %arg5[%select_n3A_774, %dma_start3A_832, %rem3A_776, %dma_start3A_837, %dma_start3A_838] : memref<200x8x8x8x128xf32, #tpu.memory_space<hbm>> -> memref<1x1x1x8x128xf32, #tpu.memory_space<hbm>>
      %dma_start3A_840 = tpu.memref_squeeze %dma_start3A_839 : memref<1x1x1x8x128xf32, #tpu.memory_space<hbm>> -> memref<8x128xf32, #tpu.memory_space<hbm>>
      %dma_start3A_841 = arith.constant 0 : i32
      %dma_start3A_842 = arith.constant 0 : i32
      %dma_start3A_843 = tpu.memref_slice %arg5[%select_n3A_774, %dma_start3A_832, %rem3A_776, %dma_start3A_841, %dma_start3A_842] : memref<200x8x8x8x128xf32, #tpu.memory_space<hbm>> -> memref<1x1x1x8x128xf32, #tpu.memory_space<hbm>>
      %dma_start3A_844 = tpu.memref_squeeze %dma_start3A_843 : memref<1x1x1x8x128xf32, #tpu.memory_space<hbm>> -> memref<8x128xf32, #tpu.memory_space<hbm>>
      %dma_start3A_845 = arith.constant 0 : i32
      %dma_start3A_846 = arith.constant 0 : i32
      %dma_start3A_847 = tpu.memref_slice %arg11[%dma_start3A_831, %dma_start3A_845, %dma_start3A_846] : memref<8x8x128xf32, #tpu.memory_space<vmem>> -> memref<1x8x128xf32, #tpu.memory_space<vmem>>
      %dma_start3A_848 = tpu.memref_squeeze %dma_start3A_847 : memref<1x8x128xf32, #tpu.memory_space<vmem>> -> memref<8x128xf32, #tpu.memory_space<vmem>>
      tpu.enqueue_dma source(%dma_start3A_848 : memref<8x128xf32, #tpu.memory_space<vmem>>) target(%dma_start3A_844 : memref<8x128xf32, #tpu.memory_space<hbm>>) target_semaphore(%arg18 : memref<!tpu.dma_semaphore, #tpu.memory_space<semaphore_mem>>)
      %dma_start3A_849 = arith.constant 4 : i32
      %dma_start3A_850 = arith.constant 4 : i32
      %dma_start3A_851 = arith.constant 0 : i32
      %dma_start3A_852 = arith.constant 0 : i32
      %dma_start3A_853 = tpu.memref_slice %arg11[%dma_start3A_849, %dma_start3A_851, %dma_start3A_852] : memref<8x8x128xf32, #tpu.memory_space<vmem>> -> memref<1x8x128xf32, #tpu.memory_space<vmem>>
      %dma_start3A_854 = tpu.memref_squeeze %dma_start3A_853 : memref<1x8x128xf32, #tpu.memory_space<vmem>> -> memref<8x128xf32, #tpu.memory_space<vmem>>
      %dma_start3A_855 = arith.constant 0 : i32
      %dma_start3A_856 = arith.constant 0 : i32
      %dma_start3A_857 = tpu.memref_slice %arg5[%select_n3A_774, %dma_start3A_850, %rem3A_776, %dma_start3A_855, %dma_start3A_856] : memref<200x8x8x8x128xf32, #tpu.memory_space<hbm>> -> memref<1x1x1x8x128xf32, #tpu.memory_space<hbm>>
      %dma_start3A_858 = tpu.memref_squeeze %dma_start3A_857 : memref<1x1x1x8x128xf32, #tpu.memory_space<hbm>> -> memref<8x128xf32, #tpu.memory_space<hbm>>
      %dma_start3A_859 = arith.constant 0 : i32
      %dma_start3A_860 = arith.constant 0 : i32
      %dma_start3A_861 = tpu.memref_slice %arg5[%select_n3A_774, %dma_start3A_850, %rem3A_776, %dma_start3A_859, %dma_start3A_860] : memref<200x8x8x8x128xf32, #tpu.memory_space<hbm>> -> memref<1x1x1x8x128xf32, #tpu.memory_space<hbm>>
      %dma_start3A_862 = tpu.memref_squeeze %dma_start3A_861 : memref<1x1x1x8x128xf32, #tpu.memory_space<hbm>> -> memref<8x128xf32, #tpu.memory_space<hbm>>
      %dma_start3A_863 = arith.constant 0 : i32
      %dma_start3A_864 = arith.constant 0 : i32
      %dma_start3A_865 = tpu.memref_slice %arg11[%dma_start3A_849, %dma_start3A_863, %dma_start3A_864] : memref<8x8x128xf32, #tpu.memory_space<vmem>> -> memref<1x8x128xf32, #tpu.memory_space<vmem>>
      %dma_start3A_866 = tpu.memref_squeeze %dma_start3A_865 : memref<1x8x128xf32, #tpu.memory_space<vmem>> -> memref<8x128xf32, #tpu.memory_space<vmem>>
      tpu.enqueue_dma source(%dma_start3A_866 : memref<8x128xf32, #tpu.memory_space<vmem>>) target(%dma_start3A_862 : memref<8x128xf32, #tpu.memory_space<hbm>>) target_semaphore(%arg18 : memref<!tpu.dma_semaphore, #tpu.memory_space<semaphore_mem>>)
      %dma_start3A_867 = arith.constant 5 : i32
      %dma_start3A_868 = arith.constant 5 : i32
      %dma_start3A_869 = arith.constant 0 : i32
      %dma_start3A_870 = arith.constant 0 : i32
      %dma_start3A_871 = tpu.memref_slice %arg11[%dma_start3A_867, %dma_start3A_869, %dma_start3A_870] : memref<8x8x128xf32, #tpu.memory_space<vmem>> -> memref<1x8x128xf32, #tpu.memory_space<vmem>>
      %dma_start3A_872 = tpu.memref_squeeze %dma_start3A_871 : memref<1x8x128xf32, #tpu.memory_space<vmem>> -> memref<8x128xf32, #tpu.memory_space<vmem>>
      %dma_start3A_873 = arith.constant 0 : i32
      %dma_start3A_874 = arith.constant 0 : i32
      %dma_start3A_875 = tpu.memref_slice %arg5[%select_n3A_774, %dma_start3A_868, %rem3A_776, %dma_start3A_873, %dma_start3A_874] : memref<200x8x8x8x128xf32, #tpu.memory_space<hbm>> -> memref<1x1x1x8x128xf32, #tpu.memory_space<hbm>>
      %dma_start3A_876 = tpu.memref_squeeze %dma_start3A_875 : memref<1x1x1x8x128xf32, #tpu.memory_space<hbm>> -> memref<8x128xf32, #tpu.memory_space<hbm>>
      %dma_start3A_877 = arith.constant 0 : i32
      %dma_start3A_878 = arith.constant 0 : i32
      %dma_start3A_879 = tpu.memref_slice %arg5[%select_n3A_774, %dma_start3A_868, %rem3A_776, %dma_start3A_877, %dma_start3A_878] : memref<200x8x8x8x128xf32, #tpu.memory_space<hbm>> -> memref<1x1x1x8x128xf32, #tpu.memory_space<hbm>>
      %dma_start3A_880 = tpu.memref_squeeze %dma_start3A_879 : memref<1x1x1x8x128xf32, #tpu.memory_space<hbm>> -> memref<8x128xf32, #tpu.memory_space<hbm>>
      %dma_start3A_881 = arith.constant 0 : i32
      %dma_start3A_882 = arith.constant 0 : i32
      %dma_start3A_883 = tpu.memref_slice %arg11[%dma_start3A_867, %dma_start3A_881, %dma_start3A_882] : memref<8x8x128xf32, #tpu.memory_space<vmem>> -> memref<1x8x128xf32, #tpu.memory_space<vmem>>
      %dma_start3A_884 = tpu.memref_squeeze %dma_start3A_883 : memref<1x8x128xf32, #tpu.memory_space<vmem>> -> memref<8x128xf32, #tpu.memory_space<vmem>>
      tpu.enqueue_dma source(%dma_start3A_884 : memref<8x128xf32, #tpu.memory_space<vmem>>) target(%dma_start3A_880 : memref<8x128xf32, #tpu.memory_space<hbm>>) target_semaphore(%arg18 : memref<!tpu.dma_semaphore, #tpu.memory_space<semaphore_mem>>)
      %dma_start3A_885 = arith.constant 6 : i32
      %dma_start3A_886 = arith.constant 6 : i32
      %dma_start3A_887 = arith.constant 0 : i32
      %dma_start3A_888 = arith.constant 0 : i32
      %dma_start3A_889 = tpu.memref_slice %arg11[%dma_start3A_885, %dma_start3A_887, %dma_start3A_888] : memref<8x8x128xf32, #tpu.memory_space<vmem>> -> memref<1x8x128xf32, #tpu.memory_space<vmem>>
      %dma_start3A_890 = tpu.memref_squeeze %dma_start3A_889 : memref<1x8x128xf32, #tpu.memory_space<vmem>> -> memref<8x128xf32, #tpu.memory_space<vmem>>
      %dma_start3A_891 = arith.constant 0 : i32
      %dma_start3A_892 = arith.constant 0 : i32
      %dma_start3A_893 = tpu.memref_slice %arg5[%select_n3A_774, %dma_start3A_886, %rem3A_776, %dma_start3A_891, %dma_start3A_892] : memref<200x8x8x8x128xf32, #tpu.memory_space<hbm>> -> memref<1x1x1x8x128xf32, #tpu.memory_space<hbm>>
      %dma_start3A_894 = tpu.memref_squeeze %dma_start3A_893 : memref<1x1x1x8x128xf32, #tpu.memory_space<hbm>> -> memref<8x128xf32, #tpu.memory_space<hbm>>
      %dma_start3A_895 = arith.constant 0 : i32
      %dma_start3A_896 = arith.constant 0 : i32
      %dma_start3A_897 = tpu.memref_slice %arg5[%select_n3A_774, %dma_start3A_886, %rem3A_776, %dma_start3A_895, %dma_start3A_896] : memref<200x8x8x8x128xf32, #tpu.memory_space<hbm>> -> memref<1x1x1x8x128xf32, #tpu.memory_space<hbm>>
      %dma_start3A_898 = tpu.memref_squeeze %dma_start3A_897 : memref<1x1x1x8x128xf32, #tpu.memory_space<hbm>> -> memref<8x128xf32, #tpu.memory_space<hbm>>
      %dma_start3A_899 = arith.constant 0 : i32
      %dma_start3A_900 = arith.constant 0 : i32
      %dma_start3A_901 = tpu.memref_slice %arg11[%dma_start3A_885, %dma_start3A_899, %dma_start3A_900] : memref<8x8x128xf32, #tpu.memory_space<vmem>> -> memref<1x8x128xf32, #tpu.memory_space<vmem>>
      %dma_start3A_902 = tpu.memref_squeeze %dma_start3A_901 : memref<1x8x128xf32, #tpu.memory_space<vmem>> -> memref<8x128xf32, #tpu.memory_space<vmem>>
      tpu.enqueue_dma source(%dma_start3A_902 : memref<8x128xf32, #tpu.memory_space<vmem>>) target(%dma_start3A_898 : memref<8x128xf32, #tpu.memory_space<hbm>>) target_semaphore(%arg18 : memref<!tpu.dma_semaphore, #tpu.memory_space<semaphore_mem>>)
      %dma_start3A_903 = arith.constant 7 : i32
      %dma_start3A_904 = arith.constant 7 : i32
      %dma_start3A_905 = arith.constant 0 : i32
      %dma_start3A_906 = arith.constant 0 : i32
      %dma_start3A_907 = tpu.memref_slice %arg11[%dma_start3A_903, %dma_start3A_905, %dma_start3A_906] : memref<8x8x128xf32, #tpu.memory_space<vmem>> -> memref<1x8x128xf32, #tpu.memory_space<vmem>>
      %dma_start3A_908 = tpu.memref_squeeze %dma_start3A_907 : memref<1x8x128xf32, #tpu.memory_space<vmem>> -> memref<8x128xf32, #tpu.memory_space<vmem>>
      %dma_start3A_909 = arith.constant 0 : i32
      %dma_start3A_910 = arith.constant 0 : i32
      %dma_start3A_911 = tpu.memref_slice %arg5[%select_n3A_774, %dma_start3A_904, %rem3A_776, %dma_start3A_909, %dma_start3A_910] : memref<200x8x8x8x128xf32, #tpu.memory_space<hbm>> -> memref<1x1x1x8x128xf32, #tpu.memory_space<hbm>>
      %dma_start3A_912 = tpu.memref_squeeze %dma_start3A_911 : memref<1x1x1x8x128xf32, #tpu.memory_space<hbm>> -> memref<8x128xf32, #tpu.memory_space<hbm>>
      %dma_start3A_913 = arith.constant 0 : i32
      %dma_start3A_914 = arith.constant 0 : i32
      %dma_start3A_915 = tpu.memref_slice %arg5[%select_n3A_774, %dma_start3A_904, %rem3A_776, %dma_start3A_913, %dma_start3A_914] : memref<200x8x8x8x128xf32, #tpu.memory_space<hbm>> -> memref<1x1x1x8x128xf32, #tpu.memory_space<hbm>>
      %dma_start3A_916 = tpu.memref_squeeze %dma_start3A_915 : memref<1x1x1x8x128xf32, #tpu.memory_space<hbm>> -> memref<8x128xf32, #tpu.memory_space<hbm>>
      %dma_start3A_917 = arith.constant 0 : i32
      %dma_start3A_918 = arith.constant 0 : i32
      %dma_start3A_919 = tpu.memref_slice %arg11[%dma_start3A_903, %dma_start3A_917, %dma_start3A_918] : memref<8x8x128xf32, #tpu.memory_space<vmem>> -> memref<1x8x128xf32, #tpu.memory_space<vmem>>
      %dma_start3A_920 = tpu.memref_squeeze %dma_start3A_919 : memref<1x8x128xf32, #tpu.memory_space<vmem>> -> memref<8x128xf32, #tpu.memory_space<vmem>>
      tpu.enqueue_dma source(%dma_start3A_920 : memref<8x128xf32, #tpu.memory_space<vmem>>) target(%dma_start3A_916 : memref<8x128xf32, #tpu.memory_space<hbm>>) target_semaphore(%arg18 : memref<!tpu.dma_semaphore, #tpu.memory_space<semaphore_mem>>)
      %add3A_921 = arith.constant 2 : i32
      %add3A_922 = arith.addi %add3A_635, %add3A_921 : i32
      %lt3A_923 = arith.constant 50 : i32
      %lt3A_924 = arith.cmpi slt, %add3A_922, %lt3A_923 : i32
      %convert_element_type3A_925 = arith.extui %lt3A_924 : i1 to i32
      %cond3A_926 = arith.constant 0 : i32
      %cond3A_927 = arith.cmpi ne, %convert_element_type3A_925, %cond3A_926 : i32
      scf.if %cond3A_927 {
        %add3A_928 = arith.constant 2 : i32
        %add3A_929 = arith.addi %add3A_636, %add3A_928 : i32
        %dma_start3A_930 = arith.constant 0 : i32
        %dma_start3A_931 = tpu.memref_slice %arg2[%add3A_929, %dma_start3A_930] : memref<1600x128xi32, #tpu.memory_space<hbm>> -> memref<1x128xi32, #tpu.memory_space<hbm>>
        %dma_start3A_932 = tpu.memref_squeeze %dma_start3A_931 : memref<1x128xi32, #tpu.memory_space<hbm>> -> memref<128xi32, #tpu.memory_space<hbm>>
        %dma_start3A_933 = arith.constant 0 : i32
        %dma_start3A_934 = tpu.memref_slice %arg2[%add3A_929, %dma_start3A_933] : memref<1600x128xi32, #tpu.memory_space<hbm>> -> memref<1x128xi32, #tpu.memory_space<hbm>>
        %dma_start3A_935 = tpu.memref_squeeze %dma_start3A_934 : memref<1x128xi32, #tpu.memory_space<hbm>> -> memref<128xi32, #tpu.memory_space<hbm>>
        tpu.enqueue_dma source(%dma_start3A_935 : memref<128xi32, #tpu.memory_space<hbm>>) target(%arg7 : memref<128xi32, #tpu.memory_space<vmem>>) target_semaphore(%arg14 : memref<!tpu.dma_semaphore, #tpu.memory_space<semaphore_mem>>)
      } else {
      }
    }
    %scan3A_29 = arith.constant 25 : i32
    %dma_wait3A_30 = arith.constant 0 : i32
    %dma_wait3A_31 = arith.constant 0 : i32
    %dma_wait3A_32 = arith.constant 0 : i32
    %dma_wait3A_33 = arith.constant 0 : i32
    %dma_wait3A_34 = arith.constant 0 : i32
    %dma_wait3A_35 = arith.constant 0 : i32
    %dma_wait3A_36 = tpu.memref_slice %arg10[%dma_wait3A_30, %dma_wait3A_34, %dma_wait3A_35] : memref<8x8x128xf32, #tpu.memory_space<vmem>> -> memref<1x8x128xf32, #tpu.memory_space<vmem>>
    %dma_wait3A_37 = tpu.memref_squeeze %dma_wait3A_36 : memref<1x8x128xf32, #tpu.memory_space<vmem>> -> memref<8x128xf32, #tpu.memory_space<vmem>>
    %dma_wait3A_38 = arith.constant 0 : i32
    %dma_wait3A_39 = arith.constant 0 : i32
    %dma_wait3A_40 = tpu.memref_slice %arg5[%dma_wait3A_31, %dma_wait3A_32, %dma_wait3A_33, %dma_wait3A_38, %dma_wait3A_39] : memref<200x8x8x8x128xf32, #tpu.memory_space<hbm>> -> memref<1x1x1x8x128xf32, #tpu.memory_space<hbm>>
    %dma_wait3A_41 = tpu.memref_squeeze %dma_wait3A_40 : memref<1x1x1x8x128xf32, #tpu.memory_space<hbm>> -> memref<8x128xf32, #tpu.memory_space<hbm>>
    %dma_wait3A_42 = arith.constant 0 : i32
    %dma_wait3A_43 = arith.constant 0 : i32
    %dma_wait3A_44 = tpu.memref_slice %arg5[%dma_wait3A_31, %dma_wait3A_32, %dma_wait3A_33, %dma_wait3A_42, %dma_wait3A_43] : memref<200x8x8x8x128xf32, #tpu.memory_space<hbm>> -> memref<1x1x1x8x128xf32, #tpu.memory_space<hbm>>
    %dma_wait3A_45 = tpu.memref_squeeze %dma_wait3A_44 : memref<1x1x1x8x128xf32, #tpu.memory_space<hbm>> -> memref<8x128xf32, #tpu.memory_space<hbm>>
    %dma_wait3A_46 = arith.constant 0 : i32
    %dma_wait3A_47 = arith.constant 0 : i32
    %dma_wait3A_48 = tpu.memref_slice %arg10[%dma_wait3A_30, %dma_wait3A_46, %dma_wait3A_47] : memref<8x8x128xf32, #tpu.memory_space<vmem>> -> memref<1x8x128xf32, #tpu.memory_space<vmem>>
    %dma_wait3A_49 = tpu.memref_squeeze %dma_wait3A_48 : memref<1x8x128xf32, #tpu.memory_space<vmem>> -> memref<8x128xf32, #tpu.memory_space<vmem>>
    tpu.wait_dma2 semaphore(%arg17 : memref<!tpu.dma_semaphore, #tpu.memory_space<semaphore_mem>>) src(%dma_wait3A_49 : memref<8x128xf32, #tpu.memory_space<vmem>>) dst(%dma_wait3A_45 : memref<8x128xf32, #tpu.memory_space<hbm>>)
    %dma_wait3A_50 = arith.constant 1 : i32
    %dma_wait3A_51 = arith.constant 0 : i32
    %dma_wait3A_52 = arith.constant 1 : i32
    %dma_wait3A_53 = arith.constant 0 : i32
    %dma_wait3A_54 = arith.constant 0 : i32
    %dma_wait3A_55 = arith.constant 0 : i32
    %dma_wait3A_56 = tpu.memref_slice %arg10[%dma_wait3A_50, %dma_wait3A_54, %dma_wait3A_55] : memref<8x8x128xf32, #tpu.memory_space<vmem>> -> memref<1x8x128xf32, #tpu.memory_space<vmem>>
    %dma_wait3A_57 = tpu.memref_squeeze %dma_wait3A_56 : memref<1x8x128xf32, #tpu.memory_space<vmem>> -> memref<8x128xf32, #tpu.memory_space<vmem>>
    %dma_wait3A_58 = arith.constant 0 : i32
    %dma_wait3A_59 = arith.constant 0 : i32
    %dma_wait3A_60 = tpu.memref_slice %arg5[%dma_wait3A_51, %dma_wait3A_52, %dma_wait3A_53, %dma_wait3A_58, %dma_wait3A_59] : memref<200x8x8x8x128xf32, #tpu.memory_space<hbm>> -> memref<1x1x1x8x128xf32, #tpu.memory_space<hbm>>
    %dma_wait3A_61 = tpu.memref_squeeze %dma_wait3A_60 : memref<1x1x1x8x128xf32, #tpu.memory_space<hbm>> -> memref<8x128xf32, #tpu.memory_space<hbm>>
    %dma_wait3A_62 = arith.constant 0 : i32
    %dma_wait3A_63 = arith.constant 0 : i32
    %dma_wait3A_64 = tpu.memref_slice %arg5[%dma_wait3A_51, %dma_wait3A_52, %dma_wait3A_53, %dma_wait3A_62, %dma_wait3A_63] : memref<200x8x8x8x128xf32, #tpu.memory_space<hbm>> -> memref<1x1x1x8x128xf32, #tpu.memory_space<hbm>>
    %dma_wait3A_65 = tpu.memref_squeeze %dma_wait3A_64 : memref<1x1x1x8x128xf32, #tpu.memory_space<hbm>> -> memref<8x128xf32, #tpu.memory_space<hbm>>
    %dma_wait3A_66 = arith.constant 0 : i32
    %dma_wait3A_67 = arith.constant 0 : i32
    %dma_wait3A_68 = tpu.memref_slice %arg10[%dma_wait3A_50, %dma_wait3A_66, %dma_wait3A_67] : memref<8x8x128xf32, #tpu.memory_space<vmem>> -> memref<1x8x128xf32, #tpu.memory_space<vmem>>
    %dma_wait3A_69 = tpu.memref_squeeze %dma_wait3A_68 : memref<1x8x128xf32, #tpu.memory_space<vmem>> -> memref<8x128xf32, #tpu.memory_space<vmem>>
    tpu.wait_dma2 semaphore(%arg17 : memref<!tpu.dma_semaphore, #tpu.memory_space<semaphore_mem>>) src(%dma_wait3A_69 : memref<8x128xf32, #tpu.memory_space<vmem>>) dst(%dma_wait3A_65 : memref<8x128xf32, #tpu.memory_space<hbm>>)
    %dma_wait3A_70 = arith.constant 2 : i32
    %dma_wait3A_71 = arith.constant 0 : i32
    %dma_wait3A_72 = arith.constant 2 : i32
    %dma_wait3A_73 = arith.constant 0 : i32
    %dma_wait3A_74 = arith.constant 0 : i32
    %dma_wait3A_75 = arith.constant 0 : i32
    %dma_wait3A_76 = tpu.memref_slice %arg10[%dma_wait3A_70, %dma_wait3A_74, %dma_wait3A_75] : memref<8x8x128xf32, #tpu.memory_space<vmem>> -> memref<1x8x128xf32, #tpu.memory_space<vmem>>
    %dma_wait3A_77 = tpu.memref_squeeze %dma_wait3A_76 : memref<1x8x128xf32, #tpu.memory_space<vmem>> -> memref<8x128xf32, #tpu.memory_space<vmem>>
    %dma_wait3A_78 = arith.constant 0 : i32
    %dma_wait3A_79 = arith.constant 0 : i32
    %dma_wait3A_80 = tpu.memref_slice %arg5[%dma_wait3A_71, %dma_wait3A_72, %dma_wait3A_73, %dma_wait3A_78, %dma_wait3A_79] : memref<200x8x8x8x128xf32, #tpu.memory_space<hbm>> -> memref<1x1x1x8x128xf32, #tpu.memory_space<hbm>>
    %dma_wait3A_81 = tpu.memref_squeeze %dma_wait3A_80 : memref<1x1x1x8x128xf32, #tpu.memory_space<hbm>> -> memref<8x128xf32, #tpu.memory_space<hbm>>
    %dma_wait3A_82 = arith.constant 0 : i32
    %dma_wait3A_83 = arith.constant 0 : i32
    %dma_wait3A_84 = tpu.memref_slice %arg5[%dma_wait3A_71, %dma_wait3A_72, %dma_wait3A_73, %dma_wait3A_82, %dma_wait3A_83] : memref<200x8x8x8x128xf32, #tpu.memory_space<hbm>> -> memref<1x1x1x8x128xf32, #tpu.memory_space<hbm>>
    %dma_wait3A_85 = tpu.memref_squeeze %dma_wait3A_84 : memref<1x1x1x8x128xf32, #tpu.memory_space<hbm>> -> memref<8x128xf32, #tpu.memory_space<hbm>>
    %dma_wait3A_86 = arith.constant 0 : i32
    %dma_wait3A_87 = arith.constant 0 : i32
    %dma_wait3A_88 = tpu.memref_slice %arg10[%dma_wait3A_70, %dma_wait3A_86, %dma_wait3A_87] : memref<8x8x128xf32, #tpu.memory_space<vmem>> -> memref<1x8x128xf32, #tpu.memory_space<vmem>>
    %dma_wait3A_89 = tpu.memref_squeeze %dma_wait3A_88 : memref<1x8x128xf32, #tpu.memory_space<vmem>> -> memref<8x128xf32, #tpu.memory_space<vmem>>
    tpu.wait_dma2 semaphore(%arg17 : memref<!tpu.dma_semaphore, #tpu.memory_space<semaphore_mem>>) src(%dma_wait3A_89 : memref<8x128xf32, #tpu.memory_space<vmem>>) dst(%dma_wait3A_85 : memref<8x128xf32, #tpu.memory_space<hbm>>)
    %dma_wait3A_90 = arith.constant 3 : i32
    %dma_wait3A_91 = arith.constant 0 : i32
    %dma_wait3A_92 = arith.constant 3 : i32
    %dma_wait3A_93 = arith.constant 0 : i32
    %dma_wait3A_94 = arith.constant 0 : i32
    %dma_wait3A_95 = arith.constant 0 : i32
    %dma_wait3A_96 = tpu.memref_slice %arg10[%dma_wait3A_90, %dma_wait3A_94, %dma_wait3A_95] : memref<8x8x128xf32, #tpu.memory_space<vmem>> -> memref<1x8x128xf32, #tpu.memory_space<vmem>>
    %dma_wait3A_97 = tpu.memref_squeeze %dma_wait3A_96 : memref<1x8x128xf32, #tpu.memory_space<vmem>> -> memref<8x128xf32, #tpu.memory_space<vmem>>
    %dma_wait3A_98 = arith.constant 0 : i32
    %dma_wait3A_99 = arith.constant 0 : i32
    %dma_wait3A_100 = tpu.memref_slice %arg5[%dma_wait3A_91, %dma_wait3A_92, %dma_wait3A_93, %dma_wait3A_98, %dma_wait3A_99] : memref<200x8x8x8x128xf32, #tpu.memory_space<hbm>> -> memref<1x1x1x8x128xf32, #tpu.memory_space<hbm>>
    %dma_wait3A_101 = tpu.memref_squeeze %dma_wait3A_100 : memref<1x1x1x8x128xf32, #tpu.memory_space<hbm>> -> memref<8x128xf32, #tpu.memory_space<hbm>>
    %dma_wait3A_102 = arith.constant 0 : i32
    %dma_wait3A_103 = arith.constant 0 : i32
    %dma_wait3A_104 = tpu.memref_slice %arg5[%dma_wait3A_91, %dma_wait3A_92, %dma_wait3A_93, %dma_wait3A_102, %dma_wait3A_103] : memref<200x8x8x8x128xf32, #tpu.memory_space<hbm>> -> memref<1x1x1x8x128xf32, #tpu.memory_space<hbm>>
    %dma_wait3A_105 = tpu.memref_squeeze %dma_wait3A_104 : memref<1x1x1x8x128xf32, #tpu.memory_space<hbm>> -> memref<8x128xf32, #tpu.memory_space<hbm>>
    %dma_wait3A_106 = arith.constant 0 : i32
    %dma_wait3A_107 = arith.constant 0 : i32
    %dma_wait3A_108 = tpu.memref_slice %arg10[%dma_wait3A_90, %dma_wait3A_106, %dma_wait3A_107] : memref<8x8x128xf32, #tpu.memory_space<vmem>> -> memref<1x8x128xf32, #tpu.memory_space<vmem>>
    %dma_wait3A_109 = tpu.memref_squeeze %dma_wait3A_108 : memref<1x8x128xf32, #tpu.memory_space<vmem>> -> memref<8x128xf32, #tpu.memory_space<vmem>>
    tpu.wait_dma2 semaphore(%arg17 : memref<!tpu.dma_semaphore, #tpu.memory_space<semaphore_mem>>) src(%dma_wait3A_109 : memref<8x128xf32, #tpu.memory_space<vmem>>) dst(%dma_wait3A_105 : memref<8x128xf32, #tpu.memory_space<hbm>>)
    %dma_wait3A_110 = arith.constant 4 : i32
    %dma_wait3A_111 = arith.constant 0 : i32
    %dma_wait3A_112 = arith.constant 4 : i32
    %dma_wait3A_113 = arith.constant 0 : i32
    %dma_wait3A_114 = arith.constant 0 : i32
    %dma_wait3A_115 = arith.constant 0 : i32
    %dma_wait3A_116 = tpu.memref_slice %arg10[%dma_wait3A_110, %dma_wait3A_114, %dma_wait3A_115] : memref<8x8x128xf32, #tpu.memory_space<vmem>> -> memref<1x8x128xf32, #tpu.memory_space<vmem>>
    %dma_wait3A_117 = tpu.memref_squeeze %dma_wait3A_116 : memref<1x8x128xf32, #tpu.memory_space<vmem>> -> memref<8x128xf32, #tpu.memory_space<vmem>>
    %dma_wait3A_118 = arith.constant 0 : i32
    %dma_wait3A_119 = arith.constant 0 : i32
    %dma_wait3A_120 = tpu.memref_slice %arg5[%dma_wait3A_111, %dma_wait3A_112, %dma_wait3A_113, %dma_wait3A_118, %dma_wait3A_119] : memref<200x8x8x8x128xf32, #tpu.memory_space<hbm>> -> memref<1x1x1x8x128xf32, #tpu.memory_space<hbm>>
    %dma_wait3A_121 = tpu.memref_squeeze %dma_wait3A_120 : memref<1x1x1x8x128xf32, #tpu.memory_space<hbm>> -> memref<8x128xf32, #tpu.memory_space<hbm>>
    %dma_wait3A_122 = arith.constant 0 : i32
    %dma_wait3A_123 = arith.constant 0 : i32
    %dma_wait3A_124 = tpu.memref_slice %arg5[%dma_wait3A_111, %dma_wait3A_112, %dma_wait3A_113, %dma_wait3A_122, %dma_wait3A_123] : memref<200x8x8x8x128xf32, #tpu.memory_space<hbm>> -> memref<1x1x1x8x128xf32, #tpu.memory_space<hbm>>
    %dma_wait3A_125 = tpu.memref_squeeze %dma_wait3A_124 : memref<1x1x1x8x128xf32, #tpu.memory_space<hbm>> -> memref<8x128xf32, #tpu.memory_space<hbm>>
    %dma_wait3A_126 = arith.constant 0 : i32
    %dma_wait3A_127 = arith.constant 0 : i32
    %dma_wait3A_128 = tpu.memref_slice %arg10[%dma_wait3A_110, %dma_wait3A_126, %dma_wait3A_127] : memref<8x8x128xf32, #tpu.memory_space<vmem>> -> memref<1x8x128xf32, #tpu.memory_space<vmem>>
    %dma_wait3A_129 = tpu.memref_squeeze %dma_wait3A_128 : memref<1x8x128xf32, #tpu.memory_space<vmem>> -> memref<8x128xf32, #tpu.memory_space<vmem>>
    tpu.wait_dma2 semaphore(%arg17 : memref<!tpu.dma_semaphore, #tpu.memory_space<semaphore_mem>>) src(%dma_wait3A_129 : memref<8x128xf32, #tpu.memory_space<vmem>>) dst(%dma_wait3A_125 : memref<8x128xf32, #tpu.memory_space<hbm>>)
    %dma_wait3A_130 = arith.constant 5 : i32
    %dma_wait3A_131 = arith.constant 0 : i32
    %dma_wait3A_132 = arith.constant 5 : i32
    %dma_wait3A_133 = arith.constant 0 : i32
    %dma_wait3A_134 = arith.constant 0 : i32
    %dma_wait3A_135 = arith.constant 0 : i32
    %dma_wait3A_136 = tpu.memref_slice %arg10[%dma_wait3A_130, %dma_wait3A_134, %dma_wait3A_135] : memref<8x8x128xf32, #tpu.memory_space<vmem>> -> memref<1x8x128xf32, #tpu.memory_space<vmem>>
    %dma_wait3A_137 = tpu.memref_squeeze %dma_wait3A_136 : memref<1x8x128xf32, #tpu.memory_space<vmem>> -> memref<8x128xf32, #tpu.memory_space<vmem>>
    %dma_wait3A_138 = arith.constant 0 : i32
    %dma_wait3A_139 = arith.constant 0 : i32
    %dma_wait3A_140 = tpu.memref_slice %arg5[%dma_wait3A_131, %dma_wait3A_132, %dma_wait3A_133, %dma_wait3A_138, %dma_wait3A_139] : memref<200x8x8x8x128xf32, #tpu.memory_space<hbm>> -> memref<1x1x1x8x128xf32, #tpu.memory_space<hbm>>
    %dma_wait3A_141 = tpu.memref_squeeze %dma_wait3A_140 : memref<1x1x1x8x128xf32, #tpu.memory_space<hbm>> -> memref<8x128xf32, #tpu.memory_space<hbm>>
    %dma_wait3A_142 = arith.constant 0 : i32
    %dma_wait3A_143 = arith.constant 0 : i32
    %dma_wait3A_144 = tpu.memref_slice %arg5[%dma_wait3A_131, %dma_wait3A_132, %dma_wait3A_133, %dma_wait3A_142, %dma_wait3A_143] : memref<200x8x8x8x128xf32, #tpu.memory_space<hbm>> -> memref<1x1x1x8x128xf32, #tpu.memory_space<hbm>>
    %dma_wait3A_145 = tpu.memref_squeeze %dma_wait3A_144 : memref<1x1x1x8x128xf32, #tpu.memory_space<hbm>> -> memref<8x128xf32, #tpu.memory_space<hbm>>
    %dma_wait3A_146 = arith.constant 0 : i32
    %dma_wait3A_147 = arith.constant 0 : i32
    %dma_wait3A_148 = tpu.memref_slice %arg10[%dma_wait3A_130, %dma_wait3A_146, %dma_wait3A_147] : memref<8x8x128xf32, #tpu.memory_space<vmem>> -> memref<1x8x128xf32, #tpu.memory_space<vmem>>
    %dma_wait3A_149 = tpu.memref_squeeze %dma_wait3A_148 : memref<1x8x128xf32, #tpu.memory_space<vmem>> -> memref<8x128xf32, #tpu.memory_space<vmem>>
    tpu.wait_dma2 semaphore(%arg17 : memref<!tpu.dma_semaphore, #tpu.memory_space<semaphore_mem>>) src(%dma_wait3A_149 : memref<8x128xf32, #tpu.memory_space<vmem>>) dst(%dma_wait3A_145 : memref<8x128xf32, #tpu.memory_space<hbm>>)
    %dma_wait3A_150 = arith.constant 6 : i32
    %dma_wait3A_151 = arith.constant 0 : i32
    %dma_wait3A_152 = arith.constant 6 : i32
    %dma_wait3A_153 = arith.constant 0 : i32
    %dma_wait3A_154 = arith.constant 0 : i32
    %dma_wait3A_155 = arith.constant 0 : i32
    %dma_wait3A_156 = tpu.memref_slice %arg10[%dma_wait3A_150, %dma_wait3A_154, %dma_wait3A_155] : memref<8x8x128xf32, #tpu.memory_space<vmem>> -> memref<1x8x128xf32, #tpu.memory_space<vmem>>
    %dma_wait3A_157 = tpu.memref_squeeze %dma_wait3A_156 : memref<1x8x128xf32, #tpu.memory_space<vmem>> -> memref<8x128xf32, #tpu.memory_space<vmem>>
    %dma_wait3A_158 = arith.constant 0 : i32
    %dma_wait3A_159 = arith.constant 0 : i32
    %dma_wait3A_160 = tpu.memref_slice %arg5[%dma_wait3A_151, %dma_wait3A_152, %dma_wait3A_153, %dma_wait3A_158, %dma_wait3A_159] : memref<200x8x8x8x128xf32, #tpu.memory_space<hbm>> -> memref<1x1x1x8x128xf32, #tpu.memory_space<hbm>>
    %dma_wait3A_161 = tpu.memref_squeeze %dma_wait3A_160 : memref<1x1x1x8x128xf32, #tpu.memory_space<hbm>> -> memref<8x128xf32, #tpu.memory_space<hbm>>
    %dma_wait3A_162 = arith.constant 0 : i32
    %dma_wait3A_163 = arith.constant 0 : i32
    %dma_wait3A_164 = tpu.memref_slice %arg5[%dma_wait3A_151, %dma_wait3A_152, %dma_wait3A_153, %dma_wait3A_162, %dma_wait3A_163] : memref<200x8x8x8x128xf32, #tpu.memory_space<hbm>> -> memref<1x1x1x8x128xf32, #tpu.memory_space<hbm>>
    %dma_wait3A_165 = tpu.memref_squeeze %dma_wait3A_164 : memref<1x1x1x8x128xf32, #tpu.memory_space<hbm>> -> memref<8x128xf32, #tpu.memory_space<hbm>>
    %dma_wait3A_166 = arith.constant 0 : i32
    %dma_wait3A_167 = arith.constant 0 : i32
    %dma_wait3A_168 = tpu.memref_slice %arg10[%dma_wait3A_150, %dma_wait3A_166, %dma_wait3A_167] : memref<8x8x128xf32, #tpu.memory_space<vmem>> -> memref<1x8x128xf32, #tpu.memory_space<vmem>>
    %dma_wait3A_169 = tpu.memref_squeeze %dma_wait3A_168 : memref<1x8x128xf32, #tpu.memory_space<vmem>> -> memref<8x128xf32, #tpu.memory_space<vmem>>
    tpu.wait_dma2 semaphore(%arg17 : memref<!tpu.dma_semaphore, #tpu.memory_space<semaphore_mem>>) src(%dma_wait3A_169 : memref<8x128xf32, #tpu.memory_space<vmem>>) dst(%dma_wait3A_165 : memref<8x128xf32, #tpu.memory_space<hbm>>)
    %dma_wait3A_170 = arith.constant 7 : i32
    %dma_wait3A_171 = arith.constant 0 : i32
    %dma_wait3A_172 = arith.constant 7 : i32
    %dma_wait3A_173 = arith.constant 0 : i32
    %dma_wait3A_174 = arith.constant 0 : i32
    %dma_wait3A_175 = arith.constant 0 : i32
    %dma_wait3A_176 = tpu.memref_slice %arg10[%dma_wait3A_170, %dma_wait3A_174, %dma_wait3A_175] : memref<8x8x128xf32, #tpu.memory_space<vmem>> -> memref<1x8x128xf32, #tpu.memory_space<vmem>>
    %dma_wait3A_177 = tpu.memref_squeeze %dma_wait3A_176 : memref<1x8x128xf32, #tpu.memory_space<vmem>> -> memref<8x128xf32, #tpu.memory_space<vmem>>
    %dma_wait3A_178 = arith.constant 0 : i32
    %dma_wait3A_179 = arith.constant 0 : i32
    %dma_wait3A_180 = tpu.memref_slice %arg5[%dma_wait3A_171, %dma_wait3A_172, %dma_wait3A_173, %dma_wait3A_178, %dma_wait3A_179] : memref<200x8x8x8x128xf32, #tpu.memory_space<hbm>> -> memref<1x1x1x8x128xf32, #tpu.memory_space<hbm>>
    %dma_wait3A_181 = tpu.memref_squeeze %dma_wait3A_180 : memref<1x1x1x8x128xf32, #tpu.memory_space<hbm>> -> memref<8x128xf32, #tpu.memory_space<hbm>>
    %dma_wait3A_182 = arith.constant 0 : i32
    %dma_wait3A_183 = arith.constant 0 : i32
    %dma_wait3A_184 = tpu.memref_slice %arg5[%dma_wait3A_171, %dma_wait3A_172, %dma_wait3A_173, %dma_wait3A_182, %dma_wait3A_183] : memref<200x8x8x8x128xf32, #tpu.memory_space<hbm>> -> memref<1x1x1x8x128xf32, #tpu.memory_space<hbm>>
    %dma_wait3A_185 = tpu.memref_squeeze %dma_wait3A_184 : memref<1x1x1x8x128xf32, #tpu.memory_space<hbm>> -> memref<8x128xf32, #tpu.memory_space<hbm>>
    %dma_wait3A_186 = arith.constant 0 : i32
    %dma_wait3A_187 = arith.constant 0 : i32
    %dma_wait3A_188 = tpu.memref_slice %arg10[%dma_wait3A_170, %dma_wait3A_186, %dma_wait3A_187] : memref<8x8x128xf32, #tpu.memory_space<vmem>> -> memref<1x8x128xf32, #tpu.memory_space<vmem>>
    %dma_wait3A_189 = tpu.memref_squeeze %dma_wait3A_188 : memref<1x8x128xf32, #tpu.memory_space<vmem>> -> memref<8x128xf32, #tpu.memory_space<vmem>>
    tpu.wait_dma2 semaphore(%arg17 : memref<!tpu.dma_semaphore, #tpu.memory_space<semaphore_mem>>) src(%dma_wait3A_189 : memref<8x128xf32, #tpu.memory_space<vmem>>) dst(%dma_wait3A_185 : memref<8x128xf32, #tpu.memory_space<hbm>>)
    %dma_wait3A_190 = arith.constant 0 : i32
    %dma_wait3A_191 = arith.constant 0 : i32
    %dma_wait3A_192 = arith.constant 0 : i32
    %dma_wait3A_193 = arith.constant 0 : i32
    %dma_wait3A_194 = arith.constant 0 : i32
    %dma_wait3A_195 = arith.constant 0 : i32
    %dma_wait3A_196 = tpu.memref_slice %arg11[%dma_wait3A_190, %dma_wait3A_194, %dma_wait3A_195] : memref<8x8x128xf32, #tpu.memory_space<vmem>> -> memref<1x8x128xf32, #tpu.memory_space<vmem>>
    %dma_wait3A_197 = tpu.memref_squeeze %dma_wait3A_196 : memref<1x8x128xf32, #tpu.memory_space<vmem>> -> memref<8x128xf32, #tpu.memory_space<vmem>>
    %dma_wait3A_198 = arith.constant 0 : i32
    %dma_wait3A_199 = arith.constant 0 : i32
    %dma_wait3A_200 = tpu.memref_slice %arg5[%dma_wait3A_191, %dma_wait3A_192, %dma_wait3A_193, %dma_wait3A_198, %dma_wait3A_199] : memref<200x8x8x8x128xf32, #tpu.memory_space<hbm>> -> memref<1x1x1x8x128xf32, #tpu.memory_space<hbm>>
    %dma_wait3A_201 = tpu.memref_squeeze %dma_wait3A_200 : memref<1x1x1x8x128xf32, #tpu.memory_space<hbm>> -> memref<8x128xf32, #tpu.memory_space<hbm>>
    %dma_wait3A_202 = arith.constant 0 : i32
    %dma_wait3A_203 = arith.constant 0 : i32
    %dma_wait3A_204 = tpu.memref_slice %arg5[%dma_wait3A_191, %dma_wait3A_192, %dma_wait3A_193, %dma_wait3A_202, %dma_wait3A_203] : memref<200x8x8x8x128xf32, #tpu.memory_space<hbm>> -> memref<1x1x1x8x128xf32, #tpu.memory_space<hbm>>
    %dma_wait3A_205 = tpu.memref_squeeze %dma_wait3A_204 : memref<1x1x1x8x128xf32, #tpu.memory_space<hbm>> -> memref<8x128xf32, #tpu.memory_space<hbm>>
    %dma_wait3A_206 = arith.constant 0 : i32
    %dma_wait3A_207 = arith.constant 0 : i32
    %dma_wait3A_208 = tpu.memref_slice %arg11[%dma_wait3A_190, %dma_wait3A_206, %dma_wait3A_207] : memref<8x8x128xf32, #tpu.memory_space<vmem>> -> memref<1x8x128xf32, #tpu.memory_space<vmem>>
    %dma_wait3A_209 = tpu.memref_squeeze %dma_wait3A_208 : memref<1x8x128xf32, #tpu.memory_space<vmem>> -> memref<8x128xf32, #tpu.memory_space<vmem>>
    tpu.wait_dma2 semaphore(%arg18 : memref<!tpu.dma_semaphore, #tpu.memory_space<semaphore_mem>>) src(%dma_wait3A_209 : memref<8x128xf32, #tpu.memory_space<vmem>>) dst(%dma_wait3A_205 : memref<8x128xf32, #tpu.memory_space<hbm>>)
    %dma_wait3A_210 = arith.constant 1 : i32
    %dma_wait3A_211 = arith.constant 0 : i32
    %dma_wait3A_212 = arith.constant 1 : i32
    %dma_wait3A_213 = arith.constant 0 : i32
    %dma_wait3A_214 = arith.constant 0 : i32
    %dma_wait3A_215 = arith.constant 0 : i32
    %dma_wait3A_216 = tpu.memref_slice %arg11[%dma_wait3A_210, %dma_wait3A_214, %dma_wait3A_215] : memref<8x8x128xf32, #tpu.memory_space<vmem>> -> memref<1x8x128xf32, #tpu.memory_space<vmem>>
    %dma_wait3A_217 = tpu.memref_squeeze %dma_wait3A_216 : memref<1x8x128xf32, #tpu.memory_space<vmem>> -> memref<8x128xf32, #tpu.memory_space<vmem>>
    %dma_wait3A_218 = arith.constant 0 : i32
    %dma_wait3A_219 = arith.constant 0 : i32
    %dma_wait3A_220 = tpu.memref_slice %arg5[%dma_wait3A_211, %dma_wait3A_212, %dma_wait3A_213, %dma_wait3A_218, %dma_wait3A_219] : memref<200x8x8x8x128xf32, #tpu.memory_space<hbm>> -> memref<1x1x1x8x128xf32, #tpu.memory_space<hbm>>
    %dma_wait3A_221 = tpu.memref_squeeze %dma_wait3A_220 : memref<1x1x1x8x128xf32, #tpu.memory_space<hbm>> -> memref<8x128xf32, #tpu.memory_space<hbm>>
    %dma_wait3A_222 = arith.constant 0 : i32
    %dma_wait3A_223 = arith.constant 0 : i32
    %dma_wait3A_224 = tpu.memref_slice %arg5[%dma_wait3A_211, %dma_wait3A_212, %dma_wait3A_213, %dma_wait3A_222, %dma_wait3A_223] : memref<200x8x8x8x128xf32, #tpu.memory_space<hbm>> -> memref<1x1x1x8x128xf32, #tpu.memory_space<hbm>>
    %dma_wait3A_225 = tpu.memref_squeeze %dma_wait3A_224 : memref<1x1x1x8x128xf32, #tpu.memory_space<hbm>> -> memref<8x128xf32, #tpu.memory_space<hbm>>
    %dma_wait3A_226 = arith.constant 0 : i32
    %dma_wait3A_227 = arith.constant 0 : i32
    %dma_wait3A_228 = tpu.memref_slice %arg11[%dma_wait3A_210, %dma_wait3A_226, %dma_wait3A_227] : memref<8x8x128xf32, #tpu.memory_space<vmem>> -> memref<1x8x128xf32, #tpu.memory_space<vmem>>
    %dma_wait3A_229 = tpu.memref_squeeze %dma_wait3A_228 : memref<1x8x128xf32, #tpu.memory_space<vmem>> -> memref<8x128xf32, #tpu.memory_space<vmem>>
    tpu.wait_dma2 semaphore(%arg18 : memref<!tpu.dma_semaphore, #tpu.memory_space<semaphore_mem>>) src(%dma_wait3A_229 : memref<8x128xf32, #tpu.memory_space<vmem>>) dst(%dma_wait3A_225 : memref<8x128xf32, #tpu.memory_space<hbm>>)
    %dma_wait3A_230 = arith.constant 2 : i32
    %dma_wait3A_231 = arith.constant 0 : i32
    %dma_wait3A_232 = arith.constant 2 : i32
    %dma_wait3A_233 = arith.constant 0 : i32
    %dma_wait3A_234 = arith.constant 0 : i32
    %dma_wait3A_235 = arith.constant 0 : i32
    %dma_wait3A_236 = tpu.memref_slice %arg11[%dma_wait3A_230, %dma_wait3A_234, %dma_wait3A_235] : memref<8x8x128xf32, #tpu.memory_space<vmem>> -> memref<1x8x128xf32, #tpu.memory_space<vmem>>
    %dma_wait3A_237 = tpu.memref_squeeze %dma_wait3A_236 : memref<1x8x128xf32, #tpu.memory_space<vmem>> -> memref<8x128xf32, #tpu.memory_space<vmem>>
    %dma_wait3A_238 = arith.constant 0 : i32
    %dma_wait3A_239 = arith.constant 0 : i32
    %dma_wait3A_240 = tpu.memref_slice %arg5[%dma_wait3A_231, %dma_wait3A_232, %dma_wait3A_233, %dma_wait3A_238, %dma_wait3A_239] : memref<200x8x8x8x128xf32, #tpu.memory_space<hbm>> -> memref<1x1x1x8x128xf32, #tpu.memory_space<hbm>>
    %dma_wait3A_241 = tpu.memref_squeeze %dma_wait3A_240 : memref<1x1x1x8x128xf32, #tpu.memory_space<hbm>> -> memref<8x128xf32, #tpu.memory_space<hbm>>
    %dma_wait3A_242 = arith.constant 0 : i32
    %dma_wait3A_243 = arith.constant 0 : i32
    %dma_wait3A_244 = tpu.memref_slice %arg5[%dma_wait3A_231, %dma_wait3A_232, %dma_wait3A_233, %dma_wait3A_242, %dma_wait3A_243] : memref<200x8x8x8x128xf32, #tpu.memory_space<hbm>> -> memref<1x1x1x8x128xf32, #tpu.memory_space<hbm>>
    %dma_wait3A_245 = tpu.memref_squeeze %dma_wait3A_244 : memref<1x1x1x8x128xf32, #tpu.memory_space<hbm>> -> memref<8x128xf32, #tpu.memory_space<hbm>>
    %dma_wait3A_246 = arith.constant 0 : i32
    %dma_wait3A_247 = arith.constant 0 : i32
    %dma_wait3A_248 = tpu.memref_slice %arg11[%dma_wait3A_230, %dma_wait3A_246, %dma_wait3A_247] : memref<8x8x128xf32, #tpu.memory_space<vmem>> -> memref<1x8x128xf32, #tpu.memory_space<vmem>>
    %dma_wait3A_249 = tpu.memref_squeeze %dma_wait3A_248 : memref<1x8x128xf32, #tpu.memory_space<vmem>> -> memref<8x128xf32, #tpu.memory_space<vmem>>
    tpu.wait_dma2 semaphore(%arg18 : memref<!tpu.dma_semaphore, #tpu.memory_space<semaphore_mem>>) src(%dma_wait3A_249 : memref<8x128xf32, #tpu.memory_space<vmem>>) dst(%dma_wait3A_245 : memref<8x128xf32, #tpu.memory_space<hbm>>)
    %dma_wait3A_250 = arith.constant 3 : i32
    %dma_wait3A_251 = arith.constant 0 : i32
    %dma_wait3A_252 = arith.constant 3 : i32
    %dma_wait3A_253 = arith.constant 0 : i32
    %dma_wait3A_254 = arith.constant 0 : i32
    %dma_wait3A_255 = arith.constant 0 : i32
    %dma_wait3A_256 = tpu.memref_slice %arg11[%dma_wait3A_250, %dma_wait3A_254, %dma_wait3A_255] : memref<8x8x128xf32, #tpu.memory_space<vmem>> -> memref<1x8x128xf32, #tpu.memory_space<vmem>>
    %dma_wait3A_257 = tpu.memref_squeeze %dma_wait3A_256 : memref<1x8x128xf32, #tpu.memory_space<vmem>> -> memref<8x128xf32, #tpu.memory_space<vmem>>
    %dma_wait3A_258 = arith.constant 0 : i32
    %dma_wait3A_259 = arith.constant 0 : i32
    %dma_wait3A_260 = tpu.memref_slice %arg5[%dma_wait3A_251, %dma_wait3A_252, %dma_wait3A_253, %dma_wait3A_258, %dma_wait3A_259] : memref<200x8x8x8x128xf32, #tpu.memory_space<hbm>> -> memref<1x1x1x8x128xf32, #tpu.memory_space<hbm>>
    %dma_wait3A_261 = tpu.memref_squeeze %dma_wait3A_260 : memref<1x1x1x8x128xf32, #tpu.memory_space<hbm>> -> memref<8x128xf32, #tpu.memory_space<hbm>>
    %dma_wait3A_262 = arith.constant 0 : i32
    %dma_wait3A_263 = arith.constant 0 : i32
    %dma_wait3A_264 = tpu.memref_slice %arg5[%dma_wait3A_251, %dma_wait3A_252, %dma_wait3A_253, %dma_wait3A_262, %dma_wait3A_263] : memref<200x8x8x8x128xf32, #tpu.memory_space<hbm>> -> memref<1x1x1x8x128xf32, #tpu.memory_space<hbm>>
    %dma_wait3A_265 = tpu.memref_squeeze %dma_wait3A_264 : memref<1x1x1x8x128xf32, #tpu.memory_space<hbm>> -> memref<8x128xf32, #tpu.memory_space<hbm>>
    %dma_wait3A_266 = arith.constant 0 : i32
    %dma_wait3A_267 = arith.constant 0 : i32
    %dma_wait3A_268 = tpu.memref_slice %arg11[%dma_wait3A_250, %dma_wait3A_266, %dma_wait3A_267] : memref<8x8x128xf32, #tpu.memory_space<vmem>> -> memref<1x8x128xf32, #tpu.memory_space<vmem>>
    %dma_wait3A_269 = tpu.memref_squeeze %dma_wait3A_268 : memref<1x8x128xf32, #tpu.memory_space<vmem>> -> memref<8x128xf32, #tpu.memory_space<vmem>>
    tpu.wait_dma2 semaphore(%arg18 : memref<!tpu.dma_semaphore, #tpu.memory_space<semaphore_mem>>) src(%dma_wait3A_269 : memref<8x128xf32, #tpu.memory_space<vmem>>) dst(%dma_wait3A_265 : memref<8x128xf32, #tpu.memory_space<hbm>>)
    %dma_wait3A_270 = arith.constant 4 : i32
    %dma_wait3A_271 = arith.constant 0 : i32
    %dma_wait3A_272 = arith.constant 4 : i32
    %dma_wait3A_273 = arith.constant 0 : i32
    %dma_wait3A_274 = arith.constant 0 : i32
    %dma_wait3A_275 = arith.constant 0 : i32
    %dma_wait3A_276 = tpu.memref_slice %arg11[%dma_wait3A_270, %dma_wait3A_274, %dma_wait3A_275] : memref<8x8x128xf32, #tpu.memory_space<vmem>> -> memref<1x8x128xf32, #tpu.memory_space<vmem>>
    %dma_wait3A_277 = tpu.memref_squeeze %dma_wait3A_276 : memref<1x8x128xf32, #tpu.memory_space<vmem>> -> memref<8x128xf32, #tpu.memory_space<vmem>>
    %dma_wait3A_278 = arith.constant 0 : i32
    %dma_wait3A_279 = arith.constant 0 : i32
    %dma_wait3A_280 = tpu.memref_slice %arg5[%dma_wait3A_271, %dma_wait3A_272, %dma_wait3A_273, %dma_wait3A_278, %dma_wait3A_279] : memref<200x8x8x8x128xf32, #tpu.memory_space<hbm>> -> memref<1x1x1x8x128xf32, #tpu.memory_space<hbm>>
    %dma_wait3A_281 = tpu.memref_squeeze %dma_wait3A_280 : memref<1x1x1x8x128xf32, #tpu.memory_space<hbm>> -> memref<8x128xf32, #tpu.memory_space<hbm>>
    %dma_wait3A_282 = arith.constant 0 : i32
    %dma_wait3A_283 = arith.constant 0 : i32
    %dma_wait3A_284 = tpu.memref_slice %arg5[%dma_wait3A_271, %dma_wait3A_272, %dma_wait3A_273, %dma_wait3A_282, %dma_wait3A_283] : memref<200x8x8x8x128xf32, #tpu.memory_space<hbm>> -> memref<1x1x1x8x128xf32, #tpu.memory_space<hbm>>
    %dma_wait3A_285 = tpu.memref_squeeze %dma_wait3A_284 : memref<1x1x1x8x128xf32, #tpu.memory_space<hbm>> -> memref<8x128xf32, #tpu.memory_space<hbm>>
    %dma_wait3A_286 = arith.constant 0 : i32
    %dma_wait3A_287 = arith.constant 0 : i32
    %dma_wait3A_288 = tpu.memref_slice %arg11[%dma_wait3A_270, %dma_wait3A_286, %dma_wait3A_287] : memref<8x8x128xf32, #tpu.memory_space<vmem>> -> memref<1x8x128xf32, #tpu.memory_space<vmem>>
    %dma_wait3A_289 = tpu.memref_squeeze %dma_wait3A_288 : memref<1x8x128xf32, #tpu.memory_space<vmem>> -> memref<8x128xf32, #tpu.memory_space<vmem>>
    tpu.wait_dma2 semaphore(%arg18 : memref<!tpu.dma_semaphore, #tpu.memory_space<semaphore_mem>>) src(%dma_wait3A_289 : memref<8x128xf32, #tpu.memory_space<vmem>>) dst(%dma_wait3A_285 : memref<8x128xf32, #tpu.memory_space<hbm>>)
    %dma_wait3A_290 = arith.constant 5 : i32
    %dma_wait3A_291 = arith.constant 0 : i32
    %dma_wait3A_292 = arith.constant 5 : i32
    %dma_wait3A_293 = arith.constant 0 : i32
    %dma_wait3A_294 = arith.constant 0 : i32
    %dma_wait3A_295 = arith.constant 0 : i32
    %dma_wait3A_296 = tpu.memref_slice %arg11[%dma_wait3A_290, %dma_wait3A_294, %dma_wait3A_295] : memref<8x8x128xf32, #tpu.memory_space<vmem>> -> memref<1x8x128xf32, #tpu.memory_space<vmem>>
    %dma_wait3A_297 = tpu.memref_squeeze %dma_wait3A_296 : memref<1x8x128xf32, #tpu.memory_space<vmem>> -> memref<8x128xf32, #tpu.memory_space<vmem>>
    %dma_wait3A_298 = arith.constant 0 : i32
    %dma_wait3A_299 = arith.constant 0 : i32
    %dma_wait3A_300 = tpu.memref_slice %arg5[%dma_wait3A_291, %dma_wait3A_292, %dma_wait3A_293, %dma_wait3A_298, %dma_wait3A_299] : memref<200x8x8x8x128xf32, #tpu.memory_space<hbm>> -> memref<1x1x1x8x128xf32, #tpu.memory_space<hbm>>
    %dma_wait3A_301 = tpu.memref_squeeze %dma_wait3A_300 : memref<1x1x1x8x128xf32, #tpu.memory_space<hbm>> -> memref<8x128xf32, #tpu.memory_space<hbm>>
    %dma_wait3A_302 = arith.constant 0 : i32
    %dma_wait3A_303 = arith.constant 0 : i32
    %dma_wait3A_304 = tpu.memref_slice %arg5[%dma_wait3A_291, %dma_wait3A_292, %dma_wait3A_293, %dma_wait3A_302, %dma_wait3A_303] : memref<200x8x8x8x128xf32, #tpu.memory_space<hbm>> -> memref<1x1x1x8x128xf32, #tpu.memory_space<hbm>>
    %dma_wait3A_305 = tpu.memref_squeeze %dma_wait3A_304 : memref<1x1x1x8x128xf32, #tpu.memory_space<hbm>> -> memref<8x128xf32, #tpu.memory_space<hbm>>
    %dma_wait3A_306 = arith.constant 0 : i32
    %dma_wait3A_307 = arith.constant 0 : i32
    %dma_wait3A_308 = tpu.memref_slice %arg11[%dma_wait3A_290, %dma_wait3A_306, %dma_wait3A_307] : memref<8x8x128xf32, #tpu.memory_space<vmem>> -> memref<1x8x128xf32, #tpu.memory_space<vmem>>
    %dma_wait3A_309 = tpu.memref_squeeze %dma_wait3A_308 : memref<1x8x128xf32, #tpu.memory_space<vmem>> -> memref<8x128xf32, #tpu.memory_space<vmem>>
    tpu.wait_dma2 semaphore(%arg18 : memref<!tpu.dma_semaphore, #tpu.memory_space<semaphore_mem>>) src(%dma_wait3A_309 : memref<8x128xf32, #tpu.memory_space<vmem>>) dst(%dma_wait3A_305 : memref<8x128xf32, #tpu.memory_space<hbm>>)
    %dma_wait3A_310 = arith.constant 6 : i32
    %dma_wait3A_311 = arith.constant 0 : i32
    %dma_wait3A_312 = arith.constant 6 : i32
    %dma_wait3A_313 = arith.constant 0 : i32
    %dma_wait3A_314 = arith.constant 0 : i32
    %dma_wait3A_315 = arith.constant 0 : i32
    %dma_wait3A_316 = tpu.memref_slice %arg11[%dma_wait3A_310, %dma_wait3A_314, %dma_wait3A_315] : memref<8x8x128xf32, #tpu.memory_space<vmem>> -> memref<1x8x128xf32, #tpu.memory_space<vmem>>
    %dma_wait3A_317 = tpu.memref_squeeze %dma_wait3A_316 : memref<1x8x128xf32, #tpu.memory_space<vmem>> -> memref<8x128xf32, #tpu.memory_space<vmem>>
    %dma_wait3A_318 = arith.constant 0 : i32
    %dma_wait3A_319 = arith.constant 0 : i32
    %dma_wait3A_320 = tpu.memref_slice %arg5[%dma_wait3A_311, %dma_wait3A_312, %dma_wait3A_313, %dma_wait3A_318, %dma_wait3A_319] : memref<200x8x8x8x128xf32, #tpu.memory_space<hbm>> -> memref<1x1x1x8x128xf32, #tpu.memory_space<hbm>>
    %dma_wait3A_321 = tpu.memref_squeeze %dma_wait3A_320 : memref<1x1x1x8x128xf32, #tpu.memory_space<hbm>> -> memref<8x128xf32, #tpu.memory_space<hbm>>
    %dma_wait3A_322 = arith.constant 0 : i32
    %dma_wait3A_323 = arith.constant 0 : i32
    %dma_wait3A_324 = tpu.memref_slice %arg5[%dma_wait3A_311, %dma_wait3A_312, %dma_wait3A_313, %dma_wait3A_322, %dma_wait3A_323] : memref<200x8x8x8x128xf32, #tpu.memory_space<hbm>> -> memref<1x1x1x8x128xf32, #tpu.memory_space<hbm>>
    %dma_wait3A_325 = tpu.memref_squeeze %dma_wait3A_324 : memref<1x1x1x8x128xf32, #tpu.memory_space<hbm>> -> memref<8x128xf32, #tpu.memory_space<hbm>>
    %dma_wait3A_326 = arith.constant 0 : i32
    %dma_wait3A_327 = arith.constant 0 : i32
    %dma_wait3A_328 = tpu.memref_slice %arg11[%dma_wait3A_310, %dma_wait3A_326, %dma_wait3A_327] : memref<8x8x128xf32, #tpu.memory_space<vmem>> -> memref<1x8x128xf32, #tpu.memory_space<vmem>>
    %dma_wait3A_329 = tpu.memref_squeeze %dma_wait3A_328 : memref<1x8x128xf32, #tpu.memory_space<vmem>> -> memref<8x128xf32, #tpu.memory_space<vmem>>
    tpu.wait_dma2 semaphore(%arg18 : memref<!tpu.dma_semaphore, #tpu.memory_space<semaphore_mem>>) src(%dma_wait3A_329 : memref<8x128xf32, #tpu.memory_space<vmem>>) dst(%dma_wait3A_325 : memref<8x128xf32, #tpu.memory_space<hbm>>)
    %dma_wait3A_330 = arith.constant 7 : i32
    %dma_wait3A_331 = arith.constant 0 : i32
    %dma_wait3A_332 = arith.constant 7 : i32
    %dma_wait3A_333 = arith.constant 0 : i32
    %dma_wait3A_334 = arith.constant 0 : i32
    %dma_wait3A_335 = arith.constant 0 : i32
    %dma_wait3A_336 = tpu.memref_slice %arg11[%dma_wait3A_330, %dma_wait3A_334, %dma_wait3A_335] : memref<8x8x128xf32, #tpu.memory_space<vmem>> -> memref<1x8x128xf32, #tpu.memory_space<vmem>>
    %dma_wait3A_337 = tpu.memref_squeeze %dma_wait3A_336 : memref<1x8x128xf32, #tpu.memory_space<vmem>> -> memref<8x128xf32, #tpu.memory_space<vmem>>
    %dma_wait3A_338 = arith.constant 0 : i32
    %dma_wait3A_339 = arith.constant 0 : i32
    %dma_wait3A_340 = tpu.memref_slice %arg5[%dma_wait3A_331, %dma_wait3A_332, %dma_wait3A_333, %dma_wait3A_338, %dma_wait3A_339] : memref<200x8x8x8x128xf32, #tpu.memory_space<hbm>> -> memref<1x1x1x8x128xf32, #tpu.memory_space<hbm>>
    %dma_wait3A_341 = tpu.memref_squeeze %dma_wait3A_340 : memref<1x1x1x8x128xf32, #tpu.memory_space<hbm>> -> memref<8x128xf32, #tpu.memory_space<hbm>>
    %dma_wait3A_342 = arith.constant 0 : i32
    %dma_wait3A_343 = arith.constant 0 : i32
    %dma_wait3A_344 = tpu.memref_slice %arg5[%dma_wait3A_331, %dma_wait3A_332, %dma_wait3A_333, %dma_wait3A_342, %dma_wait3A_343] : memref<200x8x8x8x128xf32, #tpu.memory_space<hbm>> -> memref<1x1x1x8x128xf32, #tpu.memory_space<hbm>>
    %dma_wait3A_345 = tpu.memref_squeeze %dma_wait3A_344 : memref<1x1x1x8x128xf32, #tpu.memory_space<hbm>> -> memref<8x128xf32, #tpu.memory_space<hbm>>
    %dma_wait3A_346 = arith.constant 0 : i32
    %dma_wait3A_347 = arith.constant 0 : i32
    %dma_wait3A_348 = tpu.memref_slice %arg11[%dma_wait3A_330, %dma_wait3A_346, %dma_wait3A_347] : memref<8x8x128xf32, #tpu.memory_space<vmem>> -> memref<1x8x128xf32, #tpu.memory_space<vmem>>
    %dma_wait3A_349 = tpu.memref_squeeze %dma_wait3A_348 : memref<1x8x128xf32, #tpu.memory_space<vmem>> -> memref<8x128xf32, #tpu.memory_space<vmem>>
    tpu.wait_dma2 semaphore(%arg18 : memref<!tpu.dma_semaphore, #tpu.memory_space<semaphore_mem>>) src(%dma_wait3A_349 : memref<8x128xf32, #tpu.memory_space<vmem>>) dst(%dma_wait3A_345 : memref<8x128xf32, #tpu.memory_space<hbm>>)
    return
  }
}

#map = affine_map<(d0, d1) -> (0, 0)>
#map1 = affine_map<(d0, d1) -> (0)>
module attributes {stable_mosaic.version = 14 : i64} {
  func.func @_phase_a_body(%arg0: i32, %arg1: i32, %arg2: memref<64x1000000xf32, #tpu.memory_space<hbm>>, %arg3: memref<4096xf32, #tpu.memory_space<hbm>>, %arg4: memref<64000000xf32, #tpu.memory_space<hbm>>, %arg5: memref<64x128xf32, #tpu.memory_space<vmem>>, %arg6: memref<64x128xf32, #tpu.memory_space<vmem>>, %arg7: memref<64x128xf32, #tpu.memory_space<vmem>>, %arg8: memref<8192xf32, #tpu.memory_space<vmem>>, %arg9: memref<8192xf32, #tpu.memory_space<vmem>>, %arg10: memref<8192xf32, #tpu.memory_space<vmem>>, %arg11: memref<!tpu.dma_semaphore, #tpu.memory_space<semaphore_mem>>, %arg12: memref<!tpu.dma_semaphore, #tpu.memory_space<semaphore_mem>>, %arg13: memref<!tpu.dma_semaphore, #tpu.memory_space<semaphore_mem>>, %arg14: memref<!tpu.dma_semaphore, #tpu.memory_space<semaphore_mem>>, %arg15: memref<!tpu.dma_semaphore, #tpu.memory_space<semaphore_mem>>, %arg16: memref<!tpu.dma_semaphore, #tpu.memory_space<semaphore_mem>>) attributes {dimension_semantics = [#tpu.dimension_semantics<core_parallel>, #tpu.dimension_semantics<subcore_parallel>], iteration_bounds = array<i64: 2, 16>, scalar_prefetch = 0 : i64, scratch_operands = 12 : i64, tpu.core_type = #tpu.core_type<sc_vector_subcore>, window_params = [{transform_indices = #map}, {transform_indices = #map1}, {transform_indices = #map1}]} {
    %mul3A = arith.constant 2 : i32
    %mul3A_0 = arith.muli %arg1, %mul3A : i32
    %add3A = arith.addi %mul3A_0, %arg0 : i32
    %mul3A_1 = arith.constant 244 : i32
    %mul3A_2 = arith.muli %add3A, %mul3A_1 : i32
    %min3A = arith.constant 4 : i32
    %min3A_3 = arith.minsi %add3A, %min3A : i32
    %add3A_4 = arith.addi %mul3A_2, %min3A_3 : i32
    %lt3A = arith.constant 4 : i32
    %lt3A_5 = arith.cmpi slt, %add3A, %lt3A : i32
    %jit3A = arith.constant 1 : i32
    %jit3A_6 = arith.constant 0 : i32
    %select_n3A = arith.select %lt3A_5, %jit3A, %jit3A_6 : i32
    %add3A_7 = arith.constant 244 : i32
    %add3A_8 = arith.addi %add3A_7, %select_n3A : i32
    %mul3A_9 = arith.constant 128 : i32
    %mul3A_10 = arith.muli %add3A_4, %mul3A_9 : i32
    %dma_start3A = arith.constant 0 : i32
    %dma_start3A_11 = tpu.memref_slice %arg2[%dma_start3A, %mul3A_10] : memref<64x1000000xf32, #tpu.memory_space<hbm>> -> memref<64x128xf32, #tpu.memory_space<hbm>>
    %dma_start3A_12 = arith.constant 0 : i32
    %dma_start3A_13 = tpu.memref_slice %arg2[%dma_start3A_12, %mul3A_10] : memref<64x1000000xf32, #tpu.memory_space<hbm>> -> memref<64x128xf32, #tpu.memory_space<hbm>>
    tpu.enqueue_dma source(%dma_start3A_13 : memref<64x128xf32, #tpu.memory_space<hbm>>) target(%arg5 : memref<64x128xf32, #tpu.memory_space<vmem>>) target_semaphore(%arg11 : memref<!tpu.dma_semaphore, #tpu.memory_space<semaphore_mem>>)
    %scan3A = arith.constant 0 : i32
    %scan3A_14 = arith.constant 0 : i32
    %scan3A_15 = arith.constant 82 : i32
    %scan3A_16 = arith.addi %scan3A_14, %scan3A_15 : i32
    %scan3A_17 = arith.constant 1 : i32
    scf.for %scan3A_32 = %scan3A_14 to %scan3A_16 step %scan3A_17  : i32 {
      %mul3A_33 = arith.constant 3 : i32
      %mul3A_34 = arith.muli %scan3A_32, %mul3A_33 : i32
      %add3A_35 = arith.constant 0 : i32
      %add3A_36 = arith.addi %mul3A_34, %add3A_35 : i32
      %lt3A_37 = arith.cmpi slt, %add3A_36, %add3A_8 : i32
      %convert_element_type3A_38 = arith.extui %lt3A_37 : i1 to i32
      %cond3A_39 = arith.constant 0 : i32
      %cond3A_40 = arith.cmpi ne, %convert_element_type3A_38, %cond3A_39 : i32
      scf.if %cond3A_40 {
        %add3A_57 = arith.constant 1 : i32
        %add3A_58 = arith.addi %add3A_36, %add3A_57 : i32
        %lt3A_59 = arith.cmpi slt, %add3A_58, %add3A_8 : i32
        %convert_element_type3A_60 = arith.extui %lt3A_59 : i1 to i32
        %cond3A_61 = arith.constant 0 : i32
        %cond3A_62 = arith.cmpi ne, %convert_element_type3A_60, %cond3A_61 : i32
        scf.if %cond3A_62 {
          %add3A_133 = arith.constant 1 : i32
          %add3A_134 = arith.addi %add3A_36, %add3A_133 : i32
          %ge3A = arith.constant 3 : i32
          %ge3A_135 = arith.cmpi sge, %add3A_134, %ge3A : i32
          %convert_element_type3A_136 = arith.extui %ge3A_135 : i1 to i32
          %cond3A_137 = arith.constant 0 : i32
          %cond3A_138 = arith.cmpi ne, %convert_element_type3A_136, %cond3A_137 : i32
          scf.if %cond3A_138 {
            %dma_wait3A_148 = arith.constant 0 : i32
            %dma_wait3A_149 = tpu.memref_slice %arg4[%dma_wait3A_148] : memref<64000000xf32, #tpu.memory_space<hbm>> -> memref<8192xf32, #tpu.memory_space<hbm>>
            %dma_wait3A_150 = arith.constant 0 : i32
            %dma_wait3A_151 = tpu.memref_slice %arg4[%dma_wait3A_150] : memref<64000000xf32, #tpu.memory_space<hbm>> -> memref<8192xf32, #tpu.memory_space<hbm>>
            tpu.wait_dma2 semaphore(%arg15 : memref<!tpu.dma_semaphore, #tpu.memory_space<semaphore_mem>>) src(%arg9 : memref<8192xf32, #tpu.memory_space<vmem>>) dst(%dma_wait3A_151 : memref<8192xf32, #tpu.memory_space<hbm>>)
          } else {
          }
          %add3A_139 = arith.addi %add3A_4, %add3A_36 : i32
          %add3A_140 = arith.constant 1 : i32
          %add3A_141 = arith.addi %add3A_139, %add3A_140 : i32
          %mul3A_142 = arith.constant 128 : i32
          %mul3A_143 = arith.muli %add3A_141, %mul3A_142 : i32
          %dma_start3A_144 = arith.constant 0 : i32
          %dma_start3A_145 = tpu.memref_slice %arg2[%dma_start3A_144, %mul3A_143] : memref<64x1000000xf32, #tpu.memory_space<hbm>> -> memref<64x128xf32, #tpu.memory_space<hbm>>
          %dma_start3A_146 = arith.constant 0 : i32
          %dma_start3A_147 = tpu.memref_slice %arg2[%dma_start3A_146, %mul3A_143] : memref<64x1000000xf32, #tpu.memory_space<hbm>> -> memref<64x128xf32, #tpu.memory_space<hbm>>
          tpu.enqueue_dma source(%dma_start3A_147 : memref<64x128xf32, #tpu.memory_space<hbm>>) target(%arg6 : memref<64x128xf32, #tpu.memory_space<vmem>>) target_semaphore(%arg12 : memref<!tpu.dma_semaphore, #tpu.memory_space<semaphore_mem>>)
        } else {
        }
        %dma_wait3A_63 = arith.constant 0 : i32
        %dma_wait3A_64 = arith.constant 0 : i32
        %dma_wait3A_65 = tpu.memref_slice %arg2[%dma_wait3A_63, %dma_wait3A_64] : memref<64x1000000xf32, #tpu.memory_space<hbm>> -> memref<64x128xf32, #tpu.memory_space<hbm>>
        %dma_wait3A_66 = arith.constant 0 : i32
        %dma_wait3A_67 = arith.constant 0 : i32
        %dma_wait3A_68 = tpu.memref_slice %arg2[%dma_wait3A_66, %dma_wait3A_67] : memref<64x1000000xf32, #tpu.memory_space<hbm>> -> memref<64x128xf32, #tpu.memory_space<hbm>>
        tpu.wait_dma2 semaphore(%arg11 : memref<!tpu.dma_semaphore, #tpu.memory_space<semaphore_mem>>) src(%dma_wait3A_68 : memref<64x128xf32, #tpu.memory_space<hbm>>) dst(%arg5 : memref<64x128xf32, #tpu.memory_space<vmem>>)
        %iota3A = tpu.iota {dimensions = array<i32: 0>} : vector<16xi32>
        %add3A_69 = arith.constant 0 : i32
        %add3A_70 = vector.broadcast %add3A_69 : i32 to vector<16xi32>
        %add3A_71 = arith.addi %iota3A, %add3A_70 : vector<16xi32>
        %iota3A_72 = tpu.iota {dimensions = array<i32: 0>} : vector<16xi32>
        %add3A_73 = arith.constant 16 : i32
        %add3A_74 = vector.broadcast %add3A_73 : i32 to vector<16xi32>
        %add3A_75 = arith.addi %iota3A_72, %add3A_74 : vector<16xi32>
        %iota3A_76 = tpu.iota {dimensions = array<i32: 0>} : vector<16xi32>
        %add3A_77 = arith.constant 32 : i32
        %add3A_78 = vector.broadcast %add3A_77 : i32 to vector<16xi32>
        %add3A_79 = arith.addi %iota3A_76, %add3A_78 : vector<16xi32>
        %iota3A_80 = tpu.iota {dimensions = array<i32: 0>} : vector<16xi32>
        %add3A_81 = arith.constant 48 : i32
        %add3A_82 = vector.broadcast %add3A_81 : i32 to vector<16xi32>
        %add3A_83 = arith.addi %iota3A_80, %add3A_82 : vector<16xi32>
        %iota3A_84 = tpu.iota {dimensions = array<i32: 0>} : vector<16xi32>
        %add3A_85 = arith.constant 64 : i32
        %add3A_86 = vector.broadcast %add3A_85 : i32 to vector<16xi32>
        %add3A_87 = arith.addi %iota3A_84, %add3A_86 : vector<16xi32>
        %iota3A_88 = tpu.iota {dimensions = array<i32: 0>} : vector<16xi32>
        %add3A_89 = arith.constant 80 : i32
        %add3A_90 = vector.broadcast %add3A_89 : i32 to vector<16xi32>
        %add3A_91 = arith.addi %iota3A_88, %add3A_90 : vector<16xi32>
        %iota3A_92 = tpu.iota {dimensions = array<i32: 0>} : vector<16xi32>
        %add3A_93 = arith.constant 96 : i32
        %add3A_94 = vector.broadcast %add3A_93 : i32 to vector<16xi32>
        %add3A_95 = arith.addi %iota3A_92, %add3A_94 : vector<16xi32>
        %iota3A_96 = tpu.iota {dimensions = array<i32: 0>} : vector<16xi32>
        %add3A_97 = arith.constant 112 : i32
        %add3A_98 = vector.broadcast %add3A_97 : i32 to vector<16xi32>
        %add3A_99 = arith.addi %iota3A_96, %add3A_98 : vector<16xi32>
        %mul3A_100 = arith.constant 64 : i32
        %mul3A_101 = vector.broadcast %mul3A_100 : i32 to vector<16xi32>
        %mul3A_102 = arith.muli %add3A_71, %mul3A_101 : vector<16xi32>
        %mul3A_103 = arith.constant 64 : i32
        %mul3A_104 = vector.broadcast %mul3A_103 : i32 to vector<16xi32>
        %mul3A_105 = arith.muli %add3A_75, %mul3A_104 : vector<16xi32>
        %mul3A_106 = arith.constant 64 : i32
        %mul3A_107 = vector.broadcast %mul3A_106 : i32 to vector<16xi32>
        %mul3A_108 = arith.muli %add3A_79, %mul3A_107 : vector<16xi32>
        %mul3A_109 = arith.constant 64 : i32
        %mul3A_110 = vector.broadcast %mul3A_109 : i32 to vector<16xi32>
        %mul3A_111 = arith.muli %add3A_83, %mul3A_110 : vector<16xi32>
        %mul3A_112 = arith.constant 64 : i32
        %mul3A_113 = vector.broadcast %mul3A_112 : i32 to vector<16xi32>
        %mul3A_114 = arith.muli %add3A_87, %mul3A_113 : vector<16xi32>
        %mul3A_115 = arith.constant 64 : i32
        %mul3A_116 = vector.broadcast %mul3A_115 : i32 to vector<16xi32>
        %mul3A_117 = arith.muli %add3A_91, %mul3A_116 : vector<16xi32>
        %mul3A_118 = arith.constant 64 : i32
        %mul3A_119 = vector.broadcast %mul3A_118 : i32 to vector<16xi32>
        %mul3A_120 = arith.muli %add3A_95, %mul3A_119 : vector<16xi32>
        %mul3A_121 = arith.constant 64 : i32
        %mul3A_122 = vector.broadcast %mul3A_121 : i32 to vector<16xi32>
        %mul3A_123 = arith.muli %add3A_99, %mul3A_122 : vector<16xi32>
        %parallel_loop3A = arith.constant 0 : i32
        %parallel_loop3A_124 = arith.constant 64 : i32
        %parallel_loop3A_125 = arith.constant 1 : i32
        scf.for %parallel_loop3A_133 = %parallel_loop3A to %parallel_loop3A_124 step %parallel_loop3A_125  : i32 {
          %parallel_loop3A_134 = vector.broadcast %parallel_loop3A_133 : i32 to vector<16xi32>
          %parallel_loop3A_135 = arith.index_cast %parallel_loop3A_133 : i32 to index
          %parallel_loop3A_136 = arith.constant 0 : index
          %parallel_loop3A_137 = tpu.vector_load %arg5[%parallel_loop3A_135, %parallel_loop3A_136] {strides = array<i32>} : memref<64x128xf32, #tpu.memory_space<vmem>>, vector<16xf32>,
          %parallel_loop3A_138 = arith.addi %parallel_loop3A_134, %add3A_71 : vector<16xi32>
          %parallel_loop3A_139 = arith.constant 63 : i32
          %parallel_loop3A_140 = vector.broadcast %parallel_loop3A_139 : i32 to vector<16xi32>
          %parallel_loop3A_141 = arith.andi %parallel_loop3A_138, %parallel_loop3A_140 : vector<16xi32>
          %parallel_loop3A_142 = arith.addi %mul3A_102, %parallel_loop3A_141 : vector<16xi32>
          %parallel_loop3A_143 = arith.constant 8.000000e+00 : f32
          %parallel_loop3A_144 = vector.broadcast %parallel_loop3A_143 : f32 to vector<16xf32>
          %parallel_loop3A_145 = arith.mulf %parallel_loop3A_137, %parallel_loop3A_144 : vector<16xf32>
          tpu.vector_store_idx %arg8[%parallel_loop3A_142], %parallel_loop3A_145 : memref<8192xf32, #tpu.memory_space<vmem>>[vector<16xi32>], vector<16xf32>,
          %parallel_loop3A_146 = arith.index_cast %parallel_loop3A_133 : i32 to index
          %parallel_loop3A_147 = arith.constant 16 : index
          %parallel_loop3A_148 = tpu.vector_load %arg5[%parallel_loop3A_146, %parallel_loop3A_147] {strides = array<i32>} : memref<64x128xf32, #tpu.memory_space<vmem>>, vector<16xf32>,
          %parallel_loop3A_149 = arith.addi %parallel_loop3A_134, %add3A_75 : vector<16xi32>
          %parallel_loop3A_150 = arith.constant 63 : i32
          %parallel_loop3A_151 = vector.broadcast %parallel_loop3A_150 : i32 to vector<16xi32>
          %parallel_loop3A_152 = arith.andi %parallel_loop3A_149, %parallel_loop3A_151 : vector<16xi32>
          %parallel_loop3A_153 = arith.addi %mul3A_105, %parallel_loop3A_152 : vector<16xi32>
          %parallel_loop3A_154 = arith.constant 8.000000e+00 : f32
          %parallel_loop3A_155 = vector.broadcast %parallel_loop3A_154 : f32 to vector<16xf32>
          %parallel_loop3A_156 = arith.mulf %parallel_loop3A_148, %parallel_loop3A_155 : vector<16xf32>
          tpu.vector_store_idx %arg8[%parallel_loop3A_153], %parallel_loop3A_156 : memref<8192xf32, #tpu.memory_space<vmem>>[vector<16xi32>], vector<16xf32>,
          %parallel_loop3A_157 = arith.index_cast %parallel_loop3A_133 : i32 to index
          %parallel_loop3A_158 = arith.constant 32 : index
          %parallel_loop3A_159 = tpu.vector_load %arg5[%parallel_loop3A_157, %parallel_loop3A_158] {strides = array<i32>} : memref<64x128xf32, #tpu.memory_space<vmem>>, vector<16xf32>,
          %parallel_loop3A_160 = arith.addi %parallel_loop3A_134, %add3A_79 : vector<16xi32>
          %parallel_loop3A_161 = arith.constant 63 : i32
          %parallel_loop3A_162 = vector.broadcast %parallel_loop3A_161 : i32 to vector<16xi32>
          %parallel_loop3A_163 = arith.andi %parallel_loop3A_160, %parallel_loop3A_162 : vector<16xi32>
          %parallel_loop3A_164 = arith.addi %mul3A_108, %parallel_loop3A_163 : vector<16xi32>
          %parallel_loop3A_165 = arith.constant 8.000000e+00 : f32
          %parallel_loop3A_166 = vector.broadcast %parallel_loop3A_165 : f32 to vector<16xf32>
          %parallel_loop3A_167 = arith.mulf %parallel_loop3A_159, %parallel_loop3A_166 : vector<16xf32>
          tpu.vector_store_idx %arg8[%parallel_loop3A_164], %parallel_loop3A_167 : memref<8192xf32, #tpu.memory_space<vmem>>[vector<16xi32>], vector<16xf32>,
          %parallel_loop3A_168 = arith.index_cast %parallel_loop3A_133 : i32 to index
          %parallel_loop3A_169 = arith.constant 48 : index
          %parallel_loop3A_170 = tpu.vector_load %arg5[%parallel_loop3A_168, %parallel_loop3A_169] {strides = array<i32>} : memref<64x128xf32, #tpu.memory_space<vmem>>, vector<16xf32>,
          %parallel_loop3A_171 = arith.addi %parallel_loop3A_134, %add3A_83 : vector<16xi32>
          %parallel_loop3A_172 = arith.constant 63 : i32
          %parallel_loop3A_173 = vector.broadcast %parallel_loop3A_172 : i32 to vector<16xi32>
          %parallel_loop3A_174 = arith.andi %parallel_loop3A_171, %parallel_loop3A_173 : vector<16xi32>
          %parallel_loop3A_175 = arith.addi %mul3A_111, %parallel_loop3A_174 : vector<16xi32>
          %parallel_loop3A_176 = arith.constant 8.000000e+00 : f32
          %parallel_loop3A_177 = vector.broadcast %parallel_loop3A_176 : f32 to vector<16xf32>
          %parallel_loop3A_178 = arith.mulf %parallel_loop3A_170, %parallel_loop3A_177 : vector<16xf32>
          tpu.vector_store_idx %arg8[%parallel_loop3A_175], %parallel_loop3A_178 : memref<8192xf32, #tpu.memory_space<vmem>>[vector<16xi32>], vector<16xf32>,
          %parallel_loop3A_179 = arith.index_cast %parallel_loop3A_133 : i32 to index
          %parallel_loop3A_180 = arith.constant 64 : index
          %parallel_loop3A_181 = tpu.vector_load %arg5[%parallel_loop3A_179, %parallel_loop3A_180] {strides = array<i32>} : memref<64x128xf32, #tpu.memory_space<vmem>>, vector<16xf32>,
          %parallel_loop3A_182 = arith.addi %parallel_loop3A_134, %add3A_87 : vector<16xi32>
          %parallel_loop3A_183 = arith.constant 63 : i32
          %parallel_loop3A_184 = vector.broadcast %parallel_loop3A_183 : i32 to vector<16xi32>
          %parallel_loop3A_185 = arith.andi %parallel_loop3A_182, %parallel_loop3A_184 : vector<16xi32>
          %parallel_loop3A_186 = arith.addi %mul3A_114, %parallel_loop3A_185 : vector<16xi32>
          %parallel_loop3A_187 = arith.constant 8.000000e+00 : f32
          %parallel_loop3A_188 = vector.broadcast %parallel_loop3A_187 : f32 to vector<16xf32>
          %parallel_loop3A_189 = arith.mulf %parallel_loop3A_181, %parallel_loop3A_188 : vector<16xf32>
          tpu.vector_store_idx %arg8[%parallel_loop3A_186], %parallel_loop3A_189 : memref<8192xf32, #tpu.memory_space<vmem>>[vector<16xi32>], vector<16xf32>,
          %parallel_loop3A_190 = arith.index_cast %parallel_loop3A_133 : i32 to index
          %parallel_loop3A_191 = arith.constant 80 : index
          %parallel_loop3A_192 = tpu.vector_load %arg5[%parallel_loop3A_190, %parallel_loop3A_191] {strides = array<i32>} : memref<64x128xf32, #tpu.memory_space<vmem>>, vector<16xf32>,
          %parallel_loop3A_193 = arith.addi %parallel_loop3A_134, %add3A_91 : vector<16xi32>
          %parallel_loop3A_194 = arith.constant 63 : i32
          %parallel_loop3A_195 = vector.broadcast %parallel_loop3A_194 : i32 to vector<16xi32>
          %parallel_loop3A_196 = arith.andi %parallel_loop3A_193, %parallel_loop3A_195 : vector<16xi32>
          %parallel_loop3A_197 = arith.addi %mul3A_117, %parallel_loop3A_196 : vector<16xi32>
          %parallel_loop3A_198 = arith.constant 8.000000e+00 : f32
          %parallel_loop3A_199 = vector.broadcast %parallel_loop3A_198 : f32 to vector<16xf32>
          %parallel_loop3A_200 = arith.mulf %parallel_loop3A_192, %parallel_loop3A_199 : vector<16xf32>
          tpu.vector_store_idx %arg8[%parallel_loop3A_197], %parallel_loop3A_200 : memref<8192xf32, #tpu.memory_space<vmem>>[vector<16xi32>], vector<16xf32>,
          %parallel_loop3A_201 = arith.index_cast %parallel_loop3A_133 : i32 to index
          %parallel_loop3A_202 = arith.constant 96 : index
          %parallel_loop3A_203 = tpu.vector_load %arg5[%parallel_loop3A_201, %parallel_loop3A_202] {strides = array<i32>} : memref<64x128xf32, #tpu.memory_space<vmem>>, vector<16xf32>,
          %parallel_loop3A_204 = arith.addi %parallel_loop3A_134, %add3A_95 : vector<16xi32>
          %parallel_loop3A_205 = arith.constant 63 : i32
          %parallel_loop3A_206 = vector.broadcast %parallel_loop3A_205 : i32 to vector<16xi32>
          %parallel_loop3A_207 = arith.andi %parallel_loop3A_204, %parallel_loop3A_206 : vector<16xi32>
          %parallel_loop3A_208 = arith.addi %mul3A_120, %parallel_loop3A_207 : vector<16xi32>
          %parallel_loop3A_209 = arith.constant 8.000000e+00 : f32
          %parallel_loop3A_210 = vector.broadcast %parallel_loop3A_209 : f32 to vector<16xf32>
          %parallel_loop3A_211 = arith.mulf %parallel_loop3A_203, %parallel_loop3A_210 : vector<16xf32>
          tpu.vector_store_idx %arg8[%parallel_loop3A_208], %parallel_loop3A_211 : memref<8192xf32, #tpu.memory_space<vmem>>[vector<16xi32>], vector<16xf32>,
          %parallel_loop3A_212 = arith.index_cast %parallel_loop3A_133 : i32 to index
          %parallel_loop3A_213 = arith.constant 112 : index
          %parallel_loop3A_214 = tpu.vector_load %arg5[%parallel_loop3A_212, %parallel_loop3A_213] {strides = array<i32>} : memref<64x128xf32, #tpu.memory_space<vmem>>, vector<16xf32>,
          %parallel_loop3A_215 = arith.addi %parallel_loop3A_134, %add3A_99 : vector<16xi32>
          %parallel_loop3A_216 = arith.constant 63 : i32
          %parallel_loop3A_217 = vector.broadcast %parallel_loop3A_216 : i32 to vector<16xi32>
          %parallel_loop3A_218 = arith.andi %parallel_loop3A_215, %parallel_loop3A_217 : vector<16xi32>
          %parallel_loop3A_219 = arith.addi %mul3A_123, %parallel_loop3A_218 : vector<16xi32>
          %parallel_loop3A_220 = arith.constant 8.000000e+00 : f32
          %parallel_loop3A_221 = vector.broadcast %parallel_loop3A_220 : f32 to vector<16xf32>
          %parallel_loop3A_222 = arith.mulf %parallel_loop3A_214, %parallel_loop3A_221 : vector<16xf32>
          tpu.vector_store_idx %arg8[%parallel_loop3A_219], %parallel_loop3A_222 : memref<8192xf32, #tpu.memory_space<vmem>>[vector<16xi32>], vector<16xf32>,
        } {sc.loop_unroll_factor = 4 : i64, sc.parallel_access}
        %add3A_126 = arith.addi %add3A_4, %add3A_36 : i32
        %mul3A_127 = arith.constant 128 : i32
        %mul3A_128 = arith.muli %add3A_126, %mul3A_127 : i32
        %mul3A_129 = arith.constant 64 : i32
        %mul3A_130 = arith.muli %mul3A_128, %mul3A_129 : i32
        %dma_start3A_131 = tpu.memref_slice %arg4[%mul3A_130] : memref<64000000xf32, #tpu.memory_space<hbm>> -> memref<8192xf32, #tpu.memory_space<hbm>>
        %dma_start3A_132 = tpu.memref_slice %arg4[%mul3A_130] : memref<64000000xf32, #tpu.memory_space<hbm>> -> memref<8192xf32, #tpu.memory_space<hbm>>
        tpu.enqueue_dma source(%arg8 : memref<8192xf32, #tpu.memory_space<vmem>>) target(%dma_start3A_132 : memref<8192xf32, #tpu.memory_space<hbm>>) target_semaphore(%arg14 : memref<!tpu.dma_semaphore, #tpu.memory_space<semaphore_mem>>)
      } else {
      }
      %mul3A_41 = arith.constant 3 : i32
      %mul3A_42 = arith.muli %scan3A_32, %mul3A_41 : i32
      %add3A_43 = arith.constant 1 : i32
      %add3A_44 = arith.addi %mul3A_42, %add3A_43 : i32
      %lt3A_45 = arith.cmpi slt, %add3A_44, %add3A_8 : i32
      %convert_element_type3A_46 = arith.extui %lt3A_45 : i1 to i32
      %cond3A_47 = arith.constant 0 : i32
      %cond3A_48 = arith.cmpi ne, %convert_element_type3A_46, %cond3A_47 : i32
      scf.if %cond3A_48 {
        %add3A_57 = arith.constant 1 : i32
        %add3A_58 = arith.addi %add3A_44, %add3A_57 : i32
        %lt3A_59 = arith.cmpi slt, %add3A_58, %add3A_8 : i32
        %convert_element_type3A_60 = arith.extui %lt3A_59 : i1 to i32
        %cond3A_61 = arith.constant 0 : i32
        %cond3A_62 = arith.cmpi ne, %convert_element_type3A_60, %cond3A_61 : i32
        scf.if %cond3A_62 {
          %add3A_133 = arith.constant 1 : i32
          %add3A_134 = arith.addi %add3A_44, %add3A_133 : i32
          %ge3A = arith.constant 3 : i32
          %ge3A_135 = arith.cmpi sge, %add3A_134, %ge3A : i32
          %convert_element_type3A_136 = arith.extui %ge3A_135 : i1 to i32
          %cond3A_137 = arith.constant 0 : i32
          %cond3A_138 = arith.cmpi ne, %convert_element_type3A_136, %cond3A_137 : i32
          scf.if %cond3A_138 {
            %dma_wait3A_148 = arith.constant 0 : i32
            %dma_wait3A_149 = tpu.memref_slice %arg4[%dma_wait3A_148] : memref<64000000xf32, #tpu.memory_space<hbm>> -> memref<8192xf32, #tpu.memory_space<hbm>>
            %dma_wait3A_150 = arith.constant 0 : i32
            %dma_wait3A_151 = tpu.memref_slice %arg4[%dma_wait3A_150] : memref<64000000xf32, #tpu.memory_space<hbm>> -> memref<8192xf32, #tpu.memory_space<hbm>>
            tpu.wait_dma2 semaphore(%arg16 : memref<!tpu.dma_semaphore, #tpu.memory_space<semaphore_mem>>) src(%arg10 : memref<8192xf32, #tpu.memory_space<vmem>>) dst(%dma_wait3A_151 : memref<8192xf32, #tpu.memory_space<hbm>>)
          } else {
          }
          %add3A_139 = arith.addi %add3A_4, %add3A_44 : i32
          %add3A_140 = arith.constant 1 : i32
          %add3A_141 = arith.addi %add3A_139, %add3A_140 : i32
          %mul3A_142 = arith.constant 128 : i32
          %mul3A_143 = arith.muli %add3A_141, %mul3A_142 : i32
          %dma_start3A_144 = arith.constant 0 : i32
          %dma_start3A_145 = tpu.memref_slice %arg2[%dma_start3A_144, %mul3A_143] : memref<64x1000000xf32, #tpu.memory_space<hbm>> -> memref<64x128xf32, #tpu.memory_space<hbm>>
          %dma_start3A_146 = arith.constant 0 : i32
          %dma_start3A_147 = tpu.memref_slice %arg2[%dma_start3A_146, %mul3A_143] : memref<64x1000000xf32, #tpu.memory_space<hbm>> -> memref<64x128xf32, #tpu.memory_space<hbm>>
          tpu.enqueue_dma source(%dma_start3A_147 : memref<64x128xf32, #tpu.memory_space<hbm>>) target(%arg7 : memref<64x128xf32, #tpu.memory_space<vmem>>) target_semaphore(%arg13 : memref<!tpu.dma_semaphore, #tpu.memory_space<semaphore_mem>>)
        } else {
        }
        %dma_wait3A_63 = arith.constant 0 : i32
        %dma_wait3A_64 = arith.constant 0 : i32
        %dma_wait3A_65 = tpu.memref_slice %arg2[%dma_wait3A_63, %dma_wait3A_64] : memref<64x1000000xf32, #tpu.memory_space<hbm>> -> memref<64x128xf32, #tpu.memory_space<hbm>>
        %dma_wait3A_66 = arith.constant 0 : i32
        %dma_wait3A_67 = arith.constant 0 : i32
        %dma_wait3A_68 = tpu.memref_slice %arg2[%dma_wait3A_66, %dma_wait3A_67] : memref<64x1000000xf32, #tpu.memory_space<hbm>> -> memref<64x128xf32, #tpu.memory_space<hbm>>
        tpu.wait_dma2 semaphore(%arg12 : memref<!tpu.dma_semaphore, #tpu.memory_space<semaphore_mem>>) src(%dma_wait3A_68 : memref<64x128xf32, #tpu.memory_space<hbm>>) dst(%arg6 : memref<64x128xf32, #tpu.memory_space<vmem>>)
        %iota3A = tpu.iota {dimensions = array<i32: 0>} : vector<16xi32>
        %add3A_69 = arith.constant 0 : i32
        %add3A_70 = vector.broadcast %add3A_69 : i32 to vector<16xi32>
        %add3A_71 = arith.addi %iota3A, %add3A_70 : vector<16xi32>
        %iota3A_72 = tpu.iota {dimensions = array<i32: 0>} : vector<16xi32>
        %add3A_73 = arith.constant 16 : i32
        %add3A_74 = vector.broadcast %add3A_73 : i32 to vector<16xi32>
        %add3A_75 = arith.addi %iota3A_72, %add3A_74 : vector<16xi32>
        %iota3A_76 = tpu.iota {dimensions = array<i32: 0>} : vector<16xi32>
        %add3A_77 = arith.constant 32 : i32
        %add3A_78 = vector.broadcast %add3A_77 : i32 to vector<16xi32>
        %add3A_79 = arith.addi %iota3A_76, %add3A_78 : vector<16xi32>
        %iota3A_80 = tpu.iota {dimensions = array<i32: 0>} : vector<16xi32>
        %add3A_81 = arith.constant 48 : i32
        %add3A_82 = vector.broadcast %add3A_81 : i32 to vector<16xi32>
        %add3A_83 = arith.addi %iota3A_80, %add3A_82 : vector<16xi32>
        %iota3A_84 = tpu.iota {dimensions = array<i32: 0>} : vector<16xi32>
        %add3A_85 = arith.constant 64 : i32
        %add3A_86 = vector.broadcast %add3A_85 : i32 to vector<16xi32>
        %add3A_87 = arith.addi %iota3A_84, %add3A_86 : vector<16xi32>
        %iota3A_88 = tpu.iota {dimensions = array<i32: 0>} : vector<16xi32>
        %add3A_89 = arith.constant 80 : i32
        %add3A_90 = vector.broadcast %add3A_89 : i32 to vector<16xi32>
        %add3A_91 = arith.addi %iota3A_88, %add3A_90 : vector<16xi32>
        %iota3A_92 = tpu.iota {dimensions = array<i32: 0>} : vector<16xi32>
        %add3A_93 = arith.constant 96 : i32
        %add3A_94 = vector.broadcast %add3A_93 : i32 to vector<16xi32>
        %add3A_95 = arith.addi %iota3A_92, %add3A_94 : vector<16xi32>
        %iota3A_96 = tpu.iota {dimensions = array<i32: 0>} : vector<16xi32>
        %add3A_97 = arith.constant 112 : i32
        %add3A_98 = vector.broadcast %add3A_97 : i32 to vector<16xi32>
        %add3A_99 = arith.addi %iota3A_96, %add3A_98 : vector<16xi32>
        %mul3A_100 = arith.constant 64 : i32
        %mul3A_101 = vector.broadcast %mul3A_100 : i32 to vector<16xi32>
        %mul3A_102 = arith.muli %add3A_71, %mul3A_101 : vector<16xi32>
        %mul3A_103 = arith.constant 64 : i32
        %mul3A_104 = vector.broadcast %mul3A_103 : i32 to vector<16xi32>
        %mul3A_105 = arith.muli %add3A_75, %mul3A_104 : vector<16xi32>
        %mul3A_106 = arith.constant 64 : i32
        %mul3A_107 = vector.broadcast %mul3A_106 : i32 to vector<16xi32>
        %mul3A_108 = arith.muli %add3A_79, %mul3A_107 : vector<16xi32>
        %mul3A_109 = arith.constant 64 : i32
        %mul3A_110 = vector.broadcast %mul3A_109 : i32 to vector<16xi32>
        %mul3A_111 = arith.muli %add3A_83, %mul3A_110 : vector<16xi32>
        %mul3A_112 = arith.constant 64 : i32
        %mul3A_113 = vector.broadcast %mul3A_112 : i32 to vector<16xi32>
        %mul3A_114 = arith.muli %add3A_87, %mul3A_113 : vector<16xi32>
        %mul3A_115 = arith.constant 64 : i32
        %mul3A_116 = vector.broadcast %mul3A_115 : i32 to vector<16xi32>
        %mul3A_117 = arith.muli %add3A_91, %mul3A_116 : vector<16xi32>
        %mul3A_118 = arith.constant 64 : i32
        %mul3A_119 = vector.broadcast %mul3A_118 : i32 to vector<16xi32>
        %mul3A_120 = arith.muli %add3A_95, %mul3A_119 : vector<16xi32>
        %mul3A_121 = arith.constant 64 : i32
        %mul3A_122 = vector.broadcast %mul3A_121 : i32 to vector<16xi32>
        %mul3A_123 = arith.muli %add3A_99, %mul3A_122 : vector<16xi32>
        %parallel_loop3A = arith.constant 0 : i32
        %parallel_loop3A_124 = arith.constant 64 : i32
        %parallel_loop3A_125 = arith.constant 1 : i32
        scf.for %parallel_loop3A_133 = %parallel_loop3A to %parallel_loop3A_124 step %parallel_loop3A_125  : i32 {
          %parallel_loop3A_134 = vector.broadcast %parallel_loop3A_133 : i32 to vector<16xi32>
          %parallel_loop3A_135 = arith.index_cast %parallel_loop3A_133 : i32 to index
          %parallel_loop3A_136 = arith.constant 0 : index
          %parallel_loop3A_137 = tpu.vector_load %arg6[%parallel_loop3A_135, %parallel_loop3A_136] {strides = array<i32>} : memref<64x128xf32, #tpu.memory_space<vmem>>, vector<16xf32>,
          %parallel_loop3A_138 = arith.addi %parallel_loop3A_134, %add3A_71 : vector<16xi32>
          %parallel_loop3A_139 = arith.constant 63 : i32
          %parallel_loop3A_140 = vector.broadcast %parallel_loop3A_139 : i32 to vector<16xi32>
          %parallel_loop3A_141 = arith.andi %parallel_loop3A_138, %parallel_loop3A_140 : vector<16xi32>
          %parallel_loop3A_142 = arith.addi %mul3A_102, %parallel_loop3A_141 : vector<16xi32>
          %parallel_loop3A_143 = arith.constant 8.000000e+00 : f32
          %parallel_loop3A_144 = vector.broadcast %parallel_loop3A_143 : f32 to vector<16xf32>
          %parallel_loop3A_145 = arith.mulf %parallel_loop3A_137, %parallel_loop3A_144 : vector<16xf32>
          tpu.vector_store_idx %arg9[%parallel_loop3A_142], %parallel_loop3A_145 : memref<8192xf32, #tpu.memory_space<vmem>>[vector<16xi32>], vector<16xf32>,
          %parallel_loop3A_146 = arith.index_cast %parallel_loop3A_133 : i32 to index
          %parallel_loop3A_147 = arith.constant 16 : index
          %parallel_loop3A_148 = tpu.vector_load %arg6[%parallel_loop3A_146, %parallel_loop3A_147] {strides = array<i32>} : memref<64x128xf32, #tpu.memory_space<vmem>>, vector<16xf32>,
          %parallel_loop3A_149 = arith.addi %parallel_loop3A_134, %add3A_75 : vector<16xi32>
          %parallel_loop3A_150 = arith.constant 63 : i32
          %parallel_loop3A_151 = vector.broadcast %parallel_loop3A_150 : i32 to vector<16xi32>
          %parallel_loop3A_152 = arith.andi %parallel_loop3A_149, %parallel_loop3A_151 : vector<16xi32>
          %parallel_loop3A_153 = arith.addi %mul3A_105, %parallel_loop3A_152 : vector<16xi32>
          %parallel_loop3A_154 = arith.constant 8.000000e+00 : f32
          %parallel_loop3A_155 = vector.broadcast %parallel_loop3A_154 : f32 to vector<16xf32>
          %parallel_loop3A_156 = arith.mulf %parallel_loop3A_148, %parallel_loop3A_155 : vector<16xf32>
          tpu.vector_store_idx %arg9[%parallel_loop3A_153], %parallel_loop3A_156 : memref<8192xf32, #tpu.memory_space<vmem>>[vector<16xi32>], vector<16xf32>,
          %parallel_loop3A_157 = arith.index_cast %parallel_loop3A_133 : i32 to index
          %parallel_loop3A_158 = arith.constant 32 : index
          %parallel_loop3A_159 = tpu.vector_load %arg6[%parallel_loop3A_157, %parallel_loop3A_158] {strides = array<i32>} : memref<64x128xf32, #tpu.memory_space<vmem>>, vector<16xf32>,
          %parallel_loop3A_160 = arith.addi %parallel_loop3A_134, %add3A_79 : vector<16xi32>
          %parallel_loop3A_161 = arith.constant 63 : i32
          %parallel_loop3A_162 = vector.broadcast %parallel_loop3A_161 : i32 to vector<16xi32>
          %parallel_loop3A_163 = arith.andi %parallel_loop3A_160, %parallel_loop3A_162 : vector<16xi32>
          %parallel_loop3A_164 = arith.addi %mul3A_108, %parallel_loop3A_163 : vector<16xi32>
          %parallel_loop3A_165 = arith.constant 8.000000e+00 : f32
          %parallel_loop3A_166 = vector.broadcast %parallel_loop3A_165 : f32 to vector<16xf32>
          %parallel_loop3A_167 = arith.mulf %parallel_loop3A_159, %parallel_loop3A_166 : vector<16xf32>
          tpu.vector_store_idx %arg9[%parallel_loop3A_164], %parallel_loop3A_167 : memref<8192xf32, #tpu.memory_space<vmem>>[vector<16xi32>], vector<16xf32>,
          %parallel_loop3A_168 = arith.index_cast %parallel_loop3A_133 : i32 to index
          %parallel_loop3A_169 = arith.constant 48 : index
          %parallel_loop3A_170 = tpu.vector_load %arg6[%parallel_loop3A_168, %parallel_loop3A_169] {strides = array<i32>} : memref<64x128xf32, #tpu.memory_space<vmem>>, vector<16xf32>,
          %parallel_loop3A_171 = arith.addi %parallel_loop3A_134, %add3A_83 : vector<16xi32>
          %parallel_loop3A_172 = arith.constant 63 : i32
          %parallel_loop3A_173 = vector.broadcast %parallel_loop3A_172 : i32 to vector<16xi32>
          %parallel_loop3A_174 = arith.andi %parallel_loop3A_171, %parallel_loop3A_173 : vector<16xi32>
          %parallel_loop3A_175 = arith.addi %mul3A_111, %parallel_loop3A_174 : vector<16xi32>
          %parallel_loop3A_176 = arith.constant 8.000000e+00 : f32
          %parallel_loop3A_177 = vector.broadcast %parallel_loop3A_176 : f32 to vector<16xf32>
          %parallel_loop3A_178 = arith.mulf %parallel_loop3A_170, %parallel_loop3A_177 : vector<16xf32>
          tpu.vector_store_idx %arg9[%parallel_loop3A_175], %parallel_loop3A_178 : memref<8192xf32, #tpu.memory_space<vmem>>[vector<16xi32>], vector<16xf32>,
          %parallel_loop3A_179 = arith.index_cast %parallel_loop3A_133 : i32 to index
          %parallel_loop3A_180 = arith.constant 64 : index
          %parallel_loop3A_181 = tpu.vector_load %arg6[%parallel_loop3A_179, %parallel_loop3A_180] {strides = array<i32>} : memref<64x128xf32, #tpu.memory_space<vmem>>, vector<16xf32>,
          %parallel_loop3A_182 = arith.addi %parallel_loop3A_134, %add3A_87 : vector<16xi32>
          %parallel_loop3A_183 = arith.constant 63 : i32
          %parallel_loop3A_184 = vector.broadcast %parallel_loop3A_183 : i32 to vector<16xi32>
          %parallel_loop3A_185 = arith.andi %parallel_loop3A_182, %parallel_loop3A_184 : vector<16xi32>
          %parallel_loop3A_186 = arith.addi %mul3A_114, %parallel_loop3A_185 : vector<16xi32>
          %parallel_loop3A_187 = arith.constant 8.000000e+00 : f32
          %parallel_loop3A_188 = vector.broadcast %parallel_loop3A_187 : f32 to vector<16xf32>
          %parallel_loop3A_189 = arith.mulf %parallel_loop3A_181, %parallel_loop3A_188 : vector<16xf32>
          tpu.vector_store_idx %arg9[%parallel_loop3A_186], %parallel_loop3A_189 : memref<8192xf32, #tpu.memory_space<vmem>>[vector<16xi32>], vector<16xf32>,
          %parallel_loop3A_190 = arith.index_cast %parallel_loop3A_133 : i32 to index
          %parallel_loop3A_191 = arith.constant 80 : index
          %parallel_loop3A_192 = tpu.vector_load %arg6[%parallel_loop3A_190, %parallel_loop3A_191] {strides = array<i32>} : memref<64x128xf32, #tpu.memory_space<vmem>>, vector<16xf32>,
          %parallel_loop3A_193 = arith.addi %parallel_loop3A_134, %add3A_91 : vector<16xi32>
          %parallel_loop3A_194 = arith.constant 63 : i32
          %parallel_loop3A_195 = vector.broadcast %parallel_loop3A_194 : i32 to vector<16xi32>
          %parallel_loop3A_196 = arith.andi %parallel_loop3A_193, %parallel_loop3A_195 : vector<16xi32>
          %parallel_loop3A_197 = arith.addi %mul3A_117, %parallel_loop3A_196 : vector<16xi32>
          %parallel_loop3A_198 = arith.constant 8.000000e+00 : f32
          %parallel_loop3A_199 = vector.broadcast %parallel_loop3A_198 : f32 to vector<16xf32>
          %parallel_loop3A_200 = arith.mulf %parallel_loop3A_192, %parallel_loop3A_199 : vector<16xf32>
          tpu.vector_store_idx %arg9[%parallel_loop3A_197], %parallel_loop3A_200 : memref<8192xf32, #tpu.memory_space<vmem>>[vector<16xi32>], vector<16xf32>,
          %parallel_loop3A_201 = arith.index_cast %parallel_loop3A_133 : i32 to index
          %parallel_loop3A_202 = arith.constant 96 : index
          %parallel_loop3A_203 = tpu.vector_load %arg6[%parallel_loop3A_201, %parallel_loop3A_202] {strides = array<i32>} : memref<64x128xf32, #tpu.memory_space<vmem>>, vector<16xf32>,
          %parallel_loop3A_204 = arith.addi %parallel_loop3A_134, %add3A_95 : vector<16xi32>
          %parallel_loop3A_205 = arith.constant 63 : i32
          %parallel_loop3A_206 = vector.broadcast %parallel_loop3A_205 : i32 to vector<16xi32>
          %parallel_loop3A_207 = arith.andi %parallel_loop3A_204, %parallel_loop3A_206 : vector<16xi32>
          %parallel_loop3A_208 = arith.addi %mul3A_120, %parallel_loop3A_207 : vector<16xi32>
          %parallel_loop3A_209 = arith.constant 8.000000e+00 : f32
          %parallel_loop3A_210 = vector.broadcast %parallel_loop3A_209 : f32 to vector<16xf32>
          %parallel_loop3A_211 = arith.mulf %parallel_loop3A_203, %parallel_loop3A_210 : vector<16xf32>
          tpu.vector_store_idx %arg9[%parallel_loop3A_208], %parallel_loop3A_211 : memref<8192xf32, #tpu.memory_space<vmem>>[vector<16xi32>], vector<16xf32>,
          %parallel_loop3A_212 = arith.index_cast %parallel_loop3A_133 : i32 to index
          %parallel_loop3A_213 = arith.constant 112 : index
          %parallel_loop3A_214 = tpu.vector_load %arg6[%parallel_loop3A_212, %parallel_loop3A_213] {strides = array<i32>} : memref<64x128xf32, #tpu.memory_space<vmem>>, vector<16xf32>,
          %parallel_loop3A_215 = arith.addi %parallel_loop3A_134, %add3A_99 : vector<16xi32>
          %parallel_loop3A_216 = arith.constant 63 : i32
          %parallel_loop3A_217 = vector.broadcast %parallel_loop3A_216 : i32 to vector<16xi32>
          %parallel_loop3A_218 = arith.andi %parallel_loop3A_215, %parallel_loop3A_217 : vector<16xi32>
          %parallel_loop3A_219 = arith.addi %mul3A_123, %parallel_loop3A_218 : vector<16xi32>
          %parallel_loop3A_220 = arith.constant 8.000000e+00 : f32
          %parallel_loop3A_221 = vector.broadcast %parallel_loop3A_220 : f32 to vector<16xf32>
          %parallel_loop3A_222 = arith.mulf %parallel_loop3A_214, %parallel_loop3A_221 : vector<16xf32>
          tpu.vector_store_idx %arg9[%parallel_loop3A_219], %parallel_loop3A_222 : memref<8192xf32, #tpu.memory_space<vmem>>[vector<16xi32>], vector<16xf32>,
        } {sc.loop_unroll_factor = 4 : i64, sc.parallel_access}
        %add3A_126 = arith.addi %add3A_4, %add3A_44 : i32
        %mul3A_127 = arith.constant 128 : i32
        %mul3A_128 = arith.muli %add3A_126, %mul3A_127 : i32
        %mul3A_129 = arith.constant 64 : i32
        %mul3A_130 = arith.muli %mul3A_128, %mul3A_129 : i32
        %dma_start3A_131 = tpu.memref_slice %arg4[%mul3A_130] : memref<64000000xf32, #tpu.memory_space<hbm>> -> memref<8192xf32, #tpu.memory_space<hbm>>
        %dma_start3A_132 = tpu.memref_slice %arg4[%mul3A_130] : memref<64000000xf32, #tpu.memory_space<hbm>> -> memref<8192xf32, #tpu.memory_space<hbm>>
        tpu.enqueue_dma source(%arg9 : memref<8192xf32, #tpu.memory_space<vmem>>) target(%dma_start3A_132 : memref<8192xf32, #tpu.memory_space<hbm>>) target_semaphore(%arg15 : memref<!tpu.dma_semaphore, #tpu.memory_space<semaphore_mem>>)
      } else {
      }
      %mul3A_49 = arith.constant 3 : i32
      %mul3A_50 = arith.muli %scan3A_32, %mul3A_49 : i32
      %add3A_51 = arith.constant 2 : i32
      %add3A_52 = arith.addi %mul3A_50, %add3A_51 : i32
      %lt3A_53 = arith.cmpi slt, %add3A_52, %add3A_8 : i32
      %convert_element_type3A_54 = arith.extui %lt3A_53 : i1 to i32
      %cond3A_55 = arith.constant 0 : i32
      %cond3A_56 = arith.cmpi ne, %convert_element_type3A_54, %cond3A_55 : i32
      scf.if %cond3A_56 {
        %add3A_57 = arith.constant 1 : i32
        %add3A_58 = arith.addi %add3A_52, %add3A_57 : i32
        %lt3A_59 = arith.cmpi slt, %add3A_58, %add3A_8 : i32
        %convert_element_type3A_60 = arith.extui %lt3A_59 : i1 to i32
        %cond3A_61 = arith.constant 0 : i32
        %cond3A_62 = arith.cmpi ne, %convert_element_type3A_60, %cond3A_61 : i32
        scf.if %cond3A_62 {
          %add3A_133 = arith.constant 1 : i32
          %add3A_134 = arith.addi %add3A_52, %add3A_133 : i32
          %ge3A = arith.constant 3 : i32
          %ge3A_135 = arith.cmpi sge, %add3A_134, %ge3A : i32
          %convert_element_type3A_136 = arith.extui %ge3A_135 : i1 to i32
          %cond3A_137 = arith.constant 0 : i32
          %cond3A_138 = arith.cmpi ne, %convert_element_type3A_136, %cond3A_137 : i32
          scf.if %cond3A_138 {
            %dma_wait3A_148 = arith.constant 0 : i32
            %dma_wait3A_149 = tpu.memref_slice %arg4[%dma_wait3A_148] : memref<64000000xf32, #tpu.memory_space<hbm>> -> memref<8192xf32, #tpu.memory_space<hbm>>
            %dma_wait3A_150 = arith.constant 0 : i32
            %dma_wait3A_151 = tpu.memref_slice %arg4[%dma_wait3A_150] : memref<64000000xf32, #tpu.memory_space<hbm>> -> memref<8192xf32, #tpu.memory_space<hbm>>
            tpu.wait_dma2 semaphore(%arg14 : memref<!tpu.dma_semaphore, #tpu.memory_space<semaphore_mem>>) src(%arg8 : memref<8192xf32, #tpu.memory_space<vmem>>) dst(%dma_wait3A_151 : memref<8192xf32, #tpu.memory_space<hbm>>)
          } else {
          }
          %add3A_139 = arith.addi %add3A_4, %add3A_52 : i32
          %add3A_140 = arith.constant 1 : i32
          %add3A_141 = arith.addi %add3A_139, %add3A_140 : i32
          %mul3A_142 = arith.constant 128 : i32
          %mul3A_143 = arith.muli %add3A_141, %mul3A_142 : i32
          %dma_start3A_144 = arith.constant 0 : i32
          %dma_start3A_145 = tpu.memref_slice %arg2[%dma_start3A_144, %mul3A_143] : memref<64x1000000xf32, #tpu.memory_space<hbm>> -> memref<64x128xf32, #tpu.memory_space<hbm>>
          %dma_start3A_146 = arith.constant 0 : i32
          %dma_start3A_147 = tpu.memref_slice %arg2[%dma_start3A_146, %mul3A_143] : memref<64x1000000xf32, #tpu.memory_space<hbm>> -> memref<64x128xf32, #tpu.memory_space<hbm>>
          tpu.enqueue_dma source(%dma_start3A_147 : memref<64x128xf32, #tpu.memory_space<hbm>>) target(%arg5 : memref<64x128xf32, #tpu.memory_space<vmem>>) target_semaphore(%arg11 : memref<!tpu.dma_semaphore, #tpu.memory_space<semaphore_mem>>)
        } else {
        }
        %dma_wait3A_63 = arith.constant 0 : i32
        %dma_wait3A_64 = arith.constant 0 : i32
        %dma_wait3A_65 = tpu.memref_slice %arg2[%dma_wait3A_63, %dma_wait3A_64] : memref<64x1000000xf32, #tpu.memory_space<hbm>> -> memref<64x128xf32, #tpu.memory_space<hbm>>
        %dma_wait3A_66 = arith.constant 0 : i32
        %dma_wait3A_67 = arith.constant 0 : i32
        %dma_wait3A_68 = tpu.memref_slice %arg2[%dma_wait3A_66, %dma_wait3A_67] : memref<64x1000000xf32, #tpu.memory_space<hbm>> -> memref<64x128xf32, #tpu.memory_space<hbm>>
        tpu.wait_dma2 semaphore(%arg13 : memref<!tpu.dma_semaphore, #tpu.memory_space<semaphore_mem>>) src(%dma_wait3A_68 : memref<64x128xf32, #tpu.memory_space<hbm>>) dst(%arg7 : memref<64x128xf32, #tpu.memory_space<vmem>>)
        %iota3A = tpu.iota {dimensions = array<i32: 0>} : vector<16xi32>
        %add3A_69 = arith.constant 0 : i32
        %add3A_70 = vector.broadcast %add3A_69 : i32 to vector<16xi32>
        %add3A_71 = arith.addi %iota3A, %add3A_70 : vector<16xi32>
        %iota3A_72 = tpu.iota {dimensions = array<i32: 0>} : vector<16xi32>
        %add3A_73 = arith.constant 16 : i32
        %add3A_74 = vector.broadcast %add3A_73 : i32 to vector<16xi32>
        %add3A_75 = arith.addi %iota3A_72, %add3A_74 : vector<16xi32>
        %iota3A_76 = tpu.iota {dimensions = array<i32: 0>} : vector<16xi32>
        %add3A_77 = arith.constant 32 : i32
        %add3A_78 = vector.broadcast %add3A_77 : i32 to vector<16xi32>
        %add3A_79 = arith.addi %iota3A_76, %add3A_78 : vector<16xi32>
        %iota3A_80 = tpu.iota {dimensions = array<i32: 0>} : vector<16xi32>
        %add3A_81 = arith.constant 48 : i32
        %add3A_82 = vector.broadcast %add3A_81 : i32 to vector<16xi32>
        %add3A_83 = arith.addi %iota3A_80, %add3A_82 : vector<16xi32>
        %iota3A_84 = tpu.iota {dimensions = array<i32: 0>} : vector<16xi32>
        %add3A_85 = arith.constant 64 : i32
        %add3A_86 = vector.broadcast %add3A_85 : i32 to vector<16xi32>
        %add3A_87 = arith.addi %iota3A_84, %add3A_86 : vector<16xi32>
        %iota3A_88 = tpu.iota {dimensions = array<i32: 0>} : vector<16xi32>
        %add3A_89 = arith.constant 80 : i32
        %add3A_90 = vector.broadcast %add3A_89 : i32 to vector<16xi32>
        %add3A_91 = arith.addi %iota3A_88, %add3A_90 : vector<16xi32>
        %iota3A_92 = tpu.iota {dimensions = array<i32: 0>} : vector<16xi32>
        %add3A_93 = arith.constant 96 : i32
        %add3A_94 = vector.broadcast %add3A_93 : i32 to vector<16xi32>
        %add3A_95 = arith.addi %iota3A_92, %add3A_94 : vector<16xi32>
        %iota3A_96 = tpu.iota {dimensions = array<i32: 0>} : vector<16xi32>
        %add3A_97 = arith.constant 112 : i32
        %add3A_98 = vector.broadcast %add3A_97 : i32 to vector<16xi32>
        %add3A_99 = arith.addi %iota3A_96, %add3A_98 : vector<16xi32>
        %mul3A_100 = arith.constant 64 : i32
        %mul3A_101 = vector.broadcast %mul3A_100 : i32 to vector<16xi32>
        %mul3A_102 = arith.muli %add3A_71, %mul3A_101 : vector<16xi32>
        %mul3A_103 = arith.constant 64 : i32
        %mul3A_104 = vector.broadcast %mul3A_103 : i32 to vector<16xi32>
        %mul3A_105 = arith.muli %add3A_75, %mul3A_104 : vector<16xi32>
        %mul3A_106 = arith.constant 64 : i32
        %mul3A_107 = vector.broadcast %mul3A_106 : i32 to vector<16xi32>
        %mul3A_108 = arith.muli %add3A_79, %mul3A_107 : vector<16xi32>
        %mul3A_109 = arith.constant 64 : i32
        %mul3A_110 = vector.broadcast %mul3A_109 : i32 to vector<16xi32>
        %mul3A_111 = arith.muli %add3A_83, %mul3A_110 : vector<16xi32>
        %mul3A_112 = arith.constant 64 : i32
        %mul3A_113 = vector.broadcast %mul3A_112 : i32 to vector<16xi32>
        %mul3A_114 = arith.muli %add3A_87, %mul3A_113 : vector<16xi32>
        %mul3A_115 = arith.constant 64 : i32
        %mul3A_116 = vector.broadcast %mul3A_115 : i32 to vector<16xi32>
        %mul3A_117 = arith.muli %add3A_91, %mul3A_116 : vector<16xi32>
        %mul3A_118 = arith.constant 64 : i32
        %mul3A_119 = vector.broadcast %mul3A_118 : i32 to vector<16xi32>
        %mul3A_120 = arith.muli %add3A_95, %mul3A_119 : vector<16xi32>
        %mul3A_121 = arith.constant 64 : i32
        %mul3A_122 = vector.broadcast %mul3A_121 : i32 to vector<16xi32>
        %mul3A_123 = arith.muli %add3A_99, %mul3A_122 : vector<16xi32>
        %parallel_loop3A = arith.constant 0 : i32
        %parallel_loop3A_124 = arith.constant 64 : i32
        %parallel_loop3A_125 = arith.constant 1 : i32
        scf.for %parallel_loop3A_133 = %parallel_loop3A to %parallel_loop3A_124 step %parallel_loop3A_125  : i32 {
          %parallel_loop3A_134 = vector.broadcast %parallel_loop3A_133 : i32 to vector<16xi32>
          %parallel_loop3A_135 = arith.index_cast %parallel_loop3A_133 : i32 to index
          %parallel_loop3A_136 = arith.constant 0 : index
          %parallel_loop3A_137 = tpu.vector_load %arg7[%parallel_loop3A_135, %parallel_loop3A_136] {strides = array<i32>} : memref<64x128xf32, #tpu.memory_space<vmem>>, vector<16xf32>,
          %parallel_loop3A_138 = arith.addi %parallel_loop3A_134, %add3A_71 : vector<16xi32>
          %parallel_loop3A_139 = arith.constant 63 : i32
          %parallel_loop3A_140 = vector.broadcast %parallel_loop3A_139 : i32 to vector<16xi32>
          %parallel_loop3A_141 = arith.andi %parallel_loop3A_138, %parallel_loop3A_140 : vector<16xi32>
          %parallel_loop3A_142 = arith.addi %mul3A_102, %parallel_loop3A_141 : vector<16xi32>
          %parallel_loop3A_143 = arith.constant 8.000000e+00 : f32
          %parallel_loop3A_144 = vector.broadcast %parallel_loop3A_143 : f32 to vector<16xf32>
          %parallel_loop3A_145 = arith.mulf %parallel_loop3A_137, %parallel_loop3A_144 : vector<16xf32>
          tpu.vector_store_idx %arg10[%parallel_loop3A_142], %parallel_loop3A_145 : memref<8192xf32, #tpu.memory_space<vmem>>[vector<16xi32>], vector<16xf32>,
          %parallel_loop3A_146 = arith.index_cast %parallel_loop3A_133 : i32 to index
          %parallel_loop3A_147 = arith.constant 16 : index
          %parallel_loop3A_148 = tpu.vector_load %arg7[%parallel_loop3A_146, %parallel_loop3A_147] {strides = array<i32>} : memref<64x128xf32, #tpu.memory_space<vmem>>, vector<16xf32>,
          %parallel_loop3A_149 = arith.addi %parallel_loop3A_134, %add3A_75 : vector<16xi32>
          %parallel_loop3A_150 = arith.constant 63 : i32
          %parallel_loop3A_151 = vector.broadcast %parallel_loop3A_150 : i32 to vector<16xi32>
          %parallel_loop3A_152 = arith.andi %parallel_loop3A_149, %parallel_loop3A_151 : vector<16xi32>
          %parallel_loop3A_153 = arith.addi %mul3A_105, %parallel_loop3A_152 : vector<16xi32>
          %parallel_loop3A_154 = arith.constant 8.000000e+00 : f32
          %parallel_loop3A_155 = vector.broadcast %parallel_loop3A_154 : f32 to vector<16xf32>
          %parallel_loop3A_156 = arith.mulf %parallel_loop3A_148, %parallel_loop3A_155 : vector<16xf32>
          tpu.vector_store_idx %arg10[%parallel_loop3A_153], %parallel_loop3A_156 : memref<8192xf32, #tpu.memory_space<vmem>>[vector<16xi32>], vector<16xf32>,
          %parallel_loop3A_157 = arith.index_cast %parallel_loop3A_133 : i32 to index
          %parallel_loop3A_158 = arith.constant 32 : index
          %parallel_loop3A_159 = tpu.vector_load %arg7[%parallel_loop3A_157, %parallel_loop3A_158] {strides = array<i32>} : memref<64x128xf32, #tpu.memory_space<vmem>>, vector<16xf32>,
          %parallel_loop3A_160 = arith.addi %parallel_loop3A_134, %add3A_79 : vector<16xi32>
          %parallel_loop3A_161 = arith.constant 63 : i32
          %parallel_loop3A_162 = vector.broadcast %parallel_loop3A_161 : i32 to vector<16xi32>
          %parallel_loop3A_163 = arith.andi %parallel_loop3A_160, %parallel_loop3A_162 : vector<16xi32>
          %parallel_loop3A_164 = arith.addi %mul3A_108, %parallel_loop3A_163 : vector<16xi32>
          %parallel_loop3A_165 = arith.constant 8.000000e+00 : f32
          %parallel_loop3A_166 = vector.broadcast %parallel_loop3A_165 : f32 to vector<16xf32>
          %parallel_loop3A_167 = arith.mulf %parallel_loop3A_159, %parallel_loop3A_166 : vector<16xf32>
          tpu.vector_store_idx %arg10[%parallel_loop3A_164], %parallel_loop3A_167 : memref<8192xf32, #tpu.memory_space<vmem>>[vector<16xi32>], vector<16xf32>,
          %parallel_loop3A_168 = arith.index_cast %parallel_loop3A_133 : i32 to index
          %parallel_loop3A_169 = arith.constant 48 : index
          %parallel_loop3A_170 = tpu.vector_load %arg7[%parallel_loop3A_168, %parallel_loop3A_169] {strides = array<i32>} : memref<64x128xf32, #tpu.memory_space<vmem>>, vector<16xf32>,
          %parallel_loop3A_171 = arith.addi %parallel_loop3A_134, %add3A_83 : vector<16xi32>
          %parallel_loop3A_172 = arith.constant 63 : i32
          %parallel_loop3A_173 = vector.broadcast %parallel_loop3A_172 : i32 to vector<16xi32>
          %parallel_loop3A_174 = arith.andi %parallel_loop3A_171, %parallel_loop3A_173 : vector<16xi32>
          %parallel_loop3A_175 = arith.addi %mul3A_111, %parallel_loop3A_174 : vector<16xi32>
          %parallel_loop3A_176 = arith.constant 8.000000e+00 : f32
          %parallel_loop3A_177 = vector.broadcast %parallel_loop3A_176 : f32 to vector<16xf32>
          %parallel_loop3A_178 = arith.mulf %parallel_loop3A_170, %parallel_loop3A_177 : vector<16xf32>
          tpu.vector_store_idx %arg10[%parallel_loop3A_175], %parallel_loop3A_178 : memref<8192xf32, #tpu.memory_space<vmem>>[vector<16xi32>], vector<16xf32>,
          %parallel_loop3A_179 = arith.index_cast %parallel_loop3A_133 : i32 to index
          %parallel_loop3A_180 = arith.constant 64 : index
          %parallel_loop3A_181 = tpu.vector_load %arg7[%parallel_loop3A_179, %parallel_loop3A_180] {strides = array<i32>} : memref<64x128xf32, #tpu.memory_space<vmem>>, vector<16xf32>,
          %parallel_loop3A_182 = arith.addi %parallel_loop3A_134, %add3A_87 : vector<16xi32>
          %parallel_loop3A_183 = arith.constant 63 : i32
          %parallel_loop3A_184 = vector.broadcast %parallel_loop3A_183 : i32 to vector<16xi32>
          %parallel_loop3A_185 = arith.andi %parallel_loop3A_182, %parallel_loop3A_184 : vector<16xi32>
          %parallel_loop3A_186 = arith.addi %mul3A_114, %parallel_loop3A_185 : vector<16xi32>
          %parallel_loop3A_187 = arith.constant 8.000000e+00 : f32
          %parallel_loop3A_188 = vector.broadcast %parallel_loop3A_187 : f32 to vector<16xf32>
          %parallel_loop3A_189 = arith.mulf %parallel_loop3A_181, %parallel_loop3A_188 : vector<16xf32>
          tpu.vector_store_idx %arg10[%parallel_loop3A_186], %parallel_loop3A_189 : memref<8192xf32, #tpu.memory_space<vmem>>[vector<16xi32>], vector<16xf32>,
          %parallel_loop3A_190 = arith.index_cast %parallel_loop3A_133 : i32 to index
          %parallel_loop3A_191 = arith.constant 80 : index
          %parallel_loop3A_192 = tpu.vector_load %arg7[%parallel_loop3A_190, %parallel_loop3A_191] {strides = array<i32>} : memref<64x128xf32, #tpu.memory_space<vmem>>, vector<16xf32>,
          %parallel_loop3A_193 = arith.addi %parallel_loop3A_134, %add3A_91 : vector<16xi32>
          %parallel_loop3A_194 = arith.constant 63 : i32
          %parallel_loop3A_195 = vector.broadcast %parallel_loop3A_194 : i32 to vector<16xi32>
          %parallel_loop3A_196 = arith.andi %parallel_loop3A_193, %parallel_loop3A_195 : vector<16xi32>
          %parallel_loop3A_197 = arith.addi %mul3A_117, %parallel_loop3A_196 : vector<16xi32>
          %parallel_loop3A_198 = arith.constant 8.000000e+00 : f32
          %parallel_loop3A_199 = vector.broadcast %parallel_loop3A_198 : f32 to vector<16xf32>
          %parallel_loop3A_200 = arith.mulf %parallel_loop3A_192, %parallel_loop3A_199 : vector<16xf32>
          tpu.vector_store_idx %arg10[%parallel_loop3A_197], %parallel_loop3A_200 : memref<8192xf32, #tpu.memory_space<vmem>>[vector<16xi32>], vector<16xf32>,
          %parallel_loop3A_201 = arith.index_cast %parallel_loop3A_133 : i32 to index
          %parallel_loop3A_202 = arith.constant 96 : index
          %parallel_loop3A_203 = tpu.vector_load %arg7[%parallel_loop3A_201, %parallel_loop3A_202] {strides = array<i32>} : memref<64x128xf32, #tpu.memory_space<vmem>>, vector<16xf32>,
          %parallel_loop3A_204 = arith.addi %parallel_loop3A_134, %add3A_95 : vector<16xi32>
          %parallel_loop3A_205 = arith.constant 63 : i32
          %parallel_loop3A_206 = vector.broadcast %parallel_loop3A_205 : i32 to vector<16xi32>
          %parallel_loop3A_207 = arith.andi %parallel_loop3A_204, %parallel_loop3A_206 : vector<16xi32>
          %parallel_loop3A_208 = arith.addi %mul3A_120, %parallel_loop3A_207 : vector<16xi32>
          %parallel_loop3A_209 = arith.constant 8.000000e+00 : f32
          %parallel_loop3A_210 = vector.broadcast %parallel_loop3A_209 : f32 to vector<16xf32>
          %parallel_loop3A_211 = arith.mulf %parallel_loop3A_203, %parallel_loop3A_210 : vector<16xf32>
          tpu.vector_store_idx %arg10[%parallel_loop3A_208], %parallel_loop3A_211 : memref<8192xf32, #tpu.memory_space<vmem>>[vector<16xi32>], vector<16xf32>,
          %parallel_loop3A_212 = arith.index_cast %parallel_loop3A_133 : i32 to index
          %parallel_loop3A_213 = arith.constant 112 : index
          %parallel_loop3A_214 = tpu.vector_load %arg7[%parallel_loop3A_212, %parallel_loop3A_213] {strides = array<i32>} : memref<64x128xf32, #tpu.memory_space<vmem>>, vector<16xf32>,
          %parallel_loop3A_215 = arith.addi %parallel_loop3A_134, %add3A_99 : vector<16xi32>
          %parallel_loop3A_216 = arith.constant 63 : i32
          %parallel_loop3A_217 = vector.broadcast %parallel_loop3A_216 : i32 to vector<16xi32>
          %parallel_loop3A_218 = arith.andi %parallel_loop3A_215, %parallel_loop3A_217 : vector<16xi32>
          %parallel_loop3A_219 = arith.addi %mul3A_123, %parallel_loop3A_218 : vector<16xi32>
          %parallel_loop3A_220 = arith.constant 8.000000e+00 : f32
          %parallel_loop3A_221 = vector.broadcast %parallel_loop3A_220 : f32 to vector<16xf32>
          %parallel_loop3A_222 = arith.mulf %parallel_loop3A_214, %parallel_loop3A_221 : vector<16xf32>
          tpu.vector_store_idx %arg10[%parallel_loop3A_219], %parallel_loop3A_222 : memref<8192xf32, #tpu.memory_space<vmem>>[vector<16xi32>], vector<16xf32>,
        } {sc.loop_unroll_factor = 4 : i64, sc.parallel_access}
        %add3A_126 = arith.addi %add3A_4, %add3A_52 : i32
        %mul3A_127 = arith.constant 128 : i32
        %mul3A_128 = arith.muli %add3A_126, %mul3A_127 : i32
        %mul3A_129 = arith.constant 64 : i32
        %mul3A_130 = arith.muli %mul3A_128, %mul3A_129 : i32
        %dma_start3A_131 = tpu.memref_slice %arg4[%mul3A_130] : memref<64000000xf32, #tpu.memory_space<hbm>> -> memref<8192xf32, #tpu.memory_space<hbm>>
        %dma_start3A_132 = tpu.memref_slice %arg4[%mul3A_130] : memref<64000000xf32, #tpu.memory_space<hbm>> -> memref<8192xf32, #tpu.memory_space<hbm>>
        tpu.enqueue_dma source(%arg10 : memref<8192xf32, #tpu.memory_space<vmem>>) target(%dma_start3A_132 : memref<8192xf32, #tpu.memory_space<hbm>>) target_semaphore(%arg16 : memref<!tpu.dma_semaphore, #tpu.memory_space<semaphore_mem>>)
      } else {
      }
    }
    %scan3A_18 = arith.constant 82 : i32
    %dma_wait3A = arith.constant 0 : i32
    %dma_wait3A_19 = tpu.memref_slice %arg4[%dma_wait3A] : memref<64000000xf32, #tpu.memory_space<hbm>> -> memref<8192xf32, #tpu.memory_space<hbm>>
    %dma_wait3A_20 = arith.constant 0 : i32
    %dma_wait3A_21 = tpu.memref_slice %arg4[%dma_wait3A_20] : memref<64000000xf32, #tpu.memory_space<hbm>> -> memref<8192xf32, #tpu.memory_space<hbm>>
    tpu.wait_dma2 semaphore(%arg14 : memref<!tpu.dma_semaphore, #tpu.memory_space<semaphore_mem>>) src(%arg8 : memref<8192xf32, #tpu.memory_space<vmem>>) dst(%dma_wait3A_21 : memref<8192xf32, #tpu.memory_space<hbm>>)
    %dma_wait3A_22 = arith.constant 0 : i32
    %dma_wait3A_23 = tpu.memref_slice %arg4[%dma_wait3A_22] : memref<64000000xf32, #tpu.memory_space<hbm>> -> memref<8192xf32, #tpu.memory_space<hbm>>
    %dma_wait3A_24 = arith.constant 0 : i32
    %dma_wait3A_25 = tpu.memref_slice %arg4[%dma_wait3A_24] : memref<64000000xf32, #tpu.memory_space<hbm>> -> memref<8192xf32, #tpu.memory_space<hbm>>
    tpu.wait_dma2 semaphore(%arg15 : memref<!tpu.dma_semaphore, #tpu.memory_space<semaphore_mem>>) src(%arg9 : memref<8192xf32, #tpu.memory_space<vmem>>) dst(%dma_wait3A_25 : memref<8192xf32, #tpu.memory_space<hbm>>)
    %dma_wait3A_26 = arith.constant 0 : i32
    %dma_wait3A_27 = tpu.memref_slice %arg4[%dma_wait3A_26] : memref<64000000xf32, #tpu.memory_space<hbm>> -> memref<8192xf32, #tpu.memory_space<hbm>>
    %dma_wait3A_28 = arith.constant 0 : i32
    %dma_wait3A_29 = tpu.memref_slice %arg4[%dma_wait3A_28] : memref<64000000xf32, #tpu.memory_space<hbm>> -> memref<8192xf32, #tpu.memory_space<hbm>>
    tpu.wait_dma2 semaphore(%arg16 : memref<!tpu.dma_semaphore, #tpu.memory_space<semaphore_mem>>) src(%arg10 : memref<8192xf32, #tpu.memory_space<vmem>>) dst(%dma_wait3A_29 : memref<8192xf32, #tpu.memory_space<hbm>>)
    %eq3A = arith.constant 31 : i32
    %eq3A_30 = arith.cmpi eq, %add3A, %eq3A : i32
    %convert_element_type3A = arith.extui %eq3A_30 : i1 to i32
    %cond3A = arith.constant 0 : i32
    %cond3A_31 = arith.cmpi ne, %convert_element_type3A, %cond3A : i32
    scf.if %cond3A_31 {
      "tpu.region"() ({
        %run_scoped3A = tpu.sem_alloc : memref<!tpu.dma_semaphore, #tpu.memory_space<semaphore_mem>>
        %dma_start3A_53 = arith.constant 0 : i32
        %dma_start3A_54 = tpu.memref_slice %arg9[%dma_start3A_53] : memref<8192xf32, #tpu.memory_space<vmem>> -> memref<4096xf32, #tpu.memory_space<vmem>>
        %dma_start3A_55 = arith.constant 0 : i32
        %dma_start3A_56 = tpu.memref_slice %arg9[%dma_start3A_55] : memref<8192xf32, #tpu.memory_space<vmem>> -> memref<4096xf32, #tpu.memory_space<vmem>>
        tpu.enqueue_dma source(%arg3 : memref<4096xf32, #tpu.memory_space<hbm>>) target(%dma_start3A_56 : memref<4096xf32, #tpu.memory_space<vmem>>) target_semaphore(%run_scoped3A : memref<!tpu.dma_semaphore, #tpu.memory_space<semaphore_mem>>)
        %dma_wait3A_57 = arith.constant 0 : i32
        %dma_wait3A_58 = tpu.memref_slice %arg9[%dma_wait3A_57] : memref<8192xf32, #tpu.memory_space<vmem>> -> memref<4096xf32, #tpu.memory_space<vmem>>
        %dma_wait3A_59 = arith.constant 0 : i32
        %dma_wait3A_60 = tpu.memref_slice %arg9[%dma_wait3A_59] : memref<8192xf32, #tpu.memory_space<vmem>> -> memref<4096xf32, #tpu.memory_space<vmem>>
        tpu.wait_dma2 semaphore(%run_scoped3A : memref<!tpu.dma_semaphore, #tpu.memory_space<semaphore_mem>>) src(%arg3 : memref<4096xf32, #tpu.memory_space<hbm>>) dst(%dma_wait3A_60 : memref<4096xf32, #tpu.memory_space<vmem>>)
        tpu.yield
      }) : () -> ()
      %iota3A = tpu.iota {dimensions = array<i32: 0>} : vector<16xi32>
      %add3A_32 = arith.constant 0 : i32
      %add3A_33 = vector.broadcast %add3A_32 : i32 to vector<16xi32>
      %add3A_34 = arith.addi %iota3A, %add3A_33 : vector<16xi32>
      %iota3A_35 = tpu.iota {dimensions = array<i32: 0>} : vector<16xi32>
      %add3A_36 = arith.constant 16 : i32
      %add3A_37 = vector.broadcast %add3A_36 : i32 to vector<16xi32>
      %add3A_38 = arith.addi %iota3A_35, %add3A_37 : vector<16xi32>
      %iota3A_39 = tpu.iota {dimensions = array<i32: 0>} : vector<16xi32>
      %add3A_40 = arith.constant 32 : i32
      %add3A_41 = vector.broadcast %add3A_40 : i32 to vector<16xi32>
      %add3A_42 = arith.addi %iota3A_39, %add3A_41 : vector<16xi32>
      %iota3A_43 = tpu.iota {dimensions = array<i32: 0>} : vector<16xi32>
      %add3A_44 = arith.constant 48 : i32
      %add3A_45 = vector.broadcast %add3A_44 : i32 to vector<16xi32>
      %add3A_46 = arith.addi %iota3A_43, %add3A_45 : vector<16xi32>
      %scan3A_47 = arith.constant 0 : i32
      %scan3A_48 = arith.constant 0 : i32
      %scan3A_49 = arith.constant 64 : i32
      %scan3A_50 = arith.addi %scan3A_48, %scan3A_49 : i32
      %scan3A_51 = arith.constant 2 : i32
      scf.for %scan3A_53 = %scan3A_48 to %scan3A_50 step %scan3A_51  : i32 {
        %broadcast_in_dim3A = vector.broadcast %scan3A_53 : i32 to vector<16xi32>
        %mul3A_54 = arith.constant 64 : i32
        %mul3A_55 = arith.muli %scan3A_53, %mul3A_54 : i32
        %add3A_56 = arith.constant 0 : i32
        %add3A_57 = arith.addi %mul3A_55, %add3A_56 : i32
        %get3A = arith.index_cast %add3A_57 : i32 to index
        %get3A_58 = tpu.vector_load %arg9[%get3A] {strides = array<i32>} : memref<8192xf32, #tpu.memory_space<vmem>>, vector<16xf32>,
        %add3A_59 = arith.addi %add3A_34, %broadcast_in_dim3A : vector<16xi32>
        %and3A = arith.constant 63 : i32
        %and3A_60 = vector.broadcast %and3A : i32 to vector<16xi32>
        %and3A_61 = arith.andi %add3A_59, %and3A_60 : vector<16xi32>
        %mul3A_62 = arith.constant 64 : i32
        %mul3A_63 = vector.broadcast %mul3A_62 : i32 to vector<16xi32>
        %mul3A_64 = arith.muli %broadcast_in_dim3A, %mul3A_63 : vector<16xi32>
        %add3A_65 = arith.addi %mul3A_64, %and3A_61 : vector<16xi32>
        %mul3A_66 = arith.constant 8.000000e+00 : f32
        %mul3A_67 = vector.broadcast %mul3A_66 : f32 to vector<16xf32>
        %mul3A_68 = arith.mulf %get3A_58, %mul3A_67 : vector<16xf32>
        tpu.vector_store_idx %arg8[%add3A_65], %mul3A_68 : memref<8192xf32, #tpu.memory_space<vmem>>[vector<16xi32>], vector<16xf32>,
        %mul3A_69 = arith.constant 64 : i32
        %mul3A_70 = arith.muli %scan3A_53, %mul3A_69 : i32
        %add3A_71 = arith.constant 16 : i32
        %add3A_72 = arith.addi %mul3A_70, %add3A_71 : i32
        %get3A_73 = arith.index_cast %add3A_72 : i32 to index
        %get3A_74 = tpu.vector_load %arg9[%get3A_73] {strides = array<i32>} : memref<8192xf32, #tpu.memory_space<vmem>>, vector<16xf32>,
        %add3A_75 = arith.addi %add3A_38, %broadcast_in_dim3A : vector<16xi32>
        %and3A_76 = arith.constant 63 : i32
        %and3A_77 = vector.broadcast %and3A_76 : i32 to vector<16xi32>
        %and3A_78 = arith.andi %add3A_75, %and3A_77 : vector<16xi32>
        %mul3A_79 = arith.constant 64 : i32
        %mul3A_80 = vector.broadcast %mul3A_79 : i32 to vector<16xi32>
        %mul3A_81 = arith.muli %broadcast_in_dim3A, %mul3A_80 : vector<16xi32>
        %add3A_82 = arith.addi %mul3A_81, %and3A_78 : vector<16xi32>
        %mul3A_83 = arith.constant 8.000000e+00 : f32
        %mul3A_84 = vector.broadcast %mul3A_83 : f32 to vector<16xf32>
        %mul3A_85 = arith.mulf %get3A_74, %mul3A_84 : vector<16xf32>
        tpu.vector_store_idx %arg8[%add3A_82], %mul3A_85 : memref<8192xf32, #tpu.memory_space<vmem>>[vector<16xi32>], vector<16xf32>,
        %mul3A_86 = arith.constant 64 : i32
        %mul3A_87 = arith.muli %scan3A_53, %mul3A_86 : i32
        %add3A_88 = arith.constant 32 : i32
        %add3A_89 = arith.addi %mul3A_87, %add3A_88 : i32
        %get3A_90 = arith.index_cast %add3A_89 : i32 to index
        %get3A_91 = tpu.vector_load %arg9[%get3A_90] {strides = array<i32>} : memref<8192xf32, #tpu.memory_space<vmem>>, vector<16xf32>,
        %add3A_92 = arith.addi %add3A_42, %broadcast_in_dim3A : vector<16xi32>
        %and3A_93 = arith.constant 63 : i32
        %and3A_94 = vector.broadcast %and3A_93 : i32 to vector<16xi32>
        %and3A_95 = arith.andi %add3A_92, %and3A_94 : vector<16xi32>
        %mul3A_96 = arith.constant 64 : i32
        %mul3A_97 = vector.broadcast %mul3A_96 : i32 to vector<16xi32>
        %mul3A_98 = arith.muli %broadcast_in_dim3A, %mul3A_97 : vector<16xi32>
        %add3A_99 = arith.addi %mul3A_98, %and3A_95 : vector<16xi32>
        %mul3A_100 = arith.constant 8.000000e+00 : f32
        %mul3A_101 = vector.broadcast %mul3A_100 : f32 to vector<16xf32>
        %mul3A_102 = arith.mulf %get3A_91, %mul3A_101 : vector<16xf32>
        tpu.vector_store_idx %arg8[%add3A_99], %mul3A_102 : memref<8192xf32, #tpu.memory_space<vmem>>[vector<16xi32>], vector<16xf32>,
        %mul3A_103 = arith.constant 64 : i32
        %mul3A_104 = arith.muli %scan3A_53, %mul3A_103 : i32
        %add3A_105 = arith.constant 48 : i32
        %add3A_106 = arith.addi %mul3A_104, %add3A_105 : i32
        %get3A_107 = arith.index_cast %add3A_106 : i32 to index
        %get3A_108 = tpu.vector_load %arg9[%get3A_107] {strides = array<i32>} : memref<8192xf32, #tpu.memory_space<vmem>>, vector<16xf32>,
        %add3A_109 = arith.addi %add3A_46, %broadcast_in_dim3A : vector<16xi32>
        %and3A_110 = arith.constant 63 : i32
        %and3A_111 = vector.broadcast %and3A_110 : i32 to vector<16xi32>
        %and3A_112 = arith.andi %add3A_109, %and3A_111 : vector<16xi32>
        %mul3A_113 = arith.constant 64 : i32
        %mul3A_114 = vector.broadcast %mul3A_113 : i32 to vector<16xi32>
        %mul3A_115 = arith.muli %broadcast_in_dim3A, %mul3A_114 : vector<16xi32>
        %add3A_116 = arith.addi %mul3A_115, %and3A_112 : vector<16xi32>
        %mul3A_117 = arith.constant 8.000000e+00 : f32
        %mul3A_118 = vector.broadcast %mul3A_117 : f32 to vector<16xf32>
        %mul3A_119 = arith.mulf %get3A_108, %mul3A_118 : vector<16xf32>
        tpu.vector_store_idx %arg8[%add3A_116], %mul3A_119 : memref<8192xf32, #tpu.memory_space<vmem>>[vector<16xi32>], vector<16xf32>,
        %scan3A_120 = arith.constant 1 : i32
        %scan3A_121 = arith.addi %scan3A_53, %scan3A_120 : i32
        %broadcast_in_dim3A_122 = vector.broadcast %scan3A_121 : i32 to vector<16xi32>
        %mul3A_123 = arith.constant 64 : i32
        %mul3A_124 = arith.muli %scan3A_121, %mul3A_123 : i32
        %add3A_125 = arith.constant 0 : i32
        %add3A_126 = arith.addi %mul3A_124, %add3A_125 : i32
        %get3A_127 = arith.index_cast %add3A_126 : i32 to index
        %get3A_128 = tpu.vector_load %arg9[%get3A_127] {strides = array<i32>} : memref<8192xf32, #tpu.memory_space<vmem>>, vector<16xf32>,
        %add3A_129 = arith.addi %add3A_34, %broadcast_in_dim3A_122 : vector<16xi32>
        %and3A_130 = arith.constant 63 : i32
        %and3A_131 = vector.broadcast %and3A_130 : i32 to vector<16xi32>
        %and3A_132 = arith.andi %add3A_129, %and3A_131 : vector<16xi32>
        %mul3A_133 = arith.constant 64 : i32
        %mul3A_134 = vector.broadcast %mul3A_133 : i32 to vector<16xi32>
        %mul3A_135 = arith.muli %broadcast_in_dim3A_122, %mul3A_134 : vector<16xi32>
        %add3A_136 = arith.addi %mul3A_135, %and3A_132 : vector<16xi32>
        %mul3A_137 = arith.constant 8.000000e+00 : f32
        %mul3A_138 = vector.broadcast %mul3A_137 : f32 to vector<16xf32>
        %mul3A_139 = arith.mulf %get3A_128, %mul3A_138 : vector<16xf32>
        tpu.vector_store_idx %arg8[%add3A_136], %mul3A_139 : memref<8192xf32, #tpu.memory_space<vmem>>[vector<16xi32>], vector<16xf32>,
        %mul3A_140 = arith.constant 64 : i32
        %mul3A_141 = arith.muli %scan3A_121, %mul3A_140 : i32
        %add3A_142 = arith.constant 16 : i32
        %add3A_143 = arith.addi %mul3A_141, %add3A_142 : i32
        %get3A_144 = arith.index_cast %add3A_143 : i32 to index
        %get3A_145 = tpu.vector_load %arg9[%get3A_144] {strides = array<i32>} : memref<8192xf32, #tpu.memory_space<vmem>>, vector<16xf32>,
        %add3A_146 = arith.addi %add3A_38, %broadcast_in_dim3A_122 : vector<16xi32>
        %and3A_147 = arith.constant 63 : i32
        %and3A_148 = vector.broadcast %and3A_147 : i32 to vector<16xi32>
        %and3A_149 = arith.andi %add3A_146, %and3A_148 : vector<16xi32>
        %mul3A_150 = arith.constant 64 : i32
        %mul3A_151 = vector.broadcast %mul3A_150 : i32 to vector<16xi32>
        %mul3A_152 = arith.muli %broadcast_in_dim3A_122, %mul3A_151 : vector<16xi32>
        %add3A_153 = arith.addi %mul3A_152, %and3A_149 : vector<16xi32>
        %mul3A_154 = arith.constant 8.000000e+00 : f32
        %mul3A_155 = vector.broadcast %mul3A_154 : f32 to vector<16xf32>
        %mul3A_156 = arith.mulf %get3A_145, %mul3A_155 : vector<16xf32>
        tpu.vector_store_idx %arg8[%add3A_153], %mul3A_156 : memref<8192xf32, #tpu.memory_space<vmem>>[vector<16xi32>], vector<16xf32>,
        %mul3A_157 = arith.constant 64 : i32
        %mul3A_158 = arith.muli %scan3A_121, %mul3A_157 : i32
        %add3A_159 = arith.constant 32 : i32
        %add3A_160 = arith.addi %mul3A_158, %add3A_159 : i32
        %get3A_161 = arith.index_cast %add3A_160 : i32 to index
        %get3A_162 = tpu.vector_load %arg9[%get3A_161] {strides = array<i32>} : memref<8192xf32, #tpu.memory_space<vmem>>, vector<16xf32>,
        %add3A_163 = arith.addi %add3A_42, %broadcast_in_dim3A_122 : vector<16xi32>
        %and3A_164 = arith.constant 63 : i32
        %and3A_165 = vector.broadcast %and3A_164 : i32 to vector<16xi32>
        %and3A_166 = arith.andi %add3A_163, %and3A_165 : vector<16xi32>
        %mul3A_167 = arith.constant 64 : i32
        %mul3A_168 = vector.broadcast %mul3A_167 : i32 to vector<16xi32>
        %mul3A_169 = arith.muli %broadcast_in_dim3A_122, %mul3A_168 : vector<16xi32>
        %add3A_170 = arith.addi %mul3A_169, %and3A_166 : vector<16xi32>
        %mul3A_171 = arith.constant 8.000000e+00 : f32
        %mul3A_172 = vector.broadcast %mul3A_171 : f32 to vector<16xf32>
        %mul3A_173 = arith.mulf %get3A_162, %mul3A_172 : vector<16xf32>
        tpu.vector_store_idx %arg8[%add3A_170], %mul3A_173 : memref<8192xf32, #tpu.memory_space<vmem>>[vector<16xi32>], vector<16xf32>,
        %mul3A_174 = arith.constant 64 : i32
        %mul3A_175 = arith.muli %scan3A_121, %mul3A_174 : i32
        %add3A_176 = arith.constant 48 : i32
        %add3A_177 = arith.addi %mul3A_175, %add3A_176 : i32
        %get3A_178 = arith.index_cast %add3A_177 : i32 to index
        %get3A_179 = tpu.vector_load %arg9[%get3A_178] {strides = array<i32>} : memref<8192xf32, #tpu.memory_space<vmem>>, vector<16xf32>,
        %add3A_180 = arith.addi %add3A_46, %broadcast_in_dim3A_122 : vector<16xi32>
        %and3A_181 = arith.constant 63 : i32
        %and3A_182 = vector.broadcast %and3A_181 : i32 to vector<16xi32>
        %and3A_183 = arith.andi %add3A_180, %and3A_182 : vector<16xi32>
        %mul3A_184 = arith.constant 64 : i32
        %mul3A_185 = vector.broadcast %mul3A_184 : i32 to vector<16xi32>
        %mul3A_186 = arith.muli %broadcast_in_dim3A_122, %mul3A_185 : vector<16xi32>
        %add3A_187 = arith.addi %mul3A_186, %and3A_183 : vector<16xi32>
        %mul3A_188 = arith.constant 8.000000e+00 : f32
        %mul3A_189 = vector.broadcast %mul3A_188 : f32 to vector<16xf32>
        %mul3A_190 = arith.mulf %get3A_179, %mul3A_189 : vector<16xf32>
        tpu.vector_store_idx %arg8[%add3A_187], %mul3A_190 : memref<8192xf32, #tpu.memory_space<vmem>>[vector<16xi32>], vector<16xf32>,
      }
      %scan3A_52 = arith.constant 64 : i32
      "tpu.region"() ({
        %run_scoped3A = tpu.sem_alloc : memref<!tpu.dma_semaphore, #tpu.memory_space<semaphore_mem>>
        %dma_start3A_53 = arith.constant 0 : i32
        %dma_start3A_54 = tpu.memref_slice %arg8[%dma_start3A_53] : memref<8192xf32, #tpu.memory_space<vmem>> -> memref<4096xf32, #tpu.memory_space<vmem>>
        %dma_start3A_55 = arith.constant 63995904 : i32
        %dma_start3A_56 = tpu.memref_slice %arg4[%dma_start3A_55] : memref<64000000xf32, #tpu.memory_space<hbm>> -> memref<4096xf32, #tpu.memory_space<hbm>>
        %dma_start3A_57 = arith.constant 63995904 : i32
        %dma_start3A_58 = tpu.memref_slice %arg4[%dma_start3A_57] : memref<64000000xf32, #tpu.memory_space<hbm>> -> memref<4096xf32, #tpu.memory_space<hbm>>
        %dma_start3A_59 = arith.constant 0 : i32
        %dma_start3A_60 = tpu.memref_slice %arg8[%dma_start3A_59] : memref<8192xf32, #tpu.memory_space<vmem>> -> memref<4096xf32, #tpu.memory_space<vmem>>
        tpu.enqueue_dma source(%dma_start3A_60 : memref<4096xf32, #tpu.memory_space<vmem>>) target(%dma_start3A_58 : memref<4096xf32, #tpu.memory_space<hbm>>) target_semaphore(%run_scoped3A : memref<!tpu.dma_semaphore, #tpu.memory_space<semaphore_mem>>)
        %dma_wait3A_61 = arith.constant 0 : i32
        %dma_wait3A_62 = tpu.memref_slice %arg8[%dma_wait3A_61] : memref<8192xf32, #tpu.memory_space<vmem>> -> memref<4096xf32, #tpu.memory_space<vmem>>
        %dma_wait3A_63 = arith.constant 63995904 : i32
        %dma_wait3A_64 = tpu.memref_slice %arg4[%dma_wait3A_63] : memref<64000000xf32, #tpu.memory_space<hbm>> -> memref<4096xf32, #tpu.memory_space<hbm>>
        %dma_wait3A_65 = arith.constant 63995904 : i32
        %dma_wait3A_66 = tpu.memref_slice %arg4[%dma_wait3A_65] : memref<64000000xf32, #tpu.memory_space<hbm>> -> memref<4096xf32, #tpu.memory_space<hbm>>
        %dma_wait3A_67 = arith.constant 0 : i32
        %dma_wait3A_68 = tpu.memref_slice %arg8[%dma_wait3A_67] : memref<8192xf32, #tpu.memory_space<vmem>> -> memref<4096xf32, #tpu.memory_space<vmem>>
        tpu.wait_dma2 semaphore(%run_scoped3A : memref<!tpu.dma_semaphore, #tpu.memory_space<semaphore_mem>>) src(%dma_wait3A_68 : memref<4096xf32, #tpu.memory_space<vmem>>) dst(%dma_wait3A_66 : memref<4096xf32, #tpu.memory_space<hbm>>)
        tpu.yield
      }) : () -> ()
    } else {
    }
    return
  }
}

</mosaic_0001>

<sc_bundles>
// kernel: _run.4.cloned.1.call-start
scs
__scs_entry_jumppad:
0x0: {  	(pc) =	sbr.rel $0x88, $3  }
0x1: {  	(tag) =	ssettag $0x0;
	lr =	simm.s32 $0x1  }
0x2: {  	[smem:$0x3F9F] =	sst lr;
	_ =	strace $0xD0000000  }
0x3: {  	_ = 	snop  }
0x4: {  	_ = 	snop  }
0x5: {  	_ = 	snop  }
0x6: {  	_ = 	snop  }
0x7: {  	_ = 	snop  }
__scs_overlays_trampoline_lowered:
0x8: {  	[smem:$0x3FAE] =	sst s0  }
0x9: {  	[smem:$0x3FAF] =	sst s1  }
0xa: {  	[smem:$0x3FB0] =	sst s2  }
0xb: {  	[smem:$0x3FB1] =	sst s3  }
0xc: {  	[smem:$0x3FB2] =	sst s4  }
0xd: {  	[smem:$0x3FB3] =	sst s5  }
0xe: {  	[smem:$0x3FB4] =	sst s6  }
0xf: {  	[smem:$0x3FB5] =	sst s7  }
0x10: {  	[smem:$0x3FB6] =	sst s8  }
0x11: {  	[smem:$0x3FB7] =	sst s9;
	s0 =	simm.s32 @!p0 $0x0  }
0x12: {  	s1 =	sld [smem:$0x3F9D];
	s0 =	simm.s32 @p0 $0x1  }
0x13: {  	[smem:$0x3FB8] =	sst s0;
	s0 =	simm.s32 @!p1 $0x0  }
0x14: {  	s2 =	sld [smem:$0x3F9C];
	s0 =	simm.s32 @p1 $0x1  }
0x15: {  	[smem:$0x3FB9] =	sst s0;
	s0 =	simm.s32 @!p2 $0x0  }
0x16: {  	s3 =	sld [smem:$0x3FDB];
	s0 =	simm.s32 @p2 $0x1  }
0x17: {  	s4 =	simm.s32 $0x1BF5;
	[smem:$0x3FBB] =	sst s0  }
0x18: {  	s0 =	sld [smem:$0x3F9E];
	_ =	swait.ge [sflag:s4], $0x0  }
0x19: {  	s7 =	sld [smem:$0x3F9F]  }
0x1a: {  	s8 =	sadd.s32 $0xFFFFE003, lr  }
0x1b: {  	s9 =	sadd.s32 $0xFFFFFEF7, lr;
	s5 =	simm.s32 $0xFFFFFFFF;
	p2 =	slt.u32 s8, $0xFFFFF086  }
0x1c: {  	p1 =	slt.u32 s9, $0xF7A;
	s5 =	simm.s32 @!p2 $0x0  }
0x1d: {  	s5 =	simm.s32 @p1 $0x1;
	p0 =	seq.s32 s7, s2  }
0x1e: {  	s7 =	smul.u32 @!p0 $0xF7A, s2;
	p2 =	seq.s32 @!p0 s5, $0x0  }
0x1f: {  	s9 =	smul.u32 $0xF7A, s1;
	s8 =	simm.s32 @!p0 $0x1BF5;
	p2 =	por !p2, p0  }
0x20: {  	[sflag:s8] =	ssyncset.s32 @!p0 $0xFFFFF086;
	s6 =	sadd.s32 @!p0 s3, s7;
	s7 =	simm.s32 @!p0 $0x108  }
0x21: {  	s3 =	sadd.s32 s3, s9;
	s6 =	sadd.s32 @!p0 $0x88, s6;
	s7 =	simm.s32 @p2 $0x1082  }
0x22: {  	[simem:s7], [sflag:s8] =	dma.local @!p0 [hbm:s6], $0xF7A  }
0x23: {  	s9 =	sor.u32 $0xD0000000, s2;
	s6 =	simm.s32 $0x108;
	_ =	swait.ge @!p0 [sflag:s8], $0x0  }
0x24: {  	s3 =	sadd.s32 $0x88, s3;
	s6 =	simm.s32 @!p1 $0x1082;
	[sflag:s4] =	ssyncset.s32 $0xFFFFF086  }
0x25: {  	[simem:s6], [sflag:s4] =	dma.local [hbm:s3], $0xF7A  }
0x26: {  	[smem:$0x3F9F] =	sst s1;
	(tag) =	ssettag s2;
	_ =	strace s9  }
0x27: {  	s1 =	sld [smem:$0x3FAF]  }
0x28: {  	s2 =	sld [smem:$0x3FB0]  }
0x29: {  	s4 =	sld [smem:$0x3FB2]  }
0x2a: {  	p0 =	seq.s32 s5, $0x0;
	s5 =	sld [smem:$0x3FB3]  }
0x2b: {  	s6 =	sld [smem:$0x3FB4]  }
0x2c: {  	s7 =	sld [smem:$0x3FB5]  }
0x2d: {  	s3 =	simm.s32 $0x108;
	s8 =	sld [smem:$0x3FB6]  }
0x2e: {  	s3 =	simm.s32 @!p0 $0x1082;
	s9 =	sld [smem:$0x3FB7]  }
0x2f: {  	lr =	sadd.s32 s0, s3;
	s0 =	sld [smem:$0x3FAE]  }
0x30: {  	s3 =	sld [smem:$0x3FB1]  }
0x31: {  	[smem:$0x3FBA] =	sst s10  }
0x32: {  	s10 =	sld [smem:$0x3FB8];
	_ =	sdelay $0x3  }
0x33: {  	p0 =	seq.s32 s10, $0x1;
	s10 =	sld [smem:$0x3FBA];
	_ =	sdelay $0x3  }
0x34: {  	[smem:$0x3FBA] =	sst s10  }
0x35: {  	s10 =	sld [smem:$0x3FB9];
	_ =	sdelay $0x3  }
0x36: {  	p1 =	seq.s32 s10, $0x1;
	s10 =	sld [smem:$0x3FBA];
	_ =	sdelay $0x3  }
0x37: {  	[smem:$0x3FBA] =	sst s10  }
0x38: {  	s10 =	sld [smem:$0x3FBB]  }
0x39: {  	_ = 	snop;
	(pc) =	sbr.ind lr, $3  }
0x3a: {  	_ = 	snop  }
0x3b: {  	_ = 	snop  }
0x3c: {  	p2 =	seq.s32 s10, $0x1;
	s10 =	sld [smem:$0x3FBA]  }
0x3d: {  	_ =	shalt  }
0x3e: {  	_ =	shalt  }
0x3f: {  	_ =	shalt  }
0x40: {  	_ =	shalt  }
0x41: {  	_ =	shalt  }
0x42: {  	_ =	shalt  }
0x43: {  	_ =	shalt  }
0x44: {  	_ =	shalt  }
0x45: {  	_ =	shalt  }
0x46: {  	_ =	shalt  }
0x47: {  	_ =	shalt  }
0x48: {  	_ =	shalt  }
0x49: {  	_ =	shalt  }
0x4a: {  	_ =	shalt  }
0x4b: {  	_ =	shalt  }
0x4c: {  	_ =	shalt  }
0x4d: {  	_ =	shalt  }
0x4e: {  	_ =	shalt  }
0x4f: {  	_ =	shalt  }
0x50: {  	_ =	shalt  }
0x51: {  	_ =	shalt  }
0x52: {  	_ =	shalt  }
0x53: {  	_ =	shalt  }
0x54: {  	_ =	shalt  }
0x55: {  	_ =	shalt  }
0x56: {  	_ =	shalt  }
0x57: {  	_ =	shalt  }
0x58: {  	_ =	shalt  }
0x59: {  	_ =	shalt  }
0x5a: {  	_ =	shalt  }
0x5b: {  	_ =	shalt  }
0x5c: {  	_ =	shalt  }
0x5d: {  	_ =	shalt  }
0x5e: {  	_ =	shalt  }
0x5f: {  	_ =	shalt  }
0x60: {  	_ =	shalt  }
0x61: {  	_ =	shalt  }
0x62: {  	_ =	shalt  }
0x63: {  	_ =	shalt  }
0x64: {  	_ =	shalt  }
0x65: {  	_ =	shalt  }
0x66: {  	_ =	shalt  }
0x67: {  	_ =	shalt  }
0x68: {  	_ =	shalt  }
0x69: {  	_ =	shalt  }
0x6a: {  	_ =	shalt  }
0x6b: {  	_ =	shalt  }
0x6c: {  	_ =	shalt  }
0x6d: {  	_ =	shalt  }
0x6e: {  	_ =	shalt  }
0x6f: {  	_ =	shalt  }
0x70: {  	_ =	shalt  }
0x71: {  	_ =	shalt  }
0x72: {  	_ =	shalt  }
0x73: {  	_ =	shalt  }
0x74: {  	_ =	shalt  }
0x75: {  	_ =	shalt  }
0x76: {  	_ =	shalt  }
0x77: {  	_ =	shalt  }
0x78: {  	_ =	shalt  }
0x79: {  	_ =	shalt  }
0x7a: {  	_ =	shalt  }
0x7b: {  	_ =	shalt  }
0x7c: {  	_ =	shalt  }
0x7d: {  	_ =	shalt  }
0x7e: {  	_ =	shalt  }
0x7f: {  	_ =	shalt  }
0x80: {  	_ =	shalt  }
0x81: {  	_ =	shalt  }
0x82: {  	_ =	shalt  }
0x83: {  	_ =	shalt  }
0x84: {  	_ =	shalt  }
0x85: {  	_ =	shalt  }
0x86: {  	_ =	shalt  }
0x87: {  	_ =	shalt  }
.Lfunc_end0:
.L_simem_size_0:
called_computation_lowered:
.L_overlay_start_0:
0x88: {  	s2 =	sld [smem:$0x3FD9]  }
0x89: {  	s3 =	sld [smem:$0x3FFE];
	_ =	sdelay $0x1  }
0x8a: {  	s1 =	srdreg.scid  }
0x8b: {  	s0 =	sand.u32 $0x1, s1  }
0x8c: {  	s17 =	sshll.u32 s0, $0xA;
	s2 =	sadd.s32 s3, s2  }
0x8d: {  	s2 =	sadd.s32 s2, s17  }
0x8e: {  	[smem:$0x3FC6] =	sst s2  }
0x8f: {  	_ = 	snop  }
0x90: {  	s2 =	sld [smem:$0x3FC8]  }
0x91: {  	s18 =	sld [smem:$0x3FD0];
	(tm) =	ssettm $0x1  }
0x92: {  	s4 =	sld [smem:$0x3FFB];
	_ =	sdelay $0x3  }
0x93: {  	_ =	strace s4  }
0x94: {  	s4 =	sld [smem:$0x3FFC];
	_ =	sdelay $0x3  }
0x95: {  	_ =	strace s4  }
0x96: {  	s4 =	sld [smem:$0x3FFD];
	_ =	sdelay $0x3  }
0x97: {  	_ =	strace s4  }
0x98: {  	_ =	strace $0x8FFFFFFF  }
0x99: {  	s19 =	sld [smem:$0x3FDB];
	_ =	sdelay $0x1  }
0x9a: {  	s5 =	simm.s32 $_scs_section_size  }
0x9b: {  	s6 =	simm.s32 $_size__tile_overlayer_lowered;
	s7 =	simm.s32 $_tile_overlayer_lowered  }
0x9c: {  	s22 =	simm.s32 $0x1BFF;
	s21 =	sshll.u32 s7, $0x1;
	s4 =	sadd.s32 s5, s19  }
0x9d: {  	s8 =	simm.s32 $0x0;
	s20 =	sshll.u32 s6, $0x1;
	s6 =	sadd.s32 s21, s4  }
0x9e: {  	[timem:s8], [sflag:s22] =	dma.local [hbm:s6], s20  }
0x9f: {  	_ =	swait.ge [sflag:s22], s20  }
0xa0: {  	s5 =	ssub.s32 $0x0, s20;
	[sflag:s22] =	ssyncset.done $0x0  }
0xa1: {  	[sflag:s22] =	ssyncadd.s32 s5;
	_ =	sdelay $0x1  }
0xa2: {  	s23 =	simm.s32 $0x1B8B  }
0xa3: {  	_ =	swait.ge [sflag:s23], $0x1  }
0xa4: {  	[sflag:s23] =	ssyncset.done $0x0  }
0xa5: {  	s25 =	simm.s32 $0x1B8E;
	s24 =	sld [smem:$0x3FFE];
	[sflag:s23] =	ssyncadd.s32 $0xFFFFFFFF  }
0xa6: {  	s26 =	simm.s32 $execute0_lowered;
	[smem:$0x3FD2] =	sst s25  }
0xa7: {  	s6 =	sshll.u32 s26, $0x1;
	_ =	strace $0x80000046;
	[dreg:$0x1] =	wrdreg $0xFFFFFFFF  }
0xa8: {  	s28 =	simm.s32 $_size_execute0_lowered;
	s4 =	sadd.s32 s4, s6;
	[dreg:$0x0] =	wrdreg $0x0  }
0xa9: {  	s6 =	sshll.u32 s28, $0x1;
	[dreg:$0x2] =	wrdreg s4  }
0xaa: {  	[dreg:$0x3] =	wrdreg s6  }
0xab: {  	[dreg:$0x4] =	wrdreg $0xC0  }
0xac: {  	_ =	task [dreg:s8], $0x5FFFF  }
0xad: {  	[dreg:$0x1] =	wrdreg $0xFFFFFFFF  }
0xae: {  	[dreg:$0x0] =	wrdreg $0x60  }
0xaf: {  	[dreg:$0x2] =	wrdreg s2  }
0xb0: {  	[dreg:$0x3] =	wrdreg s18  }
0xb1: {  	[dreg:$0x4] =	wrdreg s24  }
0xb2: {  	[dreg:$0x5] =	wrdreg $0x9  }
0xb3: {  	_ =	task.clear_ibuf [dreg:s8], $0x6FFFF;
	_ =	strace $0x90000046  }
0xb4: {  	s29 =	simm.s32 $0x9;
	_ =	strace $0x80000048  }
0xb5: {  	_ =	swait.ge [sflag:s29], $0x1  }
0xb6: {  	[sflag:s29] =	ssyncadd.s32 $0xFFFFFFFF  }
0xb7: {  	_ =	strace $0x90000048  }
0xb8: {  	_ =	sfence  }
0xb9: {  	s30 =	sld [smem:$0x0];
	_ =	sdelay $0x2  }
0xba: {  	s31 =	sshll.u32 s1, $0xD;
	s1 =	sshrl.u32 s1, $0x2  }
0xbb: {  	s3 =	sand.u32 $0x4000, s31;
	s1 =	sadd.s32 s1, s30  }
0xbc: {  	s0 =	sor.u32 s3, s0;
	s1 =	sshll.u32 s1, $0x11  }
0xbd: {  	s0 =	sor.u32 s1, s0  }
0xbe: {  	s0 =	sadd.s32 $0x8F2B, s0  }
0xbf: {  	[sflag:s0] =	ssyncadd.remote.s32 $0x1  }
0xc0: {  	_ =	sfence.sel $0xFFFF  }
0xc1: {  	[dreg:$0x0] =	wrdreg $0xFFFFFFFF;
	(pc) =	sbr.abs _section_cstart, $3  }
0xc2: {  	[dreg:$0x1] =	wrdreg $0xFFFFFFFF  }
0xc3: {  	_ =	task.clear_ibuf [dreg:s8], $0x2FFFF;
	_ =	strace $0x9FFFFFFF  }
0xc4: {  	(tm) =	ssettm $0x7FFFFFFF  }
0xc5: {  	_ =	shalt  }
tec
execute0_lowered:
.L_overlay_start_1:
0x0: {  	(tag) =	ssettag $0x1  }
0x1: {  	s0 =	rddreg [dreg:$0x0]  }
0x2: {  	s1 =	rddreg [dreg:$0x2]  }
0x3: {  	s2 =	srdreg.scid;
	s9 =	stileid.u32  }
0x4: {  	s3 =	simm.s32 $0x0;
	s16 =	simm.s32 $0x1;
	s17 =	simm.s32 $0x6000  }
0x5: {  	s18 =	simm.s32 $0x2;
	s19 =	simm.s32 $0x8000;
	s20 =	simm.s32 $0x3  }
0x6: {  	s21 =	simm.s32 $0xA000;
	s22 =	simm.s32 $0x4;
	s23 =	simm.s32 $0x5  }
0x7: {  	s24 =	simm.s32 $0x6;
	s25 =	simm.s32 $0x7;
	s26 =	simm.s32 $0x0  }
0x8: {  	s2 =	sand.u32 $0x1, s2;
	s4 =	sshll.u32 s9, $0x1;
	[smem:$0x7FF] =	sst s3  }
0x9: {  	p0 =	slt.u32 s9, $0x2;
	s11 =	sadd.s32 $0x80, s0;
	s31 =	sadd.s32 $0x7A1C00, s1  }
0xa: {  	s7 =	sor.u32 s2, s4;
	_ =	strace $0x80000047;
	s2 =	ssub.s32 $0x2, s2  }
0xb: {  	v0 =	vlaneseq.u32;
	s4 =	sadd.s32 $0xC00, s1;
	[dreg:$0x5] =	wrdreg s31;
	s5 =	smul.u32 $0xF4, s7  }
.Ltmp0:
0xc: {  	v1 =	vmul.u32 $0x40, v0;
	v2 =	vor.u32 $0x10, v0;
	s8 =	sshrl.u32 s2, $0x1;
	s6 =	smin.u32 s7, $0x4;
	(pc) =	sbr.rel .LBB2_1-.Ltmp0, $4  }
0xd: {  	v4 =	vor.u32 $0x20, v0;
	v6 =	vor.u32 $0x30, v0;
	v9 =	vor.u32 $0x50, v0;
	s2 =	ssub.s32 s2, s8;
	s5 =	sadd.s32 s6, s5;
	s6 =	simm.s32 $0xF5  }
0xe: {  	v11 =	vor.u32 $0x60, v0;
	v13 =	vor.u32 $0x70, v0;
	v3 =	vor.u32 $0x400, v1;
	s13 =	smax.u32 s2, $0x1;
	s6 =	simm.s32 @!p0 $0xF4;
	s30 =	sshll.u32 s5, $0x7  }
0xf: {  	v5 =	vor.u32 $0x800, v1;
	v7 =	vor.u32 $0xC00, v1;
	v8 =	vor.u32 $0x1000, v1;
	p0 =	sne.s32 s7, $0x1F;
	s8 =	sadd.s32 s0, s30;
	s9 =	sadd.s32 $0xFFFFFFFE, s6  }
0x10: {  	v10 =	vor.u32 $0x1400, v1;
	v12 =	vor.u32 $0x1800, v1;
	v14 =	vor.u32 $0x1C00, v1;
	s10 =	sadd.s32 $0xFFFFFFFD, s6;
	[dreg:$0x4] =	wrdreg s8;
	s8 =	sadd.s32 $0xFFFFFFFF, s6  }
.LBB2_17:
0x11: {  	s26 =	sadd.s32 $0x1, s26  }
0x12: {  	p1 =	sne.s32 s26, s13  }
.Ltmp1:
0x13: {  	_ = 	snop;
	(pc) =	sbr.rel @!p1 .LBB2_18-.Ltmp1, $1  }
0x14: {  	_ =	sdelay $0x3  }
.LBB2_1:
.Ltmp2:
0x15: {  	(pc) =	sbr.rel .LBB2_2-.Ltmp2, $4  }
0x16: {  	_ = 	snop  }
0x17: {  	s0 =	rddreg [dreg:$0x4]  }
0x18: {  	s1 =	simm.s32 $0x400;
	s2 =	simm.s32 $0x7A1400;
	s28 =	simm.s32 $0x0  }
0x19: {  	[tilespmem:s3], [sflag:$0x1] =	stream.strided.gather [hbm4b:s0+s1], $0x2000, s2, s1, $0x38;
	[tilespmem:$0xC000] =	vst v63  }
.LBB2_12:
0x1a: {  	s28 =	sadd.s32 $0x1, s28  }
0x1b: {  	p1 =	sne.s32 s28, $0x52  }
.Ltmp3:
0x1c: {  	_ = 	snop;
	(pc) =	sbr.rel @!p1 .LBB2_13-.Ltmp3, $1  }
0x1d: {  	_ =	sdelay $0x3  }
.LBB2_2:
0x1e: {  	s29 =	smul.u32 $0x3, s28;
	_ =	sdelay $0x1  }
0x1f: {  	p1 =	sge.u32 s29, s8  }
0x20: {  	p2 =	seq.s32 @!p1 s28, $0x0  }
0x21: {  	p2 =	por p2, p1  }
0x22: {  	s0 =	simm.s32 @!p2 $0x5  }
0x23: {  	s1 =	sadd.s32 @!p1 s5, s29;
	s2 =	simm.s32 @!p1 $0x7A1400;
	_ =	swait.ge @!p2 [sflag:s0], $0x2000  }
0x24: {  	s7 =	simm.s32 @!p1 $0x2000;
	s1 =	sshll.u32 @!p1 s1, $0x7;
	[sflag:s0] =	ssyncset.done @!p2 $0x0  }
0x25: {  	[sflag:s0] =	ssyncadd.s32 @!p2 $0xFFFFE000;
	s0 =	sadd.s32 @!p1 s1, s11;
	s1 =	simm.s32 @!p1 $0x400  }
0x26: {  	[tilespmem:s7], [sflag:$0x2] =	stream.strided.gather @!p1 [hbm4b:s0+s1], $0x2000, s2, s1, $0x38;
	[tilespmem:$0xC000] =	vst v63  }
0x27: {  	_ =	swait.ge [sflag:s16], $0x2000  }
0x28: {  	[sflag:s16] =	ssyncset.done $0x0  }
0x29: {  	s30 =	simm.s32 $0x100;
	s31 =	simm.s32 $0x3;
	[sflag:s16] =	ssyncadd.s32 $0xFFFFE000  }
0x2a: {  	s12 =	simm.s32 $0x1;
	v16 =	vadd.s32 s31, v0;
	v15 =	vld [tilespmem:s30+$0x80]  }
0x2b: {  	s14 =	simm.s32 $0x2;
	v17 =	vadd.s32 s12, v0;
	v23 =	vand.u32 $0x3F, v16;
	v16 =	vld [tilespmem:s30+$0xFFFFFF80]  }
0x2c: {  	s15 =	simm.s32 $0x0;
	v19 =	vadd.s32 s14, v0;
	v24 =	vand.u32 $0x3F, v17;
	v18 =	vor.u32 v1, v23;
	v17 =	vld [tilespmem:s30+$0x0]  }
0x2d: {  	v20 =	vadd.s32 s15, v0;
	v26 =	vand.u32 $0x3F, v19;
	v22 =	vor.u32 v1, v24;
	v21 =	vld [tilespmem:s30+$0xFFFFFF00]  }
0x2e: {  	v28 =	vand.u32 $0x3F, v20;
	v19 =	vor.u32 v1, v26  }
0x2f: {  	v20 =	vor.u32 v1, v28;
	v15 =	vmul.f32 $8.000000000e+00, v15  }
0x30: {  	v16 =	vmul.f32 $8.000000000e+00, v16  }
0x31: {  	[tilespmem:v18+s17+$0x0] =	vst.idx.msk $0xffff, v15;
	v15 =	vmul.f32 $8.000000000e+00, v17  }
0x32: {  	v21 =	vmul.f32 $8.000000000e+00, v21;
	v18 =	vadd.s32 s31, v2;
	[tilespmem:v22+s17+$0x0] =	vst.idx.msk $0xffff, v16;
	v17 =	vld [tilespmem:s30+$0x90]  }
0x33: {  	v16 =	vadd.s32 s12, v2;
	v18 =	vand.u32 $0x3F, v18;
	v22 =	vld [tilespmem:s30+$0xFFFFFF90];
	[tilespmem:v19+s17+$0x0] =	vst.idx.msk $0xffff, v15  }
0x34: {  	[tilespmem:v20+s17+$0x0] =	vst.idx.msk $0xffff, v21;
	v16 =	vand.u32 $0x3F, v16;
	v15 =	vadd.s32 s14, v2;
	v18 =	vor.u32 v3, v18;
	v19 =	vld [tilespmem:s30+$0x10]  }
0x35: {  	v20 =	vadd.s32 s15, v2;
	v21 =	vld [tilespmem:s30+$0xFFFFFF10];
	v16 =	vor.u32 v3, v16;
	v15 =	vand.u32 $0x3F, v15  }
0x36: {  	v20 =	vand.u32 $0x3F, v20;
	v15 =	vor.u32 v3, v15  }
0x37: {  	v20 =	vor.u32 v3, v20;
	v17 =	vmul.f32 $8.000000000e+00, v17  }
0x38: {  	v22 =	vmul.f32 $8.000000000e+00, v22  }
0x39: {  	[tilespmem:v18+s17+$0x0] =	vst.idx.msk $0xffff, v17;
	v17 =	vmul.f32 $8.000000000e+00, v19  }
0x3a: {  	v21 =	vmul.f32 $8.000000000e+00, v21;
	v19 =	vadd.s32 s31, v4;
	[tilespmem:v16+s17+$0x0] =	vst.idx.msk $0xffff, v22;
	v18 =	vld [tilespmem:s30+$0xA0]  }
0x3b: {  	v16 =	vadd.s32 s12, v4;
	v19 =	vand.u32 $0x3F, v19;
	v22 =	vld [tilespmem:s30+$0xFFFFFFA0];
	[tilespmem:v15+s17+$0x0] =	vst.idx.msk $0xffff, v17  }
0x3c: {  	[tilespmem:v20+s17+$0x0] =	vst.idx.msk $0xffff, v21;
	v16 =	vand.u32 $0x3F, v16;
	v15 =	vadd.s32 s14, v4;
	v17 =	vor.u32 v5, v19;
	v19 =	vld [tilespmem:s30+$0x20]  }
0x3d: {  	v20 =	vadd.s32 s15, v4;
	v21 =	vld [tilespmem:s30+$0xFFFFFF20];
	v16 =	vor.u32 v5, v16;
	v15 =	vand.u32 $0x3F, v15  }
0x3e: {  	v20 =	vand.u32 $0x3F, v20;
	v15 =	vor.u32 v5, v15  }
0x3f: {  	v20 =	vor.u32 v5, v20;
	v18 =	vmul.f32 $8.000000000e+00, v18  }
0x40: {  	v22 =	vmul.f32 $8.000000000e+00, v22  }
0x41: {  	[tilespmem:v17+s17+$0x0] =	vst.idx.msk $0xffff, v18;
	v17 =	vmul.f32 $8.000000000e+00, v19  }
0x42: {  	v18 =	vmul.f32 $8.000000000e+00, v21;
	[tilespmem:v16+s17+$0x0] =	vst.idx.msk $0xffff, v22;
	v19 =	vadd.s32 s31, v6;
	v16 =	vld [tilespmem:s30+$0xB0]  }
0x43: {  	v21 =	vadd.s32 s12, v6;
	v22 =	vld [tilespmem:s30+$0xFFFFFFB0];
	[tilespmem:v15+s17+$0x0] =	vst.idx.msk $0xffff, v17;
	v15 =	vand.u32 $0x3F, v19  }
0x44: {  	v17 =	vadd.s32 s14, v6;
	[tilespmem:v20+s17+$0x0] =	vst.idx.msk $0xffff, v18;
	v18 =	vand.u32 $0x3F, v21;
	v19 =	vld [tilespmem:s30+$0x30];
	v15 =	vor.u32 v7, v15  }
0x45: {  	v20 =	vadd.s32 s15, v6;
	v21 =	vld [tilespmem:s30+$0xFFFFFF30];
	v25 =	vor.u32 v7, v18;
	v17 =	vand.u32 $0x3F, v17  }
0x46: {  	v29 =	vadd.s32 s15, v9;
	v18 =	vand.u32 $0x3F, v20;
	v27 =	vor.u32 v7, v17  }
0x47: {  	v31 =	vadd.s32 s12, v9;
	v32 =	vor.u32 v7, v18;
	v16 =	vmul.f32 $8.000000000e+00, v16  }
0x48: {  	v29 =	vand.u32 $0x3F, v29;
	v41 =	vor.u32 v8, v23;
	s0 =	simm.s32 $0x4;
	v30 =	vmul.f32 $8.000000000e+00, v22  }
0x49: {  	v33 =	vor.u32 v8, v24;
	s2 =	simm.s32 $0x6;
	v36 =	vadd.s32 s0, v2;
	v19 =	vmul.f32 $8.000000000e+00, v19;
	[tilespmem:v15+s17+$0x0] =	vst.idx.msk $0xffff, v16  }
0x4a: {  	v35 =	vadd.s32 s0, v0;
	v24 =	vadd.s32 s2, v4;
	v34 =	vmul.f32 $8.000000000e+00, v21;
	[tilespmem:v25+s17+$0x0] =	vst.idx.msk $0xffff, v30;
	v37 =	vld [tilespmem:s30+$0xC0]  }
0x4b: {  	v20 =	vadd.s32 s15, v13;
	v17 =	vadd.s32 s15, v11;
	v18 =	vadd.s32 s0, v6;
	s15 =	simm.s32 $0x7;
	v38 =	vld [tilespmem:s30+$0xFFFFFFC0];
	[tilespmem:v27+s17+$0x0] =	vst.idx.msk $0xffff, v19  }
0x4c: {  	v23 =	vadd.s32 s15, v0;
	v22 =	vadd.s32 s0, v4;
	v15 =	vand.u32 $0x3F, v20;
	[tilespmem:v32+s17+$0x0] =	vst.idx.msk $0xffff, v34;
	v40 =	vld [tilespmem:s30+$0x40]  }
0x4d: {  	s1 =	simm.s32 $0x5;
	v20 =	vand.u32 $0x3F, v17;
	v17 =	vadd.s32 s12, v13;
	v16 =	vadd.s32 s14, v13;
	v34 =	vld [tilespmem:s30+$0xFFFFFF40]  }
0x4e: {  	v21 =	vadd.s32 s12, v11;
	v25 =	vadd.s32 s1, v4;
	v27 =	vor.u32 v8, v26  }
0x4f: {  	v30 =	vadd.s32 s14, v9;
	v26 =	vor.u32 v8, v28;
	v42 =	vmul.f32 $8.000000000e+00, v37  }
0x50: {  	v19 =	vadd.s32 s14, v11;
	v32 =	vand.u32 $0x3F, v36;
	s14 =	simm.s32 $0x300;
	v28 =	vmul.f32 $8.000000000e+00, v38  }
0x51: {  	s12 =	simm.s32 $0x8;
	v36 =	vadd.s32 s2, v2;
	v39 =	vld [tilespmem:s14+$0x80];
	v37 =	vadd.s32 s1, v2;
	v38 =	vmul.f32 $8.000000000e+00, v40;
	[tilespmem:v41+s17+$0x0] =	vst.idx.msk $0xffff, v42  }
.LBB2_3:
0x52: {  	p1 =	slt.u32 s12, $0x3C;
	v23 =	vand.u32 $0x3F, v23;
	v34 =	vmul.f32 $8.000000000e+00, v34;
	[tilespmem:v33+s17+$0x0] =	vst.idx.msk $0xffff, v28;
	v33 =	vld [tilespmem:s30+$0xD0];
	v28 =	vadd.s32 s31, v9  }
0x53: {  	v41 =	vadd.s32 s1, v0;
	v40 =	vld [tilespmem:s14+$0xFFFFFF80];
	v42 =	vor.u32 v1, v23;
	[tilespmem:v27+s17+$0x0] =	vst.idx.msk $0xffff, v38;
	v28 =	vand.u32 $0x3F, v28  }
0x54: {  	v27 =	vand.u32 $0x3F, v41;
	v41 =	vadd.s32 s2, v0;
	v38 =	vld [tilespmem:s14+$0x0];
	[tilespmem:v26+s17+$0x0] =	vst.idx.msk $0xffff, v34;
	v34 =	vor.u32 v10, v28  }
0x55: {  	v26 =	vand.u32 $0x3F, v35;
	v35 =	vor.u32 v1, v27;
	v28 =	vand.u32 $0x3F, v41;
	v43 =	vld [tilespmem:s14+$0xFFFFFF00]  }
0x56: {  	v29 =	vor.u32 v10, v29;
	v41 =	vor.u32 v1, v28;
	v39 =	vmul.f32 $8.000000000e+00, v39;
	v44 =	vld [tilespmem:s30+$0xFFFFFFD0]  }
0x57: {  	v31 =	vand.u32 $0x3F, v31;
	v45 =	vor.u32 v1, v26;
	v46 =	vld [tilespmem:s30+$0x50];
	v33 =	vmul.f32 $8.000000000e+00, v33  }
0x58: {  	v30 =	vand.u32 $0x3F, v30;
	v31 =	vor.u32 v10, v31;
	v40 =	vmul.f32 $8.000000000e+00, v40;
	[tilespmem:v42+s17+$0x0] =	vst.idx.msk $0xffff, v39;
	v39 =	vld [tilespmem:s30+$0xFFFFFF50]  }
0x59: {  	v47 =	vadd.s32 s15, v2;
	v30 =	vor.u32 v10, v30;
	v38 =	vmul.f32 $8.000000000e+00, v38;
	v42 =	vld [tilespmem:s14+$0x90];
	[tilespmem:v34+s17+$0x0] =	vst.idx.msk $0xffff, v33  }
0x5a: {  	v34 =	vand.u32 $0x3F, v47;
	v33 =	vmul.f32 $8.000000000e+00, v43;
	[tilespmem:v35+s17+$0x0] =	vst.idx.msk $0xffff, v40;
	v35 =	vld [tilespmem:s30+$0xE0];
	v40 =	vadd.s32 s31, v11  }
0x5b: {  	v34 =	vor.u32 v3, v34;
	v43 =	vld [tilespmem:s14+$0xFFFFFF90];
	[tilespmem:v41+s17+$0x0] =	vst.idx.msk $0xffff, v38;
	v38 =	vmul.f32 $8.000000000e+00, v44;
	v40 =	vand.u32 $0x3F, v40  }
0x5c: {  	[tilespmem:v45+s17+$0x0] =	vst.idx.msk $0xffff, v33;
	v33 =	vand.u32 $0x3F, v37;
	v37 =	vld [tilespmem:s14+$0x10];
	v41 =	vmul.f32 $8.000000000e+00, v46;
	v40 =	vor.u32 v12, v40  }
0x5d: {  	v36 =	vand.u32 $0x3F, v36;
	v44 =	vld [tilespmem:s14+$0xFFFFFF10];
	v33 =	vor.u32 v3, v33;
	v39 =	vmul.f32 $8.000000000e+00, v39;
	[tilespmem:v31+s17+$0x0] =	vst.idx.msk $0xffff, v38  }
0x5e: {  	v20 =	vor.u32 v12, v20;
	v31 =	vor.u32 v3, v36;
	v36 =	vmul.f32 $8.000000000e+00, v42;
	v38 =	vld [tilespmem:s30+$0xFFFFFFE0];
	[tilespmem:v30+s17+$0x0] =	vst.idx.msk $0xffff, v41  }
0x5f: {  	v21 =	vand.u32 $0x3F, v21;
	v30 =	vor.u32 v3, v32;
	[tilespmem:v29+s17+$0x0] =	vst.idx.msk $0xffff, v39;
	v29 =	vld [tilespmem:s30+$0x60];
	v32 =	vmul.f32 $8.000000000e+00, v35  }
0x60: {  	v19 =	vand.u32 $0x3F, v19;
	v21 =	vor.u32 v12, v21;
	v35 =	vmul.f32 $8.000000000e+00, v43;
	[tilespmem:v34+s17+$0x0] =	vst.idx.msk $0xffff, v36;
	v34 =	vld [tilespmem:s30+$0xFFFFFF60]  }
0x61: {  	v19 =	vor.u32 v12, v19;
	v39 =	vadd.s32 s15, v4;
	v36 =	vmul.f32 $8.000000000e+00, v37;
	v37 =	vld [tilespmem:s14+$0xA0];
	[tilespmem:v40+s17+$0x0] =	vst.idx.msk $0xffff, v32  }
0x62: {  	v32 =	vmul.f32 $8.000000000e+00, v44;
	[tilespmem:v33+s17+$0x0] =	vst.idx.msk $0xffff, v35;
	v33 =	vand.u32 $0x3F, v39;
	v35 =	vld [tilespmem:s30+$0xF0];
	v39 =	vadd.s32 s31, v13;
	s31 =	smov.u32 s15  }
0x63: {  	v40 =	vld [tilespmem:s14+$0xFFFFFFA0];
	[tilespmem:v31+s17+$0x0] =	vst.idx.msk $0xffff, v36;
	v31 =	vor.u32 v5, v33;
	v33 =	vmul.f32 $8.000000000e+00, v38;
	v36 =	vand.u32 $0x3F, v39  }
0x64: {  	v25 =	vand.u32 $0x3F, v25;
	[tilespmem:v30+s17+$0x0] =	vst.idx.msk $0xffff, v32;
	v30 =	vld [tilespmem:s14+$0x20];
	v29 =	vmul.f32 $8.000000000e+00, v29;
	v32 =	vor.u32 v14, v36  }
0x65: {  	v24 =	vand.u32 $0x3F, v24;
	v25 =	vor.u32 v5, v25;
	v36 =	vld [tilespmem:s14+$0xFFFFFF20];
	v34 =	vmul.f32 $8.000000000e+00, v34;
	[tilespmem:v21+s17+$0x0] =	vst.idx.msk $0xffff, v33  }
0x66: {  	v21 =	vand.u32 $0x3F, v22;
	v22 =	vor.u32 v5, v24;
	v24 =	vmul.f32 $8.000000000e+00, v37;
	v33 =	vld [tilespmem:s30+$0xFFFFFFF0];
	[tilespmem:v19+s17+$0x0] =	vst.idx.msk $0xffff, v29  }
0x67: {  	v17 =	vand.u32 $0x3F, v17;
	v19 =	vor.u32 v5, v21;
	[tilespmem:v20+s17+$0x0] =	vst.idx.msk $0xffff, v34;
	v20 =	vld [tilespmem:s30+$0x70];
	v21 =	vmul.f32 $8.000000000e+00, v35  }
0x68: {  	v16 =	vand.u32 $0x3F, v16;
	v17 =	vor.u32 v14, v17;
	v29 =	vmul.f32 $8.000000000e+00, v40;
	[tilespmem:v31+s17+$0x0] =	vst.idx.msk $0xffff, v24;
	v24 =	vld [tilespmem:s30+$0xFFFFFF70];
	s30 =	smov.u32 s14  }
0x69: {  	v16 =	vor.u32 v14, v16;
	v31 =	vadd.s32 s1, v6;
	v30 =	vmul.f32 $8.000000000e+00, v30;
	[tilespmem:v32+s17+$0x0] =	vst.idx.msk $0xffff, v21  }
0x6a: {  	v15 =	vor.u32 v14, v15;
	v21 =	vmul.f32 $8.000000000e+00, v36;
	[tilespmem:v25+s17+$0x0] =	vst.idx.msk $0xffff, v29;
	v25 =	vld [tilespmem:s14+$0xB0];
	v29 =	vadd.s32 s31, v6  }
0x6b: {  	v32 =	vld [tilespmem:s14+$0xFFFFFFB0];
	[tilespmem:v22+s17+$0x0] =	vst.idx.msk $0xffff, v30;
	v22 =	vadd.s32 s2, v6;
	v29 =	vand.u32 $0x3F, v29;
	v30 =	vmul.f32 $8.000000000e+00, v33  }
0x6c: {  	[tilespmem:v19+s17+$0x0] =	vst.idx.msk $0xffff, v21;
	v19 =	vand.u32 $0x3F, v31;
	v21 =	vld [tilespmem:s14+$0x30];
	v29 =	vor.u32 v7, v29;
	v20 =	vmul.f32 $8.000000000e+00, v20  }
0x6d: {  	v22 =	vand.u32 $0x3F, v22;
	v31 =	vld [tilespmem:s14+$0xFFFFFF30];
	v19 =	vor.u32 v7, v19;
	v24 =	vmul.f32 $8.000000000e+00, v24;
	[tilespmem:v17+s17+$0x0] =	vst.idx.msk $0xffff, v30  }
0x6e: {  	v17 =	vand.u32 $0x3F, v18;
	v30 =	vadd.s32 s0, v13;
	v33 =	vor.u32 v7, v22;
	[tilespmem:v16+s17+$0x0] =	vst.idx.msk $0xffff, v20  }
0x6f: {  	v34 =	vor.u32 v7, v17;
	v16 =	vadd.s32 s0, v11;
	v17 =	vmul.f32 $8.000000000e+00, v25;
	[tilespmem:v15+s17+$0x0] =	vst.idx.msk $0xffff, v24  }
0x70: {  	v18 =	vadd.s32 s12, v6;
	v24 =	vadd.s32 s0, v9;
	s0 =	smov.u32 s12;
	v20 =	vmul.f32 $8.000000000e+00, v32  }
0x71: {  	v22 =	vadd.s32 s12, v4;
	v32 =	vadd.s32 s12, v2;
	v21 =	vmul.f32 $8.000000000e+00, v21;
	[tilespmem:v29+s17+$0x0] =	vst.idx.msk $0xffff, v17  }
0x72: {  	v35 =	vadd.s32 s12, v0;
	v15 =	vand.u32 $0x3F, v30;
	v25 =	vmul.f32 $8.000000000e+00, v31;
	[tilespmem:v19+s17+$0x0] =	vst.idx.msk $0xffff, v20;
	v36 =	vld [tilespmem:s14+$0xC0]  }
0x73: {  	v17 =	vadd.s32 s1, v13;
	v20 =	vand.u32 $0x3F, v16;
	v16 =	vadd.s32 s2, v13;
	v38 =	vld [tilespmem:s14+$0xFFFFFFC0];
	[tilespmem:v33+s17+$0x0] =	vst.idx.msk $0xffff, v21  }
0x74: {  	v41 =	vor.u32 v8, v23;
	v19 =	vadd.s32 s2, v11;
	v21 =	vadd.s32 s1, v11;
	[tilespmem:v34+s17+$0x0] =	vst.idx.msk $0xffff, v25;
	v40 =	vld [tilespmem:s14+$0x40]  }
.Ltmp4:
0x75: {  	v29 =	vand.u32 $0x3F, v24;
	v31 =	vadd.s32 s1, v9;
	v33 =	vor.u32 v8, v27;
	s1 =	sadd.s32 $0x1, s12;
	v34 =	vld [tilespmem:s14+$0xFFFFFF40];
	(pc) =	sbr.rel @p1 .LBB2_3-.Ltmp4, $4  }
0x76: {  	v30 =	vadd.s32 s2, v9;
	s2 =	sadd.s32 $0x2, s12;
	v27 =	vor.u32 v8, v28;
	v25 =	vadd.s32 s1, v4  }
0x77: {  	v26 =	vor.u32 v8, v26;
	v24 =	vadd.s32 s2, v4;
	v42 =	vmul.f32 $8.000000000e+00, v36  }
0x78: {  	s15 =	sadd.s32 $0x3, s12;
	v32 =	vand.u32 $0x3F, v32;
	v37 =	vadd.s32 s1, v2;
	s14 =	sadd.s32 $0x200, s14;
	v28 =	vmul.f32 $8.000000000e+00, v38  }
0x79: {  	v23 =	vadd.s32 s15, v0;
	s12 =	sadd.s32 $0x4, s12;
	v36 =	vadd.s32 s2, v2;
	v39 =	vld [tilespmem:s14+$0x80];
	v38 =	vmul.f32 $8.000000000e+00, v40;
	[tilespmem:v41+s17+$0x0] =	vst.idx.msk $0xffff, v42  }
0x7a: {  	v23 =	vand.u32 $0x3F, v23;
	v40 =	vld [tilespmem:s14+$0xFFFFFF80];
	v41 =	vadd.s32 s1, v0  }
0x7b: {  	v43 =	vld [tilespmem:s14+$0x0];
	v44 =	vadd.s32 s2, v0;
	v42 =	vor.u32 v1, v23;
	v41 =	vand.u32 $0x3F, v41  }
0x7c: {  	v45 =	vld [tilespmem:s14+$0xFFFFFF00];
	v44 =	vand.u32 $0x3F, v44;
	v46 =	vor.u32 v1, v41  }
0x7d: {  	v35 =	vand.u32 $0x3F, v35;
	v47 =	vor.u32 v1, v44  }
0x7e: {  	v48 =	vor.u32 v1, v35;
	v39 =	vmul.f32 $8.000000000e+00, v39  }
0x7f: {  	v40 =	vmul.f32 $8.000000000e+00, v40  }
0x80: {  	v63 =	vmul.f32 $8.000000000e+00, v43;
	[tilespmem:v42+s17+$0x0] =	vst.idx.msk $0xffff, v39  }
0x81: {  	v49 =	vmul.f32 $8.000000000e+00, v45;
	v42 =	vld [tilespmem:s14+$0x90];
	[tilespmem:v46+s17+$0x0] =	vst.idx.msk $0xffff, v40;
	v46 =	vadd.s32 s15, v2  }
0x82: {  	[tilespmem:v47+s17+$0x0] =	vst.idx.msk $0xffff, v63;
	v40 =	vand.u32 $0x3F, v46;
	v50 =	vld [tilespmem:s14+$0xFFFFFF90]  }
0x83: {  	v37 =	vand.u32 $0x3F, v37;
	[tilespmem:v48+s17+$0x0] =	vst.idx.msk $0xffff, v49;
	v52 =	vld [tilespmem:s14+$0x10];
	v51 =	vor.u32 v3, v40  }
0x84: {  	v36 =	vand.u32 $0x3F, v36;
	v37 =	vor.u32 v3, v37;
	v43 =	vld [tilespmem:s14+$0xFFFFFF10]  }
0x85: {  	v36 =	vor.u32 v3, v36  }
0x86: {  	v32 =	vor.u32 v3, v32;
	v42 =	vmul.f32 $8.000000000e+00, v42  }
0x87: {  	v45 =	vmul.f32 $8.000000000e+00, v50  }
0x88: {  	v53 =	vmul.f32 $8.000000000e+00, v52;
	[tilespmem:v51+s17+$0x0] =	vst.idx.msk $0xffff, v42  }
0x89: {  	v55 =	vadd.s32 s15, v4;
	v43 =	vmul.f32 $8.000000000e+00, v43;
	v54 =	vld [tilespmem:s14+$0xA0];
	[tilespmem:v37+s17+$0x0] =	vst.idx.msk $0xffff, v45  }
0x8a: {  	v56 =	vand.u32 $0x3F, v55;
	[tilespmem:v36+s17+$0x0] =	vst.idx.msk $0xffff, v53;
	v57 =	vld [tilespmem:s14+$0xFFFFFFA0]  }
0x8b: {  	v25 =	vand.u32 $0x3F, v25;
	v58 =	vor.u32 v5, v56;
	[tilespmem:v32+s17+$0x0] =	vst.idx.msk $0xffff, v43;
	v59 =	vld [tilespmem:s14+$0x20]  }
0x8c: {  	v24 =	vand.u32 $0x3F, v24;
	v25 =	vor.u32 v5, v25;
	v60 =	vld [tilespmem:s14+$0xFFFFFF20]  }
0x8d: {  	v22 =	vand.u32 $0x3F, v22;
	v24 =	vor.u32 v5, v24  }
0x8e: {  	v22 =	vor.u32 v5, v22;
	v61 =	vmul.f32 $8.000000000e+00, v54  }
0x8f: {  	v62 =	vmul.f32 $8.000000000e+00, v57  }
0x90: {  	v32 =	vmul.f32 $8.000000000e+00, v59;
	[tilespmem:v58+s17+$0x0] =	vst.idx.msk $0xffff, v61  }
0x91: {  	v48 =	vadd.s32 s15, v6;
	v37 =	vmul.f32 $8.000000000e+00, v60;
	[tilespmem:v25+s17+$0x0] =	vst.idx.msk $0xffff, v62;
	v47 =	vld [tilespmem:s14+$0xB0]  }
0x92: {  	v49 =	vadd.s32 s1, v6;
	v51 =	vand.u32 $0x3F, v48;
	[tilespmem:v24+s17+$0x0] =	vst.idx.msk $0xffff, v32;
	v50 =	vld [tilespmem:s14+$0xFFFFFFB0]  }
0x93: {  	v52 =	vadd.s32 s2, v6;
	v53 =	vand.u32 $0x3F, v49;
	[tilespmem:v22+s17+$0x0] =	vst.idx.msk $0xffff, v37;
	v24 =	vor.u32 v7, v51;
	v54 =	vld [tilespmem:s14+$0x30]  }
0x94: {  	v22 =	vor.u32 v7, v53;
	v32 =	vand.u32 $0x3F, v52;
	v55 =	vld [tilespmem:s14+$0xFFFFFF30]  }
0x95: {  	v34 =	vmul.f32 $8.000000000e+00, v34;
	[tilespmem:v33+s17+$0x0] =	vst.idx.msk $0xffff, v28;
	v18 =	vand.u32 $0x3F, v18;
	v63 =	vld [tilespmem:s30+$0xD0];
	v32 =	vor.u32 v7, v32  }
0x96: {  	[tilespmem:v27+s17+$0x0] =	vst.idx.msk $0xffff, v38;
	v18 =	vor.u32 v7, v18;
	v25 =	vmul.f32 $8.000000000e+00, v47  }
0x97: {  	v56 =	vld [tilespmem:s30+$0xFFFFFFD0];
	[tilespmem:v26+s17+$0x0] =	vst.idx.msk $0xffff, v34;
	v45 =	vadd.s32 s31, v9;
	v59 =	vmul.f32 $8.000000000e+00, v50  }
0x98: {  	v34 =	vld [tilespmem:s30+$0xFFFFFF50];
	v46 =	vand.u32 $0x3F, v45;
	v37 =	vmul.f32 $8.000000000e+00, v54;
	[tilespmem:v24+s17+$0x0] =	vst.idx.msk $0xffff, v25  }
0x99: {  	v31 =	vand.u32 $0x3F, v31;
	v36 =	vor.u32 v10, v46;
	v28 =	vmul.f32 $8.000000000e+00, v55;
	[tilespmem:v22+s17+$0x0] =	vst.idx.msk $0xffff, v59;
	v62 =	vld [tilespmem:s14+$0xC0]  }
0x9a: {  	v57 =	vmul.f32 $8.000000000e+00, v63;
	v60 =	vor.u32 v10, v31;
	[tilespmem:v32+s17+$0x0] =	vst.idx.msk $0xffff, v37;
	v63 =	vld [tilespmem:s14+$0xFFFFFFC0]  }
0x9b: {  	v20 =	vor.u32 v12, v20;
	v21 =	vand.u32 $0x3F, v21;
	v23 =	vor.u32 v8, v23;
	[tilespmem:v18+s17+$0x0] =	vst.idx.msk $0xffff, v28;
	v38 =	vld [tilespmem:s14+$0x40]  }
0x9c: {  	v19 =	vand.u32 $0x3F, v19;
	v21 =	vor.u32 v12, v21;
	v42 =	vor.u32 v8, v41;
	v40 =	vld [tilespmem:s14+$0xFFFFFF40]  }
0x9d: {  	v44 =	vor.u32 v8, v44;
	v39 =	vor.u32 v10, v29;
	v27 =	vmul.f32 $8.000000000e+00, v56  }
0x9e: {  	v43 =	vadd.s32 s31, v11;
	v45 =	vor.u32 v8, v35;
	v58 =	vld [tilespmem:s30+$0x50];
	[tilespmem:v36+s17+$0x0] =	vst.idx.msk $0xffff, v57;
	v22 =	vmul.f32 $8.000000000e+00, v62  }
0x9f: {  	v61 =	vand.u32 $0x3F, v30;
	v53 =	vadd.s32 s15, v9;
	v36 =	vld [tilespmem:s30+$0xE0];
	[tilespmem:v60+s17+$0x0] =	vst.idx.msk $0xffff, v27;
	v49 =	vmul.f32 $8.000000000e+00, v63  }
0xa0: {  	v57 =	vadd.s32 s2, v9;
	v48 =	vld [tilespmem:s30+$0xFFFFFFE0];
	v25 =	vor.u32 v10, v61;
	v18 =	vmul.f32 $8.000000000e+00, v38;
	[tilespmem:v23+s17+$0x0] =	vst.idx.msk $0xffff, v22  }
0xa1: {  	v47 =	vmul.f32 $8.000000000e+00, v34;
	v32 =	vand.u32 $0x3F, v43;
	v51 =	vmul.f32 $8.000000000e+00, v40;
	[tilespmem:v42+s17+$0x0] =	vst.idx.msk $0xffff, v49;
	v52 =	vld [tilespmem:s14+$0xD0]  }
0xa2: {  	v54 =	vadd.s32 s1, v9;
	v55 =	vand.u32 $0x3F, v53;
	v46 =	vor.u32 v12, v32;
	[tilespmem:v44+s17+$0x0] =	vst.idx.msk $0xffff, v18;
	v56 =	vld [tilespmem:s14+$0xFFFFFFD0]  }
0xa3: {  	v26 =	vmul.f32 $8.000000000e+00, v58;
	v58 =	vand.u32 $0x3F, v54;
	[tilespmem:v45+s17+$0x0] =	vst.idx.msk $0xffff, v51;
	v18 =	vor.u32 v10, v55;
	v59 =	vld [tilespmem:s14+$0x50]  }
0xa4: {  	v31 =	vand.u32 $0x3F, v57;
	v60 =	vadd.s32 s0, v9;
	[tilespmem:v39+s17+$0x0] =	vst.idx.msk $0xffff, v47;
	v23 =	vor.u32 v10, v58;
	v61 =	vld [tilespmem:s14+$0xFFFFFF50]  }
0xa5: {  	v31 =	vor.u32 v10, v31;
	v50 =	vmul.f32 $8.000000000e+00, v36;
	v28 =	vand.u32 $0x3F, v60;
	v32 =	vld [tilespmem:s30+$0xFFFFFF60];
	[tilespmem:v25+s17+$0x0] =	vst.idx.msk $0xffff, v26  }
0xa6: {  	v19 =	vor.u32 v12, v19;
	v26 =	vld [tilespmem:s30+$0x60];
	v63 =	vor.u32 v10, v28;
	v25 =	vmul.f32 $8.000000000e+00, v52  }
0xa7: {  	v41 =	vadd.s32 s1, v11;
	v34 =	vadd.s32 s31, v13;
	[tilespmem:v46+s17+$0x0] =	vst.idx.msk $0xffff, v50;
	v35 =	vmul.f32 $8.000000000e+00, v56  }
0xa8: {  	v39 =	vadd.s32 s15, v11;
	v43 =	vadd.s32 s2, v11;
	v37 =	vmul.f32 $8.000000000e+00, v59;
	[tilespmem:v18+s17+$0x0] =	vst.idx.msk $0xffff, v25  }
0xa9: {  	v62 =	vmul.f32 $8.000000000e+00, v48;
	v28 =	vand.u32 $0x3F, v34;
	v30 =	vmul.f32 $8.000000000e+00, v61;
	v25 =	vld [tilespmem:s14+$0xE0];
	[tilespmem:v23+s17+$0x0] =	vst.idx.msk $0xffff, v35  }
0xaa: {  	v40 =	vmul.f32 $8.000000000e+00, v32;
	v38 =	vor.u32 v14, v28;
	v28 =	vand.u32 $0x3F, v39;
	[tilespmem:v31+s17+$0x0] =	vst.idx.msk $0xffff, v37;
	v42 =	vld [tilespmem:s14+$0xFFFFFFE0]  }
0xab: {  	v28 =	vor.u32 v12, v28;
	v44 =	vand.u32 $0x3F, v41;
	v26 =	vmul.f32 $8.000000000e+00, v26;
	[tilespmem:v63+s17+$0x0] =	vst.idx.msk $0xffff, v30;
	v45 =	vld [tilespmem:s14+$0x60]  }
0xac: {  	v46 =	vadd.s32 s0, v11;
	[tilespmem:v21+s17+$0x0] =	vst.idx.msk $0xffff, v62;
	v22 =	vor.u32 v12, v44;
	v18 =	vand.u32 $0x3F, v43;
	v47 =	vld [tilespmem:s14+$0xFFFFFF60]  }
0xad: {  	v17 =	vand.u32 $0x3F, v17;
	v27 =	vld [tilespmem:s30+$0xF0];
	[tilespmem:v19+s17+$0x0] =	vst.idx.msk $0xffff, v26;
	v19 =	vand.u32 $0x3F, v46;
	v18 =	vor.u32 v12, v18  }
0xae: {  	v16 =	vand.u32 $0x3F, v16;
	v36 =	vld [tilespmem:s30+$0xFFFFFFF0];
	[tilespmem:v20+s17+$0x0] =	vst.idx.msk $0xffff, v40;
	v19 =	vor.u32 v12, v19;
	v25 =	vmul.f32 $8.000000000e+00, v25  }
0xaf: {  	v15 =	vor.u32 v14, v15;
	v17 =	vor.u32 v14, v17;
	v21 =	vld [tilespmem:s30+$0xFFFFFF70];
	v49 =	vmul.f32 $8.000000000e+00, v42  }
0xb0: {  	v16 =	vor.u32 v14, v16;
	v53 =	vadd.s32 s1, v13;
	v48 =	vld [tilespmem:s30+$0x70];
	v23 =	vmul.f32 $8.000000000e+00, v45;
	[tilespmem:v28+s17+$0x0] =	vst.idx.msk $0xffff, v25  }
0xb1: {  	v57 =	vand.u32 $0x3F, v53;
	v51 =	vadd.s32 s15, v13;
	v26 =	vmul.f32 $8.000000000e+00, v47;
	v28 =	vld [tilespmem:s14+$0xF0];
	[tilespmem:v22+s17+$0x0] =	vst.idx.msk $0xffff, v49  }
0xb2: {  	v55 =	vadd.s32 s2, v13;
	v29 =	vand.u32 $0x3F, v51;
	v27 =	vmul.f32 $8.000000000e+00, v27;
	[tilespmem:v18+s17+$0x0] =	vst.idx.msk $0xffff, v23;
	v54 =	vld [tilespmem:s14+$0xFFFFFFF0]  }
0xb3: {  	v50 =	vmul.f32 $8.000000000e+00, v36;
	v56 =	vor.u32 v14, v29;
	v59 =	vadd.s32 s0, v13;
	[tilespmem:v19+s17+$0x0] =	vst.idx.msk $0xffff, v26;
	v58 =	vld [tilespmem:s14+$0x70]  }
0xb4: {  	[tilespmem:v38+s17+$0x0] =	vst.idx.msk $0xffff, v27;
	v21 =	vmul.f32 $8.000000000e+00, v21;
	v19 =	vor.u32 v14, v57;
	v18 =	vand.u32 $0x3F, v55;
	v26 =	vld [tilespmem:s14+$0xFFFFFF70]  }
0xb5: {  	[tilespmem:v17+s17+$0x0] =	vst.idx.msk $0xffff, v50;
	v60 =	vand.u32 $0x3F, v59;
	v52 =	vmul.f32 $8.000000000e+00, v48;
	v18 =	vor.u32 v14, v18  }
0xb6: {  	s30 =	sadd.s32 $0x1, s29;
	v17 =	vor.u32 v14, v60;
	[tilespmem:v15+s17+$0x0] =	vst.idx.msk $0xffff, v21;
	v61 =	vmul.f32 $8.000000000e+00, v28  }
0xb7: {  	p1 =	sge.u32 s30, s6;
	[tilespmem:v16+s17+$0x0] =	vst.idx.msk $0xffff, v52;
	v15 =	vmul.f32 $8.000000000e+00, v54  }
.Ltmp5:
0xb8: {  	s31 =	sadd.s32 s5, s29;
	v62 =	vmul.f32 $8.000000000e+00, v58;
	[tilespmem:v56+s17+$0x0] =	vst.idx.msk $0xffff, v61;
	(pc) =	sbr.rel @p1 .LBB2_8-.Ltmp5, $4  }
0xb9: {  	s0 =	sshll.u32 s31, $0xA;
	v63 =	vmul.f32 $8.000000000e+00, v26;
	[tilespmem:v19+s17+$0x0] =	vst.idx.msk $0xffff, v15  }
0xba: {  	s0 =	sand.u32 $0x1FFFFC00, s0;
	[tilespmem:v18+s17+$0x0] =	vst.idx.msk $0xffff, v62  }
0xbb: {  	s0 =	sadd.s32 s4, s0;
	[tilespmem:v17+s17+$0x0] =	vst.idx.msk $0xffff, v63  }
0xbc: {  	[hbm4b:s0+s3] =	stream.linear.scatter [tilespmem:s17], [sflag:$0x4], $0x2000, $0x38;
	[tilespmem:$0xC000] =	vst v63  }
0xbd: {  	p1 =	sge.u32 s29, s9  }
0xbe: {  	p2 =	seq.s32 @!p1 s28, $0x0  }
0xbf: {  	p2 =	por p2, p1  }
0xc0: {  	s0 =	simm.s32 @!p2 $0x6  }
0xc1: {  	s1 =	sadd.s32 @!p1 s5, s30;
	s2 =	simm.s32 @!p1 $0x7A1400;
	_ =	swait.ge @!p2 [sflag:s0], $0x2000  }
0xc2: {  	s7 =	simm.s32 @!p1 $0x4000;
	s1 =	sshll.u32 @!p1 s1, $0x7;
	[sflag:s0] =	ssyncset.done @!p2 $0x0  }
0xc3: {  	[sflag:s0] =	ssyncadd.s32 @!p2 $0xFFFFE000;
	s0 =	sadd.s32 @!p1 s1, s11;
	s1 =	simm.s32 @!p1 $0x400  }
0xc4: {  	[tilespmem:s7], [sflag:$0x3] =	stream.strided.gather @!p1 [hbm4b:s0+s1], $0x2000, s2, s1, $0x38;
	[tilespmem:$0xC000] =	vst v63  }
0xc5: {  	_ =	swait.ge [sflag:s18], $0x2000  }
0xc6: {  	[sflag:s18] =	ssyncset.done $0x0  }
0xc7: {  	s31 =	simm.s32 $0x2100;
	s0 =	simm.s32 $0x3;
	[sflag:s18] =	ssyncadd.s32 $0xFFFFE000  }
0xc8: {  	s12 =	simm.s32 $0x1;
	v16 =	vadd.s32 s0, v0;
	v15 =	vld [tilespmem:s31+$0x80]  }
0xc9: {  	v17 =	vadd.s32 s12, v0;
	s7 =	simm.s32 $0x2;
	v23 =	vand.u32 $0x3F, v16;
	v16 =	vld [tilespmem:s31+$0xFFFFFF80]  }
0xca: {  	s15 =	simm.s32 $0x0;
	v24 =	vand.u32 $0x3F, v17;
	v19 =	vadd.s32 s7, v0;
	v18 =	vor.u32 v1, v23;
	v17 =	vld [tilespmem:s31+$0x0]  }
0xcb: {  	v20 =	vadd.s32 s15, v0;
	v22 =	vor.u32 v1, v24;
	v26 =	vand.u32 $0x3F, v19;
	v21 =	vld [tilespmem:s31+$0xFFFFFF00]  }
0xcc: {  	v28 =	vand.u32 $0x3F, v20;
	v19 =	vor.u32 v1, v26  }
0xcd: {  	v20 =	vor.u32 v1, v28;
	v15 =	vmul.f32 $8.000000000e+00, v15  }
0xce: {  	v16 =	vmul.f32 $8.000000000e+00, v16  }
0xcf: {  	[tilespmem:v18+s19+$0x0] =	vst.idx.msk $0xffff, v15;
	v15 =	vmul.f32 $8.000000000e+00, v17  }
0xd0: {  	v21 =	vmul.f32 $8.000000000e+00, v21;
	v18 =	vadd.s32 s0, v2;
	[tilespmem:v22+s19+$0x0] =	vst.idx.msk $0xffff, v16;
	v17 =	vld [tilespmem:s31+$0x90]  }
0xd1: {  	v16 =	vadd.s32 s12, v2;
	v18 =	vand.u32 $0x3F, v18;
	v22 =	vld [tilespmem:s31+$0xFFFFFF90];
	[tilespmem:v19+s19+$0x0] =	vst.idx.msk $0xffff, v15  }
0xd2: {  	[tilespmem:v20+s19+$0x0] =	vst.idx.msk $0xffff, v21;
	v16 =	vand.u32 $0x3F, v16;
	v15 =	vadd.s32 s7, v2;
	v18 =	vor.u32 v3, v18;
	v19 =	vld [tilespmem:s31+$0x10]  }
0xd3: {  	v20 =	vadd.s32 s15, v2;
	v21 =	vld [tilespmem:s31+$0xFFFFFF10];
	v16 =	vor.u32 v3, v16;
	v15 =	vand.u32 $0x3F, v15  }
0xd4: {  	v20 =	vand.u32 $0x3F, v20;
	v15 =	vor.u32 v3, v15  }
0xd5: {  	v20 =	vor.u32 v3, v20;
	v17 =	vmul.f32 $8.000000000e+00, v17  }
0xd6: {  	v22 =	vmul.f32 $8.000000000e+00, v22  }
0xd7: {  	[tilespmem:v18+s19+$0x0] =	vst.idx.msk $0xffff, v17;
	v17 =	vmul.f32 $8.000000000e+00, v19  }
0xd8: {  	v21 =	vmul.f32 $8.000000000e+00, v21;
	v19 =	vadd.s32 s0, v4;
	[tilespmem:v16+s19+$0x0] =	vst.idx.msk $0xffff, v22;
	v18 =	vld [tilespmem:s31+$0xA0]  }
0xd9: {  	v16 =	vadd.s32 s12, v4;
	v19 =	vand.u32 $0x3F, v19;
	v22 =	vld [tilespmem:s31+$0xFFFFFFA0];
	[tilespmem:v15+s19+$0x0] =	vst.idx.msk $0xffff, v17  }
0xda: {  	[tilespmem:v20+s19+$0x0] =	vst.idx.msk $0xffff, v21;
	v16 =	vand.u32 $0x3F, v16;
	v15 =	vadd.s32 s7, v4;
	v17 =	vor.u32 v5, v19;
	v19 =	vld [tilespmem:s31+$0x20]  }
0xdb: {  	v20 =	vadd.s32 s15, v4;
	v21 =	vld [tilespmem:s31+$0xFFFFFF20];
	v16 =	vor.u32 v5, v16;
	v15 =	vand.u32 $0x3F, v15  }
0xdc: {  	v20 =	vand.u32 $0x3F, v20;
	v15 =	vor.u32 v5, v15  }
0xdd: {  	v20 =	vor.u32 v5, v20;
	v18 =	vmul.f32 $8.000000000e+00, v18  }
0xde: {  	v22 =	vmul.f32 $8.000000000e+00, v22  }
0xdf: {  	[tilespmem:v17+s19+$0x0] =	vst.idx.msk $0xffff, v18;
	v17 =	vmul.f32 $8.000000000e+00, v19  }
0xe0: {  	v18 =	vmul.f32 $8.000000000e+00, v21;
	[tilespmem:v16+s19+$0x0] =	vst.idx.msk $0xffff, v22;
	v19 =	vadd.s32 s0, v6;
	v16 =	vld [tilespmem:s31+$0xB0]  }
0xe1: {  	v21 =	vadd.s32 s12, v6;
	v22 =	vld [tilespmem:s31+$0xFFFFFFB0];
	[tilespmem:v15+s19+$0x0] =	vst.idx.msk $0xffff, v17;
	v15 =	vand.u32 $0x3F, v19  }
0xe2: {  	v17 =	vadd.s32 s7, v6;
	[tilespmem:v20+s19+$0x0] =	vst.idx.msk $0xffff, v18;
	v18 =	vand.u32 $0x3F, v21;
	v19 =	vld [tilespmem:s31+$0x30];
	v15 =	vor.u32 v7, v15  }
0xe3: {  	v20 =	vadd.s32 s15, v6;
	v21 =	vld [tilespmem:s31+$0xFFFFFF30];
	v25 =	vor.u32 v7, v18;
	v17 =	vand.u32 $0x3F, v17  }
0xe4: {  	v29 =	vadd.s32 s15, v9;
	v18 =	vand.u32 $0x3F, v20;
	v27 =	vor.u32 v7, v17  }
0xe5: {  	v31 =	vadd.s32 s12, v9;
	v32 =	vor.u32 v7, v18;
	v16 =	vmul.f32 $8.000000000e+00, v16  }
0xe6: {  	s14 =	simm.s32 $0x6;
	v29 =	vand.u32 $0x3F, v29;
	v33 =	vor.u32 v8, v24;
	s1 =	simm.s32 $0x4;
	v30 =	vmul.f32 $8.000000000e+00, v22  }
0xe7: {  	v24 =	vadd.s32 s14, v4;
	v36 =	vadd.s32 s1, v2;
	v19 =	vmul.f32 $8.000000000e+00, v19;
	[tilespmem:v15+s19+$0x0] =	vst.idx.msk $0xffff, v16  }
0xe8: {  	v35 =	vadd.s32 s1, v0;
	v41 =	vor.u32 v8, v23;
	v34 =	vmul.f32 $8.000000000e+00, v21;
	[tilespmem:v25+s19+$0x0] =	vst.idx.msk $0xffff, v30;
	v37 =	vld [tilespmem:s31+$0xC0]  }
0xe9: {  	v20 =	vadd.s32 s15, v13;
	v17 =	vadd.s32 s15, v11;
	v18 =	vadd.s32 s1, v6;
	v38 =	vld [tilespmem:s31+$0xFFFFFFC0];
	[tilespmem:v27+s19+$0x0] =	vst.idx.msk $0xffff, v19  }
0xea: {  	v22 =	vadd.s32 s1, v4;
	v15 =	vand.u32 $0x3F, v20;
	v20 =	vand.u32 $0x3F, v17;
	[tilespmem:v32+s19+$0x0] =	vst.idx.msk $0xffff, v34;
	v40 =	vld [tilespmem:s31+$0x40]  }
0xeb: {  	s2 =	simm.s32 $0x5;
	v17 =	vadd.s32 s12, v13;
	v16 =	vadd.s32 s7, v13;
	v21 =	vadd.s32 s12, v11;
	v34 =	vld [tilespmem:s31+$0xFFFFFF40]  }
0xec: {  	v25 =	vadd.s32 s2, v4;
	v30 =	vadd.s32 s7, v9;
	s12 =	simm.s32 $0x7;
	v27 =	vor.u32 v8, v26  }
0xed: {  	v23 =	vadd.s32 s12, v0;
	v26 =	vor.u32 v8, v28;
	v42 =	vmul.f32 $8.000000000e+00, v37  }
0xee: {  	s15 =	simm.s32 $0x2300;
	v19 =	vadd.s32 s7, v11;
	v32 =	vand.u32 $0x3F, v36;
	v28 =	vmul.f32 $8.000000000e+00, v38  }
0xef: {  	v39 =	vld [tilespmem:s15+$0x80];
	v36 =	vadd.s32 s14, v2;
	s7 =	simm.s32 $0x8;
	v37 =	vadd.s32 s2, v2;
	v38 =	vmul.f32 $8.000000000e+00, v40;
	[tilespmem:v41+s19+$0x0] =	vst.idx.msk $0xffff, v42  }
.LBB2_6:
0xf0: {  	p1 =	slt.u32 s7, $0x3C;
	v23 =	vand.u32 $0x3F, v23;
	v34 =	vmul.f32 $8.000000000e+00, v34;
	[tilespmem:v33+s19+$0x0] =	vst.idx.msk $0xffff, v28;
	v33 =	vld [tilespmem:s31+$0xD0];
	v28 =	vadd.s32 s0, v9  }
0xf1: {  	v41 =	vadd.s32 s2, v0;
	v40 =	vld [tilespmem:s15+$0xFFFFFF80];
	v42 =	vor.u32 v1, v23;
	[tilespmem:v27+s19+$0x0] =	vst.idx.msk $0xffff, v38;
	v28 =	vand.u32 $0x3F, v28  }
0xf2: {  	v27 =	vand.u32 $0x3F, v41;
	v41 =	vadd.s32 s14, v0;
	v38 =	vld [tilespmem:s15+$0x0];
	[tilespmem:v26+s19+$0x0] =	vst.idx.msk $0xffff, v34;
	v34 =	vor.u32 v10, v28  }
0xf3: {  	v26 =	vand.u32 $0x3F, v35;
	v35 =	vor.u32 v1, v27;
	v28 =	vand.u32 $0x3F, v41;
	v43 =	vld [tilespmem:s15+$0xFFFFFF00]  }
0xf4: {  	v29 =	vor.u32 v10, v29;
	v41 =	vor.u32 v1, v28;
	v39 =	vmul.f32 $8.000000000e+00, v39;
	v44 =	vld [tilespmem:s31+$0xFFFFFFD0]  }
0xf5: {  	v31 =	vand.u32 $0x3F, v31;
	v45 =	vor.u32 v1, v26;
	v46 =	vld [tilespmem:s31+$0x50];
	v33 =	vmul.f32 $8.000000000e+00, v33  }
0xf6: {  	v30 =	vand.u32 $0x3F, v30;
	v31 =	vor.u32 v10, v31;
	v40 =	vmul.f32 $8.000000000e+00, v40;
	[tilespmem:v42+s19+$0x0] =	vst.idx.msk $0xffff, v39;
	v39 =	vld [tilespmem:s31+$0xFFFFFF50]  }
0xf7: {  	v47 =	vadd.s32 s12, v2;
	v30 =	vor.u32 v10, v30;
	v38 =	vmul.f32 $8.000000000e+00, v38;
	v42 =	vld [tilespmem:s15+$0x90];
	[tilespmem:v34+s19+$0x0] =	vst.idx.msk $0xffff, v33  }
0xf8: {  	v34 =	vand.u32 $0x3F, v47;
	v33 =	vmul.f32 $8.000000000e+00, v43;
	[tilespmem:v35+s19+$0x0] =	vst.idx.msk $0xffff, v40;
	v35 =	vld [tilespmem:s31+$0xE0];
	v40 =	vadd.s32 s0, v11  }
0xf9: {  	v34 =	vor.u32 v3, v34;
	v43 =	vld [tilespmem:s15+$0xFFFFFF90];
	[tilespmem:v41+s19+$0x0] =	vst.idx.msk $0xffff, v38;
	v38 =	vmul.f32 $8.000000000e+00, v44;
	v40 =	vand.u32 $0x3F, v40  }
0xfa: {  	[tilespmem:v45+s19+$0x0] =	vst.idx.msk $0xffff, v33;
	v33 =	vand.u32 $0x3F, v37;
	v37 =	vld [tilespmem:s15+$0x10];
	v41 =	vmul.f32 $8.000000000e+00, v46;
	v40 =	vor.u32 v12, v40  }
0xfb: {  	v36 =	vand.u32 $0x3F, v36;
	v44 =	vld [tilespmem:s15+$0xFFFFFF10];
	v33 =	vor.u32 v3, v33;
	v39 =	vmul.f32 $8.000000000e+00, v39;
	[tilespmem:v31+s19+$0x0] =	vst.idx.msk $0xffff, v38  }
0xfc: {  	v20 =	vor.u32 v12, v20;
	v31 =	vor.u32 v3, v36;
	v36 =	vmul.f32 $8.000000000e+00, v42;
	v38 =	vld [tilespmem:s31+$0xFFFFFFE0];
	[tilespmem:v30+s19+$0x0] =	vst.idx.msk $0xffff, v41  }
0xfd: {  	v21 =	vand.u32 $0x3F, v21;
	v30 =	vor.u32 v3, v32;
	[tilespmem:v29+s19+$0x0] =	vst.idx.msk $0xffff, v39;
	v29 =	vld [tilespmem:s31+$0x60];
	v32 =	vmul.f32 $8.000000000e+00, v35  }
0xfe: {  	v19 =	vand.u32 $0x3F, v19;
	v21 =	vor.u32 v12, v21;
	v35 =	vmul.f32 $8.000000000e+00, v43;
	[tilespmem:v34+s19+$0x0] =	vst.idx.msk $0xffff, v36;
	v34 =	vld [tilespmem:s31+$0xFFFFFF60]  }
0xff: {  	v19 =	vor.u32 v12, v19;
	v39 =	vadd.s32 s12, v4;
	v36 =	vmul.f32 $8.000000000e+00, v37;
	v37 =	vld [tilespmem:s15+$0xA0];
	[tilespmem:v40+s19+$0x0] =	vst.idx.msk $0xffff, v32  }
0x100: {  	v32 =	vmul.f32 $8.000000000e+00, v44;
	[tilespmem:v33+s19+$0x0] =	vst.idx.msk $0xffff, v35;
	v33 =	vand.u32 $0x3F, v39;
	v35 =	vld [tilespmem:s31+$0xF0];
	v39 =	vadd.s32 s0, v13;
	s0 =	smov.u32 s12  }
0x101: {  	v40 =	vld [tilespmem:s15+$0xFFFFFFA0];
	[tilespmem:v31+s19+$0x0] =	vst.idx.msk $0xffff, v36;
	v31 =	vor.u32 v5, v33;
	v33 =	vmul.f32 $8.000000000e+00, v38;
	v36 =	vand.u32 $0x3F, v39  }
0x102: {  	v25 =	vand.u32 $0x3F, v25;
	[tilespmem:v30+s19+$0x0] =	vst.idx.msk $0xffff, v32;
	v30 =	vld [tilespmem:s15+$0x20];
	v29 =	vmul.f32 $8.000000000e+00, v29;
	v32 =	vor.u32 v14, v36  }
0x103: {  	v24 =	vand.u32 $0x3F, v24;
	v25 =	vor.u32 v5, v25;
	v36 =	vld [tilespmem:s15+$0xFFFFFF20];
	v34 =	vmul.f32 $8.000000000e+00, v34;
	[tilespmem:v21+s19+$0x0] =	vst.idx.msk $0xffff, v33  }
0x104: {  	v21 =	vand.u32 $0x3F, v22;
	v22 =	vor.u32 v5, v24;
	v24 =	vmul.f32 $8.000000000e+00, v37;
	v33 =	vld [tilespmem:s31+$0xFFFFFFF0];
	[tilespmem:v19+s19+$0x0] =	vst.idx.msk $0xffff, v29  }
0x105: {  	v17 =	vand.u32 $0x3F, v17;
	v19 =	vor.u32 v5, v21;
	[tilespmem:v20+s19+$0x0] =	vst.idx.msk $0xffff, v34;
	v20 =	vld [tilespmem:s31+$0x70];
	v21 =	vmul.f32 $8.000000000e+00, v35  }
0x106: {  	v16 =	vand.u32 $0x3F, v16;
	v17 =	vor.u32 v14, v17;
	v29 =	vmul.f32 $8.000000000e+00, v40;
	[tilespmem:v31+s19+$0x0] =	vst.idx.msk $0xffff, v24;
	v24 =	vld [tilespmem:s31+$0xFFFFFF70];
	s31 =	smov.u32 s15  }
0x107: {  	v16 =	vor.u32 v14, v16;
	v31 =	vadd.s32 s2, v6;
	v30 =	vmul.f32 $8.000000000e+00, v30;
	[tilespmem:v32+s19+$0x0] =	vst.idx.msk $0xffff, v21  }
0x108: {  	v15 =	vor.u32 v14, v15;
	v21 =	vmul.f32 $8.000000000e+00, v36;
	[tilespmem:v25+s19+$0x0] =	vst.idx.msk $0xffff, v29;
	v25 =	vld [tilespmem:s15+$0xB0];
	v29 =	vadd.s32 s0, v6  }
0x109: {  	v32 =	vld [tilespmem:s15+$0xFFFFFFB0];
	[tilespmem:v22+s19+$0x0] =	vst.idx.msk $0xffff, v30;
	v22 =	vadd.s32 s14, v6;
	v29 =	vand.u32 $0x3F, v29;
	v30 =	vmul.f32 $8.000000000e+00, v33  }
0x10a: {  	[tilespmem:v19+s19+$0x0] =	vst.idx.msk $0xffff, v21;
	v19 =	vand.u32 $0x3F, v31;
	v21 =	vld [tilespmem:s15+$0x30];
	v29 =	vor.u32 v7, v29;
	v20 =	vmul.f32 $8.000000000e+00, v20  }
0x10b: {  	v22 =	vand.u32 $0x3F, v22;
	v31 =	vld [tilespmem:s15+$0xFFFFFF30];
	v19 =	vor.u32 v7, v19;
	v24 =	vmul.f32 $8.000000000e+00, v24;
	[tilespmem:v17+s19+$0x0] =	vst.idx.msk $0xffff, v30  }
0x10c: {  	v17 =	vand.u32 $0x3F, v18;
	v30 =	vadd.s32 s1, v13;
	v33 =	vor.u32 v7, v22;
	[tilespmem:v16+s19+$0x0] =	vst.idx.msk $0xffff, v20  }
0x10d: {  	v34 =	vor.u32 v7, v17;
	v16 =	vadd.s32 s1, v11;
	v17 =	vmul.f32 $8.000000000e+00, v25;
	[tilespmem:v15+s19+$0x0] =	vst.idx.msk $0xffff, v24  }
0x10e: {  	v18 =	vadd.s32 s7, v6;
	v24 =	vadd.s32 s1, v9;
	s1 =	smov.u32 s7;
	v20 =	vmul.f32 $8.000000000e+00, v32  }
0x10f: {  	v22 =	vadd.s32 s7, v4;
	v32 =	vadd.s32 s7, v2;
	v21 =	vmul.f32 $8.000000000e+00, v21;
	[tilespmem:v29+s19+$0x0] =	vst.idx.msk $0xffff, v17  }
0x110: {  	v35 =	vadd.s32 s7, v0;
	v15 =	vand.u32 $0x3F, v30;
	v25 =	vmul.f32 $8.000000000e+00, v31;
	[tilespmem:v19+s19+$0x0] =	vst.idx.msk $0xffff, v20;
	v36 =	vld [tilespmem:s15+$0xC0]  }
0x111: {  	v17 =	vadd.s32 s2, v13;
	v20 =	vand.u32 $0x3F, v16;
	v16 =	vadd.s32 s14, v13;
	v38 =	vld [tilespmem:s15+$0xFFFFFFC0];
	[tilespmem:v33+s19+$0x0] =	vst.idx.msk $0xffff, v21  }
0x112: {  	v41 =	vor.u32 v8, v23;
	v19 =	vadd.s32 s14, v11;
	v21 =	vadd.s32 s2, v11;
	[tilespmem:v34+s19+$0x0] =	vst.idx.msk $0xffff, v25;
	v40 =	vld [tilespmem:s15+$0x40]  }
.Ltmp6:
0x113: {  	v29 =	vand.u32 $0x3F, v24;
	v31 =	vadd.s32 s2, v9;
	v33 =	vor.u32 v8, v27;
	s2 =	sadd.s32 $0x1, s7;
	v34 =	vld [tilespmem:s15+$0xFFFFFF40];
	(pc) =	sbr.rel @p1 .LBB2_6-.Ltmp6, $4  }
0x114: {  	v30 =	vadd.s32 s14, v9;
	s14 =	sadd.s32 $0x2, s7;
	v27 =	vor.u32 v8, v28;
	v25 =	vadd.s32 s2, v4  }
0x115: {  	v26 =	vor.u32 v8, v26;
	v24 =	vadd.s32 s14, v4;
	v42 =	vmul.f32 $8.000000000e+00, v36  }
0x116: {  	s12 =	sadd.s32 $0x3, s7;
	v32 =	vand.u32 $0x3F, v32;
	v37 =	vadd.s32 s2, v2;
	s15 =	sadd.s32 $0x200, s15;
	v28 =	vmul.f32 $8.000000000e+00, v38  }
0x117: {  	v23 =	vadd.s32 s12, v0;
	s7 =	sadd.s32 $0x4, s7;
	v36 =	vadd.s32 s14, v2;
	v39 =	vld [tilespmem:s15+$0x80];
	v38 =	vmul.f32 $8.000000000e+00, v40;
	[tilespmem:v41+s19+$0x0] =	vst.idx.msk $0xffff, v42  }
0x118: {  	v23 =	vand.u32 $0x3F, v23;
	v40 =	vld [tilespmem:s15+$0xFFFFFF80];
	v41 =	vadd.s32 s2, v0  }
0x119: {  	v43 =	vld [tilespmem:s15+$0x0];
	v44 =	vadd.s32 s14, v0;
	v42 =	vor.u32 v1, v23;
	v41 =	vand.u32 $0x3F, v41  }
0x11a: {  	v45 =	vld [tilespmem:s15+$0xFFFFFF00];
	v44 =	vand.u32 $0x3F, v44;
	v46 =	vor.u32 v1, v41  }
0x11b: {  	v35 =	vand.u32 $0x3F, v35;
	v47 =	vor.u32 v1, v44  }
0x11c: {  	v48 =	vor.u32 v1, v35;
	v39 =	vmul.f32 $8.000000000e+00, v39  }
0x11d: {  	v40 =	vmul.f32 $8.000000000e+00, v40  }
0x11e: {  	v63 =	vmul.f32 $8.000000000e+00, v43;
	[tilespmem:v42+s19+$0x0] =	vst.idx.msk $0xffff, v39  }
0x11f: {  	v49 =	vmul.f32 $8.000000000e+00, v45;
	v42 =	vld [tilespmem:s15+$0x90];
	[tilespmem:v46+s19+$0x0] =	vst.idx.msk $0xffff, v40;
	v46 =	vadd.s32 s12, v2  }
0x120: {  	[tilespmem:v47+s19+$0x0] =	vst.idx.msk $0xffff, v63;
	v40 =	vand.u32 $0x3F, v46;
	v50 =	vld [tilespmem:s15+$0xFFFFFF90]  }
0x121: {  	v37 =	vand.u32 $0x3F, v37;
	[tilespmem:v48+s19+$0x0] =	vst.idx.msk $0xffff, v49;
	v52 =	vld [tilespmem:s15+$0x10];
	v51 =	vor.u32 v3, v40  }
0x122: {  	v36 =	vand.u32 $0x3F, v36;
	v37 =	vor.u32 v3, v37;
	v43 =	vld [tilespmem:s15+$0xFFFFFF10]  }
0x123: {  	v36 =	vor.u32 v3, v36  }
0x124: {  	v32 =	vor.u32 v3, v32;
	v42 =	vmul.f32 $8.000000000e+00, v42  }
0x125: {  	v45 =	vmul.f32 $8.000000000e+00, v50  }
0x126: {  	v53 =	vmul.f32 $8.000000000e+00, v52;
	[tilespmem:v51+s19+$0x0] =	vst.idx.msk $0xffff, v42  }
0x127: {  	v55 =	vadd.s32 s12, v4;
	v43 =	vmul.f32 $8.000000000e+00, v43;
	v54 =	vld [tilespmem:s15+$0xA0];
	[tilespmem:v37+s19+$0x0] =	vst.idx.msk $0xffff, v45  }
0x128: {  	v56 =	vand.u32 $0x3F, v55;
	[tilespmem:v36+s19+$0x0] =	vst.idx.msk $0xffff, v53;
	v57 =	vld [tilespmem:s15+$0xFFFFFFA0]  }
0x129: {  	v25 =	vand.u32 $0x3F, v25;
	v58 =	vor.u32 v5, v56;
	[tilespmem:v32+s19+$0x0] =	vst.idx.msk $0xffff, v43;
	v59 =	vld [tilespmem:s15+$0x20]  }
0x12a: {  	v24 =	vand.u32 $0x3F, v24;
	v25 =	vor.u32 v5, v25;
	v60 =	vld [tilespmem:s15+$0xFFFFFF20]  }
0x12b: {  	v22 =	vand.u32 $0x3F, v22;
	v24 =	vor.u32 v5, v24  }
0x12c: {  	v22 =	vor.u32 v5, v22;
	v61 =	vmul.f32 $8.000000000e+00, v54  }
0x12d: {  	v62 =	vmul.f32 $8.000000000e+00, v57  }
0x12e: {  	v32 =	vmul.f32 $8.000000000e+00, v59;
	[tilespmem:v58+s19+$0x0] =	vst.idx.msk $0xffff, v61  }
0x12f: {  	v48 =	vadd.s32 s12, v6;
	v37 =	vmul.f32 $8.000000000e+00, v60;
	[tilespmem:v25+s19+$0x0] =	vst.idx.msk $0xffff, v62;
	v47 =	vld [tilespmem:s15+$0xB0]  }
0x130: {  	v49 =	vadd.s32 s2, v6;
	v51 =	vand.u32 $0x3F, v48;
	[tilespmem:v24+s19+$0x0] =	vst.idx.msk $0xffff, v32;
	v50 =	vld [tilespmem:s15+$0xFFFFFFB0]  }
0x131: {  	v52 =	vadd.s32 s14, v6;
	v53 =	vand.u32 $0x3F, v49;
	[tilespmem:v22+s19+$0x0] =	vst.idx.msk $0xffff, v37;
	v24 =	vor.u32 v7, v51;
	v54 =	vld [tilespmem:s15+$0x30]  }
0x132: {  	v22 =	vor.u32 v7, v53;
	v32 =	vand.u32 $0x3F, v52;
	v55 =	vld [tilespmem:s15+$0xFFFFFF30]  }
0x133: {  	v34 =	vmul.f32 $8.000000000e+00, v34;
	[tilespmem:v33+s19+$0x0] =	vst.idx.msk $0xffff, v28;
	v18 =	vand.u32 $0x3F, v18;
	v63 =	vld [tilespmem:s31+$0xD0];
	v32 =	vor.u32 v7, v32  }
0x134: {  	[tilespmem:v27+s19+$0x0] =	vst.idx.msk $0xffff, v38;
	v18 =	vor.u32 v7, v18;
	v25 =	vmul.f32 $8.000000000e+00, v47  }
0x135: {  	v56 =	vld [tilespmem:s31+$0xFFFFFFD0];
	[tilespmem:v26+s19+$0x0] =	vst.idx.msk $0xffff, v34;
	v45 =	vadd.s32 s0, v9;
	v59 =	vmul.f32 $8.000000000e+00, v50  }
0x136: {  	v34 =	vld [tilespmem:s31+$0xFFFFFF50];
	v46 =	vand.u32 $0x3F, v45;
	v37 =	vmul.f32 $8.000000000e+00, v54;
	[tilespmem:v24+s19+$0x0] =	vst.idx.msk $0xffff, v25  }
0x137: {  	v31 =	vand.u32 $0x3F, v31;
	v36 =	vor.u32 v10, v46;
	v28 =	vmul.f32 $8.000000000e+00, v55;
	[tilespmem:v22+s19+$0x0] =	vst.idx.msk $0xffff, v59;
	v62 =	vld [tilespmem:s15+$0xC0]  }
0x138: {  	v57 =	vmul.f32 $8.000000000e+00, v63;
	v60 =	vor.u32 v10, v31;
	[tilespmem:v32+s19+$0x0] =	vst.idx.msk $0xffff, v37;
	v63 =	vld [tilespmem:s15+$0xFFFFFFC0]  }
0x139: {  	v20 =	vor.u32 v12, v20;
	v21 =	vand.u32 $0x3F, v21;
	v23 =	vor.u32 v8, v23;
	[tilespmem:v18+s19+$0x0] =	vst.idx.msk $0xffff, v28;
	v38 =	vld [tilespmem:s15+$0x40]  }
0x13a: {  	v19 =	vand.u32 $0x3F, v19;
	v21 =	vor.u32 v12, v21;
	v42 =	vor.u32 v8, v41;
	v40 =	vld [tilespmem:s15+$0xFFFFFF40]  }
0x13b: {  	v44 =	vor.u32 v8, v44;
	v39 =	vor.u32 v10, v29;
	v27 =	vmul.f32 $8.000000000e+00, v56  }
0x13c: {  	v43 =	vadd.s32 s0, v11;
	v45 =	vor.u32 v8, v35;
	v58 =	vld [tilespmem:s31+$0x50];
	[tilespmem:v36+s19+$0x0] =	vst.idx.msk $0xffff, v57;
	v22 =	vmul.f32 $8.000000000e+00, v62  }
0x13d: {  	v61 =	vand.u32 $0x3F, v30;
	v53 =	vadd.s32 s12, v9;
	v36 =	vld [tilespmem:s31+$0xE0];
	[tilespmem:v60+s19+$0x0] =	vst.idx.msk $0xffff, v27;
	v49 =	vmul.f32 $8.000000000e+00, v63  }
0x13e: {  	v57 =	vadd.s32 s14, v9;
	v48 =	vld [tilespmem:s31+$0xFFFFFFE0];
	v25 =	vor.u32 v10, v61;
	v18 =	vmul.f32 $8.000000000e+00, v38;
	[tilespmem:v23+s19+$0x0] =	vst.idx.msk $0xffff, v22  }
0x13f: {  	v47 =	vmul.f32 $8.000000000e+00, v34;
	v32 =	vand.u32 $0x3F, v43;
	v51 =	vmul.f32 $8.000000000e+00, v40;
	[tilespmem:v42+s19+$0x0] =	vst.idx.msk $0xffff, v49;
	v52 =	vld [tilespmem:s15+$0xD0]  }
0x140: {  	v54 =	vadd.s32 s2, v9;
	v55 =	vand.u32 $0x3F, v53;
	v46 =	vor.u32 v12, v32;
	[tilespmem:v44+s19+$0x0] =	vst.idx.msk $0xffff, v18;
	v56 =	vld [tilespmem:s15+$0xFFFFFFD0]  }
0x141: {  	v26 =	vmul.f32 $8.000000000e+00, v58;
	v58 =	vand.u32 $0x3F, v54;
	[tilespmem:v45+s19+$0x0] =	vst.idx.msk $0xffff, v51;
	v18 =	vor.u32 v10, v55;
	v59 =	vld [tilespmem:s15+$0x50]  }
0x142: {  	v31 =	vand.u32 $0x3F, v57;
	v60 =	vadd.s32 s1, v9;
	[tilespmem:v39+s19+$0x0] =	vst.idx.msk $0xffff, v47;
	v23 =	vor.u32 v10, v58;
	v61 =	vld [tilespmem:s15+$0xFFFFFF50]  }
0x143: {  	v31 =	vor.u32 v10, v31;
	v50 =	vmul.f32 $8.000000000e+00, v36;
	v28 =	vand.u32 $0x3F, v60;
	v32 =	vld [tilespmem:s31+$0xFFFFFF60];
	[tilespmem:v25+s19+$0x0] =	vst.idx.msk $0xffff, v26  }
0x144: {  	v19 =	vor.u32 v12, v19;
	v26 =	vld [tilespmem:s31+$0x60];
	v63 =	vor.u32 v10, v28;
	v25 =	vmul.f32 $8.000000000e+00, v52  }
0x145: {  	v41 =	vadd.s32 s2, v11;
	v34 =	vadd.s32 s0, v13;
	[tilespmem:v46+s19+$0x0] =	vst.idx.msk $0xffff, v50;
	v35 =	vmul.f32 $8.000000000e+00, v56  }
0x146: {  	v39 =	vadd.s32 s12, v11;
	v43 =	vadd.s32 s14, v11;
	v37 =	vmul.f32 $8.000000000e+00, v59;
	[tilespmem:v18+s19+$0x0] =	vst.idx.msk $0xffff, v25  }
0x147: {  	v62 =	vmul.f32 $8.000000000e+00, v48;
	v28 =	vand.u32 $0x3F, v34;
	v30 =	vmul.f32 $8.000000000e+00, v61;
	v25 =	vld [tilespmem:s15+$0xE0];
	[tilespmem:v23+s19+$0x0] =	vst.idx.msk $0xffff, v35  }
0x148: {  	v40 =	vmul.f32 $8.000000000e+00, v32;
	v38 =	vor.u32 v14, v28;
	v28 =	vand.u32 $0x3F, v39;
	[tilespmem:v31+s19+$0x0] =	vst.idx.msk $0xffff, v37;
	v42 =	vld [tilespmem:s15+$0xFFFFFFE0]  }
0x149: {  	v28 =	vor.u32 v12, v28;
	v44 =	vand.u32 $0x3F, v41;
	v26 =	vmul.f32 $8.000000000e+00, v26;
	[tilespmem:v63+s19+$0x0] =	vst.idx.msk $0xffff, v30;
	v45 =	vld [tilespmem:s15+$0x60]  }
0x14a: {  	v46 =	vadd.s32 s1, v11;
	[tilespmem:v21+s19+$0x0] =	vst.idx.msk $0xffff, v62;
	v22 =	vor.u32 v12, v44;
	v18 =	vand.u32 $0x3F, v43;
	v47 =	vld [tilespmem:s15+$0xFFFFFF60]  }
0x14b: {  	v17 =	vand.u32 $0x3F, v17;
	v27 =	vld [tilespmem:s31+$0xF0];
	[tilespmem:v19+s19+$0x0] =	vst.idx.msk $0xffff, v26;
	v19 =	vand.u32 $0x3F, v46;
	v18 =	vor.u32 v12, v18  }
0x14c: {  	v16 =	vand.u32 $0x3F, v16;
	v36 =	vld [tilespmem:s31+$0xFFFFFFF0];
	[tilespmem:v20+s19+$0x0] =	vst.idx.msk $0xffff, v40;
	v19 =	vor.u32 v12, v19;
	v25 =	vmul.f32 $8.000000000e+00, v25  }
0x14d: {  	v15 =	vor.u32 v14, v15;
	v17 =	vor.u32 v14, v17;
	v21 =	vld [tilespmem:s31+$0xFFFFFF70];
	v49 =	vmul.f32 $8.000000000e+00, v42  }
0x14e: {  	v16 =	vor.u32 v14, v16;
	v53 =	vadd.s32 s2, v13;
	v48 =	vld [tilespmem:s31+$0x70];
	v23 =	vmul.f32 $8.000000000e+00, v45;
	[tilespmem:v28+s19+$0x0] =	vst.idx.msk $0xffff, v25  }
0x14f: {  	v57 =	vand.u32 $0x3F, v53;
	v51 =	vadd.s32 s12, v13;
	v26 =	vmul.f32 $8.000000000e+00, v47;
	v28 =	vld [tilespmem:s15+$0xF0];
	[tilespmem:v22+s19+$0x0] =	vst.idx.msk $0xffff, v49  }
0x150: {  	v55 =	vadd.s32 s14, v13;
	v29 =	vand.u32 $0x3F, v51;
	v27 =	vmul.f32 $8.000000000e+00, v27;
	[tilespmem:v18+s19+$0x0] =	vst.idx.msk $0xffff, v23;
	v54 =	vld [tilespmem:s15+$0xFFFFFFF0]  }
0x151: {  	v50 =	vmul.f32 $8.000000000e+00, v36;
	v56 =	vor.u32 v14, v29;
	v59 =	vadd.s32 s1, v13;
	[tilespmem:v19+s19+$0x0] =	vst.idx.msk $0xffff, v26;
	v58 =	vld [tilespmem:s15+$0x70]  }
0x152: {  	[tilespmem:v38+s19+$0x0] =	vst.idx.msk $0xffff, v27;
	v21 =	vmul.f32 $8.000000000e+00, v21;
	v19 =	vor.u32 v14, v57;
	v18 =	vand.u32 $0x3F, v55;
	v26 =	vld [tilespmem:s15+$0xFFFFFF70]  }
0x153: {  	[tilespmem:v17+s19+$0x0] =	vst.idx.msk $0xffff, v50;
	v60 =	vand.u32 $0x3F, v59;
	v52 =	vmul.f32 $8.000000000e+00, v48;
	v18 =	vor.u32 v14, v18  }
0x154: {  	v17 =	vor.u32 v14, v60;
	[tilespmem:v15+s19+$0x0] =	vst.idx.msk $0xffff, v21;
	v61 =	vmul.f32 $8.000000000e+00, v28  }
0x155: {  	[tilespmem:v16+s19+$0x0] =	vst.idx.msk $0xffff, v52;
	v15 =	vmul.f32 $8.000000000e+00, v54  }
0x156: {  	s31 =	sadd.s32 s5, s30;
	v62 =	vmul.f32 $8.000000000e+00, v58;
	[tilespmem:v56+s19+$0x0] =	vst.idx.msk $0xffff, v61  }
0x157: {  	s0 =	sshll.u32 s31, $0xA;
	v63 =	vmul.f32 $8.000000000e+00, v26;
	[tilespmem:v19+s19+$0x0] =	vst.idx.msk $0xffff, v15  }
0x158: {  	s0 =	sand.u32 $0x1FFFFC00, s0;
	[tilespmem:v18+s19+$0x0] =	vst.idx.msk $0xffff, v62  }
0x159: {  	s0 =	sadd.s32 s4, s0;
	[tilespmem:v17+s19+$0x0] =	vst.idx.msk $0xffff, v63  }
0x15a: {  	[hbm4b:s0+s3] =	stream.linear.scatter [tilespmem:s19], [sflag:$0x5], $0x2000, $0x38;
	[tilespmem:$0xC000] =	vst v63  }
.LBB2_8:
0x15b: {  	s30 =	sadd.s32 $0x2, s29  }
0x15c: {  	p1 =	sge.u32 s30, s6  }
.Ltmp7:
0x15d: {  	_ = 	snop;
	(pc) =	sbr.rel @p1 .LBB2_12-.Ltmp7, $1  }
0x15e: {  	_ =	sdelay $0x3  }
0x15f: {  	p1 =	sge.u32 s29, s10  }
0x160: {  	s0 =	simm.s32 @!p1 $0x4  }
0x161: {  	s1 =	sadd.s32 @!p1 s5, s30;
	s2 =	simm.s32 @!p1 $0x7A1400;
	_ =	swait.ge @!p1 [sflag:s0], $0x2000  }
0x162: {  	s7 =	simm.s32 @!p1 $0x0;
	s1 =	sshll.u32 @!p1 s1, $0x7;
	[sflag:s0] =	ssyncset.done @!p1 $0x0  }
0x163: {  	[sflag:s0] =	ssyncadd.s32 @!p1 $0xFFFFE000;
	s0 =	sadd.s32 @!p1 s1, s11;
	s1 =	simm.s32 @!p1 $0x400  }
0x164: {  	[tilespmem:s7], [sflag:$0x1] =	stream.strided.gather @!p1 [hbm4b:s0+s1], $0x2000, s2, s1, $0x38;
	[tilespmem:$0xC000] =	vst v63  }
0x165: {  	_ =	swait.ge [sflag:s20], $0x2000  }
0x166: {  	[sflag:s20] =	ssyncset.done $0x0  }
0x167: {  	s29 =	simm.s32 $0x4100;
	s0 =	simm.s32 $0x3;
	[sflag:s20] =	ssyncadd.s32 $0xFFFFE000  }
0x168: {  	s12 =	simm.s32 $0x1;
	v16 =	vadd.s32 s0, v0;
	v15 =	vld [tilespmem:s29+$0x80]  }
0x169: {  	s15 =	simm.s32 $0x2;
	v17 =	vadd.s32 s12, v0;
	v23 =	vand.u32 $0x3F, v16;
	v16 =	vld [tilespmem:s29+$0xFFFFFF80]  }
0x16a: {  	s31 =	simm.s32 $0x0;
	v19 =	vadd.s32 s15, v0;
	v24 =	vand.u32 $0x3F, v17;
	v18 =	vor.u32 v1, v23;
	v17 =	vld [tilespmem:s29+$0x0]  }
0x16b: {  	v20 =	vadd.s32 s31, v0;
	v26 =	vand.u32 $0x3F, v19;
	v22 =	vor.u32 v1, v24;
	v21 =	vld [tilespmem:s29+$0xFFFFFF00]  }
0x16c: {  	v28 =	vand.u32 $0x3F, v20;
	v19 =	vor.u32 v1, v26  }
0x16d: {  	v20 =	vor.u32 v1, v28;
	v15 =	vmul.f32 $8.000000000e+00, v15  }
0x16e: {  	v16 =	vmul.f32 $8.000000000e+00, v16  }
0x16f: {  	[tilespmem:v18+s21+$0x0] =	vst.idx.msk $0xffff, v15;
	v15 =	vmul.f32 $8.000000000e+00, v17  }
0x170: {  	v21 =	vmul.f32 $8.000000000e+00, v21;
	v18 =	vadd.s32 s0, v2;
	[tilespmem:v22+s21+$0x0] =	vst.idx.msk $0xffff, v16;
	v17 =	vld [tilespmem:s29+$0x90]  }
0x171: {  	v16 =	vadd.s32 s12, v2;
	v18 =	vand.u32 $0x3F, v18;
	v22 =	vld [tilespmem:s29+$0xFFFFFF90];
	[tilespmem:v19+s21+$0x0] =	vst.idx.msk $0xffff, v15  }
0x172: {  	[tilespmem:v20+s21+$0x0] =	vst.idx.msk $0xffff, v21;
	v16 =	vand.u32 $0x3F, v16;
	v15 =	vadd.s32 s15, v2;
	v18 =	vor.u32 v3, v18;
	v19 =	vld [tilespmem:s29+$0x10]  }
0x173: {  	v20 =	vadd.s32 s31, v2;
	v21 =	vld [tilespmem:s29+$0xFFFFFF10];
	v16 =	vor.u32 v3, v16;
	v15 =	vand.u32 $0x3F, v15  }
0x174: {  	v20 =	vand.u32 $0x3F, v20;
	v15 =	vor.u32 v3, v15  }
0x175: {  	v20 =	vor.u32 v3, v20;
	v17 =	vmul.f32 $8.000000000e+00, v17  }
0x176: {  	v22 =	vmul.f32 $8.000000000e+00, v22  }
0x177: {  	[tilespmem:v18+s21+$0x0] =	vst.idx.msk $0xffff, v17;
	v17 =	vmul.f32 $8.000000000e+00, v19  }
0x178: {  	v21 =	vmul.f32 $8.000000000e+00, v21;
	v19 =	vadd.s32 s0, v4;
	[tilespmem:v16+s21+$0x0] =	vst.idx.msk $0xffff, v22;
	v18 =	vld [tilespmem:s29+$0xA0]  }
0x179: {  	v16 =	vadd.s32 s12, v4;
	v19 =	vand.u32 $0x3F, v19;
	v22 =	vld [tilespmem:s29+$0xFFFFFFA0];
	[tilespmem:v15+s21+$0x0] =	vst.idx.msk $0xffff, v17  }
0x17a: {  	[tilespmem:v20+s21+$0x0] =	vst.idx.msk $0xffff, v21;
	v16 =	vand.u32 $0x3F, v16;
	v15 =	vadd.s32 s15, v4;
	v17 =	vor.u32 v5, v19;
	v19 =	vld [tilespmem:s29+$0x20]  }
0x17b: {  	v20 =	vadd.s32 s31, v4;
	v21 =	vld [tilespmem:s29+$0xFFFFFF20];
	v16 =	vor.u32 v5, v16;
	v15 =	vand.u32 $0x3F, v15  }
0x17c: {  	v20 =	vand.u32 $0x3F, v20;
	v15 =	vor.u32 v5, v15  }
0x17d: {  	v20 =	vor.u32 v5, v20;
	v18 =	vmul.f32 $8.000000000e+00, v18  }
0x17e: {  	v22 =	vmul.f32 $8.000000000e+00, v22  }
0x17f: {  	[tilespmem:v17+s21+$0x0] =	vst.idx.msk $0xffff, v18;
	v17 =	vmul.f32 $8.000000000e+00, v19  }
0x180: {  	v18 =	vmul.f32 $8.000000000e+00, v21;
	[tilespmem:v16+s21+$0x0] =	vst.idx.msk $0xffff, v22;
	v19 =	vadd.s32 s0, v6;
	v16 =	vld [tilespmem:s29+$0xB0]  }
0x181: {  	v21 =	vadd.s32 s12, v6;
	v22 =	vld [tilespmem:s29+$0xFFFFFFB0];
	[tilespmem:v15+s21+$0x0] =	vst.idx.msk $0xffff, v17;
	v15 =	vand.u32 $0x3F, v19  }
0x182: {  	v17 =	vadd.s32 s15, v6;
	[tilespmem:v20+s21+$0x0] =	vst.idx.msk $0xffff, v18;
	v18 =	vand.u32 $0x3F, v21;
	v19 =	vld [tilespmem:s29+$0x30];
	v15 =	vor.u32 v7, v15  }
0x183: {  	v20 =	vadd.s32 s31, v6;
	v21 =	vld [tilespmem:s29+$0xFFFFFF30];
	v25 =	vor.u32 v7, v18;
	v17 =	vand.u32 $0x3F, v17  }
0x184: {  	v29 =	vadd.s32 s31, v9;
	v18 =	vand.u32 $0x3F, v20;
	v27 =	vor.u32 v7, v17  }
0x185: {  	v31 =	vadd.s32 s12, v9;
	v32 =	vor.u32 v7, v18;
	v16 =	vmul.f32 $8.000000000e+00, v16  }
0x186: {  	s14 =	simm.s32 $0x6;
	v29 =	vand.u32 $0x3F, v29;
	v33 =	vor.u32 v8, v24;
	s1 =	simm.s32 $0x4;
	v30 =	vmul.f32 $8.000000000e+00, v22  }
0x187: {  	v24 =	vadd.s32 s14, v4;
	v36 =	vadd.s32 s1, v2;
	v19 =	vmul.f32 $8.000000000e+00, v19;
	[tilespmem:v15+s21+$0x0] =	vst.idx.msk $0xffff, v16  }
0x188: {  	v35 =	vadd.s32 s1, v0;
	v41 =	vor.u32 v8, v23;
	v34 =	vmul.f32 $8.000000000e+00, v21;
	[tilespmem:v25+s21+$0x0] =	vst.idx.msk $0xffff, v30;
	v37 =	vld [tilespmem:s29+$0xC0]  }
0x189: {  	v20 =	vadd.s32 s31, v13;
	v17 =	vadd.s32 s31, v11;
	v18 =	vadd.s32 s1, v6;
	v38 =	vld [tilespmem:s29+$0xFFFFFFC0];
	[tilespmem:v27+s21+$0x0] =	vst.idx.msk $0xffff, v19  }
0x18a: {  	v22 =	vadd.s32 s1, v4;
	v15 =	vand.u32 $0x3F, v20;
	v20 =	vand.u32 $0x3F, v17;
	[tilespmem:v32+s21+$0x0] =	vst.idx.msk $0xffff, v34;
	v40 =	vld [tilespmem:s29+$0x40]  }
0x18b: {  	s2 =	simm.s32 $0x5;
	v17 =	vadd.s32 s12, v13;
	v16 =	vadd.s32 s15, v13;
	v21 =	vadd.s32 s12, v11;
	v34 =	vld [tilespmem:s29+$0xFFFFFF40]  }
0x18c: {  	v25 =	vadd.s32 s2, v4;
	v30 =	vadd.s32 s15, v9;
	s12 =	simm.s32 $0x7;
	v27 =	vor.u32 v8, v26  }
0x18d: {  	v23 =	vadd.s32 s12, v0;
	v26 =	vor.u32 v8, v28;
	v42 =	vmul.f32 $8.000000000e+00, v37  }
0x18e: {  	v19 =	vadd.s32 s15, v11;
	v32 =	vand.u32 $0x3F, v36;
	s15 =	simm.s32 $0x4300;
	v28 =	vmul.f32 $8.000000000e+00, v38  }
0x18f: {  	s7 =	simm.s32 $0x8;
	v36 =	vadd.s32 s14, v2;
	v39 =	vld [tilespmem:s15+$0x80];
	v37 =	vadd.s32 s2, v2;
	v38 =	vmul.f32 $8.000000000e+00, v40;
	[tilespmem:v41+s21+$0x0] =	vst.idx.msk $0xffff, v42  }
.LBB2_10:
0x190: {  	p1 =	slt.u32 s7, $0x3C;
	v23 =	vand.u32 $0x3F, v23;
	v34 =	vmul.f32 $8.000000000e+00, v34;
	[tilespmem:v33+s21+$0x0] =	vst.idx.msk $0xffff, v28;
	v33 =	vld [tilespmem:s29+$0xD0];
	v28 =	vadd.s32 s0, v9  }
0x191: {  	v41 =	vadd.s32 s2, v0;
	v40 =	vld [tilespmem:s15+$0xFFFFFF80];
	v42 =	vor.u32 v1, v23;
	[tilespmem:v27+s21+$0x0] =	vst.idx.msk $0xffff, v38;
	v28 =	vand.u32 $0x3F, v28  }
0x192: {  	v27 =	vand.u32 $0x3F, v41;
	v41 =	vadd.s32 s14, v0;
	v38 =	vld [tilespmem:s15+$0x0];
	[tilespmem:v26+s21+$0x0] =	vst.idx.msk $0xffff, v34;
	v34 =	vor.u32 v10, v28  }
0x193: {  	v26 =	vand.u32 $0x3F, v35;
	v35 =	vor.u32 v1, v27;
	v28 =	vand.u32 $0x3F, v41;
	v43 =	vld [tilespmem:s15+$0xFFFFFF00]  }
0x194: {  	v29 =	vor.u32 v10, v29;
	v41 =	vor.u32 v1, v28;
	v39 =	vmul.f32 $8.000000000e+00, v39;
	v44 =	vld [tilespmem:s29+$0xFFFFFFD0]  }
0x195: {  	v31 =	vand.u32 $0x3F, v31;
	v45 =	vor.u32 v1, v26;
	v46 =	vld [tilespmem:s29+$0x50];
	v33 =	vmul.f32 $8.000000000e+00, v33  }
0x196: {  	v30 =	vand.u32 $0x3F, v30;
	v31 =	vor.u32 v10, v31;
	v40 =	vmul.f32 $8.000000000e+00, v40;
	[tilespmem:v42+s21+$0x0] =	vst.idx.msk $0xffff, v39;
	v39 =	vld [tilespmem:s29+$0xFFFFFF50]  }
0x197: {  	v47 =	vadd.s32 s12, v2;
	v30 =	vor.u32 v10, v30;
	v38 =	vmul.f32 $8.000000000e+00, v38;
	v42 =	vld [tilespmem:s15+$0x90];
	[tilespmem:v34+s21+$0x0] =	vst.idx.msk $0xffff, v33  }
0x198: {  	v34 =	vand.u32 $0x3F, v47;
	v33 =	vmul.f32 $8.000000000e+00, v43;
	[tilespmem:v35+s21+$0x0] =	vst.idx.msk $0xffff, v40;
	v35 =	vld [tilespmem:s29+$0xE0];
	v40 =	vadd.s32 s0, v11  }
0x199: {  	v34 =	vor.u32 v3, v34;
	v43 =	vld [tilespmem:s15+$0xFFFFFF90];
	[tilespmem:v41+s21+$0x0] =	vst.idx.msk $0xffff, v38;
	v38 =	vmul.f32 $8.000000000e+00, v44;
	v40 =	vand.u32 $0x3F, v40  }
0x19a: {  	[tilespmem:v45+s21+$0x0] =	vst.idx.msk $0xffff, v33;
	v33 =	vand.u32 $0x3F, v37;
	v37 =	vld [tilespmem:s15+$0x10];
	v41 =	vmul.f32 $8.000000000e+00, v46;
	v40 =	vor.u32 v12, v40  }
0x19b: {  	v36 =	vand.u32 $0x3F, v36;
	v44 =	vld [tilespmem:s15+$0xFFFFFF10];
	v33 =	vor.u32 v3, v33;
	v39 =	vmul.f32 $8.000000000e+00, v39;
	[tilespmem:v31+s21+$0x0] =	vst.idx.msk $0xffff, v38  }
0x19c: {  	v20 =	vor.u32 v12, v20;
	v31 =	vor.u32 v3, v36;
	v36 =	vmul.f32 $8.000000000e+00, v42;
	v38 =	vld [tilespmem:s29+$0xFFFFFFE0];
	[tilespmem:v30+s21+$0x0] =	vst.idx.msk $0xffff, v41  }
0x19d: {  	v21 =	vand.u32 $0x3F, v21;
	v30 =	vor.u32 v3, v32;
	[tilespmem:v29+s21+$0x0] =	vst.idx.msk $0xffff, v39;
	v29 =	vld [tilespmem:s29+$0x60];
	v32 =	vmul.f32 $8.000000000e+00, v35  }
0x19e: {  	v19 =	vand.u32 $0x3F, v19;
	v21 =	vor.u32 v12, v21;
	v35 =	vmul.f32 $8.000000000e+00, v43;
	[tilespmem:v34+s21+$0x0] =	vst.idx.msk $0xffff, v36;
	v34 =	vld [tilespmem:s29+$0xFFFFFF60]  }
0x19f: {  	v19 =	vor.u32 v12, v19;
	v39 =	vadd.s32 s12, v4;
	v36 =	vmul.f32 $8.000000000e+00, v37;
	v37 =	vld [tilespmem:s15+$0xA0];
	[tilespmem:v40+s21+$0x0] =	vst.idx.msk $0xffff, v32  }
0x1a0: {  	v32 =	vmul.f32 $8.000000000e+00, v44;
	[tilespmem:v33+s21+$0x0] =	vst.idx.msk $0xffff, v35;
	v33 =	vand.u32 $0x3F, v39;
	v35 =	vld [tilespmem:s29+$0xF0];
	v39 =	vadd.s32 s0, v13;
	s0 =	smov.u32 s12  }
0x1a1: {  	v40 =	vld [tilespmem:s15+$0xFFFFFFA0];
	[tilespmem:v31+s21+$0x0] =	vst.idx.msk $0xffff, v36;
	v31 =	vor.u32 v5, v33;
	v33 =	vmul.f32 $8.000000000e+00, v38;
	v36 =	vand.u32 $0x3F, v39  }
0x1a2: {  	v25 =	vand.u32 $0x3F, v25;
	[tilespmem:v30+s21+$0x0] =	vst.idx.msk $0xffff, v32;
	v30 =	vld [tilespmem:s15+$0x20];
	v29 =	vmul.f32 $8.000000000e+00, v29;
	v32 =	vor.u32 v14, v36  }
0x1a3: {  	v24 =	vand.u32 $0x3F, v24;
	v25 =	vor.u32 v5, v25;
	v36 =	vld [tilespmem:s15+$0xFFFFFF20];
	v34 =	vmul.f32 $8.000000000e+00, v34;
	[tilespmem:v21+s21+$0x0] =	vst.idx.msk $0xffff, v33  }
0x1a4: {  	v21 =	vand.u32 $0x3F, v22;
	v22 =	vor.u32 v5, v24;
	v24 =	vmul.f32 $8.000000000e+00, v37;
	v33 =	vld [tilespmem:s29+$0xFFFFFFF0];
	[tilespmem:v19+s21+$0x0] =	vst.idx.msk $0xffff, v29  }
0x1a5: {  	v17 =	vand.u32 $0x3F, v17;
	v19 =	vor.u32 v5, v21;
	[tilespmem:v20+s21+$0x0] =	vst.idx.msk $0xffff, v34;
	v20 =	vld [tilespmem:s29+$0x70];
	v21 =	vmul.f32 $8.000000000e+00, v35  }
0x1a6: {  	v16 =	vand.u32 $0x3F, v16;
	v17 =	vor.u32 v14, v17;
	v29 =	vmul.f32 $8.000000000e+00, v40;
	[tilespmem:v31+s21+$0x0] =	vst.idx.msk $0xffff, v24;
	v24 =	vld [tilespmem:s29+$0xFFFFFF70];
	s29 =	smov.u32 s15  }
0x1a7: {  	v16 =	vor.u32 v14, v16;
	v31 =	vadd.s32 s2, v6;
	v30 =	vmul.f32 $8.000000000e+00, v30;
	[tilespmem:v32+s21+$0x0] =	vst.idx.msk $0xffff, v21  }
0x1a8: {  	v15 =	vor.u32 v14, v15;
	v21 =	vmul.f32 $8.000000000e+00, v36;
	[tilespmem:v25+s21+$0x0] =	vst.idx.msk $0xffff, v29;
	v25 =	vld [tilespmem:s15+$0xB0];
	v29 =	vadd.s32 s0, v6  }
0x1a9: {  	v32 =	vld [tilespmem:s15+$0xFFFFFFB0];
	[tilespmem:v22+s21+$0x0] =	vst.idx.msk $0xffff, v30;
	v22 =	vadd.s32 s14, v6;
	v29 =	vand.u32 $0x3F, v29;
	v30 =	vmul.f32 $8.000000000e+00, v33  }
0x1aa: {  	[tilespmem:v19+s21+$0x0] =	vst.idx.msk $0xffff, v21;
	v19 =	vand.u32 $0x3F, v31;
	v21 =	vld [tilespmem:s15+$0x30];
	v29 =	vor.u32 v7, v29;
	v20 =	vmul.f32 $8.000000000e+00, v20  }
0x1ab: {  	v22 =	vand.u32 $0x3F, v22;
	v31 =	vld [tilespmem:s15+$0xFFFFFF30];
	v19 =	vor.u32 v7, v19;
	v24 =	vmul.f32 $8.000000000e+00, v24;
	[tilespmem:v17+s21+$0x0] =	vst.idx.msk $0xffff, v30  }
0x1ac: {  	v17 =	vand.u32 $0x3F, v18;
	v30 =	vadd.s32 s1, v13;
	v33 =	vor.u32 v7, v22;
	[tilespmem:v16+s21+$0x0] =	vst.idx.msk $0xffff, v20  }
0x1ad: {  	v34 =	vor.u32 v7, v17;
	v16 =	vadd.s32 s1, v11;
	v17 =	vmul.f32 $8.000000000e+00, v25;
	[tilespmem:v15+s21+$0x0] =	vst.idx.msk $0xffff, v24  }
0x1ae: {  	v18 =	vadd.s32 s7, v6;
	v24 =	vadd.s32 s1, v9;
	s1 =	smov.u32 s7;
	v20 =	vmul.f32 $8.000000000e+00, v32  }
0x1af: {  	v22 =	vadd.s32 s7, v4;
	v32 =	vadd.s32 s7, v2;
	v21 =	vmul.f32 $8.000000000e+00, v21;
	[tilespmem:v29+s21+$0x0] =	vst.idx.msk $0xffff, v17  }
0x1b0: {  	v35 =	vadd.s32 s7, v0;
	v15 =	vand.u32 $0x3F, v30;
	v25 =	vmul.f32 $8.000000000e+00, v31;
	[tilespmem:v19+s21+$0x0] =	vst.idx.msk $0xffff, v20;
	v36 =	vld [tilespmem:s15+$0xC0]  }
0x1b1: {  	v17 =	vadd.s32 s2, v13;
	v20 =	vand.u32 $0x3F, v16;
	v16 =	vadd.s32 s14, v13;
	v38 =	vld [tilespmem:s15+$0xFFFFFFC0];
	[tilespmem:v33+s21+$0x0] =	vst.idx.msk $0xffff, v21  }
0x1b2: {  	v41 =	vor.u32 v8, v23;
	v19 =	vadd.s32 s14, v11;
	v21 =	vadd.s32 s2, v11;
	[tilespmem:v34+s21+$0x0] =	vst.idx.msk $0xffff, v25;
	v40 =	vld [tilespmem:s15+$0x40]  }
.Ltmp8:
0x1b3: {  	v29 =	vand.u32 $0x3F, v24;
	v31 =	vadd.s32 s2, v9;
	v33 =	vor.u32 v8, v27;
	s2 =	sadd.s32 $0x1, s7;
	v34 =	vld [tilespmem:s15+$0xFFFFFF40];
	(pc) =	sbr.rel @p1 .LBB2_10-.Ltmp8, $4  }
0x1b4: {  	v30 =	vadd.s32 s14, v9;
	s14 =	sadd.s32 $0x2, s7;
	v27 =	vor.u32 v8, v28;
	v25 =	vadd.s32 s2, v4  }
0x1b5: {  	v26 =	vor.u32 v8, v26;
	v24 =	vadd.s32 s14, v4;
	v42 =	vmul.f32 $8.000000000e+00, v36  }
0x1b6: {  	s12 =	sadd.s32 $0x3, s7;
	v32 =	vand.u32 $0x3F, v32;
	v37 =	vadd.s32 s2, v2;
	s15 =	sadd.s32 $0x200, s15;
	v28 =	vmul.f32 $8.000000000e+00, v38  }
0x1b7: {  	v23 =	vadd.s32 s12, v0;
	s7 =	sadd.s32 $0x4, s7;
	v36 =	vadd.s32 s14, v2;
	v39 =	vld [tilespmem:s15+$0x80];
	v38 =	vmul.f32 $8.000000000e+00, v40;
	[tilespmem:v41+s21+$0x0] =	vst.idx.msk $0xffff, v42  }
0x1b8: {  	v23 =	vand.u32 $0x3F, v23;
	v40 =	vld [tilespmem:s15+$0xFFFFFF80];
	v41 =	vadd.s32 s2, v0  }
0x1b9: {  	v43 =	vld [tilespmem:s15+$0x0];
	v44 =	vadd.s32 s14, v0;
	v42 =	vor.u32 v1, v23;
	v41 =	vand.u32 $0x3F, v41  }
0x1ba: {  	v45 =	vld [tilespmem:s15+$0xFFFFFF00];
	v44 =	vand.u32 $0x3F, v44;
	v46 =	vor.u32 v1, v41  }
0x1bb: {  	v35 =	vand.u32 $0x3F, v35;
	v47 =	vor.u32 v1, v44  }
0x1bc: {  	v48 =	vor.u32 v1, v35;
	v39 =	vmul.f32 $8.000000000e+00, v39  }
0x1bd: {  	v40 =	vmul.f32 $8.000000000e+00, v40  }
0x1be: {  	v63 =	vmul.f32 $8.000000000e+00, v43;
	[tilespmem:v42+s21+$0x0] =	vst.idx.msk $0xffff, v39  }
0x1bf: {  	v49 =	vmul.f32 $8.000000000e+00, v45;
	v42 =	vld [tilespmem:s15+$0x90];
	[tilespmem:v46+s21+$0x0] =	vst.idx.msk $0xffff, v40;
	v46 =	vadd.s32 s12, v2  }
0x1c0: {  	[tilespmem:v47+s21+$0x0] =	vst.idx.msk $0xffff, v63;
	v40 =	vand.u32 $0x3F, v46;
	v50 =	vld [tilespmem:s15+$0xFFFFFF90]  }
0x1c1: {  	v37 =	vand.u32 $0x3F, v37;
	[tilespmem:v48+s21+$0x0] =	vst.idx.msk $0xffff, v49;
	v52 =	vld [tilespmem:s15+$0x10];
	v51 =	vor.u32 v3, v40  }
0x1c2: {  	v36 =	vand.u32 $0x3F, v36;
	v37 =	vor.u32 v3, v37;
	v43 =	vld [tilespmem:s15+$0xFFFFFF10]  }
0x1c3: {  	v36 =	vor.u32 v3, v36  }
0x1c4: {  	v32 =	vor.u32 v3, v32;
	v42 =	vmul.f32 $8.000000000e+00, v42  }
0x1c5: {  	v45 =	vmul.f32 $8.000000000e+00, v50  }
0x1c6: {  	v53 =	vmul.f32 $8.000000000e+00, v52;
	[tilespmem:v51+s21+$0x0] =	vst.idx.msk $0xffff, v42  }
0x1c7: {  	v55 =	vadd.s32 s12, v4;
	v43 =	vmul.f32 $8.000000000e+00, v43;
	v54 =	vld [tilespmem:s15+$0xA0];
	[tilespmem:v37+s21+$0x0] =	vst.idx.msk $0xffff, v45  }
0x1c8: {  	v56 =	vand.u32 $0x3F, v55;
	[tilespmem:v36+s21+$0x0] =	vst.idx.msk $0xffff, v53;
	v57 =	vld [tilespmem:s15+$0xFFFFFFA0]  }
0x1c9: {  	v25 =	vand.u32 $0x3F, v25;
	v58 =	vor.u32 v5, v56;
	[tilespmem:v32+s21+$0x0] =	vst.idx.msk $0xffff, v43;
	v59 =	vld [tilespmem:s15+$0x20]  }
0x1ca: {  	v24 =	vand.u32 $0x3F, v24;
	v25 =	vor.u32 v5, v25;
	v60 =	vld [tilespmem:s15+$0xFFFFFF20]  }
0x1cb: {  	v22 =	vand.u32 $0x3F, v22;
	v24 =	vor.u32 v5, v24  }
0x1cc: {  	v22 =	vor.u32 v5, v22;
	v61 =	vmul.f32 $8.000000000e+00, v54  }
0x1cd: {  	v62 =	vmul.f32 $8.000000000e+00, v57  }
0x1ce: {  	v32 =	vmul.f32 $8.000000000e+00, v59;
	[tilespmem:v58+s21+$0x0] =	vst.idx.msk $0xffff, v61  }
0x1cf: {  	v48 =	vadd.s32 s12, v6;
	v37 =	vmul.f32 $8.000000000e+00, v60;
	[tilespmem:v25+s21+$0x0] =	vst.idx.msk $0xffff, v62;
	v47 =	vld [tilespmem:s15+$0xB0]  }
0x1d0: {  	v49 =	vadd.s32 s2, v6;
	v51 =	vand.u32 $0x3F, v48;
	[tilespmem:v24+s21+$0x0] =	vst.idx.msk $0xffff, v32;
	v50 =	vld [tilespmem:s15+$0xFFFFFFB0]  }
0x1d1: {  	v52 =	vadd.s32 s14, v6;
	v53 =	vand.u32 $0x3F, v49;
	[tilespmem:v22+s21+$0x0] =	vst.idx.msk $0xffff, v37;
	v24 =	vor.u32 v7, v51;
	v54 =	vld [tilespmem:s15+$0x30]  }
0x1d2: {  	v22 =	vor.u32 v7, v53;
	v32 =	vand.u32 $0x3F, v52;
	v55 =	vld [tilespmem:s15+$0xFFFFFF30]  }
0x1d3: {  	v34 =	vmul.f32 $8.000000000e+00, v34;
	[tilespmem:v33+s21+$0x0] =	vst.idx.msk $0xffff, v28;
	v18 =	vand.u32 $0x3F, v18;
	v63 =	vld [tilespmem:s29+$0xD0];
	v32 =	vor.u32 v7, v32  }
0x1d4: {  	[tilespmem:v27+s21+$0x0] =	vst.idx.msk $0xffff, v38;
	v18 =	vor.u32 v7, v18;
	v25 =	vmul.f32 $8.000000000e+00, v47  }
0x1d5: {  	v56 =	vld [tilespmem:s29+$0xFFFFFFD0];
	[tilespmem:v26+s21+$0x0] =	vst.idx.msk $0xffff, v34;
	v45 =	vadd.s32 s0, v9;
	v59 =	vmul.f32 $8.000000000e+00, v50  }
0x1d6: {  	v34 =	vld [tilespmem:s29+$0xFFFFFF50];
	v46 =	vand.u32 $0x3F, v45;
	v37 =	vmul.f32 $8.000000000e+00, v54;
	[tilespmem:v24+s21+$0x0] =	vst.idx.msk $0xffff, v25  }
0x1d7: {  	v31 =	vand.u32 $0x3F, v31;
	v36 =	vor.u32 v10, v46;
	v28 =	vmul.f32 $8.000000000e+00, v55;
	[tilespmem:v22+s21+$0x0] =	vst.idx.msk $0xffff, v59;
	v62 =	vld [tilespmem:s15+$0xC0]  }
0x1d8: {  	v57 =	vmul.f32 $8.000000000e+00, v63;
	v60 =	vor.u32 v10, v31;
	[tilespmem:v32+s21+$0x0] =	vst.idx.msk $0xffff, v37;
	v63 =	vld [tilespmem:s15+$0xFFFFFFC0]  }
0x1d9: {  	v20 =	vor.u32 v12, v20;
	v21 =	vand.u32 $0x3F, v21;
	v23 =	vor.u32 v8, v23;
	[tilespmem:v18+s21+$0x0] =	vst.idx.msk $0xffff, v28;
	v38 =	vld [tilespmem:s15+$0x40]  }
0x1da: {  	v19 =	vand.u32 $0x3F, v19;
	v21 =	vor.u32 v12, v21;
	v42 =	vor.u32 v8, v41;
	v40 =	vld [tilespmem:s15+$0xFFFFFF40]  }
0x1db: {  	v44 =	vor.u32 v8, v44;
	v39 =	vor.u32 v10, v29;
	v27 =	vmul.f32 $8.000000000e+00, v56  }
0x1dc: {  	v43 =	vadd.s32 s0, v11;
	v45 =	vor.u32 v8, v35;
	v58 =	vld [tilespmem:s29+$0x50];
	[tilespmem:v36+s21+$0x0] =	vst.idx.msk $0xffff, v57;
	v22 =	vmul.f32 $8.000000000e+00, v62  }
0x1dd: {  	v61 =	vand.u32 $0x3F, v30;
	v53 =	vadd.s32 s12, v9;
	v36 =	vld [tilespmem:s29+$0xE0];
	[tilespmem:v60+s21+$0x0] =	vst.idx.msk $0xffff, v27;
	v49 =	vmul.f32 $8.000000000e+00, v63  }
0x1de: {  	v57 =	vadd.s32 s14, v9;
	v48 =	vld [tilespmem:s29+$0xFFFFFFE0];
	v25 =	vor.u32 v10, v61;
	v18 =	vmul.f32 $8.000000000e+00, v38;
	[tilespmem:v23+s21+$0x0] =	vst.idx.msk $0xffff, v22  }
0x1df: {  	v47 =	vmul.f32 $8.000000000e+00, v34;
	v32 =	vand.u32 $0x3F, v43;
	v51 =	vmul.f32 $8.000000000e+00, v40;
	[tilespmem:v42+s21+$0x0] =	vst.idx.msk $0xffff, v49;
	v52 =	vld [tilespmem:s15+$0xD0]  }
0x1e0: {  	v54 =	vadd.s32 s2, v9;
	v55 =	vand.u32 $0x3F, v53;
	v46 =	vor.u32 v12, v32;
	[tilespmem:v44+s21+$0x0] =	vst.idx.msk $0xffff, v18;
	v56 =	vld [tilespmem:s15+$0xFFFFFFD0]  }
0x1e1: {  	v26 =	vmul.f32 $8.000000000e+00, v58;
	v58 =	vand.u32 $0x3F, v54;
	[tilespmem:v45+s21+$0x0] =	vst.idx.msk $0xffff, v51;
	v18 =	vor.u32 v10, v55;
	v59 =	vld [tilespmem:s15+$0x50]  }
0x1e2: {  	v31 =	vand.u32 $0x3F, v57;
	v60 =	vadd.s32 s1, v9;
	[tilespmem:v39+s21+$0x0] =	vst.idx.msk $0xffff, v47;
	v23 =	vor.u32 v10, v58;
	v61 =	vld [tilespmem:s15+$0xFFFFFF50]  }
0x1e3: {  	v31 =	vor.u32 v10, v31;
	v50 =	vmul.f32 $8.000000000e+00, v36;
	v28 =	vand.u32 $0x3F, v60;
	v32 =	vld [tilespmem:s29+$0xFFFFFF60];
	[tilespmem:v25+s21+$0x0] =	vst.idx.msk $0xffff, v26  }
0x1e4: {  	v19 =	vor.u32 v12, v19;
	v26 =	vld [tilespmem:s29+$0x60];
	v63 =	vor.u32 v10, v28;
	v25 =	vmul.f32 $8.000000000e+00, v52  }
0x1e5: {  	v41 =	vadd.s32 s2, v11;
	v34 =	vadd.s32 s0, v13;
	[tilespmem:v46+s21+$0x0] =	vst.idx.msk $0xffff, v50;
	v35 =	vmul.f32 $8.000000000e+00, v56  }
0x1e6: {  	v39 =	vadd.s32 s12, v11;
	v43 =	vadd.s32 s14, v11;
	v37 =	vmul.f32 $8.000000000e+00, v59;
	[tilespmem:v18+s21+$0x0] =	vst.idx.msk $0xffff, v25  }
0x1e7: {  	v62 =	vmul.f32 $8.000000000e+00, v48;
	v28 =	vand.u32 $0x3F, v34;
	v30 =	vmul.f32 $8.000000000e+00, v61;
	v25 =	vld [tilespmem:s15+$0xE0];
	[tilespmem:v23+s21+$0x0] =	vst.idx.msk $0xffff, v35  }
0x1e8: {  	v40 =	vmul.f32 $8.000000000e+00, v32;
	v38 =	vor.u32 v14, v28;
	v28 =	vand.u32 $0x3F, v39;
	[tilespmem:v31+s21+$0x0] =	vst.idx.msk $0xffff, v37;
	v42 =	vld [tilespmem:s15+$0xFFFFFFE0]  }
0x1e9: {  	v28 =	vor.u32 v12, v28;
	v44 =	vand.u32 $0x3F, v41;
	v26 =	vmul.f32 $8.000000000e+00, v26;
	[tilespmem:v63+s21+$0x0] =	vst.idx.msk $0xffff, v30;
	v45 =	vld [tilespmem:s15+$0x60]  }
0x1ea: {  	v46 =	vadd.s32 s1, v11;
	[tilespmem:v21+s21+$0x0] =	vst.idx.msk $0xffff, v62;
	v22 =	vor.u32 v12, v44;
	v18 =	vand.u32 $0x3F, v43;
	v47 =	vld [tilespmem:s15+$0xFFFFFF60]  }
0x1eb: {  	v17 =	vand.u32 $0x3F, v17;
	v27 =	vld [tilespmem:s29+$0xF0];
	[tilespmem:v19+s21+$0x0] =	vst.idx.msk $0xffff, v26;
	v19 =	vand.u32 $0x3F, v46;
	v18 =	vor.u32 v12, v18  }
0x1ec: {  	v16 =	vand.u32 $0x3F, v16;
	v36 =	vld [tilespmem:s29+$0xFFFFFFF0];
	[tilespmem:v20+s21+$0x0] =	vst.idx.msk $0xffff, v40;
	v19 =	vor.u32 v12, v19;
	v25 =	vmul.f32 $8.000000000e+00, v25  }
0x1ed: {  	v15 =	vor.u32 v14, v15;
	v17 =	vor.u32 v14, v17;
	v21 =	vld [tilespmem:s29+$0xFFFFFF70];
	v49 =	vmul.f32 $8.000000000e+00, v42  }
0x1ee: {  	v16 =	vor.u32 v14, v16;
	v53 =	vadd.s32 s2, v13;
	v48 =	vld [tilespmem:s29+$0x70];
	v23 =	vmul.f32 $8.000000000e+00, v45;
	[tilespmem:v28+s21+$0x0] =	vst.idx.msk $0xffff, v25  }
0x1ef: {  	v57 =	vand.u32 $0x3F, v53;
	v51 =	vadd.s32 s12, v13;
	v26 =	vmul.f32 $8.000000000e+00, v47;
	v28 =	vld [tilespmem:s15+$0xF0];
	[tilespmem:v22+s21+$0x0] =	vst.idx.msk $0xffff, v49  }
0x1f0: {  	v55 =	vadd.s32 s14, v13;
	v29 =	vand.u32 $0x3F, v51;
	v27 =	vmul.f32 $8.000000000e+00, v27;
	[tilespmem:v18+s21+$0x0] =	vst.idx.msk $0xffff, v23;
	v54 =	vld [tilespmem:s15+$0xFFFFFFF0]  }
0x1f1: {  	v50 =	vmul.f32 $8.000000000e+00, v36;
	v56 =	vor.u32 v14, v29;
	v59 =	vadd.s32 s1, v13;
	[tilespmem:v19+s21+$0x0] =	vst.idx.msk $0xffff, v26;
	v58 =	vld [tilespmem:s15+$0x70]  }
0x1f2: {  	[tilespmem:v38+s21+$0x0] =	vst.idx.msk $0xffff, v27;
	v21 =	vmul.f32 $8.000000000e+00, v21;
	v19 =	vor.u32 v14, v57;
	v18 =	vand.u32 $0x3F, v55;
	v26 =	vld [tilespmem:s15+$0xFFFFFF70]  }
0x1f3: {  	[tilespmem:v17+s21+$0x0] =	vst.idx.msk $0xffff, v50;
	v60 =	vand.u32 $0x3F, v59;
	v52 =	vmul.f32 $8.000000000e+00, v48;
	v18 =	vor.u32 v14, v18  }
0x1f4: {  	v17 =	vor.u32 v14, v60;
	[tilespmem:v15+s21+$0x0] =	vst.idx.msk $0xffff, v21;
	v61 =	vmul.f32 $8.000000000e+00, v28  }
0x1f5: {  	[tilespmem:v16+s21+$0x0] =	vst.idx.msk $0xffff, v52;
	v15 =	vmul.f32 $8.000000000e+00, v54  }
.Ltmp9:
0x1f6: {  	s31 =	sadd.s32 s5, s30;
	v62 =	vmul.f32 $8.000000000e+00, v58;
	[tilespmem:v56+s21+$0x0] =	vst.idx.msk $0xffff, v61;
	(pc) =	sbr.rel .LBB2_12-.Ltmp9, $4  }
0x1f7: {  	s0 =	sshll.u32 s31, $0xA;
	v63 =	vmul.f32 $8.000000000e+00, v26;
	[tilespmem:v19+s21+$0x0] =	vst.idx.msk $0xffff, v15  }
0x1f8: {  	s0 =	sand.u32 $0x1FFFFC00, s0;
	[tilespmem:v18+s21+$0x0] =	vst.idx.msk $0xffff, v62  }
0x1f9: {  	s0 =	sadd.s32 s4, s0;
	[tilespmem:v17+s21+$0x0] =	vst.idx.msk $0xffff, v63  }
0x1fa: {  	[hbm4b:s0+s3] =	stream.linear.scatter [tilespmem:s21], [sflag:$0x6], $0x2000, $0x38;
	[tilespmem:$0xC000] =	vst v63  }
.LBB2_13:
0x1fb: {  	_ =	swait.ge [sflag:s22], $0x2000  }
0x1fc: {  	[sflag:s22] =	ssyncset.done $0x0  }
0x1fd: {  	[sflag:s22] =	ssyncadd.s32 $0xFFFFE000  }
0x1fe: {  	_ =	swait.ge [sflag:s23], $0x2000  }
.Ltmp10:
0x1ff: {  	[sflag:s23] =	ssyncset.done $0x0;
	(pc) =	sbr.rel @p0 .LBB2_17-.Ltmp10, $4  }
0x200: {  	[sflag:s23] =	ssyncadd.s32 $0xFFFFE000  }
0x201: {  	_ =	swait.ge [sflag:s24], $0x2000  }
0x202: {  	[sflag:s24] =	ssyncset.done $0x0  }
0x203: {  	[sflag:s24] =	ssyncadd.s32 $0xFFFFE000  }
0x204: {  	s1 =	simm.s32 $0x0;
	s0 =	rddreg [dreg:$0x1]  }
0x205: {  	[tilespmem:s19], [sflag:$0x7] =	stream.linear.gather [hbm4b:s0+s1], $0x1000, $0x38;
	[tilespmem:$0xC000] =	vst v63  }
0x206: {  	_ =	swait.ge [sflag:s25], $0x1000  }
0x207: {  	[sflag:s25] =	ssyncset.done $0x0  }
0x208: {  	s0 =	simm.s32 $0x8020;
	[sflag:s25] =	ssyncadd.s32 $0xFFFFF000  }
0x209: {  	v15 =	vmov s1;
	v17 =	vadd.s32 s1, v0;
	v16 =	vld [tilespmem:s0+$0xFFFFFFE0]  }
0x20a: {  	v17 =	vand.u32 $0x3F, v17;
	v15 =	vshll.u32 v15, $0x6  }
0x20b: {  	v17 =	vor.u32 v15, v17;
	_ =	sdelay $0x2  }
0x20c: {  	v16 =	vmul.f32 $8.000000000e+00, v16;
	_ =	sdelay $0x1  }
0x20d: {  	[tilespmem:v17+s17+$0x0] =	vst.idx.msk $0xffff, v16  }
0x20e: {  	v17 =	vadd.s32 s1, v2;
	v16 =	vld [tilespmem:s0+$0xFFFFFFF0]  }
0x20f: {  	v17 =	vand.u32 $0x3F, v17  }
0x210: {  	v17 =	vor.u32 v15, v17;
	_ =	sdelay $0x2  }
0x211: {  	v16 =	vmul.f32 $8.000000000e+00, v16;
	_ =	sdelay $0x1  }
0x212: {  	[tilespmem:v17+s17+$0x0] =	vst.idx.msk $0xffff, v16  }
0x213: {  	v17 =	vadd.s32 s1, v4;
	v16 =	vld [tilespmem:s0+$0x0]  }
0x214: {  	v17 =	vand.u32 $0x3F, v17  }
0x215: {  	v17 =	vor.u32 v15, v17;
	_ =	sdelay $0x2  }
0x216: {  	v16 =	vmul.f32 $8.000000000e+00, v16;
	_ =	sdelay $0x1  }
0x217: {  	[tilespmem:v17+s17+$0x0] =	vst.idx.msk $0xffff, v16  }
0x218: {  	v17 =	vadd.s32 s1, v6;
	v16 =	vld [tilespmem:s0+$0x10]  }
0x219: {  	v17 =	vand.u32 $0x3F, v17  }
0x21a: {  	v15 =	vor.u32 v15, v17;
	_ =	sdelay $0x2  }
0x21b: {  	v16 =	vmul.f32 $8.000000000e+00, v16;
	_ =	sdelay $0x1  }
0x21c: {  	s2 =	simm.s32 $0x1;
	[tilespmem:v15+s17+$0x0] =	vst.idx.msk $0xffff, v16  }
0x21d: {  	v15 =	vmov s2;
	v16 =	vld [tilespmem:s0+$0x20]  }
0x21e: {  	v17 =	vadd.s32 s2, v0;
	v15 =	vshll.u32 v15, $0x6  }
0x21f: {  	v17 =	vor.u32 v17, v15;
	_ =	sdelay $0x2  }
0x220: {  	v16 =	vmul.f32 $8.000000000e+00, v16  }
0x221: {  	s1 =	simm.s32 $0x40  }
0x222: {  	s7 =	sor.u32 $0x50, s1;
	[tilespmem:v17+s17+$0x0] =	vst.idx.msk $0xffff, v16  }
0x223: {  	v16 =	vld [tilespmem:s7+$0x8000]  }
0x224: {  	v17 =	vadd.s32 s2, v2  }
0x225: {  	v17 =	vor.u32 v17, v15;
	_ =	sdelay $0x2  }
0x226: {  	v16 =	vmul.f32 $8.000000000e+00, v16;
	_ =	sdelay $0x1  }
0x227: {  	s30 =	sor.u32 $0x60, s1;
	[tilespmem:v17+s17+$0x0] =	vst.idx.msk $0xffff, v16  }
0x228: {  	v16 =	vld [tilespmem:s30+$0x8000]  }
0x229: {  	v17 =	vadd.s32 s2, v4  }
0x22a: {  	v17 =	vor.u32 v17, v15;
	_ =	sdelay $0x2  }
0x22b: {  	v16 =	vmul.f32 $8.000000000e+00, v16;
	_ =	sdelay $0x1  }
0x22c: {  	s31 =	sor.u32 $0x70, s1;
	[tilespmem:v17+s17+$0x0] =	vst.idx.msk $0xffff, v16  }
0x22d: {  	v16 =	vld [tilespmem:s31+$0x8000]  }
0x22e: {  	v17 =	vadd.s32 s2, v6  }
0x22f: {  	v15 =	vor.u32 v17, v15;
	_ =	sdelay $0x2  }
0x230: {  	s2 =	simm.s32 $0x2;
	v16 =	vmul.f32 $8.000000000e+00, v16  }
.LBB2_15:
0x231: {  	_ = 	snop  }
0x232: {  	p1 =	slt.u32 s2, $0x3E;
	s1 =	sadd.s32 $0x80, s1;
	s0 =	sadd.s32 $0x80, s0;
	[tilespmem:v15+s17+$0x0] =	vst.idx.msk $0xffff, v16  }
0x233: {  	v17 =	vadd.s32 s2, v0;
	s7 =	smov.u32 s2;
	v15 =	vmov s2;
	s2 =	sadd.s32 $0x2, s2;
	v16 =	vld [tilespmem:s0+$0xFFFFFFE0]  }
0x234: {  	v17 =	vand.u32 $0x3F, v17;
	v15 =	vshll.u32 v15, $0x6  }
0x235: {  	v17 =	vor.u32 v15, v17;
	_ =	sdelay $0x2  }
0x236: {  	v16 =	vmul.f32 $8.000000000e+00, v16;
	_ =	sdelay $0x1  }
0x237: {  	[tilespmem:v17+s17+$0x0] =	vst.idx.msk $0xffff, v16  }
0x238: {  	v17 =	vadd.s32 s7, v2;
	v16 =	vld [tilespmem:s0+$0xFFFFFFF0]  }
0x239: {  	v17 =	vand.u32 $0x3F, v17  }
0x23a: {  	v17 =	vor.u32 v15, v17;
	_ =	sdelay $0x2  }
0x23b: {  	v16 =	vmul.f32 $8.000000000e+00, v16;
	_ =	sdelay $0x1  }
0x23c: {  	[tilespmem:v17+s17+$0x0] =	vst.idx.msk $0xffff, v16  }
0x23d: {  	v17 =	vadd.s32 s7, v4;
	v16 =	vld [tilespmem:s0+$0x0]  }
0x23e: {  	v17 =	vand.u32 $0x3F, v17  }
0x23f: {  	v17 =	vor.u32 v15, v17;
	_ =	sdelay $0x2  }
0x240: {  	v16 =	vmul.f32 $8.000000000e+00, v16;
	_ =	sdelay $0x1  }
0x241: {  	[tilespmem:v17+s17+$0x0] =	vst.idx.msk $0xffff, v16  }
0x242: {  	v17 =	vadd.s32 s7, v6;
	v16 =	vld [tilespmem:s0+$0x10]  }
0x243: {  	v17 =	vand.u32 $0x3F, v17  }
0x244: {  	v15 =	vor.u32 v15, v17;
	_ =	sdelay $0x2  }
0x245: {  	v16 =	vmul.f32 $8.000000000e+00, v16;
	_ =	sdelay $0x1  }
0x246: {  	s7 =	sadd.s32 $0x1, s7;
	[tilespmem:v15+s17+$0x0] =	vst.idx.msk $0xffff, v16  }
0x247: {  	v15 =	vmov s7;
	v16 =	vld [tilespmem:s0+$0x20]  }
0x248: {  	v17 =	vadd.s32 s7, v0;
	v15 =	vshll.u32 v15, $0x6  }
0x249: {  	v17 =	vor.u32 v17, v15;
	_ =	sdelay $0x2  }
0x24a: {  	v16 =	vmul.f32 $8.000000000e+00, v16;
	_ =	sdelay $0x1  }
0x24b: {  	s12 =	sor.u32 $0x50, s1;
	[tilespmem:v17+s17+$0x0] =	vst.idx.msk $0xffff, v16  }
0x24c: {  	v16 =	vld [tilespmem:s12+$0x8000]  }
0x24d: {  	v17 =	vadd.s32 s7, v2  }
0x24e: {  	v17 =	vor.u32 v17, v15;
	_ =	sdelay $0x2  }
0x24f: {  	v16 =	vmul.f32 $8.000000000e+00, v16;
	_ =	sdelay $0x1  }
0x250: {  	s12 =	sor.u32 $0x60, s1;
	[tilespmem:v17+s17+$0x0] =	vst.idx.msk $0xffff, v16  }
0x251: {  	v16 =	vld [tilespmem:s12+$0x8000]  }
0x252: {  	v17 =	vadd.s32 s7, v4  }
0x253: {  	v17 =	vor.u32 v17, v15;
	_ =	sdelay $0x2  }
0x254: {  	v16 =	vmul.f32 $8.000000000e+00, v16;
	_ =	sdelay $0x1  }
0x255: {  	s12 =	sor.u32 $0x70, s1;
	[tilespmem:v17+s17+$0x0] =	vst.idx.msk $0xffff, v16  }
0x256: {  	v16 =	vld [tilespmem:s12+$0x8000]  }
.Ltmp11:
0x257: {  	v17 =	vadd.s32 s7, v6;
	(pc) =	sbr.rel @p1 .LBB2_15-.Ltmp11, $2  }
0x258: {  	v15 =	vor.u32 v17, v15;
	_ =	sdelay $0x2  }
0x259: {  	v16 =	vmul.f32 $8.000000000e+00, v16  }
0x25a: {  	_ =	sdelay $0x3  }
.Ltmp12:
0x25b: {  	s0 =	rddreg [dreg:$0x5];
	[tilespmem:v15+s17+$0x0] =	vst.idx.msk $0xffff, v16;
	(pc) =	sbr.rel .LBB2_17-.Ltmp12, $4  }
0x25c: {  	[hbm4b:s0+s3] =	stream.linear.scatter [tilespmem:s17], [sflag:$0x7], $0x1000, $0x38;
	[tilespmem:$0xC000] =	vst v63  }
0x25d: {  	_ =	swait.ge [sflag:s25], $0x1000  }
0x25e: {  	[sflag:s25] =	ssyncset.done $0x0  }
0x25f: {  	[sflag:s25] =	ssyncadd.s32 $0xFFFFF000  }
.LBB2_18:
0x260: {  	_ =	sfence.sel $0x180000  }
0x261: {  	[bflag:$0x0] =	sbarrier.arrive $0xFFFF  }
0x262: {  	_ =	strace $0x90000047  }
0x263: {  	s0 =	stileid.u32;
	[bflag:$0x2] =	sbarrier.arrive $0xFFFF  }
0x264: {  	p0 =	sne.s32 s0, $0x0;
	s0 =	rddreg [dreg:$0x3]  }
0x265: {  	s0 =	sadd.s32 @!p0 $0x100000, s0  }
0x266: {  	[sflag:s0] =	ssyncadd.tile.s32 @!p0 $0x1;
	_ =	shalt  }
.Lfunc_end2:
_tile_overlayer_lowered:
.L_overlay_start_2:
0x267: {  	(tag) =	ssettag $0x2  }
0x268: {  	s0 =	rddreg [dreg:$0x0];
	s2 =	stileid.u32  }
0x269: {  	s1 =	rddreg [dreg:$0x1];
	p0 =	sne.s32 s2, $0x0  }
0x26a: {  	s3 =	rddreg [dreg:$0x2];
	[bflag:$0x3] =	sbarrier.arrive $0xFFFF;
	s2 =	simm.s32 @!p0 $0x1C07  }
0x26b: {  	[timem:s3], [sflag:s2] =	dma.local @!p0 [hbm:s0], s1  }
0x26c: {  	s0 =	simm.s32 @!p0 $0x7  }
0x26d: {  	_ =	swait.ge @!p0 [sflag:s0], s1  }
0x26e: {  	s1 =	ssub.s32 @!p0 $0x0, s1;
	[sflag:s0] =	ssyncset.done @!p0 $0x0  }
0x26f: {  	[sflag:s0] =	ssyncadd.s32 @!p0 s1  }
0x270: {  	[bflag:$0x3] =	sbarrier.arrive $0xFFFF  }
0x271: {  	_ =	shalt  }

// kernel: _run.7.cloned.1.call-start
scs
__scs_entry_jumppad:
0x0: {  	(pc) =	sbr.rel $0x88, $3  }
0x1: {  	(tag) =	ssettag $0x0;
	lr =	simm.s32 $0x1  }
0x2: {  	[smem:$0x3F9F] =	sst lr;
	_ =	strace $0xD0000000  }
0x3: {  	_ = 	snop  }
0x4: {  	_ = 	snop  }
0x5: {  	_ = 	snop  }
0x6: {  	_ = 	snop  }
0x7: {  	_ = 	snop  }
__scs_overlays_trampoline_lowered:
0x8: {  	[smem:$0x3FAE] =	sst s0  }
0x9: {  	[smem:$0x3FAF] =	sst s1  }
0xa: {  	[smem:$0x3FB0] =	sst s2  }
0xb: {  	[smem:$0x3FB1] =	sst s3  }
0xc: {  	[smem:$0x3FB2] =	sst s4  }
0xd: {  	[smem:$0x3FB3] =	sst s5  }
0xe: {  	[smem:$0x3FB4] =	sst s6  }
0xf: {  	[smem:$0x3FB5] =	sst s7  }
0x10: {  	[smem:$0x3FB6] =	sst s8  }
0x11: {  	[smem:$0x3FB7] =	sst s9;
	s0 =	simm.s32 @!p0 $0x0  }
0x12: {  	s1 =	sld [smem:$0x3F9D];
	s0 =	simm.s32 @p0 $0x1  }
0x13: {  	[smem:$0x3FB8] =	sst s0;
	s0 =	simm.s32 @!p1 $0x0  }
0x14: {  	s2 =	sld [smem:$0x3F9C];
	s0 =	simm.s32 @p1 $0x1  }
0x15: {  	[smem:$0x3FB9] =	sst s0;
	s0 =	simm.s32 @!p2 $0x0  }
0x16: {  	s3 =	sld [smem:$0x3FDB];
	s0 =	simm.s32 @p2 $0x1  }
0x17: {  	s4 =	simm.s32 $0x1BF5;
	[smem:$0x3FBB] =	sst s0  }
0x18: {  	s0 =	sld [smem:$0x3F9E];
	_ =	swait.ge [sflag:s4], $0x0  }
0x19: {  	s7 =	sld [smem:$0x3F9F]  }
0x1a: {  	s8 =	sadd.s32 $0xFFFFE003, lr  }
0x1b: {  	s9 =	sadd.s32 $0xFFFFFEF7, lr;
	s5 =	simm.s32 $0xFFFFFFFF;
	p2 =	slt.u32 s8, $0xFFFFF086  }
0x1c: {  	p1 =	slt.u32 s9, $0xF7A;
	s5 =	simm.s32 @!p2 $0x0  }
0x1d: {  	s5 =	simm.s32 @p1 $0x1;
	p0 =	seq.s32 s7, s2  }
0x1e: {  	s7 =	smul.u32 @!p0 $0xF7A, s2;
	p2 =	seq.s32 @!p0 s5, $0x0  }
0x1f: {  	s9 =	smul.u32 $0xF7A, s1;
	s8 =	simm.s32 @!p0 $0x1BF5;
	p2 =	por !p2, p0  }
0x20: {  	[sflag:s8] =	ssyncset.s32 @!p0 $0xFFFFF086;
	s6 =	sadd.s32 @!p0 s3, s7;
	s7 =	simm.s32 @!p0 $0x108  }
0x21: {  	s3 =	sadd.s32 s3, s9;
	s6 =	sadd.s32 @!p0 $0x88, s6;
	s7 =	simm.s32 @p2 $0x1082  }
0x22: {  	[simem:s7], [sflag:s8] =	dma.local @!p0 [hbm:s6], $0xF7A  }
0x23: {  	s9 =	sor.u32 $0xD0000000, s2;
	s6 =	simm.s32 $0x108;
	_ =	swait.ge @!p0 [sflag:s8], $0x0  }
0x24: {  	s3 =	sadd.s32 $0x88, s3;
	s6 =	simm.s32 @!p1 $0x1082;
	[sflag:s4] =	ssyncset.s32 $0xFFFFF086  }
0x25: {  	[simem:s6], [sflag:s4] =	dma.local [hbm:s3], $0xF7A  }
0x26: {  	[smem:$0x3F9F] =	sst s1;
	(tag) =	ssettag s2;
	_ =	strace s9  }
0x27: {  	s1 =	sld [smem:$0x3FAF]  }
0x28: {  	s2 =	sld [smem:$0x3FB0]  }
0x29: {  	s4 =	sld [smem:$0x3FB2]  }
0x2a: {  	p0 =	seq.s32 s5, $0x0;
	s5 =	sld [smem:$0x3FB3]  }
0x2b: {  	s6 =	sld [smem:$0x3FB4]  }
0x2c: {  	s7 =	sld [smem:$0x3FB5]  }
0x2d: {  	s3 =	simm.s32 $0x108;
	s8 =	sld [smem:$0x3FB6]  }
0x2e: {  	s3 =	simm.s32 @!p0 $0x1082;
	s9 =	sld [smem:$0x3FB7]  }
0x2f: {  	lr =	sadd.s32 s0, s3;
	s0 =	sld [smem:$0x3FAE]  }
0x30: {  	s3 =	sld [smem:$0x3FB1]  }
0x31: {  	[smem:$0x3FBA] =	sst s10  }
0x32: {  	s10 =	sld [smem:$0x3FB8];
	_ =	sdelay $0x3  }
0x33: {  	p0 =	seq.s32 s10, $0x1;
	s10 =	sld [smem:$0x3FBA];
	_ =	sdelay $0x3  }
0x34: {  	[smem:$0x3FBA] =	sst s10  }
0x35: {  	s10 =	sld [smem:$0x3FB9];
	_ =	sdelay $0x3  }
0x36: {  	p1 =	seq.s32 s10, $0x1;
	s10 =	sld [smem:$0x3FBA];
	_ =	sdelay $0x3  }
0x37: {  	[smem:$0x3FBA] =	sst s10  }
0x38: {  	s10 =	sld [smem:$0x3FBB]  }
0x39: {  	_ = 	snop;
	(pc) =	sbr.ind lr, $3  }
0x3a: {  	_ = 	snop  }
0x3b: {  	_ = 	snop  }
0x3c: {  	p2 =	seq.s32 s10, $0x1;
	s10 =	sld [smem:$0x3FBA]  }
0x3d: {  	_ =	shalt  }
0x3e: {  	_ =	shalt  }
0x3f: {  	_ =	shalt  }
0x40: {  	_ =	shalt  }
0x41: {  	_ =	shalt  }
0x42: {  	_ =	shalt  }
0x43: {  	_ =	shalt  }
0x44: {  	_ =	shalt  }
0x45: {  	_ =	shalt  }
0x46: {  	_ =	shalt  }
0x47: {  	_ =	shalt  }
0x48: {  	_ =	shalt  }
0x49: {  	_ =	shalt  }
0x4a: {  	_ =	shalt  }
0x4b: {  	_ =	shalt  }
0x4c: {  	_ =	shalt  }
0x4d: {  	_ =	shalt  }
0x4e: {  	_ =	shalt  }
0x4f: {  	_ =	shalt  }
0x50: {  	_ =	shalt  }
0x51: {  	_ =	shalt  }
0x52: {  	_ =	shalt  }
0x53: {  	_ =	shalt  }
0x54: {  	_ =	shalt  }
0x55: {  	_ =	shalt  }
0x56: {  	_ =	shalt  }
0x57: {  	_ =	shalt  }
0x58: {  	_ =	shalt  }
0x59: {  	_ =	shalt  }
0x5a: {  	_ =	shalt  }
0x5b: {  	_ =	shalt  }
0x5c: {  	_ =	shalt  }
0x5d: {  	_ =	shalt  }
0x5e: {  	_ =	shalt  }
0x5f: {  	_ =	shalt  }
0x60: {  	_ =	shalt  }
0x61: {  	_ =	shalt  }
0x62: {  	_ =	shalt  }
0x63: {  	_ =	shalt  }
0x64: {  	_ =	shalt  }
0x65: {  	_ =	shalt  }
0x66: {  	_ =	shalt  }
0x67: {  	_ =	shalt  }
0x68: {  	_ =	shalt  }
0x69: {  	_ =	shalt  }
0x6a: {  	_ =	shalt  }
0x6b: {  	_ =	shalt  }
0x6c: {  	_ =	shalt  }
0x6d: {  	_ =	shalt  }
0x6e: {  	_ =	shalt  }
0x6f: {  	_ =	shalt  }
0x70: {  	_ =	shalt  }
0x71: {  	_ =	shalt  }
0x72: {  	_ =	shalt  }
0x73: {  	_ =	shalt  }
0x74: {  	_ =	shalt  }
0x75: {  	_ =	shalt  }
0x76: {  	_ =	shalt  }
0x77: {  	_ =	shalt  }
0x78: {  	_ =	shalt  }
0x79: {  	_ =	shalt  }
0x7a: {  	_ =	shalt  }
0x7b: {  	_ =	shalt  }
0x7c: {  	_ =	shalt  }
0x7d: {  	_ =	shalt  }
0x7e: {  	_ =	shalt  }
0x7f: {  	_ =	shalt  }
0x80: {  	_ =	shalt  }
0x81: {  	_ =	shalt  }
0x82: {  	_ =	shalt  }
0x83: {  	_ =	shalt  }
0x84: {  	_ =	shalt  }
0x85: {  	_ =	shalt  }
0x86: {  	_ =	shalt  }
0x87: {  	_ =	shalt  }
.Lfunc_end0:
.L_simem_size_0:
called_computation.1_lowered:
.L_overlay_start_0:
0x88: {  	s2 =	sld [smem:$0x3FD9]  }
0x89: {  	s3 =	sld [smem:$0x3FFE];
	_ =	sdelay $0x1  }
0x8a: {  	s1 =	srdreg.scid  }
0x8b: {  	s0 =	sand.u32 $0x1, s1  }
0x8c: {  	s17 =	sshll.u32 s0, $0xA;
	s2 =	sadd.s32 s3, s2  }
0x8d: {  	s2 =	sadd.s32 s2, s17  }
0x8e: {  	[smem:$0x3FC6] =	sst s2  }
0x8f: {  	_ = 	snop  }
0x90: {  	s2 =	sld [smem:$0x3FD0];
	(tm) =	ssettm $0x1  }
0x91: {  	s18 =	sld [smem:$0x3FFB];
	_ =	sdelay $0x3  }
0x92: {  	_ =	strace s18  }
0x93: {  	s3 =	sld [smem:$0x3FFC];
	_ =	sdelay $0x3  }
0x94: {  	_ =	strace s3  }
0x95: {  	s3 =	sld [smem:$0x3FFD];
	_ =	sdelay $0x3  }
0x96: {  	_ =	strace s3  }
0x97: {  	_ =	strace $0x8FFFFFFF  }
0x98: {  	s19 =	sld [smem:$0x3FDB];
	_ =	sdelay $0x1  }
0x99: {  	s4 =	simm.s32 $_scs_section_size  }
0x9a: {  	s5 =	simm.s32 $_size__tile_overlayer_lowered;
	s6 =	simm.s32 $_tile_overlayer_lowered  }
0x9b: {  	s22 =	simm.s32 $0x1BFF;
	s21 =	sshll.u32 s6, $0x1;
	s3 =	sadd.s32 s4, s19  }
0x9c: {  	s7 =	simm.s32 $0x0;
	s20 =	sshll.u32 s5, $0x1;
	s5 =	sadd.s32 s21, s3  }
0x9d: {  	[timem:s7], [sflag:s22] =	dma.local [hbm:s5], s20  }
0x9e: {  	_ =	swait.ge [sflag:s22], s20  }
0x9f: {  	s4 =	ssub.s32 $0x0, s20;
	[sflag:s22] =	ssyncset.done $0x0  }
0xa0: {  	[sflag:s22] =	ssyncadd.s32 s4;
	_ =	sdelay $0x1  }
0xa1: {  	s23 =	simm.s32 $0x1B8B  }
0xa2: {  	_ =	swait.ge [sflag:s23], $0x1  }
0xa3: {  	[sflag:s23] =	ssyncset.done $0x0  }
0xa4: {  	s25 =	simm.s32 $0x1B8E;
	s24 =	sld [smem:$0x3FFE];
	[sflag:s23] =	ssyncadd.s32 $0xFFFFFFFF  }
0xa5: {  	s26 =	simm.s32 $execute0_lowered;
	[smem:$0x3FD2] =	sst s25  }
0xa6: {  	s5 =	sshll.u32 s26, $0x1;
	_ =	strace $0x80000049;
	[dreg:$0x1] =	wrdreg $0xFFFFFFFF  }
0xa7: {  	s28 =	simm.s32 $_size_execute0_lowered;
	s3 =	sadd.s32 s3, s5;
	[dreg:$0x0] =	wrdreg $0x0  }
0xa8: {  	s5 =	sshll.u32 s28, $0x1;
	[dreg:$0x2] =	wrdreg s3  }
0xa9: {  	[dreg:$0x3] =	wrdreg s5  }
0xaa: {  	[dreg:$0x4] =	wrdreg $0xC0  }
0xab: {  	_ =	task [dreg:s7], $0x5FFFF  }
0xac: {  	[dreg:$0x1] =	wrdreg $0xFFFFFFFF  }
0xad: {  	[dreg:$0x0] =	wrdreg $0x60  }
0xae: {  	[dreg:$0x2] =	wrdreg s24  }
0xaf: {  	[dreg:$0x3] =	wrdreg s2  }
0xb0: {  	[dreg:$0x4] =	wrdreg $0x9  }
0xb1: {  	_ =	task.clear_ibuf [dreg:s7], $0x5FFFF;
	_ =	strace $0x90000049  }
0xb2: {  	s29 =	simm.s32 $0x9;
	_ =	strace $0x8000004B  }
0xb3: {  	_ =	swait.ge [sflag:s29], $0x1  }
0xb4: {  	[sflag:s29] =	ssyncadd.s32 $0xFFFFFFFF  }
0xb5: {  	_ =	strace $0x9000004B  }
0xb6: {  	_ =	sfence  }
0xb7: {  	s30 =	sld [smem:$0x0];
	_ =	sdelay $0x2  }
0xb8: {  	s31 =	sshll.u32 s1, $0xD;
	s1 =	sshrl.u32 s1, $0x2  }
0xb9: {  	s3 =	sand.u32 $0x4000, s31;
	s1 =	sadd.s32 s1, s30  }
0xba: {  	s0 =	sor.u32 s3, s0;
	s1 =	sshll.u32 s1, $0x11  }
0xbb: {  	s0 =	sor.u32 s1, s0  }
0xbc: {  	s0 =	sadd.s32 $0x8F2B, s0  }
0xbd: {  	[sflag:s0] =	ssyncadd.remote.s32 $0x1  }
0xbe: {  	_ =	sfence.sel $0xFFFF  }
0xbf: {  	[dreg:$0x0] =	wrdreg $0xFFFFFFFF;
	(pc) =	sbr.abs _section_cstart, $3  }
0xc0: {  	[dreg:$0x1] =	wrdreg $0xFFFFFFFF  }
0xc1: {  	_ =	task.clear_ibuf [dreg:s7], $0x2FFFF;
	_ =	strace $0x9FFFFFFF  }
0xc2: {  	(tm) =	ssettm $0x7FFFFFFF  }
0xc3: {  	_ =	shalt  }
tec
execute0_lowered:
.L_overlay_start_1:
0x0: {  	(tag) =	ssettag $0x1  }
0x1: {  	s0 =	rddreg [dreg:$0x0];
	s1 =	srdreg.scid  }
0x2: {  	s7 =	stileid.u32;
	s8 =	rddreg [dreg:$0x1]  }
0x3: {  	s3 =	simm.s32 $0x0;
	s19 =	simm.s32 $0x8100;
	s17 =	simm.s32 $0x6  }
0x4: {  	s1 =	sand.u32 $0x1, s1;
	s2 =	sshll.u32 s7, $0x1;
	[smem:$0x7FF] =	sst s3  }
0x5: {  	s6 =	sadd.s32 $0xC00, s0;
	s9 =	sadd.s32 $0x7A8200, s0;
	s23 =	sadd.s32 $0x400, s8  }
0x6: {  	s24 =	sadd.s32 $0x800, s8;
	_ =	strace $0x8000004A;
	[dreg:$0x3] =	wrdreg s6  }
0x7: {  	s25 =	sadd.s32 $0xC00, s8;
	s26 =	smul.u32 $0x64, s7;
	[dreg:$0x4] =	wrdreg s9  }
0x8: {  	s28 =	sadd.s32 $0x1000, s8;
	s2 =	sor.u32 s1, s2;
	[dreg:$0x8] =	wrdreg s23  }
0x9: {  	s5 =	ssub.s32 $0x2, s1;
	[dreg:$0x9] =	wrdreg s24;
	s1 =	smul.u32 $0x32, s1  }
0xa: {  	s29 =	sadd.s32 $0x1400, s8;
	[dreg:$0xa] =	wrdreg s25;
	s4 =	smul.u32 $0x320, s2  }
0xb: {  	[dreg:$0xb] =	wrdreg s28;
	s20 =	sshrl.u32 s5, $0x1;
	s2 =	smul.u32 $0x32, s2  }
0xc: {  	s14 =	sadd.s32 $0x1800, s8;
	[dreg:$0xc] =	wrdreg s29;
	s5 =	ssub.s32 s5, s20  }
0xd: {  	v0 =	vlaneseq.u32;
	s31 =	sadd.s32 s1, s26;
	s4 =	sadd.s32 s4, s0;
	[dreg:$0x6] =	wrdreg s2  }
.Ltmp0:
0xe: {  	v0 =	vmul.u32 $0x40, v0;
	s0 =	sadd.s32 $0x7A1E20, s0;
	[dreg:$0xf] =	wrdreg s31;
	(pc) =	sbr.rel .LBB2_1-.Ltmp0, $4  }
0xf: {  	s15 =	sadd.s32 $0x1C00, s8;
	s30 =	smax.u32 s5, $0x1;
	[dreg:$0xd] =	wrdreg s0  }
0x10: {  	s23 =	simm.s32 $0x100;
	v1 =	vor.u32 $0x400, v0;
	s21 =	sadd.s32 $0x7A1E00, s4;
	[dreg:$0xe] =	wrdreg s30  }
0x11: {  	s25 =	simm.s32 $0x2100;
	v2 =	vor.u32 $0x800, v0;
	v3 =	vor.u32 $0xC00, v0;
	v4 =	vor.u32 $0x1000, v0;
	s22 =	sadd.s32 $0x7A1E10, s4;
	[dreg:$0x5] =	wrdreg s21  }
0x12: {  	v5 =	vor.u32 $0x1400, v0;
	v6 =	vor.u32 $0x1800, v0;
	v7 =	vor.u32 $0x1C00, v0;
	s1 =	simm.s32 $0x80;
	s2 =	simm.s32 $0x0;
	[dreg:$0x7] =	wrdreg s22  }
.LBB2_12:
0x13: {  	s0 =	simm.s32 $0x5  }
0x14: {  	_ =	swait.ge [sflag:s0], $0x400  }
0x15: {  	[sflag:s0] =	ssyncset.done $0x0  }
0x16: {  	[sflag:s0] =	ssyncadd.s32 $0xFFFFFC00  }
0x17: {  	_ =	swait.ge [sflag:s0], $0x400  }
0x18: {  	[sflag:s0] =	ssyncset.done $0x0  }
0x19: {  	[sflag:s0] =	ssyncadd.s32 $0xFFFFFC00  }
0x1a: {  	_ =	swait.ge [sflag:s0], $0x400  }
0x1b: {  	[sflag:s0] =	ssyncset.done $0x0  }
0x1c: {  	[sflag:s0] =	ssyncadd.s32 $0xFFFFFC00  }
0x1d: {  	_ =	swait.ge [sflag:s0], $0x400  }
0x1e: {  	[sflag:s0] =	ssyncset.done $0x0  }
0x1f: {  	[sflag:s0] =	ssyncadd.s32 $0xFFFFFC00  }
0x20: {  	_ =	swait.ge [sflag:s0], $0x400  }
0x21: {  	[sflag:s0] =	ssyncset.done $0x0  }
0x22: {  	[sflag:s0] =	ssyncadd.s32 $0xFFFFFC00  }
0x23: {  	_ =	swait.ge [sflag:s0], $0x400  }
0x24: {  	[sflag:s0] =	ssyncset.done $0x0  }
0x25: {  	[sflag:s0] =	ssyncadd.s32 $0xFFFFFC00  }
0x26: {  	_ =	swait.ge [sflag:s0], $0x400  }
0x27: {  	[sflag:s0] =	ssyncset.done $0x0  }
0x28: {  	[sflag:s0] =	ssyncadd.s32 $0xFFFFFC00  }
0x29: {  	_ =	swait.ge [sflag:s0], $0x400  }
0x2a: {  	[sflag:s0] =	ssyncset.done $0x0  }
0x2b: {  	[sflag:s0] =	ssyncadd.s32 $0xFFFFFC00  }
0x2c: {  	_ =	swait.ge [sflag:s17], $0x400  }
0x2d: {  	[sflag:s17] =	ssyncset.done $0x0  }
0x2e: {  	[sflag:s17] =	ssyncadd.s32 $0xFFFFFC00  }
0x2f: {  	_ =	swait.ge [sflag:s17], $0x400  }
0x30: {  	[sflag:s17] =	ssyncset.done $0x0  }
0x31: {  	[sflag:s17] =	ssyncadd.s32 $0xFFFFFC00  }
0x32: {  	_ =	swait.ge [sflag:s17], $0x400  }
0x33: {  	[sflag:s17] =	ssyncset.done $0x0  }
0x34: {  	[sflag:s17] =	ssyncadd.s32 $0xFFFFFC00  }
0x35: {  	_ =	swait.ge [sflag:s17], $0x400  }
0x36: {  	[sflag:s17] =	ssyncset.done $0x0  }
0x37: {  	[sflag:s17] =	ssyncadd.s32 $0xFFFFFC00  }
0x38: {  	_ =	swait.ge [sflag:s17], $0x400  }
0x39: {  	[sflag:s17] =	ssyncset.done $0x0  }
0x3a: {  	[sflag:s17] =	ssyncadd.s32 $0xFFFFFC00  }
0x3b: {  	_ =	swait.ge [sflag:s17], $0x400  }
0x3c: {  	[sflag:s17] =	ssyncset.done $0x0  }
0x3d: {  	[sflag:s17] =	ssyncadd.s32 $0xFFFFFC00  }
0x3e: {  	_ =	swait.ge [sflag:s17], $0x400  }
0x3f: {  	[sflag:s17] =	ssyncset.done $0x0  }
0x40: {  	[sflag:s17] =	ssyncadd.s32 $0xFFFFFC00  }
0x41: {  	_ =	swait.ge [sflag:s17], $0x400  }
0x42: {  	s2 =	rddreg [dreg:$0x10]  }
0x43: {  	s31 =	rddreg [dreg:$0xe];
	s2 =	sadd.s32 $0x1, s2  }
0x44: {  	p0 =	sne.s32 s2, s31  }
.Ltmp1:
0x45: {  	_ = 	snop;
	(pc) =	sbr.rel @!p0 .LBB2_13-.Ltmp1, $3  }
0x46: {  	_ =	sdelay $0x1  }
0x47: {  	[sflag:s17] =	ssyncset.done $0x0  }
0x48: {  	s1 =	simm.s32 $0x80;
	[sflag:s17] =	ssyncadd.s32 $0xFFFFFC00  }
.LBB2_1:
0x49: {  	[dreg:$0x10] =	wrdreg s2  }
0x4a: {  	s0 =	rddreg [dreg:$0x4];
	s26 =	simm.s32 $0x7  }
0x4b: {  	[tilespmem:s19], [sflag:$0x7] =	stream.linear.gather [hbm4b:s0+s3], $0x3200, $0x38;
	[tilespmem:$0xB300] =	vst v63  }
0x4c: {  	_ =	swait.ge [sflag:s26], $0x3200  }
0x4d: {  	[sflag:s26] =	ssyncset.done $0x0  }
0x4e: {  	s29 =	simm.s32 $0x1;
	s28 =	rddreg [dreg:$0x5];
	[sflag:s26] =	ssyncadd.s32 $0xFFFFCE00  }
0x4f: {  	[tilespmem:s3], [sflag:$0x1] =	stream.linear.gather [hbm4b:s28+s3], $0x80, $0x38;
	[tilespmem:$0xB300] =	vst v63  }
0x50: {  	_ =	swait.ge [sflag:s29], $0x80  }
0x51: {  	[sflag:s29] =	ssyncset.done $0x0;
	s30 =	rddreg [dreg:$0x3]  }
0x52: {  	s31 =	rddreg [dreg:$0x7];
	[sflag:s29] =	ssyncadd.s32 $0xFFFFFF80  }
0x53: {  	[tilespmem:s23], [sflag:$0x3] =	stream.indirect.gather [hbm4b:s30+s1], $0x40, s3, s1, $0xb8;
	[tilespmem:$0xB300] =	vst v63  }
0x54: {  	s6 =	simm.s32 $0x0;
	s5 =	rddreg [dreg:$0xf]  }
0x55: {  	[tilespmem:s1], [sflag:$0x2] =	stream.linear.gather [hbm4b:s31+s3], $0x80, $0x38;
	[tilespmem:$0xB300] =	vst v63  }
.LBB2_2:
0x56: {  	s0 =	simm.s32 $0x2  }
0x57: {  	_ =	swait.ge [sflag:s0], $0x80  }
0x58: {  	[sflag:s0] =	ssyncset.done $0x0  }
0x59: {  	s22 =	simm.s32 $0x3;
	s21 =	rddreg [dreg:$0x3];
	[sflag:s0] =	ssyncadd.s32 $0xFFFFFF80  }
0x5a: {  	[tilespmem:s25], [sflag:$0x4] =	stream.indirect.gather [hbm4b:s21+s1], $0x40, s1, s1, $0xb8;
	[tilespmem:$0xB300] =	vst v63  }
0x5b: {  	_ =	swait.ge [sflag:s22], $0x2000  }
0x5c: {  	p0 =	seq.s32 s6, $0x0;
	[sflag:s22] =	ssyncset.done $0x0  }
0x5d: {  	s0 =	simm.s32 @!p0 $0x5;
	[sflag:s22] =	ssyncadd.s32 $0xFFFFE000  }
0x5e: {  	_ =	swait.ge @!p0 [sflag:s0], $0x400  }
0x5f: {  	[sflag:s0] =	ssyncset.done @!p0 $0x0  }
0x60: {  	[sflag:s0] =	ssyncadd.s32 @!p0 $0xFFFFFC00  }
0x61: {  	_ =	swait.ge @!p0 [sflag:s0], $0x400  }
0x62: {  	[sflag:s0] =	ssyncset.done @!p0 $0x0  }
0x63: {  	[sflag:s0] =	ssyncadd.s32 @!p0 $0xFFFFFC00  }
0x64: {  	_ =	swait.ge @!p0 [sflag:s0], $0x400  }
0x65: {  	[sflag:s0] =	ssyncset.done @!p0 $0x0  }
0x66: {  	[sflag:s0] =	ssyncadd.s32 @!p0 $0xFFFFFC00  }
0x67: {  	_ =	swait.ge @!p0 [sflag:s0], $0x400  }
0x68: {  	[sflag:s0] =	ssyncset.done @!p0 $0x0  }
0x69: {  	[sflag:s0] =	ssyncadd.s32 @!p0 $0xFFFFFC00  }
0x6a: {  	_ =	swait.ge @!p0 [sflag:s0], $0x400  }
0x6b: {  	[sflag:s0] =	ssyncset.done @!p0 $0x0  }
0x6c: {  	[sflag:s0] =	ssyncadd.s32 @!p0 $0xFFFFFC00  }
0x6d: {  	_ =	swait.ge @!p0 [sflag:s0], $0x400  }
0x6e: {  	[sflag:s0] =	ssyncset.done @!p0 $0x0  }
0x6f: {  	[sflag:s0] =	ssyncadd.s32 @!p0 $0xFFFFFC00  }
0x70: {  	_ =	swait.ge @!p0 [sflag:s0], $0x400  }
0x71: {  	[sflag:s0] =	ssyncset.done @!p0 $0x0  }
0x72: {  	[sflag:s0] =	ssyncadd.s32 @!p0 $0xFFFFFC00  }
0x73: {  	_ =	swait.ge @!p0 [sflag:s0], $0x400  }
0x74: {  	[sflag:s0] =	ssyncset.done @!p0 $0x0  }
0x75: {  	[sflag:s0] =	ssyncadd.s32 @!p0 $0xFFFFFC00  }
0x76: {  	v20 =	vld [tilespmem:$0x0];
	_ =	sdelay $0x1  }
0x77: {  	s24 =	sshll.u32 s5, $0x3  }
0x78: {  	s16 =	sand.u32 $0xFFFFFFC0, s24  }
0x79: {  	s26 =	simm.s32 $0x0;
	s0 =	sadd.s32 $0x0, s16  }
0x7a: {  	s22 =	simm.s32 $0x1;
	s4 =	sadd.s32 $0x2, s0;
	v8 =	vadd.s32 s26, v20  }
0x7b: {  	s21 =	simm.s32 $0x3;
	v12 =	vmov s4;
	v9 =	vadd.s32 s22, v20;
	v8 =	vand.u32 $0x3F, v8  }
0x7c: {  	s2 =	simm.s32 $0x2;
	v10 =	vadd.s32 s21, v20;
	v9 =	vand.u32 $0x3F, v9;
	v8 =	vor.u32 v0, v8  }
0x7d: {  	v11 =	vadd.s32 s2, v20;
	v10 =	vand.u32 $0x3F, v10;
	v9 =	vor.u32 v0, v9  }
0x7e: {  	v19 =	vld [tilespmem:$0x10];
	s8 =	sadd.s32 $0x1, s0;
	v12 =	vand.u32 $0xFFFFFFFE, v12;
	v11 =	vand.u32 $0x3F, v11;
	v10 =	vor.u32 v0, v10  }
0x7f: {  	v17 =	vld [tilespmem:$0x20];
	v13 =	vmov s8;
	v12 =	vbroadcast v12, $0x0;
	v11 =	vor.u32 v0, v11  }
0x80: {  	v16 =	vld [tilespmem:$0x30];
	v14 =	vmov s0;
	s0 =	sadd.s32 $0x3, s0;
	v13 =	vand.u32 $0xFFFFFFFD, v13  }
0x81: {  	v14 =	vand.u32 $0xFFFFFFFC, v14;
	v13 =	vbroadcast v13, $0x0;
	v18 =	vld.idx.msk [tilespmem:v8+s23+$0x0], $0xffff;
	v8 =	vmov s0  }
0x82: {  	v14 =	vbroadcast v14, $0x0;
	v21 =	vld.idx.msk [tilespmem:v9+s23+$0x0], $0xffff  }
0x83: {  	v22 =	vld.idx.msk [tilespmem:v10+s23+$0x0], $0xffff  }
0x84: {  	v23 =	vld.idx.msk [tilespmem:v11+s23+$0x0], $0xffff  }
0x85: {  	v11 =	vld.idx.msk [tilespmem:v12+s19+$0x0], $0xffff  }
0x86: {  	v9 =	vadd.s32 s2, v19;
	v8 =	vld.idx.msk [tilespmem:v8+s19+$0x0], $0xffff  }
0x87: {  	v10 =	vld.idx.msk [tilespmem:v13+s19+$0x0], $0xffff;
	v13 =	vadd.s32 s21, v19;
	v12 =	vand.u32 $0x3F, v9  }
0x88: {  	s9 =	simm.s32 $0x0;
	v24 =	vadd.s32 s22, v19;
	v9 =	vld.idx.msk [tilespmem:v14+s19+$0x0], $0xffff;
	v25 =	vor.u32 v1, v12;
	v12 =	vand.u32 $0x3F, v13  }
0x89: {  	s10 =	simm.s32 $0x100;
	v15 =	vld [tilespmem:$0x40];
	v26 =	vadd.s32 s26, v19;
	v24 =	vand.u32 $0x3F, v24;
	s0 =	sand.u32 $0x1C00, s9;
	v27 =	vor.u32 v1, v12  }
0x8a: {  	s8 =	simm.s32 $0x180;
	s4 =	sand.u32 $0x300, s10;
	v26 =	vand.u32 $0x3F, v26;
	v24 =	vor.u32 v1, v24;
	v14 =	vld [tilespmem:$0x50];
	s0 =	sor.u32 $0x4100, s0;
	v23 =	vadd.f32 v23, v11  }
0x8b: {  	s7 =	simm.s32 $0x80;
	v26 =	vor.u32 v1, v26;
	s9 =	sand.u32 $0x380, s8;
	v13 =	vld [tilespmem:$0x60];
	s20 =	sadd.s32 s4, s0;
	v22 =	vadd.f32 v22, v8  }
0x8c: {  	s11 =	sand.u32 $0x280, s7;
	s18 =	sadd.s32 s9, s0;
	v12 =	vld [tilespmem:$0x70];
	v21 =	vadd.f32 v21, v10;
	[tilespmem:s20+$0x0] =	vst v23  }
0x8d: {  	s28 =	sor.u32 s11, s0;
	v18 =	vadd.f32 v18, v9;
	v23 =	vld.idx.msk [tilespmem:v25+s23+$0x0], $0xffff;
	[tilespmem:s18+$0x0] =	vst v22  }
0x8e: {  	s0 =	simm.s32 $0x4140;
	[tilespmem:s28+$0x0] =	vst v21;
	v22 =	vadd.s32 s2, v17;
	v21 =	vld.idx.msk [tilespmem:v27+s23+$0x0], $0xffff  }
0x8f: {  	v25 =	vadd.s32 s21, v17;
	[tilespmem:s0+$0xFFFFFFC0] =	vst v18;
	v18 =	vld.idx.msk [tilespmem:v24+s23+$0x0], $0xffff;
	v22 =	vand.u32 $0x3F, v22  }
0x90: {  	v24 =	vld.idx.msk [tilespmem:v26+s23+$0x0], $0xffff;
	v26 =	vadd.s32 s22, v17;
	v25 =	vand.u32 $0x3F, v25;
	v22 =	vor.u32 v2, v22  }
0x91: {  	v26 =	vand.u32 $0x3F, v26;
	v25 =	vor.u32 v2, v25;
	v27 =	vadd.s32 s26, v17  }
0x92: {  	v26 =	vor.u32 v2, v26;
	v23 =	vadd.f32 v23, v11;
	v27 =	vand.u32 $0x3F, v27  }
0x93: {  	v27 =	vor.u32 v2, v27;
	v21 =	vadd.f32 v21, v8  }
0x94: {  	v18 =	vadd.f32 v18, v10;
	[tilespmem:s20+$0x10] =	vst v23  }
0x95: {  	v23 =	vadd.f32 v24, v9;
	v22 =	vld.idx.msk [tilespmem:v22+s23+$0x0], $0xffff;
	[tilespmem:s18+$0x10] =	vst v21  }
0x96: {  	[tilespmem:s28+$0x10] =	vst v18;
	v21 =	vadd.s32 s2, v16;
	v18 =	vld.idx.msk [tilespmem:v25+s23+$0x0], $0xffff  }
0x97: {  	v32 =	vadd.s32 s26, v15;
	[tilespmem:s0+$0xFFFFFFD0] =	vst v23;
	v23 =	vadd.s32 s21, v16;
	v25 =	vld.idx.msk [tilespmem:v26+s23+$0x0], $0xffff;
	v21 =	vand.u32 $0x3F, v21  }
0x98: {  	v26 =	vld.idx.msk [tilespmem:v27+s23+$0x0], $0xffff;
	v27 =	vadd.s32 s22, v16;
	v28 =	vor.u32 v3, v21;
	v21 =	vand.u32 $0x3F, v23  }
0x99: {  	v23 =	vadd.s32 s26, v16;
	v27 =	vand.u32 $0x3F, v27;
	v29 =	vor.u32 v3, v21  }
0x9a: {  	s24 =	simm.s32 $0x4;
	v21 =	vand.u32 $0x3F, v23;
	v30 =	vor.u32 v3, v27;
	v22 =	vadd.f32 v22, v11  }
0x9b: {  	v33 =	vadd.s32 s24, v20;
	s9 =	simm.s32 $0x5;
	v31 =	vor.u32 v3, v21;
	v18 =	vadd.f32 v18, v8  }
0x9c: {  	v33 =	vand.u32 $0x3F, v33;
	v35 =	vadd.s32 s9, v20;
	v25 =	vadd.f32 v25, v10;
	[tilespmem:s20+$0x20] =	vst v22  }
0x9d: {  	v24 =	vadd.s32 s26, v12;
	v23 =	vadd.s32 s26, v14;
	v26 =	vadd.f32 v26, v9;
	v28 =	vld.idx.msk [tilespmem:v28+s23+$0x0], $0xffff;
	[tilespmem:s18+$0x20] =	vst v18  }
0x9e: {  	v27 =	vadd.s32 s24, v19;
	v18 =	vand.u32 $0x3F, v24;
	[tilespmem:s28+$0x20] =	vst v25;
	v25 =	vadd.s32 s2, v15;
	v24 =	vld.idx.msk [tilespmem:v29+s23+$0x0], $0xffff  }
0x9f: {  	v21 =	vadd.s32 s26, v13;
	[tilespmem:s0+$0xFFFFFFE0] =	vst v26;
	v63 =	vld.idx.msk [tilespmem:v30+s23+$0x0], $0xffff;
	v25 =	vand.u32 $0x3F, v25;
	v29 =	vadd.s32 s21, v15  }
0xa0: {  	s26 =	simm.s32 $0x7;
	v31 =	vld.idx.msk [tilespmem:v31+s23+$0x0], $0xffff;
	v30 =	vadd.s32 s22, v15;
	v34 =	vor.u32 v4, v25;
	v25 =	vand.u32 $0x3F, v29  }
0xa1: {  	v37 =	vadd.s32 s26, v20;
	v29 =	vand.u32 $0x3F, v30;
	v30 =	vor.u32 v4, v25  }
0xa2: {  	v26 =	vand.u32 $0x3F, v32;
	v29 =	vor.u32 v4, v29;
	v36 =	vadd.f32 v28, v11  }
0xa3: {  	s12 =	sshll.u32 s6, $0x1;
	s30 =	sshllo.u32 s6, $0x1;
	v22 =	vadd.s32 s24, v17;
	s13 =	rddreg [dreg:$0x6];
	v28 =	vor.u32 v4, v26;
	v38 =	vadd.f32 v24, v8  }
0xa4: {  	s7 =	simm.s32 $0x8;
	s1 =	simm.s32 $0x4140;
	s29 =	sadd.s32 s13, s12;
	v25 =	vor.u32 v0, v33;
	v24 =	vand.u32 $0x3F, v35;
	v33 =	vadd.f32 v63, v10;
	[tilespmem:s20+$0x30] =	vst v36  }
0xa5: {  	s10 =	sadd.s32 $0x4, s16;
	s4 =	simm.s32 $0x6;
	s31 =	sshrl.u32 s29, $0x3;
	v26 =	vand.u32 $0x3F, v37;
	v32 =	vadd.f32 v31, v9;
	v24 =	vor.u32 v0, v24;
	v31 =	vld.idx.msk [tilespmem:v34+s23+$0x0], $0xffff;
	[tilespmem:s18+$0x30] =	vst v38  }
.LBB2_3:
0xa6: {  	p1 =	slt.u32 s7, $0x3C;
	v34 =	vmov s10;
	s11 =	sadd.s32 $0x1, s10;
	s12 =	sadd.s32 $0x2, s10;
	v35 =	vadd.s32 s4, v20;
	v26 =	vor.u32 v0, v26;
	[tilespmem:s28+$0x30] =	vst v33;
	v30 =	vld.idx.msk [tilespmem:v30+s23+$0x0], $0xffff  }
0xa7: {  	s10 =	sadd.s32 $0x3, s10;
	v33 =	vmov s12;
	v35 =	vand.u32 $0x3F, v35;
	[tilespmem:s0+$0xFFFFFFF0] =	vst v32;
	v29 =	vld.idx.msk [tilespmem:v29+s23+$0x0], $0xffff;
	v32 =	vadd.s32 s2, v14  }
0xa8: {  	v33 =	vand.u32 $0xFFFFFFFE, v33;
	v35 =	vor.u32 v0, v35;
	v28 =	vld.idx.msk [tilespmem:v28+s23+$0x0], $0xffff;
	v32 =	vand.u32 $0x3F, v32  }
0xa9: {  	v36 =	vmov s11;
	v33 =	vbroadcast v33, $0x0;
	v32 =	vor.u32 v5, v32  }
0xaa: {  	v34 =	vand.u32 $0xFFFFFFFC, v34;
	v37 =	vld.idx.msk [tilespmem:v25+s23+$0x0], $0xffff;
	v25 =	vand.u32 $0xFFFFFFFD, v36;
	v36 =	vmov s10  }
0xab: {  	v34 =	vbroadcast v34, $0x0;
	v25 =	vbroadcast v25, $0x0;
	v38 =	vld.idx.msk [tilespmem:v24+s23+$0x0], $0xffff;
	v24 =	vadd.f32 v31, v11  }
0xac: {  	v39 =	vadd.s32 s22, v12;
	v30 =	vadd.f32 v30, v8;
	v31 =	vld.idx.msk [tilespmem:v26+s23+$0x0], $0xffff;
	v26 =	vadd.s32 s22, v14  }
0xad: {  	v40 =	vand.u32 $0x3F, v23;
	v29 =	vadd.f32 v29, v10;
	v35 =	vld.idx.msk [tilespmem:v35+s23+$0x0], $0xffff;
	v23 =	vand.u32 $0x3F, v26;
	[tilespmem:s20+$0x40] =	vst v24  }
0xae: {  	v26 =	vadd.f32 v28, v9;
	v24 =	vadd.s32 s21, v14;
	v28 =	vor.u32 v5, v23;
	v32 =	vld.idx.msk [tilespmem:v32+s23+$0x0], $0xffff;
	[tilespmem:s18+$0x40] =	vst v30  }
0xaf: {  	v21 =	vand.u32 $0x3F, v21;
	v30 =	vor.u32 v5, v40;
	v23 =	vld.idx.msk [tilespmem:v33+s19+$0x0], $0xffff;
	[tilespmem:s28+$0x40] =	vst v29;
	v29 =	vand.u32 $0x3F, v24  }
0xb0: {  	v33 =	vadd.s32 s22, v13;
	s22 =	smov.u32 s9;
	v24 =	vld.idx.msk [tilespmem:v36+s19+$0x0], $0xffff;
	[tilespmem:s0+$0x0] =	vst v26;
	v36 =	vadd.s32 s2, v13;
	v29 =	vor.u32 v5, v29  }
0xb1: {  	v41 =	vadd.s32 s21, v13;
	v40 =	vadd.s32 s4, v19;
	v26 =	vld.idx.msk [tilespmem:v25+s19+$0x0], $0xffff;
	v36 =	vand.u32 $0x3F, v36  }
0xb2: {  	s8 =	sadd.s32 $0x200, s8;
	v25 =	vld.idx.msk [tilespmem:v34+s19+$0x0], $0xffff;
	v34 =	vand.u32 $0x3F, v40;
	v40 =	vadd.s32 s26, v19;
	v36 =	vor.u32 v6, v36  }
0xb3: {  	s12 =	sand.u32 $0x380, s8;
	s10 =	sadd.s32 $0xFFFFFF00, s8;
	s9 =	sadd.s32 $0xFFFFFE80, s8;
	v42 =	vadd.s32 s22, v19;
	v34 =	vor.u32 v1, v34;
	v40 =	vand.u32 $0x3F, v40;
	v28 =	vld.idx.msk [tilespmem:v28+s23+$0x0], $0xffff  }
0xb4: {  	s11 =	sadd.s32 $0xFFFFFF80, s8;
	s10 =	sand.u32 $0x280, s10;
	s9 =	sand.u32 $0x1C00, s9;
	v42 =	vand.u32 $0x3F, v42;
	v32 =	vadd.f32 v32, v11;
	v40 =	vor.u32 v1, v40;
	v30 =	vld.idx.msk [tilespmem:v30+s23+$0x0], $0xffff  }
0xb5: {  	v27 =	vand.u32 $0x3F, v27;
	s11 =	sand.u32 $0x300, s11;
	s13 =	sor.u32 $0x4100, s9;
	v42 =	vor.u32 v1, v42;
	v35 =	vadd.f32 v35, v23;
	v29 =	vld.idx.msk [tilespmem:v29+s23+$0x0], $0xffff  }
0xb6: {  	v27 =	vor.u32 v1, v27;
	v33 =	vand.u32 $0x3F, v33;
	s9 =	sor.u32 s10, s13;
	s11 =	sadd.s32 s11, s13;
	s10 =	sadd.s32 s12, s13;
	v31 =	vadd.f32 v31, v24;
	[tilespmem:s20+$0x50] =	vst v32  }
0xb7: {  	v33 =	vor.u32 v6, v33;
	v32 =	vadd.f32 v38, v26;
	[tilespmem:s11+$0x0] =	vst v35;
	v35 =	vadd.s32 s26, v17;
	v36 =	vld.idx.msk [tilespmem:v36+s23+$0x0], $0xffff  }
0xb8: {  	v21 =	vor.u32 v6, v21;
	v37 =	vadd.f32 v37, v25;
	v34 =	vld.idx.msk [tilespmem:v34+s23+$0x0], $0xffff;
	[tilespmem:s10+$0x0] =	vst v31;
	v31 =	vand.u32 $0x3F, v41  }
0xb9: {  	s0 =	sadd.s32 $0x200, s0;
	v38 =	vadd.s32 s2, v12;
	s2 =	smov.u32 s4;
	v28 =	vadd.f32 v28, v10;
	[tilespmem:s9+$0x0] =	vst v32;
	v32 =	vld.idx.msk [tilespmem:v40+s23+$0x0], $0xffff;
	v31 =	vor.u32 v6, v31  }
0xba: {  	v38 =	vand.u32 $0x3F, v38;
	v40 =	vadd.s32 s2, v17;
	v30 =	vadd.f32 v30, v9;
	[tilespmem:s0+$0xFFFFFFC0] =	vst v37;
	v37 =	vld.idx.msk [tilespmem:v42+s23+$0x0], $0xffff  }
0xbb: {  	v40 =	vand.u32 $0x3F, v40;
	v29 =	vadd.f32 v29, v8;
	v27 =	vld.idx.msk [tilespmem:v27+s23+$0x0], $0xffff;
	[tilespmem:s28+$0x50] =	vst v28;
	v28 =	vor.u32 v7, v38  }
0xbc: {  	v35 =	vand.u32 $0x3F, v35;
	v38 =	vadd.s32 s22, v17;
	v40 =	vor.u32 v2, v40;
	[tilespmem:s1+$0x10] =	vst v30;
	v30 =	vld.idx.msk [tilespmem:v33+s23+$0x0], $0xffff  }
0xbd: {  	v35 =	vor.u32 v2, v35;
	v33 =	vand.u32 $0x3F, v38;
	v36 =	vadd.f32 v36, v11;
	v21 =	vld.idx.msk [tilespmem:v21+s23+$0x0], $0xffff;
	[tilespmem:s18+$0x50] =	vst v29  }
0xbe: {  	v22 =	vand.u32 $0x3F, v22;
	v29 =	vor.u32 v2, v33;
	v33 =	vadd.f32 v34, v23;
	v31 =	vld.idx.msk [tilespmem:v31+s23+$0x0], $0xffff  }
0xbf: {  	v22 =	vor.u32 v2, v22;
	v34 =	vand.u32 $0x3F, v39;
	v32 =	vadd.f32 v32, v24;
	[tilespmem:s20+$0x60] =	vst v36  }
0xc0: {  	v36 =	vadd.f32 v37, v26;
	[tilespmem:s11+$0x10] =	vst v33;
	v33 =	vor.u32 v7, v34;
	v28 =	vld.idx.msk [tilespmem:v28+s23+$0x0], $0xffff;
	v34 =	vadd.s32 s21, v12;
	s21 =	smov.u32 s26  }
0xc1: {  	v18 =	vor.u32 v7, v18;
	v27 =	vadd.f32 v27, v25;
	v37 =	vld.idx.msk [tilespmem:v40+s23+$0x0], $0xffff;
	[tilespmem:s10+$0x10] =	vst v32;
	v32 =	vand.u32 $0x3F, v34  }
0xc2: {  	v34 =	vadd.s32 s24, v12;
	v30 =	vadd.f32 v30, v10;
	[tilespmem:s9+$0x10] =	vst v36;
	v35 =	vld.idx.msk [tilespmem:v35+s23+$0x0], $0xffff;
	v32 =	vor.u32 v7, v32  }
0xc3: {  	v36 =	vadd.s32 s2, v16;
	v21 =	vadd.f32 v21, v9;
	[tilespmem:s0+$0xFFFFFFD0] =	vst v27;
	v27 =	vadd.s32 s24, v16;
	v29 =	vld.idx.msk [tilespmem:v29+s23+$0x0], $0xffff  }
0xc4: {  	v38 =	vld.idx.msk [tilespmem:v22+s23+$0x0], $0xffff;
	v22 =	vand.u32 $0x3F, v36;
	v36 =	vadd.s32 s21, v16;
	[tilespmem:s28+$0x60] =	vst v30;
	v30 =	vadd.f32 v31, v8  }
0xc5: {  	v31 =	vadd.s32 s22, v16;
	v39 =	vor.u32 v3, v22;
	v22 =	vand.u32 $0x3F, v36;
	[tilespmem:s1+$0x20] =	vst v21;
	v33 =	vld.idx.msk [tilespmem:v33+s23+$0x0], $0xffff  }
0xc6: {  	v21 =	vand.u32 $0x3F, v31;
	v31 =	vor.u32 v3, v22;
	v36 =	vld.idx.msk [tilespmem:v18+s23+$0x0], $0xffff;
	v18 =	vadd.f32 v28, v11;
	[tilespmem:s18+$0x60] =	vst v30  }
0xc7: {  	v22 =	vand.u32 $0x3F, v27;
	v28 =	vor.u32 v3, v21;
	v27 =	vadd.f32 v37, v23;
	v11 =	vmovc v23;
	v30 =	vld.idx.msk [tilespmem:v32+s23+$0x0], $0xffff  }
0xc8: {  	v21 =	vadd.s32 s24, v13;
	v32 =	vor.u32 v3, v22;
	v35 =	vadd.f32 v35, v24;
	[tilespmem:s20+$0x70] =	vst v18;
	s20 =	smov.u32 s11  }
0xc9: {  	v37 =	vadd.s32 s24, v15;
	v23 =	vadd.s32 s24, v14;
	s24 =	smov.u32 s7;
	v29 =	vadd.f32 v29, v26;
	[tilespmem:s20+$0x20] =	vst v27  }
0xca: {  	v22 =	vadd.s32 s7, v17;
	v27 =	vadd.s32 s7, v19;
	v38 =	vadd.f32 v38, v25;
	v39 =	vld.idx.msk [tilespmem:v39+s23+$0x0], $0xffff;
	[tilespmem:s10+$0x20] =	vst v35  }
0xcb: {  	v18 =	vand.u32 $0x3F, v34;
	v35 =	vadd.s32 s7, v20;
	[tilespmem:s9+$0x20] =	vst v29;
	v31 =	vld.idx.msk [tilespmem:v31+s23+$0x0], $0xffff;
	v29 =	vadd.f32 v33, v10;
	v10 =	vmovc v26  }
0xcc: {  	v26 =	vand.u32 $0x3F, v37;
	v34 =	vadd.f32 v36, v9;
	v9 =	vmovc v25;
	[tilespmem:s0+$0xFFFFFFE0] =	vst v38;
	v33 =	vld.idx.msk [tilespmem:v28+s23+$0x0], $0xffff;
	v28 =	vadd.s32 s2, v15  }
0xcd: {  	v32 =	vld.idx.msk [tilespmem:v32+s23+$0x0], $0xffff;
	v25 =	vand.u32 $0x3F, v28;
	v28 =	vadd.s32 s21, v15;
	[tilespmem:s28+$0x70] =	vst v29;
	v29 =	vadd.f32 v30, v8;
	v8 =	vmovc v24;
	s28 =	smov.u32 s9  }
0xce: {  	v24 =	vadd.s32 s22, v15;
	v36 =	vor.u32 v4, v25;
	v25 =	vand.u32 $0x3F, v28;
	[tilespmem:s1+$0x30] =	vst v34;
	s1 =	smov.u32 s0  }
.Ltmp2:
0xcf: {  	s9 =	sadd.s32 $0x1, s7;
	v34 =	vand.u32 $0x3F, v35;
	v24 =	vand.u32 $0x3F, v24;
	v30 =	vor.u32 v4, v25;
	[tilespmem:s18+$0x70] =	vst v29;
	s18 =	smov.u32 s10;
	(pc) =	sbr.rel @p1 .LBB2_3-.Ltmp2, $4  }
0xd0: {  	s26 =	sadd.s32 $0x3, s7;
	v35 =	vadd.s32 s9, v20;
	v29 =	vor.u32 v4, v24;
	v24 =	vadd.f32 v39, v11  }
0xd1: {  	v37 =	vadd.s32 s26, v20;
	v28 =	vor.u32 v4, v26;
	v38 =	vadd.f32 v31, v8  }
0xd2: {  	v25 =	vor.u32 v0, v34;
	v26 =	vand.u32 $0x3F, v35;
	v33 =	vadd.f32 v33, v10;
	[tilespmem:s20+$0x30] =	vst v24  }
0xd3: {  	s4 =	sadd.s32 $0x2, s24;
	s7 =	sadd.s32 $0x4, s7;
	s10 =	sadd.s32 s24, s16;
	v24 =	vor.u32 v0, v26;
	v26 =	vand.u32 $0x3F, v37;
	v32 =	vadd.f32 v32, v9;
	v31 =	vld.idx.msk [tilespmem:v36+s23+$0x0], $0xffff;
	[tilespmem:s18+$0x30] =	vst v38  }
0xd4: {  	s7 =	sadd.s32 $0x2, s10;
	v20 =	vadd.s32 s4, v20  }
0xd5: {  	s16 =	sadd.s32 $0x1, s10;
	v36 =	vmov s10;
	v26 =	vor.u32 v0, v26;
	v34 =	vmov s7  }
0xd6: {  	v20 =	vand.u32 $0x3F, v20;
	v35 =	vmov s16;
	v36 =	vand.u32 $0xFFFFFFFC, v36  }
0xd7: {  	v20 =	vor.u32 v0, v20;
	v35 =	vand.u32 $0xFFFFFFFD, v35;
	v61 =	vbroadcast v36, $0x0  }
0xd8: {  	v34 =	vand.u32 $0xFFFFFFFE, v34;
	v35 =	vbroadcast v35, $0x0  }
0xd9: {  	v37 =	vld.idx.msk [tilespmem:v25+s23+$0x0], $0xffff;
	v34 =	vbroadcast v34, $0x0  }
0xda: {  	s11 =	sadd.s32 $0x3, s10;
	v63 =	vld.idx.msk [tilespmem:v24+s23+$0x0], $0xffff  }
0xdb: {  	v38 =	vmov s11;
	v45 =	vld.idx.msk [tilespmem:v26+s23+$0x0], $0xffff  }
0xdc: {  	v62 =	vld.idx.msk [tilespmem:v20+s23+$0x0], $0xffff  }
0xdd: {  	v25 =	vld.idx.msk [tilespmem:v61+s19+$0x0], $0xffff  }
0xde: {  	v24 =	vld.idx.msk [tilespmem:v35+s19+$0x0], $0xffff  }
0xdf: {  	v46 =	vadd.s32 s9, v19;
	v27 =	vand.u32 $0x3F, v27;
	v20 =	vld.idx.msk [tilespmem:v34+s19+$0x0], $0xffff  }
0xe0: {  	v39 =	vadd.s32 s4, v19;
	s10 =	sadd.s32 $0x200, s8;
	v40 =	vand.u32 $0x3F, v46;
	v27 =	vor.u32 v1, v27;
	v26 =	vld.idx.msk [tilespmem:v38+s19+$0x0], $0xffff  }
0xe1: {  	v48 =	vadd.s32 s26, v19;
	v44 =	vand.u32 $0x3F, v39;
	s12 =	sadd.s32 $0xFFFFFE80, s10;
	s8 =	sadd.s32 $0xFFFFFF80, s10;
	v47 =	vor.u32 v1, v40  }
0xe2: {  	s16 =	sadd.s32 $0xFFFFFF00, s10;
	v19 =	vand.u32 $0x3F, v48;
	s7 =	sand.u32 $0x1C00, s12;
	s13 =	sand.u32 $0x300, s8;
	v35 =	vor.u32 v1, v44;
	v50 =	vadd.f32 v37, v25  }
0xe3: {  	s8 =	sand.u32 $0x280, s16;
	v49 =	vor.u32 v1, v19;
	s16 =	sadd.s32 $0x200, s0;
	s11 =	sor.u32 $0x4100, s7;
	v34 =	vadd.f32 v63, v24  }
0xe4: {  	s8 =	sor.u32 s8, s11;
	v36 =	vadd.f32 v62, v20;
	[tilespmem:s16+$0xFFFFFFC0] =	vst v50  }
0xe5: {  	v51 =	vadd.s32 s4, v17;
	s10 =	sand.u32 $0x380, s10;
	s7 =	sadd.s32 s13, s11;
	v52 =	vadd.f32 v45, v26;
	[tilespmem:s8+$0x0] =	vst v34;
	v27 =	vld.idx.msk [tilespmem:v27+s23+$0x0], $0xffff  }
0xe6: {  	v53 =	vadd.s32 s9, v17;
	v55 =	vadd.s32 s26, v17;
	v22 =	vand.u32 $0x3F, v22;
	s10 =	sadd.s32 s10, s11;
	[tilespmem:s7+$0x0] =	vst v36;
	v38 =	vld.idx.msk [tilespmem:v47+s23+$0x0], $0xffff  }
0xe7: {  	v56 =	vadd.s32 s2, v14;
	v42 =	vadd.s32 s2, v13;
	v58 =	vadd.s32 s4, v16;
	[tilespmem:s10+$0x0] =	vst v52;
	v35 =	vld.idx.msk [tilespmem:v35+s23+$0x0], $0xffff  }
0xe8: {  	v59 =	vadd.s32 s24, v16;
	v54 =	vand.u32 $0x3F, v53;
	v41 =	vor.u32 v2, v22;
	v36 =	vld.idx.msk [tilespmem:v49+s23+$0x0], $0xffff  }
0xe9: {  	v60 =	vadd.s32 s24, v15;
	v37 =	vor.u32 v2, v54;
	v34 =	vand.u32 $0x3F, v51  }
0xea: {  	v17 =	vand.u32 $0x3F, v55;
	v34 =	vor.u32 v2, v34;
	v57 =	vadd.f32 v27, v25  }
0xeb: {  	v23 =	vand.u32 $0x3F, v23;
	v43 =	vor.u32 v2, v17;
	v38 =	vadd.f32 v38, v24  }
0xec: {  	v30 =	vld.idx.msk [tilespmem:v30+s23+$0x0], $0xffff;
	v21 =	vand.u32 $0x3F, v21;
	v18 =	vor.u32 v7, v18;
	v35 =	vadd.f32 v35, v20;
	[tilespmem:s16+$0xFFFFFFD0] =	vst v57  }
0xed: {  	v39 =	vadd.s32 s22, v14;
	v22 =	vadd.s32 s2, v12;
	v36 =	vadd.f32 v36, v26;
	[tilespmem:s8+$0x10] =	vst v38;
	v41 =	vld.idx.msk [tilespmem:v41+s23+$0x0], $0xffff  }
0xee: {  	v46 =	vadd.s32 s26, v16;
	v48 =	vadd.s32 s24, v14;
	v23 =	vor.u32 v5, v23;
	[tilespmem:s7+$0x10] =	vst v35;
	v37 =	vld.idx.msk [tilespmem:v37+s23+$0x0], $0xffff  }
0xef: {  	v21 =	vor.u32 v6, v21;
	v45 =	vadd.s32 s9, v16;
	[tilespmem:s10+$0x10] =	vst v36;
	v36 =	vand.u32 $0x3F, v59;
	v34 =	vld.idx.msk [tilespmem:v34+s23+$0x0], $0xffff  }
0xf0: {  	[tilespmem:s0+$0xFFFFFFF0] =	vst v32;
	v19 =	vadd.s32 s22, v12;
	v45 =	vand.u32 $0x3F, v45;
	v43 =	vld.idx.msk [tilespmem:v43+s23+$0x0], $0xffff;
	v36 =	vor.u32 v3, v36  }
0xf1: {  	v40 =	vadd.s32 s22, v13;
	v28 =	vld.idx.msk [tilespmem:v28+s23+$0x0], $0xffff;
	v45 =	vor.u32 v3, v45;
	v27 =	vand.u32 $0x3F, v58  }
0xf2: {  	v46 =	vand.u32 $0x3F, v46;
	v27 =	vor.u32 v3, v27;
	v41 =	vadd.f32 v41, v25  }
0xf3: {  	[tilespmem:s28+$0x30] =	vst v33;
	v22 =	vand.u32 $0x3F, v22;
	v46 =	vor.u32 v3, v46;
	v37 =	vadd.f32 v37, v24  }
0xf4: {  	v29 =	vld.idx.msk [tilespmem:v29+s23+$0x0], $0xffff;
	v17 =	vadd.s32 s21, v12;
	v22 =	vor.u32 v7, v22;
	v34 =	vadd.f32 v34, v20;
	[tilespmem:s16+$0xFFFFFFE0] =	vst v41  }
0xf5: {  	v19 =	vand.u32 $0x3F, v19;
	v31 =	vadd.f32 v31, v11;
	v62 =	vadd.f32 v43, v26;
	[tilespmem:s8+$0x20] =	vst v37;
	v54 =	vld.idx.msk [tilespmem:v36+s23+$0x0], $0xffff  }
0xf6: {  	v30 =	vadd.f32 v30, v8;
	v28 =	vadd.f32 v28, v9;
	v35 =	vand.u32 $0x3F, v56;
	[tilespmem:s7+$0x20] =	vst v34;
	v63 =	vld.idx.msk [tilespmem:v45+s23+$0x0], $0xffff  }
0xf7: {  	v52 =	vadd.s32 s9, v15;
	v53 =	vor.u32 v5, v35;
	[tilespmem:s10+$0x20] =	vst v62;
	v34 =	vand.u32 $0x3F, v60;
	v27 =	vld.idx.msk [tilespmem:v27+s23+$0x0], $0xffff  }
0xf8: {  	v61 =	vadd.s32 s4, v15;
	v55 =	vand.u32 $0x3F, v52;
	v56 =	vld.idx.msk [tilespmem:v46+s23+$0x0], $0xffff;
	v34 =	vor.u32 v4, v34  }
0xf9: {  	[tilespmem:s0+$0x0] =	vst v28;
	v58 =	vadd.s32 s26, v15;
	v37 =	vand.u32 $0x3F, v61;
	v36 =	vor.u32 v4, v55  }
0xfa: {  	v23 =	vld.idx.msk [tilespmem:v23+s23+$0x0], $0xffff;
	v15 =	vand.u32 $0x3F, v58;
	v37 =	vor.u32 v4, v37;
	v35 =	vadd.f32 v54, v25  }
0xfb: {  	[tilespmem:s20+$0x40] =	vst v31;
	v57 =	vand.u32 $0x3F, v39;
	v15 =	vor.u32 v4, v15;
	v59 =	vadd.f32 v63, v24  }
0xfc: {  	v38 =	vadd.s32 s21, v14;
	v33 =	vld.idx.msk [tilespmem:v53+s23+$0x0], $0xffff;
	v60 =	vor.u32 v5, v57;
	v27 =	vadd.f32 v27, v20;
	[tilespmem:s16+$0xFFFFFFF0] =	vst v35  }
0xfd: {  	v29 =	vadd.f32 v29, v10;
	v62 =	vand.u32 $0x3F, v38;
	v63 =	vadd.f32 v56, v26;
	[tilespmem:s8+$0x30] =	vst v59;
	v53 =	vld.idx.msk [tilespmem:v34+s23+$0x0], $0xffff  }
0xfe: {  	v44 =	vadd.s32 s21, v13;
	v50 =	vadd.s32 s9, v13;
	v52 =	vor.u32 v5, v62;
	[tilespmem:s7+$0x30] =	vst v27;
	v36 =	vld.idx.msk [tilespmem:v36+s23+$0x0], $0xffff  }
0xff: {  	v23 =	vadd.f32 v23, v9;
	v41 =	vadd.s32 s9, v14;
	v57 =	vand.u32 $0x3F, v48;
	[tilespmem:s10+$0x30] =	vst v63;
	v61 =	vld.idx.msk [tilespmem:v37+s23+$0x0], $0xffff  }
0x100: {  	[tilespmem:s28+$0x40] =	vst v29;
	v45 =	vadd.s32 s4, v14;
	v28 =	vor.u32 v5, v57;
	v56 =	vand.u32 $0x3F, v41;
	v15 =	vld.idx.msk [tilespmem:v15+s23+$0x0], $0xffff  }
0x101: {  	v58 =	vadd.s32 s26, v14;
	v54 =	vand.u32 $0x3F, v45;
	v27 =	vld.idx.msk [tilespmem:v60+s23+$0x0], $0xffff;
	v34 =	vor.u32 v5, v56  }
0x102: {  	[tilespmem:s18+$0x40] =	vst v30;
	v14 =	vand.u32 $0x3F, v58;
	v55 =	vor.u32 v5, v54;
	v31 =	vadd.f32 v53, v25  }
0x103: {  	v47 =	vadd.s32 s24, v13;
	[tilespmem:s1+$0x10] =	vst v23;
	v14 =	vor.u32 v5, v14;
	v35 =	vld.idx.msk [tilespmem:v52+s23+$0x0], $0xffff;
	v59 =	vadd.f32 v36, v24  }
0x104: {  	v39 =	vand.u32 $0x3F, v47;
	v60 =	vand.u32 $0x3F, v42;
	v32 =	vadd.f32 v61, v20;
	[tilespmem:s16+$0x0] =	vst v31  }
0x105: {  	v63 =	vand.u32 $0x3F, v44;
	v61 =	vor.u32 v6, v60;
	v15 =	vadd.f32 v15, v26;
	[tilespmem:s8+$0x40] =	vst v59;
	v28 =	vld.idx.msk [tilespmem:v28+s23+$0x0], $0xffff  }
0x106: {  	v62 =	vand.u32 $0x3F, v40;
	v27 =	vadd.f32 v27, v10;
	v31 =	vor.u32 v6, v63;
	[tilespmem:s7+$0x40] =	vst v32;
	v34 =	vld.idx.msk [tilespmem:v34+s23+$0x0], $0xffff  }
0x107: {  	v38 =	vand.u32 $0x3F, v50;
	v33 =	vadd.f32 v33, v11;
	v32 =	vor.u32 v6, v62;
	[tilespmem:s10+$0x40] =	vst v15;
	v29 =	vld.idx.msk [tilespmem:v55+s23+$0x0], $0xffff  }
0x108: {  	v46 =	vadd.s32 s4, v13;
	v37 =	vadd.f32 v35, v8;
	[tilespmem:s28+$0x50] =	vst v27;
	v27 =	vor.u32 v6, v39;
	v14 =	vld.idx.msk [tilespmem:v14+s23+$0x0], $0xffff  }
0x109: {  	v21 =	vld.idx.msk [tilespmem:v21+s23+$0x0], $0xffff;
	v40 =	vadd.s32 s26, v13;
	[tilespmem:s20+$0x50] =	vst v33;
	v35 =	vor.u32 v6, v38;
	v36 =	vand.u32 $0x3F, v46  }
0x10a: {  	v13 =	vand.u32 $0x3F, v40;
	[tilespmem:s18+$0x50] =	vst v37;
	v15 =	vor.u32 v6, v36;
	v30 =	vld.idx.msk [tilespmem:v61+s23+$0x0], $0xffff;
	v28 =	vadd.f32 v28, v25  }
0x10b: {  	v17 =	vand.u32 $0x3F, v17;
	v13 =	vor.u32 v6, v13;
	v31 =	vld.idx.msk [tilespmem:v31+s23+$0x0], $0xffff;
	v42 =	vadd.f32 v34, v24  }
0x10c: {  	v19 =	vor.u32 v7, v19;
	v16 =	vadd.s32 s24, v12;
	v41 =	vld.idx.msk [tilespmem:v32+s23+$0x0], $0xffff;
	v29 =	vadd.f32 v29, v20;
	[tilespmem:s16+$0x10] =	vst v28  }
0x10d: {  	v17 =	vor.u32 v7, v17;
	v16 =	vand.u32 $0x3F, v16;
	v14 =	vadd.f32 v14, v26;
	[tilespmem:s8+$0x50] =	vst v42;
	v27 =	vld.idx.msk [tilespmem:v27+s23+$0x0], $0xffff  }
0x10e: {  	v16 =	vor.u32 v7, v16;
	v48 =	vadd.f32 v21, v9;
	[tilespmem:s7+$0x50] =	vst v29;
	v46 =	vld.idx.msk [tilespmem:v35+s23+$0x0], $0xffff  }
0x10f: {  	v49 =	vadd.s32 s9, v12;
	v51 =	vadd.s32 s4, v12;
	v45 =	vadd.f32 v30, v11;
	[tilespmem:s10+$0x50] =	vst v14;
	v15 =	vld.idx.msk [tilespmem:v15+s23+$0x0], $0xffff  }
0x110: {  	v47 =	vand.u32 $0x3F, v51;
	v51 =	vand.u32 $0x3F, v49;
	[tilespmem:s1+$0x20] =	vst v48;
	v13 =	vld.idx.msk [tilespmem:v13+s23+$0x0], $0xffff;
	v52 =	vadd.f32 v31, v8  }
0x111: {  	v18 =	vld.idx.msk [tilespmem:v18+s23+$0x0], $0xffff;
	v44 =	vadd.s32 s26, v12;
	v29 =	vor.u32 v7, v51;
	v23 =	vadd.f32 v41, v10;
	[tilespmem:s20+$0x60] =	vst v45  }
0x112: {  	v50 =	vor.u32 v7, v47;
	v12 =	vand.u32 $0x3F, v44;
	v22 =	vld.idx.msk [tilespmem:v22+s23+$0x0], $0xffff;
	[tilespmem:s18+$0x60] =	vst v52;
	v55 =	vadd.f32 v27, v25  }
0x113: {  	v12 =	vor.u32 v7, v12;
	[tilespmem:s28+$0x60] =	vst v23;
	v17 =	vld.idx.msk [tilespmem:v17+s23+$0x0], $0xffff;
	v54 =	vadd.f32 v46, v24  }
0x114: {  	v53 =	vld.idx.msk [tilespmem:v19+s23+$0x0], $0xffff;
	v15 =	vadd.f32 v15, v20;
	[tilespmem:s16+$0x20] =	vst v55  }
0x115: {  	v13 =	vadd.f32 v13, v26;
	[tilespmem:s8+$0x60] =	vst v54;
	v59 =	vld.idx.msk [tilespmem:v16+s23+$0x0], $0xffff  }
0x116: {  	v60 =	vadd.f32 v18, v9;
	[tilespmem:s7+$0x60] =	vst v15;
	v57 =	vld.idx.msk [tilespmem:v29+s23+$0x0], $0xffff  }
0x117: {  	v56 =	vadd.f32 v22, v11;
	[tilespmem:s10+$0x60] =	vst v13;
	v21 =	vld.idx.msk [tilespmem:v50+s23+$0x0], $0xffff  }
0x118: {  	[tilespmem:s1+$0x30] =	vst v60;
	v61 =	vld.idx.msk [tilespmem:v12+s23+$0x0], $0xffff;
	v8 =	vadd.f32 v17, v8  }
0x119: {  	v58 =	vadd.f32 v53, v10;
	[tilespmem:s20+$0x70] =	vst v56  }
0x11a: {  	[tilespmem:s18+$0x70] =	vst v8;
	v63 =	vadd.f32 v59, v25  }
0x11b: {  	[tilespmem:s28+$0x70] =	vst v58;
	v8 =	vadd.f32 v57, v24  }
0x11c: {  	s2 =	sshll.u32 s29, $0x7;
	v62 =	vadd.f32 v21, v20;
	[tilespmem:s16+$0x30] =	vst v63  }
0x11d: {  	s0 =	sand.u32 $0x300, s2;
	s4 =	sshll.u32 s31, $0xD;
	[tilespmem:s8+$0x70] =	vst v8;
	v8 =	vadd.f32 v61, v26  }
0x11e: {  	s0 =	sor.u32 s0, s4;
	[tilespmem:s7+$0x70] =	vst v62;
	s7 =	rddreg [dreg:$0x1]  }
0x11f: {  	s8 =	simm.s32 $0x4100;
	s1 =	sadd.s32 s7, s0;
	[tilespmem:s10+$0x70] =	vst v8  }
0x120: {  	[hbm4b:s1+s3] =	stream.linear.scatter [tilespmem:s8], [sflag:$0x5], $0x400, $0x38;
	[tilespmem:$0xB300] =	vst v63  }
0x121: {  	s9 =	rddreg [dreg:$0x8]  }
0x122: {  	s10 =	simm.s32 $0x4500;
	s11 =	rddreg [dreg:$0x9];
	s1 =	sadd.s32 s0, s9  }
0x123: {  	[hbm4b:s1+s3] =	stream.linear.scatter [tilespmem:s10], [sflag:$0x5], $0x400, $0x38;
	[tilespmem:$0xB300] =	vst v63  }
0x124: {  	s12 =	simm.s32 $0x4900;
	s13 =	rddreg [dreg:$0xa];
	s1 =	sadd.s32 s0, s11  }
0x125: {  	[hbm4b:s1+s3] =	stream.linear.scatter [tilespmem:s12], [sflag:$0x5], $0x400, $0x38;
	[tilespmem:$0xB300] =	vst v63  }
0x126: {  	s16 =	simm.s32 $0x4D00;
	s18 =	rddreg [dreg:$0xb];
	s1 =	sadd.s32 s0, s13  }
0x127: {  	[hbm4b:s1+s3] =	stream.linear.scatter [tilespmem:s16], [sflag:$0x5], $0x400, $0x38;
	[tilespmem:$0xB300] =	vst v63  }
0x128: {  	s20 =	simm.s32 $0x5100;
	s21 =	rddreg [dreg:$0xc];
	s1 =	sadd.s32 s0, s18  }
0x129: {  	[hbm4b:s1+s3] =	stream.linear.scatter [tilespmem:s20], [sflag:$0x5], $0x400, $0x38;
	[tilespmem:$0xB300] =	vst v63  }
0x12a: {  	p1 =	sne.s32 s6, $0x18;
	s22 =	simm.s32 $0x5500;
	s1 =	sadd.s32 s0, s21  }
0x12b: {  	[hbm4b:s1+s3] =	stream.linear.scatter [tilespmem:s22], [sflag:$0x5], $0x400, $0x38;
	[tilespmem:$0xB300] =	vst v63  }
.Ltmp3:
0x12c: {  	_ = 	snop;
	(pc) =	sbr.rel @p1 .LBB2_6-.Ltmp3, $4  }
0x12d: {  	s24 =	sadd.s32 s0, s14;
	s26 =	simm.s32 $0x5900;
	s31 =	rddreg [dreg:$0x6]  }
0x12e: {  	[hbm4b:s24+s3] =	stream.linear.scatter [tilespmem:s26], [sflag:$0x5], $0x400, $0x38;
	[tilespmem:$0xB300] =	vst v63  }
0x12f: {  	s28 =	simm.s32 $0x5D00;
	s18 =	sadd.s32 s31, s30;
	s0 =	sadd.s32 s0, s15  }
0x130: {  	[hbm4b:s0+s3] =	stream.linear.scatter [tilespmem:s28], [sflag:$0x5], $0x400, $0x38;
	[tilespmem:$0xB300] =	vst v63  }
.Ltmp4:
0x131: {  	(pc) =	sbr.rel .LBB2_7-.Ltmp4, $4  }
0x132: {  	s0 =	simm.s32 $0x4  }
0x133: {  	_ =	swait.ge [sflag:s0], $0x2000  }
0x134: {  	[sflag:s0] =	ssyncset.done $0x0  }
0x135: {  	[sflag:s0] =	ssyncadd.s32 $0xFFFFE000  }
.LBB2_6:
0x136: {  	s0 =	sshll.u32 s29, $0x4;
	s1 =	rddreg [dreg:$0xd]  }
0x137: {  	s28 =	simm.s32 $0x1;
	s0 =	sadd.s32 s0, s1  }
0x138: {  	[tilespmem:s3], [sflag:$0x1] =	stream.linear.gather [hbm4b:s0+s3], $0x80, $0x38;
	[tilespmem:$0xB300] =	vst v63  }
0x139: {  	_ =	swait.ge [sflag:s28], $0x80  }
0x13a: {  	s30 =	simm.s32 $0x80;
	s31 =	simm.s32 $0x4;
	[sflag:s28] =	ssyncset.done $0x0  }
.Ltmp5:
0x13b: {  	s29 =	rddreg [dreg:$0x3];
	[sflag:s28] =	ssyncadd.s32 $0xFFFFFF80;
	(pc) =	sbr.rel @p0 .LBB2_8-.Ltmp5, $4  }
0x13c: {  	[tilespmem:s23], [sflag:$0x3] =	stream.indirect.gather [hbm4b:s29+s30], $0x40, s3, s30, $0xb8;
	[tilespmem:$0xB300] =	vst v63  }
0x13d: {  	_ =	swait.ge [sflag:s31], $0x2000  }
0x13e: {  	[sflag:s31] =	ssyncset.done $0x0  }
0x13f: {  	[sflag:s31] =	ssyncadd.s32 $0xFFFFE000  }
.LBB2_7:
0x140: {  	_ =	swait.ge [sflag:s17], $0x400  }
0x141: {  	[sflag:s17] =	ssyncset.done $0x0  }
0x142: {  	[sflag:s17] =	ssyncadd.s32 $0xFFFFFC00  }
0x143: {  	_ =	swait.ge [sflag:s17], $0x400  }
0x144: {  	[sflag:s17] =	ssyncset.done $0x0  }
0x145: {  	[sflag:s17] =	ssyncadd.s32 $0xFFFFFC00  }
0x146: {  	_ =	swait.ge [sflag:s17], $0x400  }
0x147: {  	[sflag:s17] =	ssyncset.done $0x0  }
0x148: {  	[sflag:s17] =	ssyncadd.s32 $0xFFFFFC00  }
0x149: {  	_ =	swait.ge [sflag:s17], $0x400  }
0x14a: {  	[sflag:s17] =	ssyncset.done $0x0  }
0x14b: {  	[sflag:s17] =	ssyncadd.s32 $0xFFFFFC00  }
0x14c: {  	_ =	swait.ge [sflag:s17], $0x400  }
0x14d: {  	[sflag:s17] =	ssyncset.done $0x0  }
0x14e: {  	[sflag:s17] =	ssyncadd.s32 $0xFFFFFC00  }
0x14f: {  	_ =	swait.ge [sflag:s17], $0x400  }
0x150: {  	[sflag:s17] =	ssyncset.done $0x0  }
0x151: {  	[sflag:s17] =	ssyncadd.s32 $0xFFFFFC00  }
0x152: {  	_ =	swait.ge [sflag:s17], $0x400  }
0x153: {  	[sflag:s17] =	ssyncset.done $0x0  }
0x154: {  	[sflag:s17] =	ssyncadd.s32 $0xFFFFFC00  }
0x155: {  	_ =	swait.ge [sflag:s17], $0x400  }
0x156: {  	[sflag:s17] =	ssyncset.done $0x0  }
0x157: {  	[sflag:s17] =	ssyncadd.s32 $0xFFFFFC00  }
.LBB2_8:
0x158: {  	v20 =	vld [tilespmem:$0x80];
	_ =	sdelay $0x1  }
0x159: {  	s20 =	sshrl.u32 s18, $0x3  }
0x15a: {  	s16 =	sshll.u32 s20, $0x6  }
0x15b: {  	s1 =	simm.s32 $0x0;
	s0 =	sadd.s32 $0x0, s16  }
0x15c: {  	s22 =	simm.s32 $0x1;
	s4 =	sadd.s32 $0x2, s0;
	v8 =	vadd.s32 s1, v20  }
0x15d: {  	s21 =	simm.s32 $0x3;
	v12 =	vmov s4;
	v9 =	vadd.s32 s22, v20;
	v8 =	vand.u32 $0x3F, v8  }
0x15e: {  	s2 =	simm.s32 $0x2;
	v10 =	vadd.s32 s21, v20;
	v9 =	vand.u32 $0x3F, v9;
	v8 =	vor.u32 v0, v8  }
0x15f: {  	v11 =	vadd.s32 s2, v20;
	v10 =	vand.u32 $0x3F, v10;
	v9 =	vor.u32 v0, v9  }
0x160: {  	v19 =	vld [tilespmem:$0x90];
	s13 =	sadd.s32 $0x1, s0;
	v12 =	vand.u32 $0xFFFFFFFE, v12;
	v11 =	vand.u32 $0x3F, v11;
	v10 =	vor.u32 v0, v10  }
0x161: {  	v17 =	vld [tilespmem:$0xA0];
	v13 =	vmov s13;
	v12 =	vbroadcast v12, $0x0;
	v11 =	vor.u32 v0, v11  }
0x162: {  	v16 =	vld [tilespmem:$0xB0];
	v14 =	vmov s0;
	s0 =	sadd.s32 $0x3, s0;
	v13 =	vand.u32 $0xFFFFFFFD, v13  }
0x163: {  	v14 =	vand.u32 $0xFFFFFFFC, v14;
	v13 =	vbroadcast v13, $0x0;
	v18 =	vld.idx.msk [tilespmem:v8+s25+$0x0], $0xffff;
	v8 =	vmov s0  }
0x164: {  	v14 =	vbroadcast v14, $0x0;
	v21 =	vld.idx.msk [tilespmem:v9+s25+$0x0], $0xffff  }
0x165: {  	v22 =	vld.idx.msk [tilespmem:v10+s25+$0x0], $0xffff  }
0x166: {  	v23 =	vld.idx.msk [tilespmem:v11+s25+$0x0], $0xffff  }
0x167: {  	v11 =	vld.idx.msk [tilespmem:v12+s19+$0x0], $0xffff  }
0x168: {  	v9 =	vadd.s32 s2, v19;
	v8 =	vld.idx.msk [tilespmem:v8+s19+$0x0], $0xffff  }
0x169: {  	v10 =	vld.idx.msk [tilespmem:v13+s19+$0x0], $0xffff;
	v13 =	vadd.s32 s21, v19;
	v12 =	vand.u32 $0x3F, v9  }
0x16a: {  	s24 =	simm.s32 $0x0;
	v24 =	vadd.s32 s22, v19;
	v9 =	vld.idx.msk [tilespmem:v14+s19+$0x0], $0xffff;
	v25 =	vor.u32 v1, v12;
	v12 =	vand.u32 $0x3F, v13  }
0x16b: {  	v15 =	vld [tilespmem:$0xC0];
	s26 =	simm.s32 $0x100;
	v26 =	vadd.s32 s1, v19;
	v24 =	vand.u32 $0x3F, v24;
	s0 =	sand.u32 $0x1C00, s24;
	v27 =	vor.u32 v1, v12  }
0x16c: {  	s8 =	simm.s32 $0x180;
	s4 =	sand.u32 $0x300, s26;
	v26 =	vand.u32 $0x3F, v26;
	v24 =	vor.u32 v1, v24;
	v14 =	vld [tilespmem:$0xD0];
	s0 =	sor.u32 $0x6100, s0;
	v23 =	vadd.f32 v23, v11  }
0x16d: {  	s7 =	simm.s32 $0x80;
	s9 =	sand.u32 $0x380, s8;
	v26 =	vor.u32 v1, v26;
	v13 =	vld [tilespmem:$0xE0];
	s29 =	sadd.s32 s4, s0;
	v22 =	vadd.f32 v22, v8  }
0x16e: {  	s31 =	sand.u32 $0x280, s7;
	s28 =	sadd.s32 s9, s0;
	v12 =	vld [tilespmem:$0xF0];
	v21 =	vadd.f32 v21, v10;
	[tilespmem:s29+$0x0] =	vst v23  }
0x16f: {  	s30 =	sor.u32 s31, s0;
	v18 =	vadd.f32 v18, v9;
	v23 =	vld.idx.msk [tilespmem:v25+s25+$0x0], $0xffff;
	[tilespmem:s28+$0x0] =	vst v22  }
0x170: {  	s0 =	simm.s32 $0x6140;
	[tilespmem:s30+$0x0] =	vst v21;
	v22 =	vadd.s32 s2, v17;
	v21 =	vld.idx.msk [tilespmem:v27+s25+$0x0], $0xffff  }
0x171: {  	v25 =	vadd.s32 s21, v17;
	[tilespmem:s0+$0xFFFFFFC0] =	vst v18;
	v18 =	vld.idx.msk [tilespmem:v24+s25+$0x0], $0xffff;
	v22 =	vand.u32 $0x3F, v22  }
0x172: {  	v24 =	vld.idx.msk [tilespmem:v26+s25+$0x0], $0xffff;
	v26 =	vadd.s32 s22, v17;
	v25 =	vand.u32 $0x3F, v25;
	v22 =	vor.u32 v2, v22  }
0x173: {  	v26 =	vand.u32 $0x3F, v26;
	v25 =	vor.u32 v2, v25;
	v27 =	vadd.s32 s1, v17  }
0x174: {  	v26 =	vor.u32 v2, v26;
	v23 =	vadd.f32 v23, v11;
	v27 =	vand.u32 $0x3F, v27  }
0x175: {  	v27 =	vor.u32 v2, v27;
	v21 =	vadd.f32 v21, v8  }
0x176: {  	v18 =	vadd.f32 v18, v10;
	[tilespmem:s29+$0x10] =	vst v23  }
0x177: {  	v23 =	vadd.f32 v24, v9;
	v22 =	vld.idx.msk [tilespmem:v22+s25+$0x0], $0xffff;
	[tilespmem:s28+$0x10] =	vst v21  }
0x178: {  	[tilespmem:s30+$0x10] =	vst v18;
	v21 =	vadd.s32 s2, v16;
	v18 =	vld.idx.msk [tilespmem:v25+s25+$0x0], $0xffff  }
0x179: {  	v32 =	vadd.s32 s1, v15;
	[tilespmem:s0+$0xFFFFFFD0] =	vst v23;
	v23 =	vadd.s32 s21, v16;
	v25 =	vld.idx.msk [tilespmem:v26+s25+$0x0], $0xffff;
	v21 =	vand.u32 $0x3F, v21  }
0x17a: {  	v26 =	vld.idx.msk [tilespmem:v27+s25+$0x0], $0xffff;
	v27 =	vadd.s32 s22, v16;
	v28 =	vor.u32 v3, v21;
	v21 =	vand.u32 $0x3F, v23  }
0x17b: {  	v23 =	vadd.s32 s1, v16;
	v27 =	vand.u32 $0x3F, v27;
	v29 =	vor.u32 v3, v21  }
0x17c: {  	s24 =	simm.s32 $0x4;
	v21 =	vand.u32 $0x3F, v23;
	v30 =	vor.u32 v3, v27;
	v22 =	vadd.f32 v22, v11  }
0x17d: {  	s26 =	simm.s32 $0x7;
	v33 =	vadd.s32 s24, v20;
	v31 =	vor.u32 v3, v21;
	v18 =	vadd.f32 v18, v8  }
0x17e: {  	v37 =	vadd.s32 s26, v20;
	v33 =	vand.u32 $0x3F, v33;
	s9 =	simm.s32 $0x5;
	v25 =	vadd.f32 v25, v10;
	[tilespmem:s29+$0x20] =	vst v22  }
0x17f: {  	v35 =	vadd.s32 s9, v20;
	v24 =	vadd.s32 s1, v12;
	v26 =	vadd.f32 v26, v9;
	v28 =	vld.idx.msk [tilespmem:v28+s25+$0x0], $0xffff;
	[tilespmem:s28+$0x20] =	vst v18  }
0x180: {  	v23 =	vadd.s32 s1, v14;
	v18 =	vand.u32 $0x3F, v24;
	[tilespmem:s30+$0x20] =	vst v25;
	v25 =	vadd.s32 s2, v15;
	v24 =	vld.idx.msk [tilespmem:v29+s25+$0x0], $0xffff  }
0x181: {  	v27 =	vadd.s32 s24, v19;
	[tilespmem:s0+$0xFFFFFFE0] =	vst v26;
	v63 =	vld.idx.msk [tilespmem:v30+s25+$0x0], $0xffff;
	v25 =	vand.u32 $0x3F, v25;
	v29 =	vadd.s32 s21, v15  }
0x182: {  	v31 =	vld.idx.msk [tilespmem:v31+s25+$0x0], $0xffff;
	v30 =	vadd.s32 s22, v15;
	v34 =	vor.u32 v4, v25;
	v25 =	vand.u32 $0x3F, v29  }
0x183: {  	v21 =	vadd.s32 s1, v13;
	v29 =	vand.u32 $0x3F, v30;
	v30 =	vor.u32 v4, v25  }
0x184: {  	v26 =	vand.u32 $0x3F, v32;
	v29 =	vor.u32 v4, v29;
	v36 =	vadd.f32 v28, v11  }
0x185: {  	v22 =	vadd.s32 s24, v17;
	v28 =	vor.u32 v4, v26;
	v38 =	vadd.f32 v24, v8  }
0x186: {  	s7 =	simm.s32 $0x8;
	v25 =	vor.u32 v0, v33;
	v24 =	vand.u32 $0x3F, v35;
	v33 =	vadd.f32 v63, v10;
	[tilespmem:s29+$0x30] =	vst v36  }
0x187: {  	s10 =	sadd.s32 $0x4, s16;
	s4 =	simm.s32 $0x6;
	s1 =	simm.s32 $0x6140;
	v26 =	vand.u32 $0x3F, v37;
	v32 =	vadd.f32 v31, v9;
	v24 =	vor.u32 v0, v24;
	v31 =	vld.idx.msk [tilespmem:v34+s25+$0x0], $0xffff;
	[tilespmem:s28+$0x30] =	vst v38  }
.LBB2_9:
0x188: {  	p0 =	slt.u32 s7, $0x3C;
	v34 =	vmov s10;
	s11 =	sadd.s32 $0x1, s10;
	s12 =	sadd.s32 $0x2, s10;
	v35 =	vadd.s32 s4, v20;
	v26 =	vor.u32 v0, v26;
	[tilespmem:s30+$0x30] =	vst v33;
	v30 =	vld.idx.msk [tilespmem:v30+s25+$0x0], $0xffff  }
0x189: {  	s10 =	sadd.s32 $0x3, s10;
	v33 =	vmov s12;
	v35 =	vand.u32 $0x3F, v35;
	[tilespmem:s0+$0xFFFFFFF0] =	vst v32;
	v29 =	vld.idx.msk [tilespmem:v29+s25+$0x0], $0xffff;
	v32 =	vadd.s32 s2, v14  }
0x18a: {  	v33 =	vand.u32 $0xFFFFFFFE, v33;
	v35 =	vor.u32 v0, v35;
	v28 =	vld.idx.msk [tilespmem:v28+s25+$0x0], $0xffff;
	v32 =	vand.u32 $0x3F, v32  }
0x18b: {  	v36 =	vmov s11;
	v33 =	vbroadcast v33, $0x0;
	v32 =	vor.u32 v5, v32  }
0x18c: {  	v34 =	vand.u32 $0xFFFFFFFC, v34;
	v37 =	vld.idx.msk [tilespmem:v25+s25+$0x0], $0xffff;
	v25 =	vand.u32 $0xFFFFFFFD, v36;
	v36 =	vmov s10  }
0x18d: {  	v34 =	vbroadcast v34, $0x0;
	v25 =	vbroadcast v25, $0x0;
	v38 =	vld.idx.msk [tilespmem:v24+s25+$0x0], $0xffff;
	v24 =	vadd.f32 v31, v11  }
0x18e: {  	v39 =	vadd.s32 s22, v12;
	v30 =	vadd.f32 v30, v8;
	v31 =	vld.idx.msk [tilespmem:v26+s25+$0x0], $0xffff;
	v26 =	vadd.s32 s22, v14  }
0x18f: {  	v40 =	vand.u32 $0x3F, v23;
	v29 =	vadd.f32 v29, v10;
	v35 =	vld.idx.msk [tilespmem:v35+s25+$0x0], $0xffff;
	v23 =	vand.u32 $0x3F, v26;
	[tilespmem:s29+$0x40] =	vst v24  }
0x190: {  	v26 =	vadd.f32 v28, v9;
	v24 =	vadd.s32 s21, v14;
	v28 =	vor.u32 v5, v23;
	v32 =	vld.idx.msk [tilespmem:v32+s25+$0x0], $0xffff;
	[tilespmem:s28+$0x40] =	vst v30  }
0x191: {  	v21 =	vand.u32 $0x3F, v21;
	v30 =	vor.u32 v5, v40;
	v23 =	vld.idx.msk [tilespmem:v33+s19+$0x0], $0xffff;
	[tilespmem:s30+$0x40] =	vst v29;
	v29 =	vand.u32 $0x3F, v24  }
0x192: {  	v33 =	vadd.s32 s22, v13;
	s22 =	smov.u32 s9;
	v24 =	vld.idx.msk [tilespmem:v36+s19+$0x0], $0xffff;
	[tilespmem:s0+$0x0] =	vst v26;
	v36 =	vadd.s32 s2, v13;
	v29 =	vor.u32 v5, v29  }
0x193: {  	v41 =	vadd.s32 s21, v13;
	v40 =	vadd.s32 s4, v19;
	v26 =	vld.idx.msk [tilespmem:v25+s19+$0x0], $0xffff;
	v36 =	vand.u32 $0x3F, v36  }
0x194: {  	s8 =	sadd.s32 $0x200, s8;
	v25 =	vld.idx.msk [tilespmem:v34+s19+$0x0], $0xffff;
	v34 =	vand.u32 $0x3F, v40;
	v40 =	vadd.s32 s26, v19;
	v36 =	vor.u32 v6, v36  }
0x195: {  	s12 =	sand.u32 $0x380, s8;
	s10 =	sadd.s32 $0xFFFFFF00, s8;
	s9 =	sadd.s32 $0xFFFFFE80, s8;
	v42 =	vadd.s32 s22, v19;
	v34 =	vor.u32 v1, v34;
	v40 =	vand.u32 $0x3F, v40;
	v28 =	vld.idx.msk [tilespmem:v28+s25+$0x0], $0xffff  }
0x196: {  	s11 =	sadd.s32 $0xFFFFFF80, s8;
	s10 =	sand.u32 $0x280, s10;
	s9 =	sand.u32 $0x1C00, s9;
	v42 =	vand.u32 $0x3F, v42;
	v32 =	vadd.f32 v32, v11;
	v40 =	vor.u32 v1, v40;
	v30 =	vld.idx.msk [tilespmem:v30+s25+$0x0], $0xffff  }
0x197: {  	v27 =	vand.u32 $0x3F, v27;
	s11 =	sand.u32 $0x300, s11;
	s13 =	sor.u32 $0x6100, s9;
	v42 =	vor.u32 v1, v42;
	v35 =	vadd.f32 v35, v23;
	v29 =	vld.idx.msk [tilespmem:v29+s25+$0x0], $0xffff  }
0x198: {  	v27 =	vor.u32 v1, v27;
	v33 =	vand.u32 $0x3F, v33;
	s9 =	sor.u32 s10, s13;
	s11 =	sadd.s32 s11, s13;
	s10 =	sadd.s32 s12, s13;
	v31 =	vadd.f32 v31, v24;
	[tilespmem:s29+$0x50] =	vst v32  }
0x199: {  	v33 =	vor.u32 v6, v33;
	v32 =	vadd.f32 v38, v26;
	[tilespmem:s11+$0x0] =	vst v35;
	v35 =	vadd.s32 s26, v17;
	v36 =	vld.idx.msk [tilespmem:v36+s25+$0x0], $0xffff  }
0x19a: {  	v21 =	vor.u32 v6, v21;
	v37 =	vadd.f32 v37, v25;
	v34 =	vld.idx.msk [tilespmem:v34+s25+$0x0], $0xffff;
	[tilespmem:s10+$0x0] =	vst v31;
	v31 =	vand.u32 $0x3F, v41  }
0x19b: {  	s0 =	sadd.s32 $0x200, s0;
	v38 =	vadd.s32 s2, v12;
	s2 =	smov.u32 s4;
	v28 =	vadd.f32 v28, v10;
	[tilespmem:s9+$0x0] =	vst v32;
	v32 =	vld.idx.msk [tilespmem:v40+s25+$0x0], $0xffff;
	v31 =	vor.u32 v6, v31  }
0x19c: {  	v38 =	vand.u32 $0x3F, v38;
	v40 =	vadd.s32 s2, v17;
	v30 =	vadd.f32 v30, v9;
	[tilespmem:s0+$0xFFFFFFC0] =	vst v37;
	v37 =	vld.idx.msk [tilespmem:v42+s25+$0x0], $0xffff  }
0x19d: {  	v40 =	vand.u32 $0x3F, v40;
	v29 =	vadd.f32 v29, v8;
	v27 =	vld.idx.msk [tilespmem:v27+s25+$0x0], $0xffff;
	[tilespmem:s30+$0x50] =	vst v28;
	v28 =	vor.u32 v7, v38  }
0x19e: {  	v35 =	vand.u32 $0x3F, v35;
	v38 =	vadd.s32 s22, v17;
	v40 =	vor.u32 v2, v40;
	[tilespmem:s1+$0x10] =	vst v30;
	v30 =	vld.idx.msk [tilespmem:v33+s25+$0x0], $0xffff  }
0x19f: {  	v35 =	vor.u32 v2, v35;
	v33 =	vand.u32 $0x3F, v38;
	v36 =	vadd.f32 v36, v11;
	v21 =	vld.idx.msk [tilespmem:v21+s25+$0x0], $0xffff;
	[tilespmem:s28+$0x50] =	vst v29  }
0x1a0: {  	v22 =	vand.u32 $0x3F, v22;
	v29 =	vor.u32 v2, v33;
	v33 =	vadd.f32 v34, v23;
	v31 =	vld.idx.msk [tilespmem:v31+s25+$0x0], $0xffff  }
0x1a1: {  	v22 =	vor.u32 v2, v22;
	v34 =	vand.u32 $0x3F, v39;
	v32 =	vadd.f32 v32, v24;
	[tilespmem:s29+$0x60] =	vst v36  }
0x1a2: {  	v36 =	vadd.f32 v37, v26;
	[tilespmem:s11+$0x10] =	vst v33;
	v33 =	vor.u32 v7, v34;
	v28 =	vld.idx.msk [tilespmem:v28+s25+$0x0], $0xffff;
	v34 =	vadd.s32 s21, v12;
	s21 =	smov.u32 s26  }
0x1a3: {  	v18 =	vor.u32 v7, v18;
	v27 =	vadd.f32 v27, v25;
	v37 =	vld.idx.msk [tilespmem:v40+s25+$0x0], $0xffff;
	[tilespmem:s10+$0x10] =	vst v32;
	v32 =	vand.u32 $0x3F, v34  }
0x1a4: {  	v34 =	vadd.s32 s24, v12;
	v30 =	vadd.f32 v30, v10;
	[tilespmem:s9+$0x10] =	vst v36;
	v35 =	vld.idx.msk [tilespmem:v35+s25+$0x0], $0xffff;
	v32 =	vor.u32 v7, v32  }
0x1a5: {  	v36 =	vadd.s32 s2, v16;
	v21 =	vadd.f32 v21, v9;
	[tilespmem:s0+$0xFFFFFFD0] =	vst v27;
	v27 =	vadd.s32 s24, v16;
	v29 =	vld.idx.msk [tilespmem:v29+s25+$0x0], $0xffff  }
0x1a6: {  	v38 =	vld.idx.msk [tilespmem:v22+s25+$0x0], $0xffff;
	v22 =	vand.u32 $0x3F, v36;
	v36 =	vadd.s32 s21, v16;
	[tilespmem:s30+$0x60] =	vst v30;
	v30 =	vadd.f32 v31, v8  }
0x1a7: {  	v31 =	vadd.s32 s22, v16;
	v39 =	vor.u32 v3, v22;
	v22 =	vand.u32 $0x3F, v36;
	[tilespmem:s1+$0x20] =	vst v21;
	v33 =	vld.idx.msk [tilespmem:v33+s25+$0x0], $0xffff  }
0x1a8: {  	v21 =	vand.u32 $0x3F, v31;
	v31 =	vor.u32 v3, v22;
	v36 =	vld.idx.msk [tilespmem:v18+s25+$0x0], $0xffff;
	v18 =	vadd.f32 v28, v11;
	[tilespmem:s28+$0x60] =	vst v30  }
0x1a9: {  	v22 =	vand.u32 $0x3F, v27;
	v28 =	vor.u32 v3, v21;
	v27 =	vadd.f32 v37, v23;
	v11 =	vmovc v23;
	v30 =	vld.idx.msk [tilespmem:v32+s25+$0x0], $0xffff  }
0x1aa: {  	v21 =	vadd.s32 s24, v13;
	v32 =	vor.u32 v3, v22;
	v35 =	vadd.f32 v35, v24;
	[tilespmem:s29+$0x70] =	vst v18;
	s29 =	smov.u32 s11  }
0x1ab: {  	v37 =	vadd.s32 s24, v15;
	v23 =	vadd.s32 s24, v14;
	s24 =	smov.u32 s7;
	v29 =	vadd.f32 v29, v26;
	[tilespmem:s29+$0x20] =	vst v27  }
0x1ac: {  	v22 =	vadd.s32 s7, v17;
	v27 =	vadd.s32 s7, v19;
	v38 =	vadd.f32 v38, v25;
	v39 =	vld.idx.msk [tilespmem:v39+s25+$0x0], $0xffff;
	[tilespmem:s10+$0x20] =	vst v35  }
0x1ad: {  	v18 =	vand.u32 $0x3F, v34;
	v35 =	vadd.s32 s7, v20;
	[tilespmem:s9+$0x20] =	vst v29;
	v31 =	vld.idx.msk [tilespmem:v31+s25+$0x0], $0xffff;
	v29 =	vadd.f32 v33, v10;
	v10 =	vmovc v26  }
0x1ae: {  	v26 =	vand.u32 $0x3F, v37;
	v34 =	vadd.f32 v36, v9;
	v9 =	vmovc v25;
	[tilespmem:s0+$0xFFFFFFE0] =	vst v38;
	v33 =	vld.idx.msk [tilespmem:v28+s25+$0x0], $0xffff;
	v28 =	vadd.s32 s2, v15  }
0x1af: {  	v32 =	vld.idx.msk [tilespmem:v32+s25+$0x0], $0xffff;
	v25 =	vand.u32 $0x3F, v28;
	v28 =	vadd.s32 s21, v15;
	[tilespmem:s30+$0x70] =	vst v29;
	v29 =	vadd.f32 v30, v8;
	v8 =	vmovc v24;
	s30 =	smov.u32 s9  }
0x1b0: {  	v24 =	vadd.s32 s22, v15;
	v36 =	vor.u32 v4, v25;
	v25 =	vand.u32 $0x3F, v28;
	[tilespmem:s1+$0x30] =	vst v34;
	s1 =	smov.u32 s0  }
.Ltmp6:
0x1b1: {  	s9 =	sadd.s32 $0x1, s7;
	v34 =	vand.u32 $0x3F, v35;
	v24 =	vand.u32 $0x3F, v24;
	v30 =	vor.u32 v4, v25;
	[tilespmem:s28+$0x70] =	vst v29;
	s28 =	smov.u32 s10;
	(pc) =	sbr.rel @p0 .LBB2_9-.Ltmp6, $4  }
0x1b2: {  	s26 =	sadd.s32 $0x3, s7;
	v35 =	vadd.s32 s9, v20;
	v29 =	vor.u32 v4, v24;
	v24 =	vadd.f32 v39, v11  }
0x1b3: {  	v37 =	vadd.s32 s26, v20;
	v28 =	vor.u32 v4, v26;
	v38 =	vadd.f32 v31, v8  }
0x1b4: {  	v25 =	vor.u32 v0, v34;
	v26 =	vand.u32 $0x3F, v35;
	v33 =	vadd.f32 v33, v10;
	[tilespmem:s29+$0x30] =	vst v24  }
0x1b5: {  	s4 =	sadd.s32 $0x2, s24;
	s7 =	sadd.s32 $0x4, s7;
	s10 =	sadd.s32 s24, s16;
	v24 =	vor.u32 v0, v26;
	v26 =	vand.u32 $0x3F, v37;
	v32 =	vadd.f32 v32, v9;
	v31 =	vld.idx.msk [tilespmem:v36+s25+$0x0], $0xffff;
	[tilespmem:s28+$0x30] =	vst v38  }
0x1b6: {  	s7 =	sadd.s32 $0x2, s10;
	v20 =	vadd.s32 s4, v20  }
0x1b7: {  	s31 =	sadd.s32 $0x1, s10;
	v36 =	vmov s10;
	v26 =	vor.u32 v0, v26;
	v34 =	vmov s7  }
0x1b8: {  	v20 =	vand.u32 $0x3F, v20;
	v35 =	vmov s31;
	v34 =	vand.u32 $0xFFFFFFFE, v34  }
0x1b9: {  	v20 =	vor.u32 v0, v20;
	v35 =	vand.u32 $0xFFFFFFFD, v35;
	v34 =	vbroadcast v34, $0x0  }
0x1ba: {  	v36 =	vand.u32 $0xFFFFFFFC, v36;
	v35 =	vbroadcast v35, $0x0  }
0x1bb: {  	v37 =	vld.idx.msk [tilespmem:v25+s25+$0x0], $0xffff;
	v62 =	vbroadcast v36, $0x0  }
0x1bc: {  	s11 =	sadd.s32 $0x3, s10;
	v44 =	vld.idx.msk [tilespmem:v24+s25+$0x0], $0xffff  }
0x1bd: {  	v38 =	vmov s11;
	v46 =	vld.idx.msk [tilespmem:v26+s25+$0x0], $0xffff  }
0x1be: {  	v63 =	vld.idx.msk [tilespmem:v20+s25+$0x0], $0xffff  }
0x1bf: {  	v20 =	vld.idx.msk [tilespmem:v34+s19+$0x0], $0xffff  }
0x1c0: {  	v39 =	vadd.s32 s4, v19;
	v24 =	vld.idx.msk [tilespmem:v35+s19+$0x0], $0xffff  }
0x1c1: {  	s12 =	sadd.s32 $0x200, s8;
	v40 =	vadd.s32 s9, v19;
	v45 =	vand.u32 $0x3F, v39;
	v26 =	vld.idx.msk [tilespmem:v62+s19+$0x0], $0xffff  }
0x1c2: {  	s13 =	sadd.s32 $0xFFFFFE80, s12;
	v40 =	vand.u32 $0x3F, v40;
	v25 =	vld.idx.msk [tilespmem:v38+s19+$0x0], $0xffff;
	v35 =	vor.u32 v1, v45  }
0x1c3: {  	v48 =	vadd.s32 s26, v19;
	v27 =	vand.u32 $0x3F, v27;
	s8 =	sadd.s32 $0xFFFFFF80, s12;
	s7 =	sand.u32 $0x1C00, s13;
	v47 =	vor.u32 v1, v40  }
0x1c4: {  	s31 =	sadd.s32 $0xFFFFFF00, s12;
	v19 =	vand.u32 $0x3F, v48;
	v27 =	vor.u32 v1, v27;
	s16 =	sand.u32 $0x300, s8;
	s11 =	sor.u32 $0x6100, s7;
	v36 =	vadd.f32 v63, v20  }
0x1c5: {  	s8 =	sand.u32 $0x280, s31;
	v49 =	vor.u32 v1, v19;
	s7 =	sadd.s32 s16, s11;
	v34 =	vadd.f32 v44, v24  }
0x1c6: {  	s8 =	sor.u32 s8, s11;
	v50 =	vadd.f32 v37, v26;
	[tilespmem:s7+$0x0] =	vst v36  }
0x1c7: {  	v51 =	vadd.s32 s4, v17;
	s10 =	sand.u32 $0x380, s12;
	s16 =	sadd.s32 $0x200, s0;
	v52 =	vadd.f32 v46, v25;
	[tilespmem:s8+$0x0] =	vst v34;
	v35 =	vld.idx.msk [tilespmem:v35+s25+$0x0], $0xffff  }
0x1c8: {  	v53 =	vadd.s32 s9, v17;
	v55 =	vadd.s32 s26, v17;
	s31 =	sadd.s32 s10, s11;
	[tilespmem:s16+$0xFFFFFFC0] =	vst v50;
	v38 =	vld.idx.msk [tilespmem:v47+s25+$0x0], $0xffff  }
0x1c9: {  	v22 =	vand.u32 $0x3F, v22;
	v56 =	vadd.s32 s2, v14;
	[tilespmem:s31+$0x0] =	vst v52;
	v34 =	vand.u32 $0x3F, v51;
	v27 =	vld.idx.msk [tilespmem:v27+s25+$0x0], $0xffff  }
0x1ca: {  	v42 =	vadd.s32 s2, v13;
	v54 =	vand.u32 $0x3F, v53;
	v36 =	vld.idx.msk [tilespmem:v49+s25+$0x0], $0xffff;
	v34 =	vor.u32 v2, v34  }
0x1cb: {  	v58 =	vadd.s32 s4, v16;
	v59 =	vadd.s32 s24, v16;
	v37 =	vor.u32 v2, v54  }
0x1cc: {  	v17 =	vand.u32 $0x3F, v55;
	v41 =	vor.u32 v2, v22;
	v35 =	vadd.f32 v35, v20  }
0x1cd: {  	v60 =	vadd.s32 s24, v15;
	v43 =	vor.u32 v2, v17;
	v38 =	vadd.f32 v38, v24  }
0x1ce: {  	v61 =	vadd.s32 s4, v15;
	v23 =	vand.u32 $0x3F, v23;
	v57 =	vadd.f32 v27, v26;
	[tilespmem:s7+$0x10] =	vst v35  }
0x1cf: {  	v21 =	vand.u32 $0x3F, v21;
	v39 =	vadd.s32 s22, v14;
	v36 =	vadd.f32 v36, v25;
	[tilespmem:s8+$0x10] =	vst v38;
	v34 =	vld.idx.msk [tilespmem:v34+s25+$0x0], $0xffff  }
0x1d0: {  	v18 =	vor.u32 v7, v18;
	v22 =	vadd.s32 s2, v12;
	v48 =	vadd.s32 s24, v14;
	[tilespmem:s16+$0xFFFFFFD0] =	vst v57;
	v37 =	vld.idx.msk [tilespmem:v37+s25+$0x0], $0xffff  }
0x1d1: {  	v23 =	vor.u32 v5, v23;
	v45 =	vadd.s32 s9, v16;
	v27 =	vand.u32 $0x3F, v58;
	[tilespmem:s31+$0x10] =	vst v36;
	v41 =	vld.idx.msk [tilespmem:v41+s25+$0x0], $0xffff  }
0x1d2: {  	v21 =	vor.u32 v6, v21;
	v45 =	vand.u32 $0x3F, v45;
	v27 =	vor.u32 v3, v27;
	v43 =	vld.idx.msk [tilespmem:v43+s25+$0x0], $0xffff  }
0x1d3: {  	v30 =	vld.idx.msk [tilespmem:v30+s25+$0x0], $0xffff;
	v46 =	vadd.s32 s26, v16;
	v45 =	vor.u32 v3, v45;
	v36 =	vand.u32 $0x3F, v59  }
0x1d4: {  	[tilespmem:s0+$0xFFFFFFF0] =	vst v32;
	v46 =	vand.u32 $0x3F, v46;
	v36 =	vor.u32 v3, v36;
	v34 =	vadd.f32 v34, v20  }
0x1d5: {  	[tilespmem:s30+$0x30] =	vst v33;
	v19 =	vadd.s32 s22, v12;
	v28 =	vld.idx.msk [tilespmem:v28+s25+$0x0], $0xffff;
	v46 =	vor.u32 v3, v46;
	v37 =	vadd.f32 v37, v24  }
0x1d6: {  	v29 =	vld.idx.msk [tilespmem:v29+s25+$0x0], $0xffff;
	v40 =	vadd.s32 s22, v13;
	v22 =	vand.u32 $0x3F, v22;
	v41 =	vadd.f32 v41, v26;
	[tilespmem:s7+$0x20] =	vst v34  }
0x1d7: {  	v17 =	vadd.s32 s21, v12;
	v22 =	vor.u32 v7, v22;
	v62 =	vadd.f32 v43, v25;
	[tilespmem:s8+$0x20] =	vst v37;
	v27 =	vld.idx.msk [tilespmem:v27+s25+$0x0], $0xffff  }
0x1d8: {  	v31 =	vadd.f32 v31, v11;
	v30 =	vadd.f32 v30, v8;
	v35 =	vand.u32 $0x3F, v56;
	[tilespmem:s16+$0xFFFFFFE0] =	vst v41;
	v63 =	vld.idx.msk [tilespmem:v45+s25+$0x0], $0xffff  }
0x1d9: {  	v52 =	vadd.s32 s9, v15;
	v53 =	vor.u32 v5, v35;
	[tilespmem:s31+$0x20] =	vst v62;
	v37 =	vand.u32 $0x3F, v61;
	v54 =	vld.idx.msk [tilespmem:v36+s25+$0x0], $0xffff  }
0x1da: {  	v28 =	vadd.f32 v28, v9;
	v55 =	vand.u32 $0x3F, v52;
	v56 =	vld.idx.msk [tilespmem:v46+s25+$0x0], $0xffff;
	v37 =	vor.u32 v4, v37  }
0x1db: {  	v58 =	vadd.s32 s26, v15;
	v36 =	vor.u32 v4, v55;
	v34 =	vand.u32 $0x3F, v60  }
0x1dc: {  	[tilespmem:s0+$0x0] =	vst v28;
	v15 =	vand.u32 $0x3F, v58;
	v34 =	vor.u32 v4, v34;
	v27 =	vadd.f32 v27, v20  }
0x1dd: {  	[tilespmem:s29+$0x40] =	vst v31;
	v23 =	vld.idx.msk [tilespmem:v23+s25+$0x0], $0xffff;
	v15 =	vor.u32 v4, v15;
	v38 =	vadd.s32 s21, v14;
	v59 =	vadd.f32 v63, v24  }
0x1de: {  	v29 =	vadd.f32 v29, v10;
	v33 =	vld.idx.msk [tilespmem:v53+s25+$0x0], $0xffff;
	v62 =	vand.u32 $0x3F, v38;
	v35 =	vadd.f32 v54, v26;
	[tilespmem:s7+$0x30] =	vst v27  }
0x1df: {  	v57 =	vand.u32 $0x3F, v39;
	v52 =	vor.u32 v5, v62;
	v63 =	vadd.f32 v56, v25;
	[tilespmem:s8+$0x30] =	vst v59;
	v61 =	vld.idx.msk [tilespmem:v37+s25+$0x0], $0xffff  }
0x1e0: {  	v44 =	vadd.s32 s21, v13;
	v60 =	vor.u32 v5, v57;
	v45 =	vadd.s32 s4, v14;
	[tilespmem:s16+$0xFFFFFFF0] =	vst v35;
	v36 =	vld.idx.msk [tilespmem:v36+s25+$0x0], $0xffff  }
0x1e1: {  	v50 =	vadd.s32 s9, v13;
	v41 =	vadd.s32 s9, v14;
	v54 =	vand.u32 $0x3F, v45;
	[tilespmem:s31+$0x30] =	vst v63;
	v53 =	vld.idx.msk [tilespmem:v34+s25+$0x0], $0xffff  }
0x1e2: {  	v23 =	vadd.f32 v23, v9;
	v55 =	vor.u32 v5, v54;
	v56 =	vand.u32 $0x3F, v41;
	v15 =	vld.idx.msk [tilespmem:v15+s25+$0x0], $0xffff  }
0x1e3: {  	[tilespmem:s28+$0x40] =	vst v30;
	v58 =	vadd.s32 s26, v14;
	v57 =	vand.u32 $0x3F, v48;
	v34 =	vor.u32 v5, v56  }
0x1e4: {  	[tilespmem:s30+$0x40] =	vst v29;
	v28 =	vor.u32 v5, v57;
	v14 =	vand.u32 $0x3F, v58;
	v35 =	vld.idx.msk [tilespmem:v52+s25+$0x0], $0xffff;
	v32 =	vadd.f32 v61, v20  }
0x1e5: {  	v47 =	vadd.s32 s24, v13;
	[tilespmem:s1+$0x10] =	vst v23;
	v14 =	vor.u32 v5, v14;
	v27 =	vld.idx.msk [tilespmem:v60+s25+$0x0], $0xffff;
	v59 =	vadd.f32 v36, v24  }
0x1e6: {  	v46 =	vadd.s32 s4, v13;
	v60 =	vand.u32 $0x3F, v42;
	v31 =	vadd.f32 v53, v26;
	[tilespmem:s7+$0x40] =	vst v32  }
0x1e7: {  	v63 =	vand.u32 $0x3F, v44;
	v61 =	vor.u32 v6, v60;
	v15 =	vadd.f32 v15, v25;
	[tilespmem:s8+$0x40] =	vst v59;
	v29 =	vld.idx.msk [tilespmem:v55+s25+$0x0], $0xffff  }
0x1e8: {  	v62 =	vand.u32 $0x3F, v40;
	v33 =	vadd.f32 v33, v11;
	[tilespmem:s16+$0x0] =	vst v31;
	v31 =	vor.u32 v6, v63;
	v34 =	vld.idx.msk [tilespmem:v34+s25+$0x0], $0xffff  }
0x1e9: {  	v37 =	vadd.f32 v35, v8;
	v36 =	vand.u32 $0x3F, v46;
	v32 =	vor.u32 v6, v62;
	[tilespmem:s31+$0x40] =	vst v15;
	v28 =	vld.idx.msk [tilespmem:v28+s25+$0x0], $0xffff  }
0x1ea: {  	v38 =	vand.u32 $0x3F, v50;
	[tilespmem:s29+$0x50] =	vst v33;
	v27 =	vadd.f32 v27, v10;
	v15 =	vor.u32 v6, v36;
	v14 =	vld.idx.msk [tilespmem:v14+s25+$0x0], $0xffff  }
0x1eb: {  	v21 =	vld.idx.msk [tilespmem:v21+s25+$0x0], $0xffff;
	v39 =	vand.u32 $0x3F, v47;
	v40 =	vadd.s32 s26, v13;
	v35 =	vor.u32 v6, v38;
	[tilespmem:s28+$0x50] =	vst v37  }
0x1ec: {  	v13 =	vand.u32 $0x3F, v40;
	[tilespmem:s30+$0x50] =	vst v27;
	v27 =	vor.u32 v6, v39;
	v30 =	vld.idx.msk [tilespmem:v61+s25+$0x0], $0xffff;
	v29 =	vadd.f32 v29, v20  }
0x1ed: {  	v19 =	vand.u32 $0x3F, v19;
	v13 =	vor.u32 v6, v13;
	v31 =	vld.idx.msk [tilespmem:v31+s25+$0x0], $0xffff;
	v42 =	vadd.f32 v34, v24  }
0x1ee: {  	v17 =	vand.u32 $0x3F, v17;
	v19 =	vor.u32 v7, v19;
	v41 =	vld.idx.msk [tilespmem:v32+s25+$0x0], $0xffff;
	v28 =	vadd.f32 v28, v26;
	[tilespmem:s7+$0x50] =	vst v29  }
0x1ef: {  	v17 =	vor.u32 v7, v17;
	v16 =	vadd.s32 s24, v12;
	v14 =	vadd.f32 v14, v25;
	[tilespmem:s8+$0x50] =	vst v42;
	v15 =	vld.idx.msk [tilespmem:v15+s25+$0x0], $0xffff  }
0x1f0: {  	v16 =	vand.u32 $0x3F, v16;
	v51 =	vadd.s32 s4, v12;
	v48 =	vadd.f32 v21, v9;
	[tilespmem:s16+$0x10] =	vst v28;
	v46 =	vld.idx.msk [tilespmem:v35+s25+$0x0], $0xffff  }
0x1f1: {  	v49 =	vadd.s32 s9, v12;
	v47 =	vand.u32 $0x3F, v51;
	v45 =	vadd.f32 v30, v11;
	v27 =	vld.idx.msk [tilespmem:v27+s25+$0x0], $0xffff;
	[tilespmem:s31+$0x50] =	vst v14  }
0x1f2: {  	v51 =	vand.u32 $0x3F, v49;
	v50 =	vor.u32 v7, v47;
	[tilespmem:s1+$0x20] =	vst v48;
	v13 =	vld.idx.msk [tilespmem:v13+s25+$0x0], $0xffff;
	v52 =	vadd.f32 v31, v8  }
0x1f3: {  	v18 =	vld.idx.msk [tilespmem:v18+s25+$0x0], $0xffff;
	v44 =	vadd.s32 s26, v12;
	v29 =	vor.u32 v7, v51;
	v23 =	vadd.f32 v41, v10;
	[tilespmem:s29+$0x60] =	vst v45  }
0x1f4: {  	v16 =	vor.u32 v7, v16;
	v12 =	vand.u32 $0x3F, v44;
	v22 =	vld.idx.msk [tilespmem:v22+s25+$0x0], $0xffff;
	[tilespmem:s28+$0x60] =	vst v52;
	v15 =	vadd.f32 v15, v20  }
0x1f5: {  	v12 =	vor.u32 v7, v12;
	[tilespmem:s30+$0x60] =	vst v23;
	v17 =	vld.idx.msk [tilespmem:v17+s25+$0x0], $0xffff;
	v54 =	vadd.f32 v46, v24  }
0x1f6: {  	v53 =	vld.idx.msk [tilespmem:v19+s25+$0x0], $0xffff;
	v55 =	vadd.f32 v27, v26;
	[tilespmem:s7+$0x60] =	vst v15  }
0x1f7: {  	v13 =	vadd.f32 v13, v25;
	[tilespmem:s8+$0x60] =	vst v54;
	v21 =	vld.idx.msk [tilespmem:v50+s25+$0x0], $0xffff  }
0x1f8: {  	v60 =	vadd.f32 v18, v9;
	[tilespmem:s16+$0x20] =	vst v55;
	v57 =	vld.idx.msk [tilespmem:v29+s25+$0x0], $0xffff  }
0x1f9: {  	v56 =	vadd.f32 v22, v11;
	v59 =	vld.idx.msk [tilespmem:v16+s25+$0x0], $0xffff;
	[tilespmem:s31+$0x60] =	vst v13  }
0x1fa: {  	[tilespmem:s1+$0x30] =	vst v60;
	v61 =	vld.idx.msk [tilespmem:v12+s25+$0x0], $0xffff;
	v8 =	vadd.f32 v17, v8  }
0x1fb: {  	v58 =	vadd.f32 v53, v10;
	[tilespmem:s29+$0x70] =	vst v56  }
0x1fc: {  	[tilespmem:s28+$0x70] =	vst v8;
	v62 =	vadd.f32 v21, v20  }
0x1fd: {  	[tilespmem:s30+$0x70] =	vst v58;
	v8 =	vadd.f32 v57, v24  }
0x1fe: {  	s4 =	sshll.u32 s18, $0xA;
	v63 =	vadd.f32 v59, v26;
	[tilespmem:s7+$0x70] =	vst v62  }
0x1ff: {  	s0 =	sand.u32 $0x1C00, s4;
	s7 =	sshll.u32 s20, $0x10;
	[tilespmem:s8+$0x70] =	vst v8;
	v8 =	vadd.f32 v61, v25  }
0x200: {  	[tilespmem:s16+$0x30] =	vst v63;
	s0 =	sor.u32 s0, s7  }
0x201: {  	s9 =	rddreg [dreg:$0x1];
	s0 =	sshrl.u32 s0, $0x3;
	[tilespmem:s31+$0x70] =	vst v8  }
0x202: {  	s10 =	simm.s32 $0x6100;
	s1 =	sadd.s32 s9, s0;
	s11 =	rddreg [dreg:$0x8]  }
0x203: {  	[hbm4b:s1+s3] =	stream.linear.scatter [tilespmem:s10], [sflag:$0x6], $0x400, $0x38;
	[tilespmem:$0xB300] =	vst v63  }
0x204: {  	s12 =	simm.s32 $0x6500;
	s13 =	rddreg [dreg:$0x9];
	s1 =	sadd.s32 s0, s11  }
0x205: {  	[hbm4b:s1+s3] =	stream.linear.scatter [tilespmem:s12], [sflag:$0x6], $0x400, $0x38;
	[tilespmem:$0xB300] =	vst v63  }
0x206: {  	s16 =	simm.s32 $0x6900;
	s20 =	rddreg [dreg:$0xa];
	s1 =	sadd.s32 s0, s13  }
0x207: {  	[hbm4b:s1+s3] =	stream.linear.scatter [tilespmem:s16], [sflag:$0x6], $0x400, $0x38;
	[tilespmem:$0xB300] =	vst v63  }
0x208: {  	s21 =	simm.s32 $0x6D00;
	s22 =	rddreg [dreg:$0xb];
	s1 =	sadd.s32 s0, s20  }
0x209: {  	[hbm4b:s1+s3] =	stream.linear.scatter [tilespmem:s21], [sflag:$0x6], $0x400, $0x38;
	[tilespmem:$0xB300] =	vst v63  }
0x20a: {  	s24 =	simm.s32 $0x7100;
	s26 =	rddreg [dreg:$0xc];
	s1 =	sadd.s32 s0, s22  }
0x20b: {  	[hbm4b:s1+s3] =	stream.linear.scatter [tilespmem:s24], [sflag:$0x6], $0x400, $0x38;
	[tilespmem:$0xB300] =	vst v63  }
0x20c: {  	p0 =	seq.s32 s6, $0x18;
	s28 =	simm.s32 $0x7500;
	s1 =	sadd.s32 s0, s26  }
0x20d: {  	[hbm4b:s1+s3] =	stream.linear.scatter [tilespmem:s28], [sflag:$0x6], $0x400, $0x38;
	[tilespmem:$0xB300] =	vst v63  }
.Ltmp7:
0x20e: {  	_ = 	snop;
	(pc) =	sbr.rel @p0 .LBB2_12-.Ltmp7, $4  }
0x20f: {  	s30 =	simm.s32 $0x7900;
	s29 =	sadd.s32 s0, s14  }
0x210: {  	[hbm4b:s29+s3] =	stream.linear.scatter [tilespmem:s30], [sflag:$0x6], $0x400, $0x38;
	[tilespmem:$0xB300] =	vst v63  }
0x211: {  	s31 =	simm.s32 $0x7D00;
	s0 =	sadd.s32 s0, s15  }
0x212: {  	[hbm4b:s0+s3] =	stream.linear.scatter [tilespmem:s31], [sflag:$0x6], $0x400, $0x38;
	[tilespmem:$0xB300] =	vst v63  }
.Ltmp8:
0x213: {  	(pc) =	sbr.rel .LBB2_2-.Ltmp8, $4  }
0x214: {  	_ = 	snop  }
0x215: {  	s0 =	sshll.u32 s18, $0x4;
	s1 =	rddreg [dreg:$0xd];
	s6 =	sadd.s32 $0x1, s6  }
0x216: {  	s5 =	sadd.s32 $0x2, s5;
	s0 =	sadd.s32 s0, s1;
	s1 =	simm.s32 $0x80  }
0x217: {  	[tilespmem:s1], [sflag:$0x2] =	stream.linear.gather [hbm4b:s0+s3], $0x80, $0x38;
	[tilespmem:$0xB300] =	vst v63  }
.LBB2_13:
0x218: {  	_ =	sfence.sel $0x180000  }
0x219: {  	[bflag:$0x0] =	sbarrier.arrive $0xFFFF  }
0x21a: {  	_ =	strace $0x9000004A  }
0x21b: {  	s0 =	stileid.u32;
	[bflag:$0x2] =	sbarrier.arrive $0xFFFF  }
0x21c: {  	p0 =	sne.s32 s0, $0x0;
	s0 =	rddreg [dreg:$0x2]  }
0x21d: {  	s0 =	sadd.s32 @!p0 $0x100000, s0  }
0x21e: {  	[sflag:s0] =	ssyncadd.tile.s32 @!p0 $0x1;
	_ =	shalt  }
.Lfunc_end2:
_tile_overlayer_lowered:
.L_overlay_start_2:
0x21f: {  	(tag) =	ssettag $0x2  }
0x220: {  	s0 =	rddreg [dreg:$0x0];
	s2 =	stileid.u32  }
0x221: {  	s1 =	rddreg [dreg:$0x1];
	p0 =	sne.s32 s2, $0x0  }
0x222: {  	s3 =	rddreg [dreg:$0x2];
	[bflag:$0x3] =	sbarrier.arrive $0xFFFF;
	s2 =	simm.s32 @!p0 $0x1C07  }
0x223: {  	[timem:s3], [sflag:s2] =	dma.local @!p0 [hbm:s0], s1  }
0x224: {  	s0 =	simm.s32 @!p0 $0x7  }
0x225: {  	_ =	swait.ge @!p0 [sflag:s0], s1  }
0x226: {  	s1 =	ssub.s32 @!p0 $0x0, s1;
	[sflag:s0] =	ssyncset.done @!p0 $0x0  }
0x227: {  	[sflag:s0] =	ssyncadd.s32 @!p0 s1  }
0x228: {  	[bflag:$0x3] =	sbarrier.arrive $0xFFFF  }
0x229: {  	_ =	shalt  }

</sc_bundles>
